<compile_context>
chip_gen: v7x
topology: tpu7x:2x2x1
jax: 0.10.2.dev20260603
libtpu: 0.0.44.dev20260713+nightly
codegen_flags: <defaults>
</compile_context>

<pallas_src>
import jax
import jax.numpy as jnp
from jax import lax
from jax.experimental import pallas as pl
from jax.experimental.pallas import tpu as pltpu
from jax.experimental.pallas import tpu_sc as plsc

B = 32
NUM_HEADS = 12
PATCH_NUM = 576
VOTE_PERHEAD = 24
SELECT_NUM = 128
GRID_W = 24
NVREG = PATCH_NUM // 16
PAD = 24
NEG_INF = float("-inf")


def _sc_body(score_hbm, out_hbm, s_ref, m_ref, hist_ref, hbuf_ref, cbuf_ref,
             hcnt_ref, scnt_ref, obuf_ref):
    wid = lax.axis_index("s") * 2 + lax.axis_index("c")
    pltpu.sync_copy(score_hbm.at[pl.ds(wid * (NUM_HEADS * PATCH_NUM),
                                       NUM_HEADS * PATCH_NUM)], s_ref)

    i0 = lax.iota(jnp.int32, 16)
    zeros16 = jnp.zeros((16,), jnp.float32)
    ones16 = jnp.ones((16,), jnp.float32)

    for a in (0, 16, PATCH_NUM + PAD - 8, PATCH_NUM + 2 * PAD - 16):
        hist_ref[pl.ds(a, 16)] = zeros16
        hbuf_ref[pl.ds(a, 16)] = zeros16

    hbase = PATCH_NUM * jnp.minimum(i0, NUM_HEADS - 1)

    def _init_vreg(j, carry):
        base = hbase + 16 * j
        acc = plsc.load_gather(s_ref, [base])
        for t in range(1, 16):
            acc = jnp.maximum(acc, plsc.load_gather(s_ref, [base + t]))
        m_ref[pl.ds(16 * j, 16)] = acc
        return carry

    lax.fori_loop(0, NVREG, _init_vreg, 0)

    def _extract_round(_, carry):
        mts = [m_ref[pl.ds(16 * j, 16)] for j in range(NVREG)]
        mvec = mts[0]
        for j in range(1, NVREG):
            mvec = jnp.maximum(mvec, mts[j])
        jvec = jnp.full((16,), 64, jnp.int32)
        for j in range(NVREG - 1, -1, -1):
            jvec = jnp.where(mts[j] == mvec, j, jvec)
        js = [jvec[h] for h in range(NUM_HEADS)]
        mvals = [mvec[h] for h in range(NUM_HEADS)]
        vs = [s_ref[pl.ds(PATCH_NUM * h + 16 * js[h], 16)]
              for h in range(NUM_HEADS)]
        nmv = zeros16
        for h in range(NUM_HEADS):
            onehot = i0 == plsc.all_reduce_ffs(vs[h] == mvals[h])
            vnew = jnp.where(onehot, NEG_INF, vs[h])
            s_ref[pl.ds(PATCH_NUM * h + 16 * js[h], 16)] = vnew
            nmv = jnp.where(i0 == h, jnp.max(vnew), nmv)
        plsc.store_scatter(m_ref, [16 * jnp.minimum(jvec, NVREG - 1) + i0], nmv,
                           mask=i0 < NUM_HEADS)
        return carry

    lax.fori_loop(0, VOTE_PERHEAD, _extract_round, 0)

    def _count_votes(j, carry):
        cnt = jnp.zeros((16,), jnp.float32)
        for h in range(NUM_HEADS):
            v = s_ref[pl.ds(PATCH_NUM * h + 16 * j, 16)]
            cnt = cnt + jnp.where(v == NEG_INF, ones16, zeros16)
        hist_ref[pl.ds(PAD + 16 * j, 16)] = cnt
        return carry

    lax.fori_loop(0, NVREG, _count_votes, 0)

    cols = [(i0 + 16 * m) % GRID_W for m in range(3)]
    for j in range(NVREG):
        col = cols[j % 3]
        c = hist_ref[pl.ds(PAD + 16 * j, 16)]
        lft = hist_ref[pl.ds(PAD + 16 * j - 1, 16)]
        rgt = hist_ref[pl.ds(PAD + 16 * j + 1, 16)]
        hbuf_ref[pl.ds(PAD + 16 * j, 16)] = (
            c * 2.0 + jnp.where(col > 0, lft, zeros16)
            + jnp.where(col < GRID_W - 1, rgt, zeros16))
    for j in range(NVREG):
        hc = hbuf_ref[pl.ds(PAD + 16 * j, 16)]
        up = hbuf_ref[pl.ds(16 * j, 16)]
        dn = hbuf_ref[pl.ds(2 * PAD + 16 * j, 16)]
        cbuf_ref[pl.ds(16 * j, 16)] = (hc * 2.0 + up + dn).astype(jnp.int32)

    calib = plsc.scan_count(jnp.zeros((16,), jnp.int32))[0] - i0
    NB = 208 // 16
    zi16 = jnp.zeros((16,), jnp.int32)
    for k in range(NB):
        hcnt_ref[pl.ds(16 * k, 16)] = zi16
    for j in range(NVREG):
        c = cbuf_ref[pl.ds(16 * j, 16)]
        occ, lastm = plsc.scan_count(c)
        plsc.addupdate_scatter(hcnt_ref, [c], occ - calib + 1, mask=lastm)
    carry = jnp.int32(0)
    for k in reversed(range(NB)):
        hv = hcnt_ref[pl.ds(16 * k, 16)]
        tk = lax.rev(plsc.cumsum(lax.rev(hv, (0,))), (0,)) + carry
        scnt_ref[pl.ds(16 * k, 16)] = tk - hv
        carry = tk[0]
    for j in range(NVREG):
        c = cbuf_ref[pl.ds(16 * j, 16)]
        base = plsc.load_gather(scnt_ref, [c])
        occ, lastm = plsc.scan_count(c)
        occ0 = occ - calib
        plsc.store_scatter(obuf_ref, [base + occ0], i0 + (16 * j + 1))
        plsc.addupdate_scatter(scnt_ref, [c], occ0 + 1, mask=lastm)

    pltpu.sync_copy(obuf_ref.at[pl.ds(0, SELECT_NUM)],
                    out_hbm.at[pl.ds(wid * SELECT_NUM, SELECT_NUM)])


def kernel(x, select_num):
    score = x[:, :, 0, 1:].reshape(B * NUM_HEADS * PATCH_NUM)
    fn = pl.kernel(
        _sc_body,
        out_type=jax.ShapeDtypeStruct((B * SELECT_NUM,), jnp.int32),
        mesh=plsc.VectorSubcoreMesh(core_axis_name="c", subcore_axis_name="s",
                                    num_cores=2, num_subcores=16),
        scratch_types=[
            pltpu.VMEM((NUM_HEADS * PATCH_NUM,), jnp.float32),
            pltpu.VMEM((16 * NVREG,), jnp.float32),
            pltpu.VMEM((PATCH_NUM + 2 * PAD,), jnp.float32),
            pltpu.VMEM((PATCH_NUM + 2 * PAD,), jnp.float32),
            pltpu.VMEM((PATCH_NUM,), jnp.int32),
            pltpu.VMEM((208,), jnp.int32),
            pltpu.VMEM((208,), jnp.int32),
            pltpu.VMEM((PATCH_NUM,), jnp.int32),
        ],
        compiler_params=pltpu.CompilerParams(needs_layout_passes=False),
    )
    out = fn(score)
    return out.reshape(B, SELECT_NUM) + (select_num - SELECT_NUM)

# --- scband reference (transcript-rebuilt; emitter-appended) ---
"""Pipeline reference for scband-multi-head-voting-44203803410505 (READ-ONLY COPY).

The authoritative reference and input builder live on the scoring server;
editing this copy changes nothing except your own understanding.
"""

import jax, jax.numpy as jnp
import numpy as np
import math

B = 32
NUM_HEADS = 12
PATCH_NUM = 576
SEQ = PATCH_NUM + 1
VOTE_PERHEAD = 24
SELECT_NUM = 128


def setup_inputs(seed: int = 0) -> dict:
    key = jax.random.key(seed)
    x = jax.random.normal(key, (B, NUM_HEADS, SEQ, SEQ), dtype=jnp.float32)
    return {"x": x, "select_num": SELECT_NUM}


def _enhance_local(count):
    b, p = count.shape
    h = int(math.ceil(math.sqrt(p)))
    kernel = jnp.array([[1.0, 2.0, 1.0], [2.0, 4.0, 2.0], [1.0, 2.0, 1.0]], dtype=jnp.float32).reshape(1, 1, 3, 3)
    cnt = count.reshape(b, 1, h, p // h)
    cnt = jax.lax.conv_general_dilated(cnt, kernel, window_strides=(1, 1), padding=((1, 1), (1, 1)), dimension_numbers=("NCHW", "OIHW", "NCHW"))
    return cnt.reshape(b, -1)


def reference(x, select_num):
    b, patch_num = x.shape[0], x.shape[3] - 1
    # CLS-token attention scores to all patches, per head
    score = x[:, :, 0, 1:]  # [B, H, P]
    _, select = jax.lax.top_k(score, VOTE_PERHEAD)  # [B, H, vote_perhead]
    select = select.reshape(b, -1)  # [B, H*vote_perhead]
    # per-sample vote histogram over patches
    count = jax.vmap(lambda s: jnp.bincount(s, length=patch_num))(select).astype(jnp.float32)
    # enhance=True path: 3x3 weighted smoothing on the patch grid
    count = _enhance_local(count)
    # sort descending, shift by 1 (CLS offset), take top select_num patch indices
    patch_idx = jnp.argsort(-count, axis=-1) + 1
    return (patch_idx[:, :SELECT_NUM] + (select_num - SELECT_NUM)).astype(patch_idx.dtype)

if __name__ == "__main__":
    import jax
    _d = setup_inputs()
    print(jax.jit(kernel)(*tuple(_d.values())))

</pallas_src>

<mosaic_0001>
#map = affine_map<(d0, d1) -> (0)>
module attributes {stable_mosaic.version = 14 : i64} {
  func.func @_sc_body(%arg0: i32, %arg1: i32, %arg2: memref<221184xf32, #tpu.memory_space<hbm>>, %arg3: memref<4096xi32, #tpu.memory_space<hbm>>, %arg4: memref<6912xf32, #tpu.memory_space<vmem>>, %arg5: memref<576xf32, #tpu.memory_space<vmem>>, %arg6: memref<624xf32, #tpu.memory_space<vmem>>, %arg7: memref<624xf32, #tpu.memory_space<vmem>>, %arg8: memref<576xi32, #tpu.memory_space<vmem>>, %arg9: memref<208xi32, #tpu.memory_space<vmem>>, %arg10: memref<208xi32, #tpu.memory_space<vmem>>, %arg11: memref<576xi32, #tpu.memory_space<vmem>>) attributes {dimension_semantics = [#tpu.dimension_semantics<core_parallel>, #tpu.dimension_semantics<subcore_parallel>], iteration_bounds = array<i64: 2, 16>, scalar_prefetch = 0 : i64, scratch_operands = 8 : i64, tpu.core_type = #tpu.core_type<sc_vector_subcore>, window_params = [{transform_indices = #map}, {transform_indices = #map}]} {
    %mul3A = arith.constant 2 : i32
    %mul3A_0 = arith.muli %arg1, %mul3A : i32
    %add3A = arith.addi %mul3A_0, %arg0 : i32
    %mul3A_1 = arith.constant 6912 : i32
    %mul3A_2 = arith.muli %add3A, %mul3A_1 : i32
    "tpu.region"() ({
      %run_scoped3A = tpu.sem_alloc : memref<!tpu.dma_semaphore, #tpu.memory_space<semaphore_mem>>
      %dma_start3A = tpu.memref_slice %arg2[%mul3A_2] : memref<221184xf32, #tpu.memory_space<hbm>> -> memref<6912xf32, #tpu.memory_space<hbm>>
      %dma_start3A_2585 = tpu.memref_slice %arg2[%mul3A_2] : memref<221184xf32, #tpu.memory_space<hbm>> -> memref<6912xf32, #tpu.memory_space<hbm>>
      tpu.enqueue_dma source(%dma_start3A_2585 : memref<6912xf32, #tpu.memory_space<hbm>>) target(%arg4 : memref<6912xf32, #tpu.memory_space<vmem>>) target_semaphore(%run_scoped3A : memref<!tpu.dma_semaphore, #tpu.memory_space<semaphore_mem>>)
      %dma_wait3A = tpu.memref_slice %arg2[%mul3A_2] : memref<221184xf32, #tpu.memory_space<hbm>> -> memref<6912xf32, #tpu.memory_space<hbm>>
      %dma_wait3A_2586 = tpu.memref_slice %arg2[%mul3A_2] : memref<221184xf32, #tpu.memory_space<hbm>> -> memref<6912xf32, #tpu.memory_space<hbm>>
      tpu.wait_dma2 semaphore(%run_scoped3A : memref<!tpu.dma_semaphore, #tpu.memory_space<semaphore_mem>>) src(%dma_wait3A_2586 : memref<6912xf32, #tpu.memory_space<hbm>>) dst(%arg4 : memref<6912xf32, #tpu.memory_space<vmem>>)
      tpu.yield
    }) : () -> ()
    %iota3A = tpu.iota {dimensions = array<i32: 0>} : vector<16xi32>
    %broadcast_in_dim3A = arith.constant 0.000000e+00 : f32
    %broadcast_in_dim3A_3 = vector.broadcast %broadcast_in_dim3A : f32 to vector<16xf32>
    %broadcast_in_dim3A_4 = arith.constant 1.000000e+00 : f32
    %broadcast_in_dim3A_5 = vector.broadcast %broadcast_in_dim3A_4 : f32 to vector<16xf32>
    %swap3A = arith.constant 0 : index
    %swap3A_6 = tpu.vector_load %arg6[%swap3A] {strides = array<i32>} : memref<624xf32, #tpu.memory_space<vmem>>, vector<16xf32>,
    tpu.vector_store %arg6[%swap3A], %broadcast_in_dim3A_3 {strides = array<i32>} : memref<624xf32, #tpu.memory_space<vmem>>, vector<16xf32>,
    %swap3A_7 = arith.constant 0 : index
    %swap3A_8 = tpu.vector_load %arg7[%swap3A_7] {strides = array<i32>} : memref<624xf32, #tpu.memory_space<vmem>>, vector<16xf32>,
    tpu.vector_store %arg7[%swap3A_7], %broadcast_in_dim3A_3 {strides = array<i32>} : memref<624xf32, #tpu.memory_space<vmem>>, vector<16xf32>,
    %swap3A_9 = arith.constant 16 : index
    %swap3A_10 = tpu.vector_load %arg6[%swap3A_9] {strides = array<i32>} : memref<624xf32, #tpu.memory_space<vmem>>, vector<16xf32>,
    tpu.vector_store %arg6[%swap3A_9], %broadcast_in_dim3A_3 {strides = array<i32>} : memref<624xf32, #tpu.memory_space<vmem>>, vector<16xf32>,
    %swap3A_11 = arith.constant 16 : index
    %swap3A_12 = tpu.vector_load %arg7[%swap3A_11] {strides = array<i32>} : memref<624xf32, #tpu.memory_space<vmem>>, vector<16xf32>,
    tpu.vector_store %arg7[%swap3A_11], %broadcast_in_dim3A_3 {strides = array<i32>} : memref<624xf32, #tpu.memory_space<vmem>>, vector<16xf32>,
    %swap3A_13 = arith.constant 592 : index
    %swap3A_14 = tpu.vector_load %arg6[%swap3A_13] {strides = array<i32>} : memref<624xf32, #tpu.memory_space<vmem>>, vector<16xf32>,
    tpu.vector_store %arg6[%swap3A_13], %broadcast_in_dim3A_3 {strides = array<i32>} : memref<624xf32, #tpu.memory_space<vmem>>, vector<16xf32>,
    %swap3A_15 = arith.constant 592 : index
    %swap3A_16 = tpu.vector_load %arg7[%swap3A_15] {strides = array<i32>} : memref<624xf32, #tpu.memory_space<vmem>>, vector<16xf32>,
    tpu.vector_store %arg7[%swap3A_15], %broadcast_in_dim3A_3 {strides = array<i32>} : memref<624xf32, #tpu.memory_space<vmem>>, vector<16xf32>,
    %swap3A_17 = arith.constant 608 : index
    %swap3A_18 = tpu.vector_load %arg6[%swap3A_17] {strides = array<i32>} : memref<624xf32, #tpu.memory_space<vmem>>, vector<16xf32>,
    tpu.vector_store %arg6[%swap3A_17], %broadcast_in_dim3A_3 {strides = array<i32>} : memref<624xf32, #tpu.memory_space<vmem>>, vector<16xf32>,
    %swap3A_19 = arith.constant 608 : index
    %swap3A_20 = tpu.vector_load %arg7[%swap3A_19] {strides = array<i32>} : memref<624xf32, #tpu.memory_space<vmem>>, vector<16xf32>,
    tpu.vector_store %arg7[%swap3A_19], %broadcast_in_dim3A_3 {strides = array<i32>} : memref<624xf32, #tpu.memory_space<vmem>>, vector<16xf32>,
    %min3A = arith.constant 11 : i32
    %min3A_21 = vector.broadcast %min3A : i32 to vector<16xi32>
    %min3A_22 = arith.minsi %iota3A, %min3A_21 : vector<16xi32>
    %mul3A_23 = arith.constant 576 : i32
    %mul3A_24 = vector.broadcast %mul3A_23 : i32 to vector<16xi32>
    %mul3A_25 = arith.muli %mul3A_24, %min3A_22 : vector<16xi32>
    %scan3A = arith.constant 0 : i32
    %scan3A_26 = arith.constant 0 : i32
    %scan3A_27 = arith.constant 36 : i32
    %scan3A_28 = arith.addi %scan3A_26, %scan3A_27 : i32
    %scan3A_29 = arith.constant 1 : i32
    scf.for %scan3A_2585 = %scan3A_26 to %scan3A_28 step %scan3A_29  : i32 {
      %mul3A_2586 = arith.constant 16 : i32
      %mul3A_2587 = arith.muli %mul3A_2586, %scan3A_2585 : i32
      %add3A_2588 = vector.broadcast %mul3A_2587 : i32 to vector<16xi32>
      %add3A_2589 = arith.addi %mul3A_25, %add3A_2588 : vector<16xi32>
      %gather3A_2590 = tpu.vector_load_idx %arg4[%add3A_2589] : memref<6912xf32, #tpu.memory_space<vmem>>[vector<16xi32>], vector<16xf32>,
      %add3A_2591 = arith.constant 1 : i32
      %add3A_2592 = vector.broadcast %add3A_2591 : i32 to vector<16xi32>
      %add3A_2593 = arith.addi %add3A_2589, %add3A_2592 : vector<16xi32>
      %gather3A_2594 = tpu.vector_load_idx %arg4[%add3A_2593] : memref<6912xf32, #tpu.memory_space<vmem>>[vector<16xi32>], vector<16xf32>,
      %max3A = arith.maximumf %gather3A_2590, %gather3A_2594 : vector<16xf32>
      %add3A_2595 = arith.constant 2 : i32
      %add3A_2596 = vector.broadcast %add3A_2595 : i32 to vector<16xi32>
      %add3A_2597 = arith.addi %add3A_2589, %add3A_2596 : vector<16xi32>
      %gather3A_2598 = tpu.vector_load_idx %arg4[%add3A_2597] : memref<6912xf32, #tpu.memory_space<vmem>>[vector<16xi32>], vector<16xf32>,
      %max3A_2599 = arith.maximumf %max3A, %gather3A_2598 : vector<16xf32>
      %add3A_2600 = arith.constant 3 : i32
      %add3A_2601 = vector.broadcast %add3A_2600 : i32 to vector<16xi32>
      %add3A_2602 = arith.addi %add3A_2589, %add3A_2601 : vector<16xi32>
      %gather3A_2603 = tpu.vector_load_idx %arg4[%add3A_2602] : memref<6912xf32, #tpu.memory_space<vmem>>[vector<16xi32>], vector<16xf32>,
      %max3A_2604 = arith.maximumf %max3A_2599, %gather3A_2603 : vector<16xf32>
      %add3A_2605 = arith.constant 4 : i32
      %add3A_2606 = vector.broadcast %add3A_2605 : i32 to vector<16xi32>
      %add3A_2607 = arith.addi %add3A_2589, %add3A_2606 : vector<16xi32>
      %gather3A_2608 = tpu.vector_load_idx %arg4[%add3A_2607] : memref<6912xf32, #tpu.memory_space<vmem>>[vector<16xi32>], vector<16xf32>,
      %max3A_2609 = arith.maximumf %max3A_2604, %gather3A_2608 : vector<16xf32>
      %add3A_2610 = arith.constant 5 : i32
      %add3A_2611 = vector.broadcast %add3A_2610 : i32 to vector<16xi32>
      %add3A_2612 = arith.addi %add3A_2589, %add3A_2611 : vector<16xi32>
      %gather3A_2613 = tpu.vector_load_idx %arg4[%add3A_2612] : memref<6912xf32, #tpu.memory_space<vmem>>[vector<16xi32>], vector<16xf32>,
      %max3A_2614 = arith.maximumf %max3A_2609, %gather3A_2613 : vector<16xf32>
      %add3A_2615 = arith.constant 6 : i32
      %add3A_2616 = vector.broadcast %add3A_2615 : i32 to vector<16xi32>
      %add3A_2617 = arith.addi %add3A_2589, %add3A_2616 : vector<16xi32>
      %gather3A_2618 = tpu.vector_load_idx %arg4[%add3A_2617] : memref<6912xf32, #tpu.memory_space<vmem>>[vector<16xi32>], vector<16xf32>,
      %max3A_2619 = arith.maximumf %max3A_2614, %gather3A_2618 : vector<16xf32>
      %add3A_2620 = arith.constant 7 : i32
      %add3A_2621 = vector.broadcast %add3A_2620 : i32 to vector<16xi32>
      %add3A_2622 = arith.addi %add3A_2589, %add3A_2621 : vector<16xi32>
      %gather3A_2623 = tpu.vector_load_idx %arg4[%add3A_2622] : memref<6912xf32, #tpu.memory_space<vmem>>[vector<16xi32>], vector<16xf32>,
      %max3A_2624 = arith.maximumf %max3A_2619, %gather3A_2623 : vector<16xf32>
      %add3A_2625 = arith.constant 8 : i32
      %add3A_2626 = vector.broadcast %add3A_2625 : i32 to vector<16xi32>
      %add3A_2627 = arith.addi %add3A_2589, %add3A_2626 : vector<16xi32>
      %gather3A_2628 = tpu.vector_load_idx %arg4[%add3A_2627] : memref<6912xf32, #tpu.memory_space<vmem>>[vector<16xi32>], vector<16xf32>,
      %max3A_2629 = arith.maximumf %max3A_2624, %gather3A_2628 : vector<16xf32>
      %add3A_2630 = arith.constant 9 : i32
      %add3A_2631 = vector.broadcast %add3A_2630 : i32 to vector<16xi32>
      %add3A_2632 = arith.addi %add3A_2589, %add3A_2631 : vector<16xi32>
      %gather3A_2633 = tpu.vector_load_idx %arg4[%add3A_2632] : memref<6912xf32, #tpu.memory_space<vmem>>[vector<16xi32>], vector<16xf32>,
      %max3A_2634 = arith.maximumf %max3A_2629, %gather3A_2633 : vector<16xf32>
      %add3A_2635 = arith.constant 10 : i32
      %add3A_2636 = vector.broadcast %add3A_2635 : i32 to vector<16xi32>
      %add3A_2637 = arith.addi %add3A_2589, %add3A_2636 : vector<16xi32>
      %gather3A_2638 = tpu.vector_load_idx %arg4[%add3A_2637] : memref<6912xf32, #tpu.memory_space<vmem>>[vector<16xi32>], vector<16xf32>,
      %max3A_2639 = arith.maximumf %max3A_2634, %gather3A_2638 : vector<16xf32>
      %add3A_2640 = arith.constant 11 : i32
      %add3A_2641 = vector.broadcast %add3A_2640 : i32 to vector<16xi32>
      %add3A_2642 = arith.addi %add3A_2589, %add3A_2641 : vector<16xi32>
      %gather3A_2643 = tpu.vector_load_idx %arg4[%add3A_2642] : memref<6912xf32, #tpu.memory_space<vmem>>[vector<16xi32>], vector<16xf32>,
      %max3A_2644 = arith.maximumf %max3A_2639, %gather3A_2643 : vector<16xf32>
      %add3A_2645 = arith.constant 12 : i32
      %add3A_2646 = vector.broadcast %add3A_2645 : i32 to vector<16xi32>
      %add3A_2647 = arith.addi %add3A_2589, %add3A_2646 : vector<16xi32>
      %gather3A_2648 = tpu.vector_load_idx %arg4[%add3A_2647] : memref<6912xf32, #tpu.memory_space<vmem>>[vector<16xi32>], vector<16xf32>,
      %max3A_2649 = arith.maximumf %max3A_2644, %gather3A_2648 : vector<16xf32>
      %add3A_2650 = arith.constant 13 : i32
      %add3A_2651 = vector.broadcast %add3A_2650 : i32 to vector<16xi32>
      %add3A_2652 = arith.addi %add3A_2589, %add3A_2651 : vector<16xi32>
      %gather3A_2653 = tpu.vector_load_idx %arg4[%add3A_2652] : memref<6912xf32, #tpu.memory_space<vmem>>[vector<16xi32>], vector<16xf32>,
      %max3A_2654 = arith.maximumf %max3A_2649, %gather3A_2653 : vector<16xf32>
      %add3A_2655 = arith.constant 14 : i32
      %add3A_2656 = vector.broadcast %add3A_2655 : i32 to vector<16xi32>
      %add3A_2657 = arith.addi %add3A_2589, %add3A_2656 : vector<16xi32>
      %gather3A_2658 = tpu.vector_load_idx %arg4[%add3A_2657] : memref<6912xf32, #tpu.memory_space<vmem>>[vector<16xi32>], vector<16xf32>,
      %max3A_2659 = arith.maximumf %max3A_2654, %gather3A_2658 : vector<16xf32>
      %add3A_2660 = arith.constant 15 : i32
      %add3A_2661 = vector.broadcast %add3A_2660 : i32 to vector<16xi32>
      %add3A_2662 = arith.addi %add3A_2589, %add3A_2661 : vector<16xi32>
      %gather3A_2663 = tpu.vector_load_idx %arg4[%add3A_2662] : memref<6912xf32, #tpu.memory_space<vmem>>[vector<16xi32>], vector<16xf32>,
      %max3A_2664 = arith.maximumf %max3A_2659, %gather3A_2663 : vector<16xf32>
      %mul3A_2665 = arith.constant 16 : i32
      %mul3A_2666 = arith.muli %mul3A_2665, %scan3A_2585 : i32
      %swap3A_2667 = arith.index_cast %mul3A_2666 : i32 to index
      %swap3A_2668 = tpu.vector_load %arg5[%swap3A_2667] {strides = array<i32>} : memref<576xf32, #tpu.memory_space<vmem>>, vector<16xf32>,
      tpu.vector_store %arg5[%swap3A_2667], %max3A_2664 {strides = array<i32>} : memref<576xf32, #tpu.memory_space<vmem>>, vector<16xf32>,
    }
    %scan3A_30 = arith.constant 36 : i32
    %scan3A_31 = arith.constant 0 : i32
    %scan3A_32 = arith.constant 0 : i32
    %scan3A_33 = arith.constant 24 : i32
    %scan3A_34 = arith.addi %scan3A_32, %scan3A_33 : i32
    %scan3A_35 = arith.constant 1 : i32
    scf.for %scan3A_2585 = %scan3A_32 to %scan3A_34 step %scan3A_35  : i32 {
      %get3A_2586 = arith.constant 0 : index
      %get3A_2587 = tpu.vector_load %arg5[%get3A_2586] {strides = array<i32>} : memref<576xf32, #tpu.memory_space<vmem>>, vector<16xf32>,
      %get3A_2588 = arith.constant 16 : index
      %get3A_2589 = tpu.vector_load %arg5[%get3A_2588] {strides = array<i32>} : memref<576xf32, #tpu.memory_space<vmem>>, vector<16xf32>,
      %get3A_2590 = arith.constant 32 : index
      %get3A_2591 = tpu.vector_load %arg5[%get3A_2590] {strides = array<i32>} : memref<576xf32, #tpu.memory_space<vmem>>, vector<16xf32>,
      %get3A_2592 = arith.constant 48 : index
      %get3A_2593 = tpu.vector_load %arg5[%get3A_2592] {strides = array<i32>} : memref<576xf32, #tpu.memory_space<vmem>>, vector<16xf32>,
      %get3A_2594 = arith.constant 64 : index
      %get3A_2595 = tpu.vector_load %arg5[%get3A_2594] {strides = array<i32>} : memref<576xf32, #tpu.memory_space<vmem>>, vector<16xf32>,
      %get3A_2596 = arith.constant 80 : index
      %get3A_2597 = tpu.vector_load %arg5[%get3A_2596] {strides = array<i32>} : memref<576xf32, #tpu.memory_space<vmem>>, vector<16xf32>,
      %get3A_2598 = arith.constant 96 : index
      %get3A_2599 = tpu.vector_load %arg5[%get3A_2598] {strides = array<i32>} : memref<576xf32, #tpu.memory_space<vmem>>, vector<16xf32>,
      %get3A_2600 = arith.constant 112 : index
      %get3A_2601 = tpu.vector_load %arg5[%get3A_2600] {strides = array<i32>} : memref<576xf32, #tpu.memory_space<vmem>>, vector<16xf32>,
      %get3A_2602 = arith.constant 128 : index
      %get3A_2603 = tpu.vector_load %arg5[%get3A_2602] {strides = array<i32>} : memref<576xf32, #tpu.memory_space<vmem>>, vector<16xf32>,
      %get3A_2604 = arith.constant 144 : index
      %get3A_2605 = tpu.vector_load %arg5[%get3A_2604] {strides = array<i32>} : memref<576xf32, #tpu.memory_space<vmem>>, vector<16xf32>,
      %get3A_2606 = arith.constant 160 : index
      %get3A_2607 = tpu.vector_load %arg5[%get3A_2606] {strides = array<i32>} : memref<576xf32, #tpu.memory_space<vmem>>, vector<16xf32>,
      %get3A_2608 = arith.constant 176 : index
      %get3A_2609 = tpu.vector_load %arg5[%get3A_2608] {strides = array<i32>} : memref<576xf32, #tpu.memory_space<vmem>>, vector<16xf32>,
      %get3A_2610 = arith.constant 192 : index
      %get3A_2611 = tpu.vector_load %arg5[%get3A_2610] {strides = array<i32>} : memref<576xf32, #tpu.memory_space<vmem>>, vector<16xf32>,
      %get3A_2612 = arith.constant 208 : index
      %get3A_2613 = tpu.vector_load %arg5[%get3A_2612] {strides = array<i32>} : memref<576xf32, #tpu.memory_space<vmem>>, vector<16xf32>,
      %get3A_2614 = arith.constant 224 : index
      %get3A_2615 = tpu.vector_load %arg5[%get3A_2614] {strides = array<i32>} : memref<576xf32, #tpu.memory_space<vmem>>, vector<16xf32>,
      %get3A_2616 = arith.constant 240 : index
      %get3A_2617 = tpu.vector_load %arg5[%get3A_2616] {strides = array<i32>} : memref<576xf32, #tpu.memory_space<vmem>>, vector<16xf32>,
      %get3A_2618 = arith.constant 256 : index
      %get3A_2619 = tpu.vector_load %arg5[%get3A_2618] {strides = array<i32>} : memref<576xf32, #tpu.memory_space<vmem>>, vector<16xf32>,
      %get3A_2620 = arith.constant 272 : index
      %get3A_2621 = tpu.vector_load %arg5[%get3A_2620] {strides = array<i32>} : memref<576xf32, #tpu.memory_space<vmem>>, vector<16xf32>,
      %get3A_2622 = arith.constant 288 : index
      %get3A_2623 = tpu.vector_load %arg5[%get3A_2622] {strides = array<i32>} : memref<576xf32, #tpu.memory_space<vmem>>, vector<16xf32>,
      %get3A_2624 = arith.constant 304 : index
      %get3A_2625 = tpu.vector_load %arg5[%get3A_2624] {strides = array<i32>} : memref<576xf32, #tpu.memory_space<vmem>>, vector<16xf32>,
      %get3A_2626 = arith.constant 320 : index
      %get3A_2627 = tpu.vector_load %arg5[%get3A_2626] {strides = array<i32>} : memref<576xf32, #tpu.memory_space<vmem>>, vector<16xf32>,
      %get3A_2628 = arith.constant 336 : index
      %get3A_2629 = tpu.vector_load %arg5[%get3A_2628] {strides = array<i32>} : memref<576xf32, #tpu.memory_space<vmem>>, vector<16xf32>,
      %get3A_2630 = arith.constant 352 : index
      %get3A_2631 = tpu.vector_load %arg5[%get3A_2630] {strides = array<i32>} : memref<576xf32, #tpu.memory_space<vmem>>, vector<16xf32>,
      %get3A_2632 = arith.constant 368 : index
      %get3A_2633 = tpu.vector_load %arg5[%get3A_2632] {strides = array<i32>} : memref<576xf32, #tpu.memory_space<vmem>>, vector<16xf32>,
      %get3A_2634 = arith.constant 384 : index
      %get3A_2635 = tpu.vector_load %arg5[%get3A_2634] {strides = array<i32>} : memref<576xf32, #tpu.memory_space<vmem>>, vector<16xf32>,
      %get3A_2636 = arith.constant 400 : index
      %get3A_2637 = tpu.vector_load %arg5[%get3A_2636] {strides = array<i32>} : memref<576xf32, #tpu.memory_space<vmem>>, vector<16xf32>,
      %get3A_2638 = arith.constant 416 : index
      %get3A_2639 = tpu.vector_load %arg5[%get3A_2638] {strides = array<i32>} : memref<576xf32, #tpu.memory_space<vmem>>, vector<16xf32>,
      %get3A_2640 = arith.constant 432 : index
      %get3A_2641 = tpu.vector_load %arg5[%get3A_2640] {strides = array<i32>} : memref<576xf32, #tpu.memory_space<vmem>>, vector<16xf32>,
      %get3A_2642 = arith.constant 448 : index
      %get3A_2643 = tpu.vector_load %arg5[%get3A_2642] {strides = array<i32>} : memref<576xf32, #tpu.memory_space<vmem>>, vector<16xf32>,
      %get3A_2644 = arith.constant 464 : index
      %get3A_2645 = tpu.vector_load %arg5[%get3A_2644] {strides = array<i32>} : memref<576xf32, #tpu.memory_space<vmem>>, vector<16xf32>,
      %get3A_2646 = arith.constant 480 : index
      %get3A_2647 = tpu.vector_load %arg5[%get3A_2646] {strides = array<i32>} : memref<576xf32, #tpu.memory_space<vmem>>, vector<16xf32>,
      %get3A_2648 = arith.constant 496 : index
      %get3A_2649 = tpu.vector_load %arg5[%get3A_2648] {strides = array<i32>} : memref<576xf32, #tpu.memory_space<vmem>>, vector<16xf32>,
      %get3A_2650 = arith.constant 512 : index
      %get3A_2651 = tpu.vector_load %arg5[%get3A_2650] {strides = array<i32>} : memref<576xf32, #tpu.memory_space<vmem>>, vector<16xf32>,
      %get3A_2652 = arith.constant 528 : index
      %get3A_2653 = tpu.vector_load %arg5[%get3A_2652] {strides = array<i32>} : memref<576xf32, #tpu.memory_space<vmem>>, vector<16xf32>,
      %get3A_2654 = arith.constant 544 : index
      %get3A_2655 = tpu.vector_load %arg5[%get3A_2654] {strides = array<i32>} : memref<576xf32, #tpu.memory_space<vmem>>, vector<16xf32>,
      %get3A_2656 = arith.constant 560 : index
      %get3A_2657 = tpu.vector_load %arg5[%get3A_2656] {strides = array<i32>} : memref<576xf32, #tpu.memory_space<vmem>>, vector<16xf32>,
      %max3A = arith.maximumf %get3A_2587, %get3A_2589 : vector<16xf32>
      %max3A_2658 = arith.maximumf %max3A, %get3A_2591 : vector<16xf32>
      %max3A_2659 = arith.maximumf %max3A_2658, %get3A_2593 : vector<16xf32>
      %max3A_2660 = arith.maximumf %max3A_2659, %get3A_2595 : vector<16xf32>
      %max3A_2661 = arith.maximumf %max3A_2660, %get3A_2597 : vector<16xf32>
      %max3A_2662 = arith.maximumf %max3A_2661, %get3A_2599 : vector<16xf32>
      %max3A_2663 = arith.maximumf %max3A_2662, %get3A_2601 : vector<16xf32>
      %max3A_2664 = arith.maximumf %max3A_2663, %get3A_2603 : vector<16xf32>
      %max3A_2665 = arith.maximumf %max3A_2664, %get3A_2605 : vector<16xf32>
      %max3A_2666 = arith.maximumf %max3A_2665, %get3A_2607 : vector<16xf32>
      %max3A_2667 = arith.maximumf %max3A_2666, %get3A_2609 : vector<16xf32>
      %max3A_2668 = arith.maximumf %max3A_2667, %get3A_2611 : vector<16xf32>
      %max3A_2669 = arith.maximumf %max3A_2668, %get3A_2613 : vector<16xf32>
      %max3A_2670 = arith.maximumf %max3A_2669, %get3A_2615 : vector<16xf32>
      %max3A_2671 = arith.maximumf %max3A_2670, %get3A_2617 : vector<16xf32>
      %max3A_2672 = arith.maximumf %max3A_2671, %get3A_2619 : vector<16xf32>
      %max3A_2673 = arith.maximumf %max3A_2672, %get3A_2621 : vector<16xf32>
      %max3A_2674 = arith.maximumf %max3A_2673, %get3A_2623 : vector<16xf32>
      %max3A_2675 = arith.maximumf %max3A_2674, %get3A_2625 : vector<16xf32>
      %max3A_2676 = arith.maximumf %max3A_2675, %get3A_2627 : vector<16xf32>
      %max3A_2677 = arith.maximumf %max3A_2676, %get3A_2629 : vector<16xf32>
      %max3A_2678 = arith.maximumf %max3A_2677, %get3A_2631 : vector<16xf32>
      %max3A_2679 = arith.maximumf %max3A_2678, %get3A_2633 : vector<16xf32>
      %max3A_2680 = arith.maximumf %max3A_2679, %get3A_2635 : vector<16xf32>
      %max3A_2681 = arith.maximumf %max3A_2680, %get3A_2637 : vector<16xf32>
      %max3A_2682 = arith.maximumf %max3A_2681, %get3A_2639 : vector<16xf32>
      %max3A_2683 = arith.maximumf %max3A_2682, %get3A_2641 : vector<16xf32>
      %max3A_2684 = arith.maximumf %max3A_2683, %get3A_2643 : vector<16xf32>
      %max3A_2685 = arith.maximumf %max3A_2684, %get3A_2645 : vector<16xf32>
      %max3A_2686 = arith.maximumf %max3A_2685, %get3A_2647 : vector<16xf32>
      %max3A_2687 = arith.maximumf %max3A_2686, %get3A_2649 : vector<16xf32>
      %max3A_2688 = arith.maximumf %max3A_2687, %get3A_2651 : vector<16xf32>
      %max3A_2689 = arith.maximumf %max3A_2688, %get3A_2653 : vector<16xf32>
      %max3A_2690 = arith.maximumf %max3A_2689, %get3A_2655 : vector<16xf32>
      %max3A_2691 = arith.maximumf %max3A_2690, %get3A_2657 : vector<16xf32>
      %broadcast_in_dim3A_2692 = arith.constant 64 : i32
      %broadcast_in_dim3A_2693 = vector.broadcast %broadcast_in_dim3A_2692 : i32 to vector<16xi32>
      %eq3A_2694 = arith.cmpf oeq, %get3A_2657, %max3A_2691 : vector<16xf32>
      %jit3A_2695 = arith.constant 35 : i32
      %broadcast_in_dim3A_2696 = vector.broadcast %jit3A_2695 : i32 to vector<16xi32>
      %select_n3A_2697 = arith.select %eq3A_2694, %broadcast_in_dim3A_2696, %broadcast_in_dim3A_2693 : vector<16xi1>, vector<16xi32>
      %eq3A_2698 = arith.cmpf oeq, %get3A_2655, %max3A_2691 : vector<16xf32>
      %jit3A_2699 = arith.constant 34 : i32
      %broadcast_in_dim3A_2700 = vector.broadcast %jit3A_2699 : i32 to vector<16xi32>
      %select_n3A_2701 = arith.select %eq3A_2698, %broadcast_in_dim3A_2700, %select_n3A_2697 : vector<16xi1>, vector<16xi32>
      %eq3A_2702 = arith.cmpf oeq, %get3A_2653, %max3A_2691 : vector<16xf32>
      %jit3A_2703 = arith.constant 33 : i32
      %broadcast_in_dim3A_2704 = vector.broadcast %jit3A_2703 : i32 to vector<16xi32>
      %select_n3A_2705 = arith.select %eq3A_2702, %broadcast_in_dim3A_2704, %select_n3A_2701 : vector<16xi1>, vector<16xi32>
      %eq3A_2706 = arith.cmpf oeq, %get3A_2651, %max3A_2691 : vector<16xf32>
      %jit3A_2707 = arith.constant 32 : i32
      %broadcast_in_dim3A_2708 = vector.broadcast %jit3A_2707 : i32 to vector<16xi32>
      %select_n3A_2709 = arith.select %eq3A_2706, %broadcast_in_dim3A_2708, %select_n3A_2705 : vector<16xi1>, vector<16xi32>
      %eq3A_2710 = arith.cmpf oeq, %get3A_2649, %max3A_2691 : vector<16xf32>
      %jit3A_2711 = arith.constant 31 : i32
      %broadcast_in_dim3A_2712 = vector.broadcast %jit3A_2711 : i32 to vector<16xi32>
      %select_n3A_2713 = arith.select %eq3A_2710, %broadcast_in_dim3A_2712, %select_n3A_2709 : vector<16xi1>, vector<16xi32>
      %eq3A_2714 = arith.cmpf oeq, %get3A_2647, %max3A_2691 : vector<16xf32>
      %jit3A_2715 = arith.constant 30 : i32
      %broadcast_in_dim3A_2716 = vector.broadcast %jit3A_2715 : i32 to vector<16xi32>
      %select_n3A_2717 = arith.select %eq3A_2714, %broadcast_in_dim3A_2716, %select_n3A_2713 : vector<16xi1>, vector<16xi32>
      %eq3A_2718 = arith.cmpf oeq, %get3A_2645, %max3A_2691 : vector<16xf32>
      %jit3A_2719 = arith.constant 29 : i32
      %broadcast_in_dim3A_2720 = vector.broadcast %jit3A_2719 : i32 to vector<16xi32>
      %select_n3A_2721 = arith.select %eq3A_2718, %broadcast_in_dim3A_2720, %select_n3A_2717 : vector<16xi1>, vector<16xi32>
      %eq3A_2722 = arith.cmpf oeq, %get3A_2643, %max3A_2691 : vector<16xf32>
      %jit3A_2723 = arith.constant 28 : i32
      %broadcast_in_dim3A_2724 = vector.broadcast %jit3A_2723 : i32 to vector<16xi32>
      %select_n3A_2725 = arith.select %eq3A_2722, %broadcast_in_dim3A_2724, %select_n3A_2721 : vector<16xi1>, vector<16xi32>
      %eq3A_2726 = arith.cmpf oeq, %get3A_2641, %max3A_2691 : vector<16xf32>
      %jit3A_2727 = arith.constant 27 : i32
      %broadcast_in_dim3A_2728 = vector.broadcast %jit3A_2727 : i32 to vector<16xi32>
      %select_n3A_2729 = arith.select %eq3A_2726, %broadcast_in_dim3A_2728, %select_n3A_2725 : vector<16xi1>, vector<16xi32>
      %eq3A_2730 = arith.cmpf oeq, %get3A_2639, %max3A_2691 : vector<16xf32>
      %jit3A_2731 = arith.constant 26 : i32
      %broadcast_in_dim3A_2732 = vector.broadcast %jit3A_2731 : i32 to vector<16xi32>
      %select_n3A_2733 = arith.select %eq3A_2730, %broadcast_in_dim3A_2732, %select_n3A_2729 : vector<16xi1>, vector<16xi32>
      %eq3A_2734 = arith.cmpf oeq, %get3A_2637, %max3A_2691 : vector<16xf32>
      %jit3A_2735 = arith.constant 25 : i32
      %broadcast_in_dim3A_2736 = vector.broadcast %jit3A_2735 : i32 to vector<16xi32>
      %select_n3A_2737 = arith.select %eq3A_2734, %broadcast_in_dim3A_2736, %select_n3A_2733 : vector<16xi1>, vector<16xi32>
      %eq3A_2738 = arith.cmpf oeq, %get3A_2635, %max3A_2691 : vector<16xf32>
      %jit3A_2739 = arith.constant 24 : i32
      %broadcast_in_dim3A_2740 = vector.broadcast %jit3A_2739 : i32 to vector<16xi32>
      %select_n3A_2741 = arith.select %eq3A_2738, %broadcast_in_dim3A_2740, %select_n3A_2737 : vector<16xi1>, vector<16xi32>
      %eq3A_2742 = arith.cmpf oeq, %get3A_2633, %max3A_2691 : vector<16xf32>
      %jit3A_2743 = arith.constant 23 : i32
      %broadcast_in_dim3A_2744 = vector.broadcast %jit3A_2743 : i32 to vector<16xi32>
      %select_n3A_2745 = arith.select %eq3A_2742, %broadcast_in_dim3A_2744, %select_n3A_2741 : vector<16xi1>, vector<16xi32>
      %eq3A_2746 = arith.cmpf oeq, %get3A_2631, %max3A_2691 : vector<16xf32>
      %jit3A_2747 = arith.constant 22 : i32
      %broadcast_in_dim3A_2748 = vector.broadcast %jit3A_2747 : i32 to vector<16xi32>
      %select_n3A_2749 = arith.select %eq3A_2746, %broadcast_in_dim3A_2748, %select_n3A_2745 : vector<16xi1>, vector<16xi32>
      %eq3A_2750 = arith.cmpf oeq, %get3A_2629, %max3A_2691 : vector<16xf32>
      %jit3A_2751 = arith.constant 21 : i32
      %broadcast_in_dim3A_2752 = vector.broadcast %jit3A_2751 : i32 to vector<16xi32>
      %select_n3A_2753 = arith.select %eq3A_2750, %broadcast_in_dim3A_2752, %select_n3A_2749 : vector<16xi1>, vector<16xi32>
      %eq3A_2754 = arith.cmpf oeq, %get3A_2627, %max3A_2691 : vector<16xf32>
      %jit3A_2755 = arith.constant 20 : i32
      %broadcast_in_dim3A_2756 = vector.broadcast %jit3A_2755 : i32 to vector<16xi32>
      %select_n3A_2757 = arith.select %eq3A_2754, %broadcast_in_dim3A_2756, %select_n3A_2753 : vector<16xi1>, vector<16xi32>
      %eq3A_2758 = arith.cmpf oeq, %get3A_2625, %max3A_2691 : vector<16xf32>
      %jit3A_2759 = arith.constant 19 : i32
      %broadcast_in_dim3A_2760 = vector.broadcast %jit3A_2759 : i32 to vector<16xi32>
      %select_n3A_2761 = arith.select %eq3A_2758, %broadcast_in_dim3A_2760, %select_n3A_2757 : vector<16xi1>, vector<16xi32>
      %eq3A_2762 = arith.cmpf oeq, %get3A_2623, %max3A_2691 : vector<16xf32>
      %jit3A_2763 = arith.constant 18 : i32
      %broadcast_in_dim3A_2764 = vector.broadcast %jit3A_2763 : i32 to vector<16xi32>
      %select_n3A_2765 = arith.select %eq3A_2762, %broadcast_in_dim3A_2764, %select_n3A_2761 : vector<16xi1>, vector<16xi32>
      %eq3A_2766 = arith.cmpf oeq, %get3A_2621, %max3A_2691 : vector<16xf32>
      %jit3A_2767 = arith.constant 17 : i32
      %broadcast_in_dim3A_2768 = vector.broadcast %jit3A_2767 : i32 to vector<16xi32>
      %select_n3A_2769 = arith.select %eq3A_2766, %broadcast_in_dim3A_2768, %select_n3A_2765 : vector<16xi1>, vector<16xi32>
      %eq3A_2770 = arith.cmpf oeq, %get3A_2619, %max3A_2691 : vector<16xf32>
      %jit3A_2771 = arith.constant 16 : i32
      %broadcast_in_dim3A_2772 = vector.broadcast %jit3A_2771 : i32 to vector<16xi32>
      %select_n3A_2773 = arith.select %eq3A_2770, %broadcast_in_dim3A_2772, %select_n3A_2769 : vector<16xi1>, vector<16xi32>
      %eq3A_2774 = arith.cmpf oeq, %get3A_2617, %max3A_2691 : vector<16xf32>
      %jit3A_2775 = arith.constant 15 : i32
      %broadcast_in_dim3A_2776 = vector.broadcast %jit3A_2775 : i32 to vector<16xi32>
      %select_n3A_2777 = arith.select %eq3A_2774, %broadcast_in_dim3A_2776, %select_n3A_2773 : vector<16xi1>, vector<16xi32>
      %eq3A_2778 = arith.cmpf oeq, %get3A_2615, %max3A_2691 : vector<16xf32>
      %jit3A_2779 = arith.constant 14 : i32
      %broadcast_in_dim3A_2780 = vector.broadcast %jit3A_2779 : i32 to vector<16xi32>
      %select_n3A_2781 = arith.select %eq3A_2778, %broadcast_in_dim3A_2780, %select_n3A_2777 : vector<16xi1>, vector<16xi32>
      %eq3A_2782 = arith.cmpf oeq, %get3A_2613, %max3A_2691 : vector<16xf32>
      %jit3A_2783 = arith.constant 13 : i32
      %broadcast_in_dim3A_2784 = vector.broadcast %jit3A_2783 : i32 to vector<16xi32>
      %select_n3A_2785 = arith.select %eq3A_2782, %broadcast_in_dim3A_2784, %select_n3A_2781 : vector<16xi1>, vector<16xi32>
      %eq3A_2786 = arith.cmpf oeq, %get3A_2611, %max3A_2691 : vector<16xf32>
      %jit3A_2787 = arith.constant 12 : i32
      %broadcast_in_dim3A_2788 = vector.broadcast %jit3A_2787 : i32 to vector<16xi32>
      %select_n3A_2789 = arith.select %eq3A_2786, %broadcast_in_dim3A_2788, %select_n3A_2785 : vector<16xi1>, vector<16xi32>
      %eq3A_2790 = arith.cmpf oeq, %get3A_2609, %max3A_2691 : vector<16xf32>
      %jit3A_2791 = arith.constant 11 : i32
      %broadcast_in_dim3A_2792 = vector.broadcast %jit3A_2791 : i32 to vector<16xi32>
      %select_n3A_2793 = arith.select %eq3A_2790, %broadcast_in_dim3A_2792, %select_n3A_2789 : vector<16xi1>, vector<16xi32>
      %eq3A_2794 = arith.cmpf oeq, %get3A_2607, %max3A_2691 : vector<16xf32>
      %jit3A_2795 = arith.constant 10 : i32
      %broadcast_in_dim3A_2796 = vector.broadcast %jit3A_2795 : i32 to vector<16xi32>
      %select_n3A_2797 = arith.select %eq3A_2794, %broadcast_in_dim3A_2796, %select_n3A_2793 : vector<16xi1>, vector<16xi32>
      %eq3A_2798 = arith.cmpf oeq, %get3A_2605, %max3A_2691 : vector<16xf32>
      %jit3A_2799 = arith.constant 9 : i32
      %broadcast_in_dim3A_2800 = vector.broadcast %jit3A_2799 : i32 to vector<16xi32>
      %select_n3A_2801 = arith.select %eq3A_2798, %broadcast_in_dim3A_2800, %select_n3A_2797 : vector<16xi1>, vector<16xi32>
      %eq3A_2802 = arith.cmpf oeq, %get3A_2603, %max3A_2691 : vector<16xf32>
      %jit3A_2803 = arith.constant 8 : i32
      %broadcast_in_dim3A_2804 = vector.broadcast %jit3A_2803 : i32 to vector<16xi32>
      %select_n3A_2805 = arith.select %eq3A_2802, %broadcast_in_dim3A_2804, %select_n3A_2801 : vector<16xi1>, vector<16xi32>
      %eq3A_2806 = arith.cmpf oeq, %get3A_2601, %max3A_2691 : vector<16xf32>
      %jit3A_2807 = arith.constant 7 : i32
      %broadcast_in_dim3A_2808 = vector.broadcast %jit3A_2807 : i32 to vector<16xi32>
      %select_n3A_2809 = arith.select %eq3A_2806, %broadcast_in_dim3A_2808, %select_n3A_2805 : vector<16xi1>, vector<16xi32>
      %eq3A_2810 = arith.cmpf oeq, %get3A_2599, %max3A_2691 : vector<16xf32>
      %jit3A_2811 = arith.constant 6 : i32
      %broadcast_in_dim3A_2812 = vector.broadcast %jit3A_2811 : i32 to vector<16xi32>
      %select_n3A_2813 = arith.select %eq3A_2810, %broadcast_in_dim3A_2812, %select_n3A_2809 : vector<16xi1>, vector<16xi32>
      %eq3A_2814 = arith.cmpf oeq, %get3A_2597, %max3A_2691 : vector<16xf32>
      %jit3A_2815 = arith.constant 5 : i32
      %broadcast_in_dim3A_2816 = vector.broadcast %jit3A_2815 : i32 to vector<16xi32>
      %select_n3A_2817 = arith.select %eq3A_2814, %broadcast_in_dim3A_2816, %select_n3A_2813 : vector<16xi1>, vector<16xi32>
      %eq3A_2818 = arith.cmpf oeq, %get3A_2595, %max3A_2691 : vector<16xf32>
      %jit3A_2819 = arith.constant 4 : i32
      %broadcast_in_dim3A_2820 = vector.broadcast %jit3A_2819 : i32 to vector<16xi32>
      %select_n3A_2821 = arith.select %eq3A_2818, %broadcast_in_dim3A_2820, %select_n3A_2817 : vector<16xi1>, vector<16xi32>
      %eq3A_2822 = arith.cmpf oeq, %get3A_2593, %max3A_2691 : vector<16xf32>
      %jit3A_2823 = arith.constant 3 : i32
      %broadcast_in_dim3A_2824 = vector.broadcast %jit3A_2823 : i32 to vector<16xi32>
      %select_n3A_2825 = arith.select %eq3A_2822, %broadcast_in_dim3A_2824, %select_n3A_2821 : vector<16xi1>, vector<16xi32>
      %eq3A_2826 = arith.cmpf oeq, %get3A_2591, %max3A_2691 : vector<16xf32>
      %jit3A_2827 = arith.constant 2 : i32
      %broadcast_in_dim3A_2828 = vector.broadcast %jit3A_2827 : i32 to vector<16xi32>
      %select_n3A_2829 = arith.select %eq3A_2826, %broadcast_in_dim3A_2828, %select_n3A_2825 : vector<16xi1>, vector<16xi32>
      %eq3A_2830 = arith.cmpf oeq, %get3A_2589, %max3A_2691 : vector<16xf32>
      %jit3A_2831 = arith.constant 1 : i32
      %broadcast_in_dim3A_2832 = vector.broadcast %jit3A_2831 : i32 to vector<16xi32>
      %select_n3A_2833 = arith.select %eq3A_2830, %broadcast_in_dim3A_2832, %select_n3A_2829 : vector<16xi1>, vector<16xi32>
      %eq3A_2834 = arith.cmpf oeq, %get3A_2587, %max3A_2691 : vector<16xf32>
      %jit3A_2835 = arith.constant 0 : i32
      %broadcast_in_dim3A_2836 = vector.broadcast %jit3A_2835 : i32 to vector<16xi32>
      %select_n3A_2837 = arith.select %eq3A_2834, %broadcast_in_dim3A_2836, %select_n3A_2833 : vector<16xi1>, vector<16xi32>
      %slice3A_2838 = vector.extract_strided_slice %select_n3A_2837 {offsets = [0], sizes = [1], strides = [1]} : vector<16xi32> to vector<1xi32>
      %squeeze3A_2839 = vector.extract %slice3A_2838[0] : i32 from vector<1xi32>
      %slice3A_2840 = vector.extract_strided_slice %select_n3A_2837 {offsets = [1], sizes = [1], strides = [1]} : vector<16xi32> to vector<1xi32>
      %squeeze3A_2841 = vector.extract %slice3A_2840[0] : i32 from vector<1xi32>
      %slice3A_2842 = vector.extract_strided_slice %select_n3A_2837 {offsets = [2], sizes = [1], strides = [1]} : vector<16xi32> to vector<1xi32>
      %squeeze3A_2843 = vector.extract %slice3A_2842[0] : i32 from vector<1xi32>
      %slice3A_2844 = vector.extract_strided_slice %select_n3A_2837 {offsets = [3], sizes = [1], strides = [1]} : vector<16xi32> to vector<1xi32>
      %squeeze3A_2845 = vector.extract %slice3A_2844[0] : i32 from vector<1xi32>
      %slice3A_2846 = vector.extract_strided_slice %select_n3A_2837 {offsets = [4], sizes = [1], strides = [1]} : vector<16xi32> to vector<1xi32>
      %squeeze3A_2847 = vector.extract %slice3A_2846[0] : i32 from vector<1xi32>
      %slice3A_2848 = vector.extract_strided_slice %select_n3A_2837 {offsets = [5], sizes = [1], strides = [1]} : vector<16xi32> to vector<1xi32>
      %squeeze3A_2849 = vector.extract %slice3A_2848[0] : i32 from vector<1xi32>
      %slice3A_2850 = vector.extract_strided_slice %select_n3A_2837 {offsets = [6], sizes = [1], strides = [1]} : vector<16xi32> to vector<1xi32>
      %squeeze3A_2851 = vector.extract %slice3A_2850[0] : i32 from vector<1xi32>
      %slice3A_2852 = vector.extract_strided_slice %select_n3A_2837 {offsets = [7], sizes = [1], strides = [1]} : vector<16xi32> to vector<1xi32>
      %squeeze3A_2853 = vector.extract %slice3A_2852[0] : i32 from vector<1xi32>
      %slice3A_2854 = vector.extract_strided_slice %select_n3A_2837 {offsets = [8], sizes = [1], strides = [1]} : vector<16xi32> to vector<1xi32>
      %squeeze3A_2855 = vector.extract %slice3A_2854[0] : i32 from vector<1xi32>
      %slice3A_2856 = vector.extract_strided_slice %select_n3A_2837 {offsets = [9], sizes = [1], strides = [1]} : vector<16xi32> to vector<1xi32>
      %squeeze3A_2857 = vector.extract %slice3A_2856[0] : i32 from vector<1xi32>
      %slice3A_2858 = vector.extract_strided_slice %select_n3A_2837 {offsets = [10], sizes = [1], strides = [1]} : vector<16xi32> to vector<1xi32>
      %squeeze3A_2859 = vector.extract %slice3A_2858[0] : i32 from vector<1xi32>
      %slice3A_2860 = vector.extract_strided_slice %select_n3A_2837 {offsets = [11], sizes = [1], strides = [1]} : vector<16xi32> to vector<1xi32>
      %squeeze3A_2861 = vector.extract %slice3A_2860[0] : i32 from vector<1xi32>
      %slice3A_2862 = vector.extract_strided_slice %max3A_2691 {offsets = [0], sizes = [1], strides = [1]} : vector<16xf32> to vector<1xf32>
      %squeeze3A_2863 = vector.extract %slice3A_2862[0] : f32 from vector<1xf32>
      %slice3A_2864 = vector.extract_strided_slice %max3A_2691 {offsets = [1], sizes = [1], strides = [1]} : vector<16xf32> to vector<1xf32>
      %squeeze3A_2865 = vector.extract %slice3A_2864[0] : f32 from vector<1xf32>
      %slice3A_2866 = vector.extract_strided_slice %max3A_2691 {offsets = [2], sizes = [1], strides = [1]} : vector<16xf32> to vector<1xf32>
      %squeeze3A_2867 = vector.extract %slice3A_2866[0] : f32 from vector<1xf32>
      %slice3A_2868 = vector.extract_strided_slice %max3A_2691 {offsets = [3], sizes = [1], strides = [1]} : vector<16xf32> to vector<1xf32>
      %squeeze3A_2869 = vector.extract %slice3A_2868[0] : f32 from vector<1xf32>
      %slice3A_2870 = vector.extract_strided_slice %max3A_2691 {offsets = [4], sizes = [1], strides = [1]} : vector<16xf32> to vector<1xf32>
      %squeeze3A_2871 = vector.extract %slice3A_2870[0] : f32 from vector<1xf32>
      %slice3A_2872 = vector.extract_strided_slice %max3A_2691 {offsets = [5], sizes = [1], strides = [1]} : vector<16xf32> to vector<1xf32>
      %squeeze3A_2873 = vector.extract %slice3A_2872[0] : f32 from vector<1xf32>
      %slice3A_2874 = vector.extract_strided_slice %max3A_2691 {offsets = [6], sizes = [1], strides = [1]} : vector<16xf32> to vector<1xf32>
      %squeeze3A_2875 = vector.extract %slice3A_2874[0] : f32 from vector<1xf32>
      %slice3A_2876 = vector.extract_strided_slice %max3A_2691 {offsets = [7], sizes = [1], strides = [1]} : vector<16xf32> to vector<1xf32>
      %squeeze3A_2877 = vector.extract %slice3A_2876[0] : f32 from vector<1xf32>
      %slice3A_2878 = vector.extract_strided_slice %max3A_2691 {offsets = [8], sizes = [1], strides = [1]} : vector<16xf32> to vector<1xf32>
      %squeeze3A_2879 = vector.extract %slice3A_2878[0] : f32 from vector<1xf32>
      %slice3A_2880 = vector.extract_strided_slice %max3A_2691 {offsets = [9], sizes = [1], strides = [1]} : vector<16xf32> to vector<1xf32>
      %squeeze3A_2881 = vector.extract %slice3A_2880[0] : f32 from vector<1xf32>
      %slice3A_2882 = vector.extract_strided_slice %max3A_2691 {offsets = [10], sizes = [1], strides = [1]} : vector<16xf32> to vector<1xf32>
      %squeeze3A_2883 = vector.extract %slice3A_2882[0] : f32 from vector<1xf32>
      %slice3A_2884 = vector.extract_strided_slice %max3A_2691 {offsets = [11], sizes = [1], strides = [1]} : vector<16xf32> to vector<1xf32>
      %squeeze3A_2885 = vector.extract %slice3A_2884[0] : f32 from vector<1xf32>
      %mul3A_2886 = arith.constant 16 : i32
      %mul3A_2887 = arith.muli %mul3A_2886, %squeeze3A_2839 : i32
      %add3A_2888 = arith.constant 0 : i32
      %add3A_2889 = arith.addi %add3A_2888, %mul3A_2887 : i32
      %get3A_2890 = arith.index_cast %add3A_2889 : i32 to index
      %get3A_2891 = tpu.vector_load %arg4[%get3A_2890] {strides = array<i32>} : memref<6912xf32, #tpu.memory_space<vmem>>, vector<16xf32>,
      %mul3A_2892 = arith.constant 16 : i32
      %mul3A_2893 = arith.muli %mul3A_2892, %squeeze3A_2841 : i32
      %add3A_2894 = arith.constant 576 : i32
      %add3A_2895 = arith.addi %add3A_2894, %mul3A_2893 : i32
      %get3A_2896 = arith.index_cast %add3A_2895 : i32 to index
      %get3A_2897 = tpu.vector_load %arg4[%get3A_2896] {strides = array<i32>} : memref<6912xf32, #tpu.memory_space<vmem>>, vector<16xf32>,
      %mul3A_2898 = arith.constant 16 : i32
      %mul3A_2899 = arith.muli %mul3A_2898, %squeeze3A_2843 : i32
      %add3A_2900 = arith.constant 1152 : i32
      %add3A_2901 = arith.addi %add3A_2900, %mul3A_2899 : i32
      %get3A_2902 = arith.index_cast %add3A_2901 : i32 to index
      %get3A_2903 = tpu.vector_load %arg4[%get3A_2902] {strides = array<i32>} : memref<6912xf32, #tpu.memory_space<vmem>>, vector<16xf32>,
      %mul3A_2904 = arith.constant 16 : i32
      %mul3A_2905 = arith.muli %mul3A_2904, %squeeze3A_2845 : i32
      %add3A_2906 = arith.constant 1728 : i32
      %add3A_2907 = arith.addi %add3A_2906, %mul3A_2905 : i32
      %get3A_2908 = arith.index_cast %add3A_2907 : i32 to index
      %get3A_2909 = tpu.vector_load %arg4[%get3A_2908] {strides = array<i32>} : memref<6912xf32, #tpu.memory_space<vmem>>, vector<16xf32>,
      %mul3A_2910 = arith.constant 16 : i32
      %mul3A_2911 = arith.muli %mul3A_2910, %squeeze3A_2847 : i32
      %add3A_2912 = arith.constant 2304 : i32
      %add3A_2913 = arith.addi %add3A_2912, %mul3A_2911 : i32
      %get3A_2914 = arith.index_cast %add3A_2913 : i32 to index
      %get3A_2915 = tpu.vector_load %arg4[%get3A_2914] {strides = array<i32>} : memref<6912xf32, #tpu.memory_space<vmem>>, vector<16xf32>,
      %mul3A_2916 = arith.constant 16 : i32
      %mul3A_2917 = arith.muli %mul3A_2916, %squeeze3A_2849 : i32
      %add3A_2918 = arith.constant 2880 : i32
      %add3A_2919 = arith.addi %add3A_2918, %mul3A_2917 : i32
      %get3A_2920 = arith.index_cast %add3A_2919 : i32 to index
      %get3A_2921 = tpu.vector_load %arg4[%get3A_2920] {strides = array<i32>} : memref<6912xf32, #tpu.memory_space<vmem>>, vector<16xf32>,
      %mul3A_2922 = arith.constant 16 : i32
      %mul3A_2923 = arith.muli %mul3A_2922, %squeeze3A_2851 : i32
      %add3A_2924 = arith.constant 3456 : i32
      %add3A_2925 = arith.addi %add3A_2924, %mul3A_2923 : i32
      %get3A_2926 = arith.index_cast %add3A_2925 : i32 to index
      %get3A_2927 = tpu.vector_load %arg4[%get3A_2926] {strides = array<i32>} : memref<6912xf32, #tpu.memory_space<vmem>>, vector<16xf32>,
      %mul3A_2928 = arith.constant 16 : i32
      %mul3A_2929 = arith.muli %mul3A_2928, %squeeze3A_2853 : i32
      %add3A_2930 = arith.constant 4032 : i32
      %add3A_2931 = arith.addi %add3A_2930, %mul3A_2929 : i32
      %get3A_2932 = arith.index_cast %add3A_2931 : i32 to index
      %get3A_2933 = tpu.vector_load %arg4[%get3A_2932] {strides = array<i32>} : memref<6912xf32, #tpu.memory_space<vmem>>, vector<16xf32>,
      %mul3A_2934 = arith.constant 16 : i32
      %mul3A_2935 = arith.muli %mul3A_2934, %squeeze3A_2855 : i32
      %add3A_2936 = arith.constant 4608 : i32
      %add3A_2937 = arith.addi %add3A_2936, %mul3A_2935 : i32
      %get3A_2938 = arith.index_cast %add3A_2937 : i32 to index
      %get3A_2939 = tpu.vector_load %arg4[%get3A_2938] {strides = array<i32>} : memref<6912xf32, #tpu.memory_space<vmem>>, vector<16xf32>,
      %mul3A_2940 = arith.constant 16 : i32
      %mul3A_2941 = arith.muli %mul3A_2940, %squeeze3A_2857 : i32
      %add3A_2942 = arith.constant 5184 : i32
      %add3A_2943 = arith.addi %add3A_2942, %mul3A_2941 : i32
      %get3A_2944 = arith.index_cast %add3A_2943 : i32 to index
      %get3A_2945 = tpu.vector_load %arg4[%get3A_2944] {strides = array<i32>} : memref<6912xf32, #tpu.memory_space<vmem>>, vector<16xf32>,
      %mul3A_2946 = arith.constant 16 : i32
      %mul3A_2947 = arith.muli %mul3A_2946, %squeeze3A_2859 : i32
      %add3A_2948 = arith.constant 5760 : i32
      %add3A_2949 = arith.addi %add3A_2948, %mul3A_2947 : i32
      %get3A_2950 = arith.index_cast %add3A_2949 : i32 to index
      %get3A_2951 = tpu.vector_load %arg4[%get3A_2950] {strides = array<i32>} : memref<6912xf32, #tpu.memory_space<vmem>>, vector<16xf32>,
      %mul3A_2952 = arith.constant 16 : i32
      %mul3A_2953 = arith.muli %mul3A_2952, %squeeze3A_2861 : i32
      %add3A_2954 = arith.constant 6336 : i32
      %add3A_2955 = arith.addi %add3A_2954, %mul3A_2953 : i32
      %get3A_2956 = arith.index_cast %add3A_2955 : i32 to index
      %get3A_2957 = tpu.vector_load %arg4[%get3A_2956] {strides = array<i32>} : memref<6912xf32, #tpu.memory_space<vmem>>, vector<16xf32>,
      %eq3A_2958 = vector.broadcast %squeeze3A_2863 : f32 to vector<16xf32>
      %eq3A_2959 = arith.cmpf oeq, %get3A_2891, %eq3A_2958 : vector<16xf32>
      %all_reduce_ffs3A = tpu.all_reduce %eq3A_2959 {dim = 0 : i64, kind = #tpu.reduction_kind<find_first_set>} : vector<16xi1> -> vector<16xi32>
      %eq3A_2960 = arith.cmpi eq, %iota3A, %all_reduce_ffs3A : vector<16xi32>
      %jit3A_2961 = arith.constant 0xFF800000 : f32
      %broadcast_in_dim3A_2962 = vector.broadcast %jit3A_2961 : f32 to vector<16xf32>
      %select_n3A_2963 = arith.select %eq3A_2960, %broadcast_in_dim3A_2962, %get3A_2891 : vector<16xi1>, vector<16xf32>
      %mul3A_2964 = arith.constant 16 : i32
      %mul3A_2965 = arith.muli %mul3A_2964, %squeeze3A_2839 : i32
      %add3A_2966 = arith.constant 0 : i32
      %add3A_2967 = arith.addi %add3A_2966, %mul3A_2965 : i32
      %swap3A_2968 = arith.index_cast %add3A_2967 : i32 to index
      %swap3A_2969 = tpu.vector_load %arg4[%swap3A_2968] {strides = array<i32>} : memref<6912xf32, #tpu.memory_space<vmem>>, vector<16xf32>,
      tpu.vector_store %arg4[%swap3A_2968], %select_n3A_2963 {strides = array<i32>} : memref<6912xf32, #tpu.memory_space<vmem>>, vector<16xf32>,
      %eq3A_2970 = arith.constant 0 : i32
      %eq3A_2971 = vector.broadcast %eq3A_2970 : i32 to vector<16xi32>
      %eq3A_2972 = arith.cmpi eq, %iota3A, %eq3A_2971 : vector<16xi32>
      %reduce_max3A = arith.constant true
      %reduce_max3A_2973 = vector.broadcast %reduce_max3A : i1 to vector<16xi1>
      %reduce_max3A_2974 = tpu.scan <max>, %select_n3A_2963 masked %reduce_max3A_2973 : vector<16xf32>, vector<16xi1> -> vector<16xf32>
      %reduce_max3A_2975 = vector.extract %reduce_max3A_2974[15] : f32 from vector<16xf32>
      %broadcast_in_dim3A_2976 = vector.broadcast %reduce_max3A_2975 : f32 to vector<16xf32>
      %select_n3A_2977 = arith.select %eq3A_2972, %broadcast_in_dim3A_2976, %broadcast_in_dim3A_3 : vector<16xi1>, vector<16xf32>
      %eq3A_2978 = vector.broadcast %squeeze3A_2865 : f32 to vector<16xf32>
      %eq3A_2979 = arith.cmpf oeq, %get3A_2897, %eq3A_2978 : vector<16xf32>
      %all_reduce_ffs3A_2980 = tpu.all_reduce %eq3A_2979 {dim = 0 : i64, kind = #tpu.reduction_kind<find_first_set>} : vector<16xi1> -> vector<16xi32>
      %eq3A_2981 = arith.cmpi eq, %iota3A, %all_reduce_ffs3A_2980 : vector<16xi32>
      %jit3A_2982 = arith.constant 0xFF800000 : f32
      %broadcast_in_dim3A_2983 = vector.broadcast %jit3A_2982 : f32 to vector<16xf32>
      %select_n3A_2984 = arith.select %eq3A_2981, %broadcast_in_dim3A_2983, %get3A_2897 : vector<16xi1>, vector<16xf32>
      %mul3A_2985 = arith.constant 16 : i32
      %mul3A_2986 = arith.muli %mul3A_2985, %squeeze3A_2841 : i32
      %add3A_2987 = arith.constant 576 : i32
      %add3A_2988 = arith.addi %add3A_2987, %mul3A_2986 : i32
      %swap3A_2989 = arith.index_cast %add3A_2988 : i32 to index
      %swap3A_2990 = tpu.vector_load %arg4[%swap3A_2989] {strides = array<i32>} : memref<6912xf32, #tpu.memory_space<vmem>>, vector<16xf32>,
      tpu.vector_store %arg4[%swap3A_2989], %select_n3A_2984 {strides = array<i32>} : memref<6912xf32, #tpu.memory_space<vmem>>, vector<16xf32>,
      %eq3A_2991 = arith.constant 1 : i32
      %eq3A_2992 = vector.broadcast %eq3A_2991 : i32 to vector<16xi32>
      %eq3A_2993 = arith.cmpi eq, %iota3A, %eq3A_2992 : vector<16xi32>
      %reduce_max3A_2994 = arith.constant true
      %reduce_max3A_2995 = vector.broadcast %reduce_max3A_2994 : i1 to vector<16xi1>
      %reduce_max3A_2996 = tpu.scan <max>, %select_n3A_2984 masked %reduce_max3A_2995 : vector<16xf32>, vector<16xi1> -> vector<16xf32>
      %reduce_max3A_2997 = vector.extract %reduce_max3A_2996[15] : f32 from vector<16xf32>
      %broadcast_in_dim3A_2998 = vector.broadcast %reduce_max3A_2997 : f32 to vector<16xf32>
      %select_n3A_2999 = arith.select %eq3A_2993, %broadcast_in_dim3A_2998, %select_n3A_2977 : vector<16xi1>, vector<16xf32>
      %eq3A_3000 = vector.broadcast %squeeze3A_2867 : f32 to vector<16xf32>
      %eq3A_3001 = arith.cmpf oeq, %get3A_2903, %eq3A_3000 : vector<16xf32>
      %all_reduce_ffs3A_3002 = tpu.all_reduce %eq3A_3001 {dim = 0 : i64, kind = #tpu.reduction_kind<find_first_set>} : vector<16xi1> -> vector<16xi32>
      %eq3A_3003 = arith.cmpi eq, %iota3A, %all_reduce_ffs3A_3002 : vector<16xi32>
      %jit3A_3004 = arith.constant 0xFF800000 : f32
      %broadcast_in_dim3A_3005 = vector.broadcast %jit3A_3004 : f32 to vector<16xf32>
      %select_n3A_3006 = arith.select %eq3A_3003, %broadcast_in_dim3A_3005, %get3A_2903 : vector<16xi1>, vector<16xf32>
      %mul3A_3007 = arith.constant 16 : i32
      %mul3A_3008 = arith.muli %mul3A_3007, %squeeze3A_2843 : i32
      %add3A_3009 = arith.constant 1152 : i32
      %add3A_3010 = arith.addi %add3A_3009, %mul3A_3008 : i32
      %swap3A_3011 = arith.index_cast %add3A_3010 : i32 to index
      %swap3A_3012 = tpu.vector_load %arg4[%swap3A_3011] {strides = array<i32>} : memref<6912xf32, #tpu.memory_space<vmem>>, vector<16xf32>,
      tpu.vector_store %arg4[%swap3A_3011], %select_n3A_3006 {strides = array<i32>} : memref<6912xf32, #tpu.memory_space<vmem>>, vector<16xf32>,
      %eq3A_3013 = arith.constant 2 : i32
      %eq3A_3014 = vector.broadcast %eq3A_3013 : i32 to vector<16xi32>
      %eq3A_3015 = arith.cmpi eq, %iota3A, %eq3A_3014 : vector<16xi32>
      %reduce_max3A_3016 = arith.constant true
      %reduce_max3A_3017 = vector.broadcast %reduce_max3A_3016 : i1 to vector<16xi1>
      %reduce_max3A_3018 = tpu.scan <max>, %select_n3A_3006 masked %reduce_max3A_3017 : vector<16xf32>, vector<16xi1> -> vector<16xf32>
      %reduce_max3A_3019 = vector.extract %reduce_max3A_3018[15] : f32 from vector<16xf32>
      %broadcast_in_dim3A_3020 = vector.broadcast %reduce_max3A_3019 : f32 to vector<16xf32>
      %select_n3A_3021 = arith.select %eq3A_3015, %broadcast_in_dim3A_3020, %select_n3A_2999 : vector<16xi1>, vector<16xf32>
      %eq3A_3022 = vector.broadcast %squeeze3A_2869 : f32 to vector<16xf32>
      %eq3A_3023 = arith.cmpf oeq, %get3A_2909, %eq3A_3022 : vector<16xf32>
      %all_reduce_ffs3A_3024 = tpu.all_reduce %eq3A_3023 {dim = 0 : i64, kind = #tpu.reduction_kind<find_first_set>} : vector<16xi1> -> vector<16xi32>
      %eq3A_3025 = arith.cmpi eq, %iota3A, %all_reduce_ffs3A_3024 : vector<16xi32>
      %jit3A_3026 = arith.constant 0xFF800000 : f32
      %broadcast_in_dim3A_3027 = vector.broadcast %jit3A_3026 : f32 to vector<16xf32>
      %select_n3A_3028 = arith.select %eq3A_3025, %broadcast_in_dim3A_3027, %get3A_2909 : vector<16xi1>, vector<16xf32>
      %mul3A_3029 = arith.constant 16 : i32
      %mul3A_3030 = arith.muli %mul3A_3029, %squeeze3A_2845 : i32
      %add3A_3031 = arith.constant 1728 : i32
      %add3A_3032 = arith.addi %add3A_3031, %mul3A_3030 : i32
      %swap3A_3033 = arith.index_cast %add3A_3032 : i32 to index
      %swap3A_3034 = tpu.vector_load %arg4[%swap3A_3033] {strides = array<i32>} : memref<6912xf32, #tpu.memory_space<vmem>>, vector<16xf32>,
      tpu.vector_store %arg4[%swap3A_3033], %select_n3A_3028 {strides = array<i32>} : memref<6912xf32, #tpu.memory_space<vmem>>, vector<16xf32>,
      %eq3A_3035 = arith.constant 3 : i32
      %eq3A_3036 = vector.broadcast %eq3A_3035 : i32 to vector<16xi32>
      %eq3A_3037 = arith.cmpi eq, %iota3A, %eq3A_3036 : vector<16xi32>
      %reduce_max3A_3038 = arith.constant true
      %reduce_max3A_3039 = vector.broadcast %reduce_max3A_3038 : i1 to vector<16xi1>
      %reduce_max3A_3040 = tpu.scan <max>, %select_n3A_3028 masked %reduce_max3A_3039 : vector<16xf32>, vector<16xi1> -> vector<16xf32>
      %reduce_max3A_3041 = vector.extract %reduce_max3A_3040[15] : f32 from vector<16xf32>
      %broadcast_in_dim3A_3042 = vector.broadcast %reduce_max3A_3041 : f32 to vector<16xf32>
      %select_n3A_3043 = arith.select %eq3A_3037, %broadcast_in_dim3A_3042, %select_n3A_3021 : vector<16xi1>, vector<16xf32>
      %eq3A_3044 = vector.broadcast %squeeze3A_2871 : f32 to vector<16xf32>
      %eq3A_3045 = arith.cmpf oeq, %get3A_2915, %eq3A_3044 : vector<16xf32>
      %all_reduce_ffs3A_3046 = tpu.all_reduce %eq3A_3045 {dim = 0 : i64, kind = #tpu.reduction_kind<find_first_set>} : vector<16xi1> -> vector<16xi32>
      %eq3A_3047 = arith.cmpi eq, %iota3A, %all_reduce_ffs3A_3046 : vector<16xi32>
      %jit3A_3048 = arith.constant 0xFF800000 : f32
      %broadcast_in_dim3A_3049 = vector.broadcast %jit3A_3048 : f32 to vector<16xf32>
      %select_n3A_3050 = arith.select %eq3A_3047, %broadcast_in_dim3A_3049, %get3A_2915 : vector<16xi1>, vector<16xf32>
      %mul3A_3051 = arith.constant 16 : i32
      %mul3A_3052 = arith.muli %mul3A_3051, %squeeze3A_2847 : i32
      %add3A_3053 = arith.constant 2304 : i32
      %add3A_3054 = arith.addi %add3A_3053, %mul3A_3052 : i32
      %swap3A_3055 = arith.index_cast %add3A_3054 : i32 to index
      %swap3A_3056 = tpu.vector_load %arg4[%swap3A_3055] {strides = array<i32>} : memref<6912xf32, #tpu.memory_space<vmem>>, vector<16xf32>,
      tpu.vector_store %arg4[%swap3A_3055], %select_n3A_3050 {strides = array<i32>} : memref<6912xf32, #tpu.memory_space<vmem>>, vector<16xf32>,
      %eq3A_3057 = arith.constant 4 : i32
      %eq3A_3058 = vector.broadcast %eq3A_3057 : i32 to vector<16xi32>
      %eq3A_3059 = arith.cmpi eq, %iota3A, %eq3A_3058 : vector<16xi32>
      %reduce_max3A_3060 = arith.constant true
      %reduce_max3A_3061 = vector.broadcast %reduce_max3A_3060 : i1 to vector<16xi1>
      %reduce_max3A_3062 = tpu.scan <max>, %select_n3A_3050 masked %reduce_max3A_3061 : vector<16xf32>, vector<16xi1> -> vector<16xf32>
      %reduce_max3A_3063 = vector.extract %reduce_max3A_3062[15] : f32 from vector<16xf32>
      %broadcast_in_dim3A_3064 = vector.broadcast %reduce_max3A_3063 : f32 to vector<16xf32>
      %select_n3A_3065 = arith.select %eq3A_3059, %broadcast_in_dim3A_3064, %select_n3A_3043 : vector<16xi1>, vector<16xf32>
      %eq3A_3066 = vector.broadcast %squeeze3A_2873 : f32 to vector<16xf32>
      %eq3A_3067 = arith.cmpf oeq, %get3A_2921, %eq3A_3066 : vector<16xf32>
      %all_reduce_ffs3A_3068 = tpu.all_reduce %eq3A_3067 {dim = 0 : i64, kind = #tpu.reduction_kind<find_first_set>} : vector<16xi1> -> vector<16xi32>
      %eq3A_3069 = arith.cmpi eq, %iota3A, %all_reduce_ffs3A_3068 : vector<16xi32>
      %jit3A_3070 = arith.constant 0xFF800000 : f32
      %broadcast_in_dim3A_3071 = vector.broadcast %jit3A_3070 : f32 to vector<16xf32>
      %select_n3A_3072 = arith.select %eq3A_3069, %broadcast_in_dim3A_3071, %get3A_2921 : vector<16xi1>, vector<16xf32>
      %mul3A_3073 = arith.constant 16 : i32
      %mul3A_3074 = arith.muli %mul3A_3073, %squeeze3A_2849 : i32
      %add3A_3075 = arith.constant 2880 : i32
      %add3A_3076 = arith.addi %add3A_3075, %mul3A_3074 : i32
      %swap3A_3077 = arith.index_cast %add3A_3076 : i32 to index
      %swap3A_3078 = tpu.vector_load %arg4[%swap3A_3077] {strides = array<i32>} : memref<6912xf32, #tpu.memory_space<vmem>>, vector<16xf32>,
      tpu.vector_store %arg4[%swap3A_3077], %select_n3A_3072 {strides = array<i32>} : memref<6912xf32, #tpu.memory_space<vmem>>, vector<16xf32>,
      %eq3A_3079 = arith.constant 5 : i32
      %eq3A_3080 = vector.broadcast %eq3A_3079 : i32 to vector<16xi32>
      %eq3A_3081 = arith.cmpi eq, %iota3A, %eq3A_3080 : vector<16xi32>
      %reduce_max3A_3082 = arith.constant true
      %reduce_max3A_3083 = vector.broadcast %reduce_max3A_3082 : i1 to vector<16xi1>
      %reduce_max3A_3084 = tpu.scan <max>, %select_n3A_3072 masked %reduce_max3A_3083 : vector<16xf32>, vector<16xi1> -> vector<16xf32>
      %reduce_max3A_3085 = vector.extract %reduce_max3A_3084[15] : f32 from vector<16xf32>
      %broadcast_in_dim3A_3086 = vector.broadcast %reduce_max3A_3085 : f32 to vector<16xf32>
      %select_n3A_3087 = arith.select %eq3A_3081, %broadcast_in_dim3A_3086, %select_n3A_3065 : vector<16xi1>, vector<16xf32>
      %eq3A_3088 = vector.broadcast %squeeze3A_2875 : f32 to vector<16xf32>
      %eq3A_3089 = arith.cmpf oeq, %get3A_2927, %eq3A_3088 : vector<16xf32>
      %all_reduce_ffs3A_3090 = tpu.all_reduce %eq3A_3089 {dim = 0 : i64, kind = #tpu.reduction_kind<find_first_set>} : vector<16xi1> -> vector<16xi32>
      %eq3A_3091 = arith.cmpi eq, %iota3A, %all_reduce_ffs3A_3090 : vector<16xi32>
      %jit3A_3092 = arith.constant 0xFF800000 : f32
      %broadcast_in_dim3A_3093 = vector.broadcast %jit3A_3092 : f32 to vector<16xf32>
      %select_n3A_3094 = arith.select %eq3A_3091, %broadcast_in_dim3A_3093, %get3A_2927 : vector<16xi1>, vector<16xf32>
      %mul3A_3095 = arith.constant 16 : i32
      %mul3A_3096 = arith.muli %mul3A_3095, %squeeze3A_2851 : i32
      %add3A_3097 = arith.constant 3456 : i32
      %add3A_3098 = arith.addi %add3A_3097, %mul3A_3096 : i32
      %swap3A_3099 = arith.index_cast %add3A_3098 : i32 to index
      %swap3A_3100 = tpu.vector_load %arg4[%swap3A_3099] {strides = array<i32>} : memref<6912xf32, #tpu.memory_space<vmem>>, vector<16xf32>,
      tpu.vector_store %arg4[%swap3A_3099], %select_n3A_3094 {strides = array<i32>} : memref<6912xf32, #tpu.memory_space<vmem>>, vector<16xf32>,
      %eq3A_3101 = arith.constant 6 : i32
      %eq3A_3102 = vector.broadcast %eq3A_3101 : i32 to vector<16xi32>
      %eq3A_3103 = arith.cmpi eq, %iota3A, %eq3A_3102 : vector<16xi32>
      %reduce_max3A_3104 = arith.constant true
      %reduce_max3A_3105 = vector.broadcast %reduce_max3A_3104 : i1 to vector<16xi1>
      %reduce_max3A_3106 = tpu.scan <max>, %select_n3A_3094 masked %reduce_max3A_3105 : vector<16xf32>, vector<16xi1> -> vector<16xf32>
      %reduce_max3A_3107 = vector.extract %reduce_max3A_3106[15] : f32 from vector<16xf32>
      %broadcast_in_dim3A_3108 = vector.broadcast %reduce_max3A_3107 : f32 to vector<16xf32>
      %select_n3A_3109 = arith.select %eq3A_3103, %broadcast_in_dim3A_3108, %select_n3A_3087 : vector<16xi1>, vector<16xf32>
      %eq3A_3110 = vector.broadcast %squeeze3A_2877 : f32 to vector<16xf32>
      %eq3A_3111 = arith.cmpf oeq, %get3A_2933, %eq3A_3110 : vector<16xf32>
      %all_reduce_ffs3A_3112 = tpu.all_reduce %eq3A_3111 {dim = 0 : i64, kind = #tpu.reduction_kind<find_first_set>} : vector<16xi1> -> vector<16xi32>
      %eq3A_3113 = arith.cmpi eq, %iota3A, %all_reduce_ffs3A_3112 : vector<16xi32>
      %jit3A_3114 = arith.constant 0xFF800000 : f32
      %broadcast_in_dim3A_3115 = vector.broadcast %jit3A_3114 : f32 to vector<16xf32>
      %select_n3A_3116 = arith.select %eq3A_3113, %broadcast_in_dim3A_3115, %get3A_2933 : vector<16xi1>, vector<16xf32>
      %mul3A_3117 = arith.constant 16 : i32
      %mul3A_3118 = arith.muli %mul3A_3117, %squeeze3A_2853 : i32
      %add3A_3119 = arith.constant 4032 : i32
      %add3A_3120 = arith.addi %add3A_3119, %mul3A_3118 : i32
      %swap3A_3121 = arith.index_cast %add3A_3120 : i32 to index
      %swap3A_3122 = tpu.vector_load %arg4[%swap3A_3121] {strides = array<i32>} : memref<6912xf32, #tpu.memory_space<vmem>>, vector<16xf32>,
      tpu.vector_store %arg4[%swap3A_3121], %select_n3A_3116 {strides = array<i32>} : memref<6912xf32, #tpu.memory_space<vmem>>, vector<16xf32>,
      %eq3A_3123 = arith.constant 7 : i32
      %eq3A_3124 = vector.broadcast %eq3A_3123 : i32 to vector<16xi32>
      %eq3A_3125 = arith.cmpi eq, %iota3A, %eq3A_3124 : vector<16xi32>
      %reduce_max3A_3126 = arith.constant true
      %reduce_max3A_3127 = vector.broadcast %reduce_max3A_3126 : i1 to vector<16xi1>
      %reduce_max3A_3128 = tpu.scan <max>, %select_n3A_3116 masked %reduce_max3A_3127 : vector<16xf32>, vector<16xi1> -> vector<16xf32>
      %reduce_max3A_3129 = vector.extract %reduce_max3A_3128[15] : f32 from vector<16xf32>
      %broadcast_in_dim3A_3130 = vector.broadcast %reduce_max3A_3129 : f32 to vector<16xf32>
      %select_n3A_3131 = arith.select %eq3A_3125, %broadcast_in_dim3A_3130, %select_n3A_3109 : vector<16xi1>, vector<16xf32>
      %eq3A_3132 = vector.broadcast %squeeze3A_2879 : f32 to vector<16xf32>
      %eq3A_3133 = arith.cmpf oeq, %get3A_2939, %eq3A_3132 : vector<16xf32>
      %all_reduce_ffs3A_3134 = tpu.all_reduce %eq3A_3133 {dim = 0 : i64, kind = #tpu.reduction_kind<find_first_set>} : vector<16xi1> -> vector<16xi32>
      %eq3A_3135 = arith.cmpi eq, %iota3A, %all_reduce_ffs3A_3134 : vector<16xi32>
      %jit3A_3136 = arith.constant 0xFF800000 : f32
      %broadcast_in_dim3A_3137 = vector.broadcast %jit3A_3136 : f32 to vector<16xf32>
      %select_n3A_3138 = arith.select %eq3A_3135, %broadcast_in_dim3A_3137, %get3A_2939 : vector<16xi1>, vector<16xf32>
      %mul3A_3139 = arith.constant 16 : i32
      %mul3A_3140 = arith.muli %mul3A_3139, %squeeze3A_2855 : i32
      %add3A_3141 = arith.constant 4608 : i32
      %add3A_3142 = arith.addi %add3A_3141, %mul3A_3140 : i32
      %swap3A_3143 = arith.index_cast %add3A_3142 : i32 to index
      %swap3A_3144 = tpu.vector_load %arg4[%swap3A_3143] {strides = array<i32>} : memref<6912xf32, #tpu.memory_space<vmem>>, vector<16xf32>,
      tpu.vector_store %arg4[%swap3A_3143], %select_n3A_3138 {strides = array<i32>} : memref<6912xf32, #tpu.memory_space<vmem>>, vector<16xf32>,
      %eq3A_3145 = arith.constant 8 : i32
      %eq3A_3146 = vector.broadcast %eq3A_3145 : i32 to vector<16xi32>
      %eq3A_3147 = arith.cmpi eq, %iota3A, %eq3A_3146 : vector<16xi32>
      %reduce_max3A_3148 = arith.constant true
      %reduce_max3A_3149 = vector.broadcast %reduce_max3A_3148 : i1 to vector<16xi1>
      %reduce_max3A_3150 = tpu.scan <max>, %select_n3A_3138 masked %reduce_max3A_3149 : vector<16xf32>, vector<16xi1> -> vector<16xf32>
      %reduce_max3A_3151 = vector.extract %reduce_max3A_3150[15] : f32 from vector<16xf32>
      %broadcast_in_dim3A_3152 = vector.broadcast %reduce_max3A_3151 : f32 to vector<16xf32>
      %select_n3A_3153 = arith.select %eq3A_3147, %broadcast_in_dim3A_3152, %select_n3A_3131 : vector<16xi1>, vector<16xf32>
      %eq3A_3154 = vector.broadcast %squeeze3A_2881 : f32 to vector<16xf32>
      %eq3A_3155 = arith.cmpf oeq, %get3A_2945, %eq3A_3154 : vector<16xf32>
      %all_reduce_ffs3A_3156 = tpu.all_reduce %eq3A_3155 {dim = 0 : i64, kind = #tpu.reduction_kind<find_first_set>} : vector<16xi1> -> vector<16xi32>
      %eq3A_3157 = arith.cmpi eq, %iota3A, %all_reduce_ffs3A_3156 : vector<16xi32>
      %jit3A_3158 = arith.constant 0xFF800000 : f32
      %broadcast_in_dim3A_3159 = vector.broadcast %jit3A_3158 : f32 to vector<16xf32>
      %select_n3A_3160 = arith.select %eq3A_3157, %broadcast_in_dim3A_3159, %get3A_2945 : vector<16xi1>, vector<16xf32>
      %mul3A_3161 = arith.constant 16 : i32
      %mul3A_3162 = arith.muli %mul3A_3161, %squeeze3A_2857 : i32
      %add3A_3163 = arith.constant 5184 : i32
      %add3A_3164 = arith.addi %add3A_3163, %mul3A_3162 : i32
      %swap3A_3165 = arith.index_cast %add3A_3164 : i32 to index
      %swap3A_3166 = tpu.vector_load %arg4[%swap3A_3165] {strides = array<i32>} : memref<6912xf32, #tpu.memory_space<vmem>>, vector<16xf32>,
      tpu.vector_store %arg4[%swap3A_3165], %select_n3A_3160 {strides = array<i32>} : memref<6912xf32, #tpu.memory_space<vmem>>, vector<16xf32>,
      %eq3A_3167 = arith.constant 9 : i32
      %eq3A_3168 = vector.broadcast %eq3A_3167 : i32 to vector<16xi32>
      %eq3A_3169 = arith.cmpi eq, %iota3A, %eq3A_3168 : vector<16xi32>
      %reduce_max3A_3170 = arith.constant true
      %reduce_max3A_3171 = vector.broadcast %reduce_max3A_3170 : i1 to vector<16xi1>
      %reduce_max3A_3172 = tpu.scan <max>, %select_n3A_3160 masked %reduce_max3A_3171 : vector<16xf32>, vector<16xi1> -> vector<16xf32>
      %reduce_max3A_3173 = vector.extract %reduce_max3A_3172[15] : f32 from vector<16xf32>
      %broadcast_in_dim3A_3174 = vector.broadcast %reduce_max3A_3173 : f32 to vector<16xf32>
      %select_n3A_3175 = arith.select %eq3A_3169, %broadcast_in_dim3A_3174, %select_n3A_3153 : vector<16xi1>, vector<16xf32>
      %eq3A_3176 = vector.broadcast %squeeze3A_2883 : f32 to vector<16xf32>
      %eq3A_3177 = arith.cmpf oeq, %get3A_2951, %eq3A_3176 : vector<16xf32>
      %all_reduce_ffs3A_3178 = tpu.all_reduce %eq3A_3177 {dim = 0 : i64, kind = #tpu.reduction_kind<find_first_set>} : vector<16xi1> -> vector<16xi32>
      %eq3A_3179 = arith.cmpi eq, %iota3A, %all_reduce_ffs3A_3178 : vector<16xi32>
      %jit3A_3180 = arith.constant 0xFF800000 : f32
      %broadcast_in_dim3A_3181 = vector.broadcast %jit3A_3180 : f32 to vector<16xf32>
      %select_n3A_3182 = arith.select %eq3A_3179, %broadcast_in_dim3A_3181, %get3A_2951 : vector<16xi1>, vector<16xf32>
      %mul3A_3183 = arith.constant 16 : i32
      %mul3A_3184 = arith.muli %mul3A_3183, %squeeze3A_2859 : i32
      %add3A_3185 = arith.constant 5760 : i32
      %add3A_3186 = arith.addi %add3A_3185, %mul3A_3184 : i32
      %swap3A_3187 = arith.index_cast %add3A_3186 : i32 to index
      %swap3A_3188 = tpu.vector_load %arg4[%swap3A_3187] {strides = array<i32>} : memref<6912xf32, #tpu.memory_space<vmem>>, vector<16xf32>,
      tpu.vector_store %arg4[%swap3A_3187], %select_n3A_3182 {strides = array<i32>} : memref<6912xf32, #tpu.memory_space<vmem>>, vector<16xf32>,
      %eq3A_3189 = arith.constant 10 : i32
      %eq3A_3190 = vector.broadcast %eq3A_3189 : i32 to vector<16xi32>
      %eq3A_3191 = arith.cmpi eq, %iota3A, %eq3A_3190 : vector<16xi32>
      %reduce_max3A_3192 = arith.constant true
      %reduce_max3A_3193 = vector.broadcast %reduce_max3A_3192 : i1 to vector<16xi1>
      %reduce_max3A_3194 = tpu.scan <max>, %select_n3A_3182 masked %reduce_max3A_3193 : vector<16xf32>, vector<16xi1> -> vector<16xf32>
      %reduce_max3A_3195 = vector.extract %reduce_max3A_3194[15] : f32 from vector<16xf32>
      %broadcast_in_dim3A_3196 = vector.broadcast %reduce_max3A_3195 : f32 to vector<16xf32>
      %select_n3A_3197 = arith.select %eq3A_3191, %broadcast_in_dim3A_3196, %select_n3A_3175 : vector<16xi1>, vector<16xf32>
      %eq3A_3198 = vector.broadcast %squeeze3A_2885 : f32 to vector<16xf32>
      %eq3A_3199 = arith.cmpf oeq, %get3A_2957, %eq3A_3198 : vector<16xf32>
      %all_reduce_ffs3A_3200 = tpu.all_reduce %eq3A_3199 {dim = 0 : i64, kind = #tpu.reduction_kind<find_first_set>} : vector<16xi1> -> vector<16xi32>
      %eq3A_3201 = arith.cmpi eq, %iota3A, %all_reduce_ffs3A_3200 : vector<16xi32>
      %jit3A_3202 = arith.constant 0xFF800000 : f32
      %broadcast_in_dim3A_3203 = vector.broadcast %jit3A_3202 : f32 to vector<16xf32>
      %select_n3A_3204 = arith.select %eq3A_3201, %broadcast_in_dim3A_3203, %get3A_2957 : vector<16xi1>, vector<16xf32>
      %mul3A_3205 = arith.constant 16 : i32
      %mul3A_3206 = arith.muli %mul3A_3205, %squeeze3A_2861 : i32
      %add3A_3207 = arith.constant 6336 : i32
      %add3A_3208 = arith.addi %add3A_3207, %mul3A_3206 : i32
      %swap3A_3209 = arith.index_cast %add3A_3208 : i32 to index
      %swap3A_3210 = tpu.vector_load %arg4[%swap3A_3209] {strides = array<i32>} : memref<6912xf32, #tpu.memory_space<vmem>>, vector<16xf32>,
      tpu.vector_store %arg4[%swap3A_3209], %select_n3A_3204 {strides = array<i32>} : memref<6912xf32, #tpu.memory_space<vmem>>, vector<16xf32>,
      %eq3A_3211 = arith.constant 11 : i32
      %eq3A_3212 = vector.broadcast %eq3A_3211 : i32 to vector<16xi32>
      %eq3A_3213 = arith.cmpi eq, %iota3A, %eq3A_3212 : vector<16xi32>
      %reduce_max3A_3214 = arith.constant true
      %reduce_max3A_3215 = vector.broadcast %reduce_max3A_3214 : i1 to vector<16xi1>
      %reduce_max3A_3216 = tpu.scan <max>, %select_n3A_3204 masked %reduce_max3A_3215 : vector<16xf32>, vector<16xi1> -> vector<16xf32>
      %reduce_max3A_3217 = vector.extract %reduce_max3A_3216[15] : f32 from vector<16xf32>
      %broadcast_in_dim3A_3218 = vector.broadcast %reduce_max3A_3217 : f32 to vector<16xf32>
      %select_n3A_3219 = arith.select %eq3A_3213, %broadcast_in_dim3A_3218, %select_n3A_3197 : vector<16xi1>, vector<16xf32>
      %min3A_3220 = arith.constant 35 : i32
      %min3A_3221 = vector.broadcast %min3A_3220 : i32 to vector<16xi32>
      %min3A_3222 = arith.minsi %select_n3A_2837, %min3A_3221 : vector<16xi32>
      %mul3A_3223 = arith.constant 16 : i32
      %mul3A_3224 = vector.broadcast %mul3A_3223 : i32 to vector<16xi32>
      %mul3A_3225 = arith.muli %mul3A_3224, %min3A_3222 : vector<16xi32>
      %add3A_3226 = arith.addi %mul3A_3225, %iota3A : vector<16xi32>
      %lt3A_3227 = arith.constant 12 : i32
      %lt3A_3228 = vector.broadcast %lt3A_3227 : i32 to vector<16xi32>
      %lt3A_3229 = arith.cmpi slt, %iota3A, %lt3A_3228 : vector<16xi32>
      tpu.vector_store_idx %arg5[%add3A_3226], %select_n3A_3219 masked %lt3A_3229 : memref<576xf32, #tpu.memory_space<vmem>>[vector<16xi32>], vector<16xf32>, vector<16xi1>
    }
    %scan3A_36 = arith.constant 24 : i32
    %scan3A_37 = arith.constant 0 : i32
    %scan3A_38 = arith.constant 0 : i32
    %scan3A_39 = arith.constant 36 : i32
    %scan3A_40 = arith.addi %scan3A_38, %scan3A_39 : i32
    %scan3A_41 = arith.constant 1 : i32
    scf.for %scan3A_2585 = %scan3A_38 to %scan3A_40 step %scan3A_41  : i32 {
      %broadcast_in_dim3A_2586 = arith.constant 0.000000e+00 : f32
      %broadcast_in_dim3A_2587 = vector.broadcast %broadcast_in_dim3A_2586 : f32 to vector<16xf32>
      %mul3A_2588 = arith.constant 16 : i32
      %mul3A_2589 = arith.muli %mul3A_2588, %scan3A_2585 : i32
      %add3A_2590 = arith.constant 0 : i32
      %add3A_2591 = arith.addi %add3A_2590, %mul3A_2589 : i32
      %get3A_2592 = arith.index_cast %add3A_2591 : i32 to index
      %get3A_2593 = tpu.vector_load %arg4[%get3A_2592] {strides = array<i32>} : memref<6912xf32, #tpu.memory_space<vmem>>, vector<16xf32>,
      %eq3A_2594 = arith.constant 0xFF800000 : f32
      %eq3A_2595 = vector.broadcast %eq3A_2594 : f32 to vector<16xf32>
      %eq3A_2596 = arith.cmpf oeq, %get3A_2593, %eq3A_2595 : vector<16xf32>
      %select_n3A_2597 = arith.select %eq3A_2596, %broadcast_in_dim3A_5, %broadcast_in_dim3A_3 : vector<16xi1>, vector<16xf32>
      %add3A_2598 = arith.addf %broadcast_in_dim3A_2587, %select_n3A_2597 : vector<16xf32>
      %mul3A_2599 = arith.constant 16 : i32
      %mul3A_2600 = arith.muli %mul3A_2599, %scan3A_2585 : i32
      %add3A_2601 = arith.constant 576 : i32
      %add3A_2602 = arith.addi %add3A_2601, %mul3A_2600 : i32
      %get3A_2603 = arith.index_cast %add3A_2602 : i32 to index
      %get3A_2604 = tpu.vector_load %arg4[%get3A_2603] {strides = array<i32>} : memref<6912xf32, #tpu.memory_space<vmem>>, vector<16xf32>,
      %eq3A_2605 = arith.constant 0xFF800000 : f32
      %eq3A_2606 = vector.broadcast %eq3A_2605 : f32 to vector<16xf32>
      %eq3A_2607 = arith.cmpf oeq, %get3A_2604, %eq3A_2606 : vector<16xf32>
      %select_n3A_2608 = arith.select %eq3A_2607, %broadcast_in_dim3A_5, %broadcast_in_dim3A_3 : vector<16xi1>, vector<16xf32>
      %add3A_2609 = arith.addf %add3A_2598, %select_n3A_2608 : vector<16xf32>
      %mul3A_2610 = arith.constant 16 : i32
      %mul3A_2611 = arith.muli %mul3A_2610, %scan3A_2585 : i32
      %add3A_2612 = arith.constant 1152 : i32
      %add3A_2613 = arith.addi %add3A_2612, %mul3A_2611 : i32
      %get3A_2614 = arith.index_cast %add3A_2613 : i32 to index
      %get3A_2615 = tpu.vector_load %arg4[%get3A_2614] {strides = array<i32>} : memref<6912xf32, #tpu.memory_space<vmem>>, vector<16xf32>,
      %eq3A_2616 = arith.constant 0xFF800000 : f32
      %eq3A_2617 = vector.broadcast %eq3A_2616 : f32 to vector<16xf32>
      %eq3A_2618 = arith.cmpf oeq, %get3A_2615, %eq3A_2617 : vector<16xf32>
      %select_n3A_2619 = arith.select %eq3A_2618, %broadcast_in_dim3A_5, %broadcast_in_dim3A_3 : vector<16xi1>, vector<16xf32>
      %add3A_2620 = arith.addf %add3A_2609, %select_n3A_2619 : vector<16xf32>
      %mul3A_2621 = arith.constant 16 : i32
      %mul3A_2622 = arith.muli %mul3A_2621, %scan3A_2585 : i32
      %add3A_2623 = arith.constant 1728 : i32
      %add3A_2624 = arith.addi %add3A_2623, %mul3A_2622 : i32
      %get3A_2625 = arith.index_cast %add3A_2624 : i32 to index
      %get3A_2626 = tpu.vector_load %arg4[%get3A_2625] {strides = array<i32>} : memref<6912xf32, #tpu.memory_space<vmem>>, vector<16xf32>,
      %eq3A_2627 = arith.constant 0xFF800000 : f32
      %eq3A_2628 = vector.broadcast %eq3A_2627 : f32 to vector<16xf32>
      %eq3A_2629 = arith.cmpf oeq, %get3A_2626, %eq3A_2628 : vector<16xf32>
      %select_n3A_2630 = arith.select %eq3A_2629, %broadcast_in_dim3A_5, %broadcast_in_dim3A_3 : vector<16xi1>, vector<16xf32>
      %add3A_2631 = arith.addf %add3A_2620, %select_n3A_2630 : vector<16xf32>
      %mul3A_2632 = arith.constant 16 : i32
      %mul3A_2633 = arith.muli %mul3A_2632, %scan3A_2585 : i32
      %add3A_2634 = arith.constant 2304 : i32
      %add3A_2635 = arith.addi %add3A_2634, %mul3A_2633 : i32
      %get3A_2636 = arith.index_cast %add3A_2635 : i32 to index
      %get3A_2637 = tpu.vector_load %arg4[%get3A_2636] {strides = array<i32>} : memref<6912xf32, #tpu.memory_space<vmem>>, vector<16xf32>,
      %eq3A_2638 = arith.constant 0xFF800000 : f32
      %eq3A_2639 = vector.broadcast %eq3A_2638 : f32 to vector<16xf32>
      %eq3A_2640 = arith.cmpf oeq, %get3A_2637, %eq3A_2639 : vector<16xf32>
      %select_n3A_2641 = arith.select %eq3A_2640, %broadcast_in_dim3A_5, %broadcast_in_dim3A_3 : vector<16xi1>, vector<16xf32>
      %add3A_2642 = arith.addf %add3A_2631, %select_n3A_2641 : vector<16xf32>
      %mul3A_2643 = arith.constant 16 : i32
      %mul3A_2644 = arith.muli %mul3A_2643, %scan3A_2585 : i32
      %add3A_2645 = arith.constant 2880 : i32
      %add3A_2646 = arith.addi %add3A_2645, %mul3A_2644 : i32
      %get3A_2647 = arith.index_cast %add3A_2646 : i32 to index
      %get3A_2648 = tpu.vector_load %arg4[%get3A_2647] {strides = array<i32>} : memref<6912xf32, #tpu.memory_space<vmem>>, vector<16xf32>,
      %eq3A_2649 = arith.constant 0xFF800000 : f32
      %eq3A_2650 = vector.broadcast %eq3A_2649 : f32 to vector<16xf32>
      %eq3A_2651 = arith.cmpf oeq, %get3A_2648, %eq3A_2650 : vector<16xf32>
      %select_n3A_2652 = arith.select %eq3A_2651, %broadcast_in_dim3A_5, %broadcast_in_dim3A_3 : vector<16xi1>, vector<16xf32>
      %add3A_2653 = arith.addf %add3A_2642, %select_n3A_2652 : vector<16xf32>
      %mul3A_2654 = arith.constant 16 : i32
      %mul3A_2655 = arith.muli %mul3A_2654, %scan3A_2585 : i32
      %add3A_2656 = arith.constant 3456 : i32
      %add3A_2657 = arith.addi %add3A_2656, %mul3A_2655 : i32
      %get3A_2658 = arith.index_cast %add3A_2657 : i32 to index
      %get3A_2659 = tpu.vector_load %arg4[%get3A_2658] {strides = array<i32>} : memref<6912xf32, #tpu.memory_space<vmem>>, vector<16xf32>,
      %eq3A_2660 = arith.constant 0xFF800000 : f32
      %eq3A_2661 = vector.broadcast %eq3A_2660 : f32 to vector<16xf32>
      %eq3A_2662 = arith.cmpf oeq, %get3A_2659, %eq3A_2661 : vector<16xf32>
      %select_n3A_2663 = arith.select %eq3A_2662, %broadcast_in_dim3A_5, %broadcast_in_dim3A_3 : vector<16xi1>, vector<16xf32>
      %add3A_2664 = arith.addf %add3A_2653, %select_n3A_2663 : vector<16xf32>
      %mul3A_2665 = arith.constant 16 : i32
      %mul3A_2666 = arith.muli %mul3A_2665, %scan3A_2585 : i32
      %add3A_2667 = arith.constant 4032 : i32
      %add3A_2668 = arith.addi %add3A_2667, %mul3A_2666 : i32
      %get3A_2669 = arith.index_cast %add3A_2668 : i32 to index
      %get3A_2670 = tpu.vector_load %arg4[%get3A_2669] {strides = array<i32>} : memref<6912xf32, #tpu.memory_space<vmem>>, vector<16xf32>,
      %eq3A_2671 = arith.constant 0xFF800000 : f32
      %eq3A_2672 = vector.broadcast %eq3A_2671 : f32 to vector<16xf32>
      %eq3A_2673 = arith.cmpf oeq, %get3A_2670, %eq3A_2672 : vector<16xf32>
      %select_n3A_2674 = arith.select %eq3A_2673, %broadcast_in_dim3A_5, %broadcast_in_dim3A_3 : vector<16xi1>, vector<16xf32>
      %add3A_2675 = arith.addf %add3A_2664, %select_n3A_2674 : vector<16xf32>
      %mul3A_2676 = arith.constant 16 : i32
      %mul3A_2677 = arith.muli %mul3A_2676, %scan3A_2585 : i32
      %add3A_2678 = arith.constant 4608 : i32
      %add3A_2679 = arith.addi %add3A_2678, %mul3A_2677 : i32
      %get3A_2680 = arith.index_cast %add3A_2679 : i32 to index
      %get3A_2681 = tpu.vector_load %arg4[%get3A_2680] {strides = array<i32>} : memref<6912xf32, #tpu.memory_space<vmem>>, vector<16xf32>,
      %eq3A_2682 = arith.constant 0xFF800000 : f32
      %eq3A_2683 = vector.broadcast %eq3A_2682 : f32 to vector<16xf32>
      %eq3A_2684 = arith.cmpf oeq, %get3A_2681, %eq3A_2683 : vector<16xf32>
      %select_n3A_2685 = arith.select %eq3A_2684, %broadcast_in_dim3A_5, %broadcast_in_dim3A_3 : vector<16xi1>, vector<16xf32>
      %add3A_2686 = arith.addf %add3A_2675, %select_n3A_2685 : vector<16xf32>
      %mul3A_2687 = arith.constant 16 : i32
      %mul3A_2688 = arith.muli %mul3A_2687, %scan3A_2585 : i32
      %add3A_2689 = arith.constant 5184 : i32
      %add3A_2690 = arith.addi %add3A_2689, %mul3A_2688 : i32
      %get3A_2691 = arith.index_cast %add3A_2690 : i32 to index
      %get3A_2692 = tpu.vector_load %arg4[%get3A_2691] {strides = array<i32>} : memref<6912xf32, #tpu.memory_space<vmem>>, vector<16xf32>,
      %eq3A_2693 = arith.constant 0xFF800000 : f32
      %eq3A_2694 = vector.broadcast %eq3A_2693 : f32 to vector<16xf32>
      %eq3A_2695 = arith.cmpf oeq, %get3A_2692, %eq3A_2694 : vector<16xf32>
      %select_n3A_2696 = arith.select %eq3A_2695, %broadcast_in_dim3A_5, %broadcast_in_dim3A_3 : vector<16xi1>, vector<16xf32>
      %add3A_2697 = arith.addf %add3A_2686, %select_n3A_2696 : vector<16xf32>
      %mul3A_2698 = arith.constant 16 : i32
      %mul3A_2699 = arith.muli %mul3A_2698, %scan3A_2585 : i32
      %add3A_2700 = arith.constant 5760 : i32
      %add3A_2701 = arith.addi %add3A_2700, %mul3A_2699 : i32
      %get3A_2702 = arith.index_cast %add3A_2701 : i32 to index
      %get3A_2703 = tpu.vector_load %arg4[%get3A_2702] {strides = array<i32>} : memref<6912xf32, #tpu.memory_space<vmem>>, vector<16xf32>,
      %eq3A_2704 = arith.constant 0xFF800000 : f32
      %eq3A_2705 = vector.broadcast %eq3A_2704 : f32 to vector<16xf32>
      %eq3A_2706 = arith.cmpf oeq, %get3A_2703, %eq3A_2705 : vector<16xf32>
      %select_n3A_2707 = arith.select %eq3A_2706, %broadcast_in_dim3A_5, %broadcast_in_dim3A_3 : vector<16xi1>, vector<16xf32>
      %add3A_2708 = arith.addf %add3A_2697, %select_n3A_2707 : vector<16xf32>
      %mul3A_2709 = arith.constant 16 : i32
      %mul3A_2710 = arith.muli %mul3A_2709, %scan3A_2585 : i32
      %add3A_2711 = arith.constant 6336 : i32
      %add3A_2712 = arith.addi %add3A_2711, %mul3A_2710 : i32
      %get3A_2713 = arith.index_cast %add3A_2712 : i32 to index
      %get3A_2714 = tpu.vector_load %arg4[%get3A_2713] {strides = array<i32>} : memref<6912xf32, #tpu.memory_space<vmem>>, vector<16xf32>,
      %eq3A_2715 = arith.constant 0xFF800000 : f32
      %eq3A_2716 = vector.broadcast %eq3A_2715 : f32 to vector<16xf32>
      %eq3A_2717 = arith.cmpf oeq, %get3A_2714, %eq3A_2716 : vector<16xf32>
      %select_n3A_2718 = arith.select %eq3A_2717, %broadcast_in_dim3A_5, %broadcast_in_dim3A_3 : vector<16xi1>, vector<16xf32>
      %add3A_2719 = arith.addf %add3A_2708, %select_n3A_2718 : vector<16xf32>
      %mul3A_2720 = arith.constant 16 : i32
      %mul3A_2721 = arith.muli %mul3A_2720, %scan3A_2585 : i32
      %add3A_2722 = arith.constant 24 : i32
      %add3A_2723 = arith.addi %add3A_2722, %mul3A_2721 : i32
      %swap3A_2724 = arith.index_cast %add3A_2723 : i32 to index
      %swap3A_2725 = tpu.vector_load %arg6[%swap3A_2724] {strides = array<i32>} : memref<624xf32, #tpu.memory_space<vmem>>, vector<16xf32>,
      tpu.vector_store %arg6[%swap3A_2724], %add3A_2719 {strides = array<i32>} : memref<624xf32, #tpu.memory_space<vmem>>, vector<16xf32>,
    }
    %scan3A_42 = arith.constant 36 : i32
    %add3A_43 = arith.constant 0 : i32
    %add3A_44 = vector.broadcast %add3A_43 : i32 to vector<16xi32>
    %add3A_45 = arith.addi %iota3A, %add3A_44 : vector<16xi32>
    %jit3A = arith.constant 24 : i32
    %eq3A = arith.constant 0 : i32
    %eq3A_46 = arith.cmpi eq, %jit3A, %eq3A : i32
    %jit3A_47 = arith.constant 1 : i32
    %select_n3A = arith.select %eq3A_46, %jit3A_47, %jit3A : i32
    %rem3A = vector.broadcast %select_n3A : i32 to vector<16xi32>
    %rem3A_48 = arith.remsi %add3A_45, %rem3A : vector<16xi32>
    %ne3A = arith.constant 0 : i32
    %ne3A_49 = vector.broadcast %ne3A : i32 to vector<16xi32>
    %ne3A_50 = arith.cmpi ne, %rem3A_48, %ne3A_49 : vector<16xi32>
    %lt3A = arith.constant 0 : i32
    %lt3A_51 = vector.broadcast %lt3A : i32 to vector<16xi32>
    %lt3A_52 = arith.cmpi slt, %rem3A_48, %lt3A_51 : vector<16xi32>
    %lt3A_53 = arith.constant 0 : i32
    %lt3A_54 = arith.cmpi slt, %select_n3A, %lt3A_53 : i32
    %ne3A_55 = vector.broadcast %lt3A_54 : i1 to vector<16xi1>
    %ne3A_56 = vector.broadcast %ne3A_55 : vector<16xi1> to vector<16xi1>
    %ne3A_57 = arith.xori %lt3A_52, %ne3A_56 : vector<16xi1>
    %and3A = arith.andi %ne3A_57, %ne3A_50 : vector<16xi1>
    %add3A_58 = vector.broadcast %select_n3A : i32 to vector<16xi32>
    %add3A_59 = arith.addi %rem3A_48, %add3A_58 : vector<16xi32>
    %select_n3A_60 = arith.select %and3A, %add3A_59, %rem3A_48 : vector<16xi1>, vector<16xi32>
    %add3A_61 = arith.constant 16 : i32
    %add3A_62 = vector.broadcast %add3A_61 : i32 to vector<16xi32>
    %add3A_63 = arith.addi %iota3A, %add3A_62 : vector<16xi32>
    %jit3A_64 = arith.constant 24 : i32
    %eq3A_65 = arith.constant 0 : i32
    %eq3A_66 = arith.cmpi eq, %jit3A_64, %eq3A_65 : i32
    %jit3A_67 = arith.constant 1 : i32
    %select_n3A_68 = arith.select %eq3A_66, %jit3A_67, %jit3A_64 : i32
    %rem3A_69 = vector.broadcast %select_n3A_68 : i32 to vector<16xi32>
    %rem3A_70 = arith.remsi %add3A_63, %rem3A_69 : vector<16xi32>
    %ne3A_71 = arith.constant 0 : i32
    %ne3A_72 = vector.broadcast %ne3A_71 : i32 to vector<16xi32>
    %ne3A_73 = arith.cmpi ne, %rem3A_70, %ne3A_72 : vector<16xi32>
    %lt3A_74 = arith.constant 0 : i32
    %lt3A_75 = vector.broadcast %lt3A_74 : i32 to vector<16xi32>
    %lt3A_76 = arith.cmpi slt, %rem3A_70, %lt3A_75 : vector<16xi32>
    %lt3A_77 = arith.constant 0 : i32
    %lt3A_78 = arith.cmpi slt, %select_n3A_68, %lt3A_77 : i32
    %ne3A_79 = vector.broadcast %lt3A_78 : i1 to vector<16xi1>
    %ne3A_80 = vector.broadcast %ne3A_79 : vector<16xi1> to vector<16xi1>
    %ne3A_81 = arith.xori %lt3A_76, %ne3A_80 : vector<16xi1>
    %and3A_82 = arith.andi %ne3A_81, %ne3A_73 : vector<16xi1>
    %add3A_83 = vector.broadcast %select_n3A_68 : i32 to vector<16xi32>
    %add3A_84 = arith.addi %rem3A_70, %add3A_83 : vector<16xi32>
    %select_n3A_85 = arith.select %and3A_82, %add3A_84, %rem3A_70 : vector<16xi1>, vector<16xi32>
    %add3A_86 = arith.constant 32 : i32
    %add3A_87 = vector.broadcast %add3A_86 : i32 to vector<16xi32>
    %add3A_88 = arith.addi %iota3A, %add3A_87 : vector<16xi32>
    %jit3A_89 = arith.constant 24 : i32
    %eq3A_90 = arith.constant 0 : i32
    %eq3A_91 = arith.cmpi eq, %jit3A_89, %eq3A_90 : i32
    %jit3A_92 = arith.constant 1 : i32
    %select_n3A_93 = arith.select %eq3A_91, %jit3A_92, %jit3A_89 : i32
    %rem3A_94 = vector.broadcast %select_n3A_93 : i32 to vector<16xi32>
    %rem3A_95 = arith.remsi %add3A_88, %rem3A_94 : vector<16xi32>
    %ne3A_96 = arith.constant 0 : i32
    %ne3A_97 = vector.broadcast %ne3A_96 : i32 to vector<16xi32>
    %ne3A_98 = arith.cmpi ne, %rem3A_95, %ne3A_97 : vector<16xi32>
    %lt3A_99 = arith.constant 0 : i32
    %lt3A_100 = vector.broadcast %lt3A_99 : i32 to vector<16xi32>
    %lt3A_101 = arith.cmpi slt, %rem3A_95, %lt3A_100 : vector<16xi32>
    %lt3A_102 = arith.constant 0 : i32
    %lt3A_103 = arith.cmpi slt, %select_n3A_93, %lt3A_102 : i32
    %ne3A_104 = vector.broadcast %lt3A_103 : i1 to vector<16xi1>
    %ne3A_105 = vector.broadcast %ne3A_104 : vector<16xi1> to vector<16xi1>
    %ne3A_106 = arith.xori %lt3A_101, %ne3A_105 : vector<16xi1>
    %and3A_107 = arith.andi %ne3A_106, %ne3A_98 : vector<16xi1>
    %add3A_108 = vector.broadcast %select_n3A_93 : i32 to vector<16xi32>
    %add3A_109 = arith.addi %rem3A_95, %add3A_108 : vector<16xi32>
    %select_n3A_110 = arith.select %and3A_107, %add3A_109, %rem3A_95 : vector<16xi1>, vector<16xi32>
    %get3A = arith.constant 24 : index
    %get3A_111 = tpu.vector_load %arg6[%get3A] {strides = array<i32>} : memref<624xf32, #tpu.memory_space<vmem>>, vector<16xf32>,
    %get3A_112 = arith.constant 23 : index
    %get3A_113 = tpu.vector_load %arg6[%get3A_112] {strides = array<i32>} : memref<624xf32, #tpu.memory_space<vmem>>, vector<16xf32>,
    %get3A_114 = arith.constant 25 : index
    %get3A_115 = tpu.vector_load %arg6[%get3A_114] {strides = array<i32>} : memref<624xf32, #tpu.memory_space<vmem>>, vector<16xf32>,
    %mul3A_116 = arith.constant 2.000000e+00 : f32
    %mul3A_117 = vector.broadcast %mul3A_116 : f32 to vector<16xf32>
    %mul3A_118 = arith.mulf %get3A_111, %mul3A_117 : vector<16xf32>
    %gt3A = arith.constant 0 : i32
    %gt3A_119 = vector.broadcast %gt3A : i32 to vector<16xi32>
    %gt3A_120 = arith.cmpi sgt, %select_n3A_60, %gt3A_119 : vector<16xi32>
    %select_n3A_121 = arith.select %gt3A_120, %get3A_113, %broadcast_in_dim3A_3 : vector<16xi1>, vector<16xf32>
    %add3A_122 = arith.addf %mul3A_118, %select_n3A_121 : vector<16xf32>
    %lt3A_123 = arith.constant 23 : i32
    %lt3A_124 = vector.broadcast %lt3A_123 : i32 to vector<16xi32>
    %lt3A_125 = arith.cmpi slt, %select_n3A_60, %lt3A_124 : vector<16xi32>
    %select_n3A_126 = arith.select %lt3A_125, %get3A_115, %broadcast_in_dim3A_3 : vector<16xi1>, vector<16xf32>
    %add3A_127 = arith.addf %add3A_122, %select_n3A_126 : vector<16xf32>
    %swap3A_128 = arith.constant 24 : index
    %swap3A_129 = tpu.vector_load %arg7[%swap3A_128] {strides = array<i32>} : memref<624xf32, #tpu.memory_space<vmem>>, vector<16xf32>,
    tpu.vector_store %arg7[%swap3A_128], %add3A_127 {strides = array<i32>} : memref<624xf32, #tpu.memory_space<vmem>>, vector<16xf32>,
    %get3A_130 = arith.constant 40 : index
    %get3A_131 = tpu.vector_load %arg6[%get3A_130] {strides = array<i32>} : memref<624xf32, #tpu.memory_space<vmem>>, vector<16xf32>,
    %get3A_132 = arith.constant 39 : index
    %get3A_133 = tpu.vector_load %arg6[%get3A_132] {strides = array<i32>} : memref<624xf32, #tpu.memory_space<vmem>>, vector<16xf32>,
    %get3A_134 = arith.constant 41 : index
    %get3A_135 = tpu.vector_load %arg6[%get3A_134] {strides = array<i32>} : memref<624xf32, #tpu.memory_space<vmem>>, vector<16xf32>,
    %mul3A_136 = arith.constant 2.000000e+00 : f32
    %mul3A_137 = vector.broadcast %mul3A_136 : f32 to vector<16xf32>
    %mul3A_138 = arith.mulf %get3A_131, %mul3A_137 : vector<16xf32>
    %gt3A_139 = arith.constant 0 : i32
    %gt3A_140 = vector.broadcast %gt3A_139 : i32 to vector<16xi32>
    %gt3A_141 = arith.cmpi sgt, %select_n3A_85, %gt3A_140 : vector<16xi32>
    %select_n3A_142 = arith.select %gt3A_141, %get3A_133, %broadcast_in_dim3A_3 : vector<16xi1>, vector<16xf32>
    %add3A_143 = arith.addf %mul3A_138, %select_n3A_142 : vector<16xf32>
    %lt3A_144 = arith.constant 23 : i32
    %lt3A_145 = vector.broadcast %lt3A_144 : i32 to vector<16xi32>
    %lt3A_146 = arith.cmpi slt, %select_n3A_85, %lt3A_145 : vector<16xi32>
    %select_n3A_147 = arith.select %lt3A_146, %get3A_135, %broadcast_in_dim3A_3 : vector<16xi1>, vector<16xf32>
    %add3A_148 = arith.addf %add3A_143, %select_n3A_147 : vector<16xf32>
    %swap3A_149 = arith.constant 40 : index
    %swap3A_150 = tpu.vector_load %arg7[%swap3A_149] {strides = array<i32>} : memref<624xf32, #tpu.memory_space<vmem>>, vector<16xf32>,
    tpu.vector_store %arg7[%swap3A_149], %add3A_148 {strides = array<i32>} : memref<624xf32, #tpu.memory_space<vmem>>, vector<16xf32>,
    %get3A_151 = arith.constant 56 : index
    %get3A_152 = tpu.vector_load %arg6[%get3A_151] {strides = array<i32>} : memref<624xf32, #tpu.memory_space<vmem>>, vector<16xf32>,
    %get3A_153 = arith.constant 55 : index
    %get3A_154 = tpu.vector_load %arg6[%get3A_153] {strides = array<i32>} : memref<624xf32, #tpu.memory_space<vmem>>, vector<16xf32>,
    %get3A_155 = arith.constant 57 : index
    %get3A_156 = tpu.vector_load %arg6[%get3A_155] {strides = array<i32>} : memref<624xf32, #tpu.memory_space<vmem>>, vector<16xf32>,
    %mul3A_157 = arith.constant 2.000000e+00 : f32
    %mul3A_158 = vector.broadcast %mul3A_157 : f32 to vector<16xf32>
    %mul3A_159 = arith.mulf %get3A_152, %mul3A_158 : vector<16xf32>
    %gt3A_160 = arith.constant 0 : i32
    %gt3A_161 = vector.broadcast %gt3A_160 : i32 to vector<16xi32>
    %gt3A_162 = arith.cmpi sgt, %select_n3A_110, %gt3A_161 : vector<16xi32>
    %select_n3A_163 = arith.select %gt3A_162, %get3A_154, %broadcast_in_dim3A_3 : vector<16xi1>, vector<16xf32>
    %add3A_164 = arith.addf %mul3A_159, %select_n3A_163 : vector<16xf32>
    %lt3A_165 = arith.constant 23 : i32
    %lt3A_166 = vector.broadcast %lt3A_165 : i32 to vector<16xi32>
    %lt3A_167 = arith.cmpi slt, %select_n3A_110, %lt3A_166 : vector<16xi32>
    %select_n3A_168 = arith.select %lt3A_167, %get3A_156, %broadcast_in_dim3A_3 : vector<16xi1>, vector<16xf32>
    %add3A_169 = arith.addf %add3A_164, %select_n3A_168 : vector<16xf32>
    %swap3A_170 = arith.constant 56 : index
    %swap3A_171 = tpu.vector_load %arg7[%swap3A_170] {strides = array<i32>} : memref<624xf32, #tpu.memory_space<vmem>>, vector<16xf32>,
    tpu.vector_store %arg7[%swap3A_170], %add3A_169 {strides = array<i32>} : memref<624xf32, #tpu.memory_space<vmem>>, vector<16xf32>,
    %get3A_172 = arith.constant 72 : index
    %get3A_173 = tpu.vector_load %arg6[%get3A_172] {strides = array<i32>} : memref<624xf32, #tpu.memory_space<vmem>>, vector<16xf32>,
    %get3A_174 = arith.constant 71 : index
    %get3A_175 = tpu.vector_load %arg6[%get3A_174] {strides = array<i32>} : memref<624xf32, #tpu.memory_space<vmem>>, vector<16xf32>,
    %get3A_176 = arith.constant 73 : index
    %get3A_177 = tpu.vector_load %arg6[%get3A_176] {strides = array<i32>} : memref<624xf32, #tpu.memory_space<vmem>>, vector<16xf32>,
    %mul3A_178 = arith.constant 2.000000e+00 : f32
    %mul3A_179 = vector.broadcast %mul3A_178 : f32 to vector<16xf32>
    %mul3A_180 = arith.mulf %get3A_173, %mul3A_179 : vector<16xf32>
    %gt3A_181 = arith.constant 0 : i32
    %gt3A_182 = vector.broadcast %gt3A_181 : i32 to vector<16xi32>
    %gt3A_183 = arith.cmpi sgt, %select_n3A_60, %gt3A_182 : vector<16xi32>
    %select_n3A_184 = arith.select %gt3A_183, %get3A_175, %broadcast_in_dim3A_3 : vector<16xi1>, vector<16xf32>
    %add3A_185 = arith.addf %mul3A_180, %select_n3A_184 : vector<16xf32>
    %lt3A_186 = arith.constant 23 : i32
    %lt3A_187 = vector.broadcast %lt3A_186 : i32 to vector<16xi32>
    %lt3A_188 = arith.cmpi slt, %select_n3A_60, %lt3A_187 : vector<16xi32>
    %select_n3A_189 = arith.select %lt3A_188, %get3A_177, %broadcast_in_dim3A_3 : vector<16xi1>, vector<16xf32>
    %add3A_190 = arith.addf %add3A_185, %select_n3A_189 : vector<16xf32>
    %swap3A_191 = arith.constant 72 : index
    %swap3A_192 = tpu.vector_load %arg7[%swap3A_191] {strides = array<i32>} : memref<624xf32, #tpu.memory_space<vmem>>, vector<16xf32>,
    tpu.vector_store %arg7[%swap3A_191], %add3A_190 {strides = array<i32>} : memref<624xf32, #tpu.memory_space<vmem>>, vector<16xf32>,
    %get3A_193 = arith.constant 88 : index
    %get3A_194 = tpu.vector_load %arg6[%get3A_193] {strides = array<i32>} : memref<624xf32, #tpu.memory_space<vmem>>, vector<16xf32>,
    %get3A_195 = arith.constant 87 : index
    %get3A_196 = tpu.vector_load %arg6[%get3A_195] {strides = array<i32>} : memref<624xf32, #tpu.memory_space<vmem>>, vector<16xf32>,
    %get3A_197 = arith.constant 89 : index
    %get3A_198 = tpu.vector_load %arg6[%get3A_197] {strides = array<i32>} : memref<624xf32, #tpu.memory_space<vmem>>, vector<16xf32>,
    %mul3A_199 = arith.constant 2.000000e+00 : f32
    %mul3A_200 = vector.broadcast %mul3A_199 : f32 to vector<16xf32>
    %mul3A_201 = arith.mulf %get3A_194, %mul3A_200 : vector<16xf32>
    %gt3A_202 = arith.constant 0 : i32
    %gt3A_203 = vector.broadcast %gt3A_202 : i32 to vector<16xi32>
    %gt3A_204 = arith.cmpi sgt, %select_n3A_85, %gt3A_203 : vector<16xi32>
    %select_n3A_205 = arith.select %gt3A_204, %get3A_196, %broadcast_in_dim3A_3 : vector<16xi1>, vector<16xf32>
    %add3A_206 = arith.addf %mul3A_201, %select_n3A_205 : vector<16xf32>
    %lt3A_207 = arith.constant 23 : i32
    %lt3A_208 = vector.broadcast %lt3A_207 : i32 to vector<16xi32>
    %lt3A_209 = arith.cmpi slt, %select_n3A_85, %lt3A_208 : vector<16xi32>
    %select_n3A_210 = arith.select %lt3A_209, %get3A_198, %broadcast_in_dim3A_3 : vector<16xi1>, vector<16xf32>
    %add3A_211 = arith.addf %add3A_206, %select_n3A_210 : vector<16xf32>
    %swap3A_212 = arith.constant 88 : index
    %swap3A_213 = tpu.vector_load %arg7[%swap3A_212] {strides = array<i32>} : memref<624xf32, #tpu.memory_space<vmem>>, vector<16xf32>,
    tpu.vector_store %arg7[%swap3A_212], %add3A_211 {strides = array<i32>} : memref<624xf32, #tpu.memory_space<vmem>>, vector<16xf32>,
    %get3A_214 = arith.constant 104 : index
    %get3A_215 = tpu.vector_load %arg6[%get3A_214] {strides = array<i32>} : memref<624xf32, #tpu.memory_space<vmem>>, vector<16xf32>,
    %get3A_216 = arith.constant 103 : index
    %get3A_217 = tpu.vector_load %arg6[%get3A_216] {strides = array<i32>} : memref<624xf32, #tpu.memory_space<vmem>>, vector<16xf32>,
    %get3A_218 = arith.constant 105 : index
    %get3A_219 = tpu.vector_load %arg6[%get3A_218] {strides = array<i32>} : memref<624xf32, #tpu.memory_space<vmem>>, vector<16xf32>,
    %mul3A_220 = arith.constant 2.000000e+00 : f32
    %mul3A_221 = vector.broadcast %mul3A_220 : f32 to vector<16xf32>
    %mul3A_222 = arith.mulf %get3A_215, %mul3A_221 : vector<16xf32>
    %gt3A_223 = arith.constant 0 : i32
    %gt3A_224 = vector.broadcast %gt3A_223 : i32 to vector<16xi32>
    %gt3A_225 = arith.cmpi sgt, %select_n3A_110, %gt3A_224 : vector<16xi32>
    %select_n3A_226 = arith.select %gt3A_225, %get3A_217, %broadcast_in_dim3A_3 : vector<16xi1>, vector<16xf32>
    %add3A_227 = arith.addf %mul3A_222, %select_n3A_226 : vector<16xf32>
    %lt3A_228 = arith.constant 23 : i32
    %lt3A_229 = vector.broadcast %lt3A_228 : i32 to vector<16xi32>
    %lt3A_230 = arith.cmpi slt, %select_n3A_110, %lt3A_229 : vector<16xi32>
    %select_n3A_231 = arith.select %lt3A_230, %get3A_219, %broadcast_in_dim3A_3 : vector<16xi1>, vector<16xf32>
    %add3A_232 = arith.addf %add3A_227, %select_n3A_231 : vector<16xf32>
    %swap3A_233 = arith.constant 104 : index
    %swap3A_234 = tpu.vector_load %arg7[%swap3A_233] {strides = array<i32>} : memref<624xf32, #tpu.memory_space<vmem>>, vector<16xf32>,
    tpu.vector_store %arg7[%swap3A_233], %add3A_232 {strides = array<i32>} : memref<624xf32, #tpu.memory_space<vmem>>, vector<16xf32>,
    %get3A_235 = arith.constant 120 : index
    %get3A_236 = tpu.vector_load %arg6[%get3A_235] {strides = array<i32>} : memref<624xf32, #tpu.memory_space<vmem>>, vector<16xf32>,
    %get3A_237 = arith.constant 119 : index
    %get3A_238 = tpu.vector_load %arg6[%get3A_237] {strides = array<i32>} : memref<624xf32, #tpu.memory_space<vmem>>, vector<16xf32>,
    %get3A_239 = arith.constant 121 : index
    %get3A_240 = tpu.vector_load %arg6[%get3A_239] {strides = array<i32>} : memref<624xf32, #tpu.memory_space<vmem>>, vector<16xf32>,
    %mul3A_241 = arith.constant 2.000000e+00 : f32
    %mul3A_242 = vector.broadcast %mul3A_241 : f32 to vector<16xf32>
    %mul3A_243 = arith.mulf %get3A_236, %mul3A_242 : vector<16xf32>
    %gt3A_244 = arith.constant 0 : i32
    %gt3A_245 = vector.broadcast %gt3A_244 : i32 to vector<16xi32>
    %gt3A_246 = arith.cmpi sgt, %select_n3A_60, %gt3A_245 : vector<16xi32>
    %select_n3A_247 = arith.select %gt3A_246, %get3A_238, %broadcast_in_dim3A_3 : vector<16xi1>, vector<16xf32>
    %add3A_248 = arith.addf %mul3A_243, %select_n3A_247 : vector<16xf32>
    %lt3A_249 = arith.constant 23 : i32
    %lt3A_250 = vector.broadcast %lt3A_249 : i32 to vector<16xi32>
    %lt3A_251 = arith.cmpi slt, %select_n3A_60, %lt3A_250 : vector<16xi32>
    %select_n3A_252 = arith.select %lt3A_251, %get3A_240, %broadcast_in_dim3A_3 : vector<16xi1>, vector<16xf32>
    %add3A_253 = arith.addf %add3A_248, %select_n3A_252 : vector<16xf32>
    %swap3A_254 = arith.constant 120 : index
    %swap3A_255 = tpu.vector_load %arg7[%swap3A_254] {strides = array<i32>} : memref<624xf32, #tpu.memory_space<vmem>>, vector<16xf32>,
    tpu.vector_store %arg7[%swap3A_254], %add3A_253 {strides = array<i32>} : memref<624xf32, #tpu.memory_space<vmem>>, vector<16xf32>,
    %get3A_256 = arith.constant 136 : index
    %get3A_257 = tpu.vector_load %arg6[%get3A_256] {strides = array<i32>} : memref<624xf32, #tpu.memory_space<vmem>>, vector<16xf32>,
    %get3A_258 = arith.constant 135 : index
    %get3A_259 = tpu.vector_load %arg6[%get3A_258] {strides = array<i32>} : memref<624xf32, #tpu.memory_space<vmem>>, vector<16xf32>,
    %get3A_260 = arith.constant 137 : index
    %get3A_261 = tpu.vector_load %arg6[%get3A_260] {strides = array<i32>} : memref<624xf32, #tpu.memory_space<vmem>>, vector<16xf32>,
    %mul3A_262 = arith.constant 2.000000e+00 : f32
    %mul3A_263 = vector.broadcast %mul3A_262 : f32 to vector<16xf32>
    %mul3A_264 = arith.mulf %get3A_257, %mul3A_263 : vector<16xf32>
    %gt3A_265 = arith.constant 0 : i32
    %gt3A_266 = vector.broadcast %gt3A_265 : i32 to vector<16xi32>
    %gt3A_267 = arith.cmpi sgt, %select_n3A_85, %gt3A_266 : vector<16xi32>
    %select_n3A_268 = arith.select %gt3A_267, %get3A_259, %broadcast_in_dim3A_3 : vector<16xi1>, vector<16xf32>
    %add3A_269 = arith.addf %mul3A_264, %select_n3A_268 : vector<16xf32>
    %lt3A_270 = arith.constant 23 : i32
    %lt3A_271 = vector.broadcast %lt3A_270 : i32 to vector<16xi32>
    %lt3A_272 = arith.cmpi slt, %select_n3A_85, %lt3A_271 : vector<16xi32>
    %select_n3A_273 = arith.select %lt3A_272, %get3A_261, %broadcast_in_dim3A_3 : vector<16xi1>, vector<16xf32>
    %add3A_274 = arith.addf %add3A_269, %select_n3A_273 : vector<16xf32>
    %swap3A_275 = arith.constant 136 : index
    %swap3A_276 = tpu.vector_load %arg7[%swap3A_275] {strides = array<i32>} : memref<624xf32, #tpu.memory_space<vmem>>, vector<16xf32>,
    tpu.vector_store %arg7[%swap3A_275], %add3A_274 {strides = array<i32>} : memref<624xf32, #tpu.memory_space<vmem>>, vector<16xf32>,
    %get3A_277 = arith.constant 152 : index
    %get3A_278 = tpu.vector_load %arg6[%get3A_277] {strides = array<i32>} : memref<624xf32, #tpu.memory_space<vmem>>, vector<16xf32>,
    %get3A_279 = arith.constant 151 : index
    %get3A_280 = tpu.vector_load %arg6[%get3A_279] {strides = array<i32>} : memref<624xf32, #tpu.memory_space<vmem>>, vector<16xf32>,
    %get3A_281 = arith.constant 153 : index
    %get3A_282 = tpu.vector_load %arg6[%get3A_281] {strides = array<i32>} : memref<624xf32, #tpu.memory_space<vmem>>, vector<16xf32>,
    %mul3A_283 = arith.constant 2.000000e+00 : f32
    %mul3A_284 = vector.broadcast %mul3A_283 : f32 to vector<16xf32>
    %mul3A_285 = arith.mulf %get3A_278, %mul3A_284 : vector<16xf32>
    %gt3A_286 = arith.constant 0 : i32
    %gt3A_287 = vector.broadcast %gt3A_286 : i32 to vector<16xi32>
    %gt3A_288 = arith.cmpi sgt, %select_n3A_110, %gt3A_287 : vector<16xi32>
    %select_n3A_289 = arith.select %gt3A_288, %get3A_280, %broadcast_in_dim3A_3 : vector<16xi1>, vector<16xf32>
    %add3A_290 = arith.addf %mul3A_285, %select_n3A_289 : vector<16xf32>
    %lt3A_291 = arith.constant 23 : i32
    %lt3A_292 = vector.broadcast %lt3A_291 : i32 to vector<16xi32>
    %lt3A_293 = arith.cmpi slt, %select_n3A_110, %lt3A_292 : vector<16xi32>
    %select_n3A_294 = arith.select %lt3A_293, %get3A_282, %broadcast_in_dim3A_3 : vector<16xi1>, vector<16xf32>
    %add3A_295 = arith.addf %add3A_290, %select_n3A_294 : vector<16xf32>
    %swap3A_296 = arith.constant 152 : index
    %swap3A_297 = tpu.vector_load %arg7[%swap3A_296] {strides = array<i32>} : memref<624xf32, #tpu.memory_space<vmem>>, vector<16xf32>,
    tpu.vector_store %arg7[%swap3A_296], %add3A_295 {strides = array<i32>} : memref<624xf32, #tpu.memory_space<vmem>>, vector<16xf32>,
    %get3A_298 = arith.constant 168 : index
    %get3A_299 = tpu.vector_load %arg6[%get3A_298] {strides = array<i32>} : memref<624xf32, #tpu.memory_space<vmem>>, vector<16xf32>,
    %get3A_300 = arith.constant 167 : index
    %get3A_301 = tpu.vector_load %arg6[%get3A_300] {strides = array<i32>} : memref<624xf32, #tpu.memory_space<vmem>>, vector<16xf32>,
    %get3A_302 = arith.constant 169 : index
    %get3A_303 = tpu.vector_load %arg6[%get3A_302] {strides = array<i32>} : memref<624xf32, #tpu.memory_space<vmem>>, vector<16xf32>,
    %mul3A_304 = arith.constant 2.000000e+00 : f32
    %mul3A_305 = vector.broadcast %mul3A_304 : f32 to vector<16xf32>
    %mul3A_306 = arith.mulf %get3A_299, %mul3A_305 : vector<16xf32>
    %gt3A_307 = arith.constant 0 : i32
    %gt3A_308 = vector.broadcast %gt3A_307 : i32 to vector<16xi32>
    %gt3A_309 = arith.cmpi sgt, %select_n3A_60, %gt3A_308 : vector<16xi32>
    %select_n3A_310 = arith.select %gt3A_309, %get3A_301, %broadcast_in_dim3A_3 : vector<16xi1>, vector<16xf32>
    %add3A_311 = arith.addf %mul3A_306, %select_n3A_310 : vector<16xf32>
    %lt3A_312 = arith.constant 23 : i32
    %lt3A_313 = vector.broadcast %lt3A_312 : i32 to vector<16xi32>
    %lt3A_314 = arith.cmpi slt, %select_n3A_60, %lt3A_313 : vector<16xi32>
    %select_n3A_315 = arith.select %lt3A_314, %get3A_303, %broadcast_in_dim3A_3 : vector<16xi1>, vector<16xf32>
    %add3A_316 = arith.addf %add3A_311, %select_n3A_315 : vector<16xf32>
    %swap3A_317 = arith.constant 168 : index
    %swap3A_318 = tpu.vector_load %arg7[%swap3A_317] {strides = array<i32>} : memref<624xf32, #tpu.memory_space<vmem>>, vector<16xf32>,
    tpu.vector_store %arg7[%swap3A_317], %add3A_316 {strides = array<i32>} : memref<624xf32, #tpu.memory_space<vmem>>, vector<16xf32>,
    %get3A_319 = arith.constant 184 : index
    %get3A_320 = tpu.vector_load %arg6[%get3A_319] {strides = array<i32>} : memref<624xf32, #tpu.memory_space<vmem>>, vector<16xf32>,
    %get3A_321 = arith.constant 183 : index
    %get3A_322 = tpu.vector_load %arg6[%get3A_321] {strides = array<i32>} : memref<624xf32, #tpu.memory_space<vmem>>, vector<16xf32>,
    %get3A_323 = arith.constant 185 : index
    %get3A_324 = tpu.vector_load %arg6[%get3A_323] {strides = array<i32>} : memref<624xf32, #tpu.memory_space<vmem>>, vector<16xf32>,
    %mul3A_325 = arith.constant 2.000000e+00 : f32
    %mul3A_326 = vector.broadcast %mul3A_325 : f32 to vector<16xf32>
    %mul3A_327 = arith.mulf %get3A_320, %mul3A_326 : vector<16xf32>
    %gt3A_328 = arith.constant 0 : i32
    %gt3A_329 = vector.broadcast %gt3A_328 : i32 to vector<16xi32>
    %gt3A_330 = arith.cmpi sgt, %select_n3A_85, %gt3A_329 : vector<16xi32>
    %select_n3A_331 = arith.select %gt3A_330, %get3A_322, %broadcast_in_dim3A_3 : vector<16xi1>, vector<16xf32>
    %add3A_332 = arith.addf %mul3A_327, %select_n3A_331 : vector<16xf32>
    %lt3A_333 = arith.constant 23 : i32
    %lt3A_334 = vector.broadcast %lt3A_333 : i32 to vector<16xi32>
    %lt3A_335 = arith.cmpi slt, %select_n3A_85, %lt3A_334 : vector<16xi32>
    %select_n3A_336 = arith.select %lt3A_335, %get3A_324, %broadcast_in_dim3A_3 : vector<16xi1>, vector<16xf32>
    %add3A_337 = arith.addf %add3A_332, %select_n3A_336 : vector<16xf32>
    %swap3A_338 = arith.constant 184 : index
    %swap3A_339 = tpu.vector_load %arg7[%swap3A_338] {strides = array<i32>} : memref<624xf32, #tpu.memory_space<vmem>>, vector<16xf32>,
    tpu.vector_store %arg7[%swap3A_338], %add3A_337 {strides = array<i32>} : memref<624xf32, #tpu.memory_space<vmem>>, vector<16xf32>,
    %get3A_340 = arith.constant 200 : index
    %get3A_341 = tpu.vector_load %arg6[%get3A_340] {strides = array<i32>} : memref<624xf32, #tpu.memory_space<vmem>>, vector<16xf32>,
    %get3A_342 = arith.constant 199 : index
    %get3A_343 = tpu.vector_load %arg6[%get3A_342] {strides = array<i32>} : memref<624xf32, #tpu.memory_space<vmem>>, vector<16xf32>,
    %get3A_344 = arith.constant 201 : index
    %get3A_345 = tpu.vector_load %arg6[%get3A_344] {strides = array<i32>} : memref<624xf32, #tpu.memory_space<vmem>>, vector<16xf32>,
    %mul3A_346 = arith.constant 2.000000e+00 : f32
    %mul3A_347 = vector.broadcast %mul3A_346 : f32 to vector<16xf32>
    %mul3A_348 = arith.mulf %get3A_341, %mul3A_347 : vector<16xf32>
    %gt3A_349 = arith.constant 0 : i32
    %gt3A_350 = vector.broadcast %gt3A_349 : i32 to vector<16xi32>
    %gt3A_351 = arith.cmpi sgt, %select_n3A_110, %gt3A_350 : vector<16xi32>
    %select_n3A_352 = arith.select %gt3A_351, %get3A_343, %broadcast_in_dim3A_3 : vector<16xi1>, vector<16xf32>
    %add3A_353 = arith.addf %mul3A_348, %select_n3A_352 : vector<16xf32>
    %lt3A_354 = arith.constant 23 : i32
    %lt3A_355 = vector.broadcast %lt3A_354 : i32 to vector<16xi32>
    %lt3A_356 = arith.cmpi slt, %select_n3A_110, %lt3A_355 : vector<16xi32>
    %select_n3A_357 = arith.select %lt3A_356, %get3A_345, %broadcast_in_dim3A_3 : vector<16xi1>, vector<16xf32>
    %add3A_358 = arith.addf %add3A_353, %select_n3A_357 : vector<16xf32>
    %swap3A_359 = arith.constant 200 : index
    %swap3A_360 = tpu.vector_load %arg7[%swap3A_359] {strides = array<i32>} : memref<624xf32, #tpu.memory_space<vmem>>, vector<16xf32>,
    tpu.vector_store %arg7[%swap3A_359], %add3A_358 {strides = array<i32>} : memref<624xf32, #tpu.memory_space<vmem>>, vector<16xf32>,
    %get3A_361 = arith.constant 216 : index
    %get3A_362 = tpu.vector_load %arg6[%get3A_361] {strides = array<i32>} : memref<624xf32, #tpu.memory_space<vmem>>, vector<16xf32>,
    %get3A_363 = arith.constant 215 : index
    %get3A_364 = tpu.vector_load %arg6[%get3A_363] {strides = array<i32>} : memref<624xf32, #tpu.memory_space<vmem>>, vector<16xf32>,
    %get3A_365 = arith.constant 217 : index
    %get3A_366 = tpu.vector_load %arg6[%get3A_365] {strides = array<i32>} : memref<624xf32, #tpu.memory_space<vmem>>, vector<16xf32>,
    %mul3A_367 = arith.constant 2.000000e+00 : f32
    %mul3A_368 = vector.broadcast %mul3A_367 : f32 to vector<16xf32>
    %mul3A_369 = arith.mulf %get3A_362, %mul3A_368 : vector<16xf32>
    %gt3A_370 = arith.constant 0 : i32
    %gt3A_371 = vector.broadcast %gt3A_370 : i32 to vector<16xi32>
    %gt3A_372 = arith.cmpi sgt, %select_n3A_60, %gt3A_371 : vector<16xi32>
    %select_n3A_373 = arith.select %gt3A_372, %get3A_364, %broadcast_in_dim3A_3 : vector<16xi1>, vector<16xf32>
    %add3A_374 = arith.addf %mul3A_369, %select_n3A_373 : vector<16xf32>
    %lt3A_375 = arith.constant 23 : i32
    %lt3A_376 = vector.broadcast %lt3A_375 : i32 to vector<16xi32>
    %lt3A_377 = arith.cmpi slt, %select_n3A_60, %lt3A_376 : vector<16xi32>
    %select_n3A_378 = arith.select %lt3A_377, %get3A_366, %broadcast_in_dim3A_3 : vector<16xi1>, vector<16xf32>
    %add3A_379 = arith.addf %add3A_374, %select_n3A_378 : vector<16xf32>
    %swap3A_380 = arith.constant 216 : index
    %swap3A_381 = tpu.vector_load %arg7[%swap3A_380] {strides = array<i32>} : memref<624xf32, #tpu.memory_space<vmem>>, vector<16xf32>,
    tpu.vector_store %arg7[%swap3A_380], %add3A_379 {strides = array<i32>} : memref<624xf32, #tpu.memory_space<vmem>>, vector<16xf32>,
    %get3A_382 = arith.constant 232 : index
    %get3A_383 = tpu.vector_load %arg6[%get3A_382] {strides = array<i32>} : memref<624xf32, #tpu.memory_space<vmem>>, vector<16xf32>,
    %get3A_384 = arith.constant 231 : index
    %get3A_385 = tpu.vector_load %arg6[%get3A_384] {strides = array<i32>} : memref<624xf32, #tpu.memory_space<vmem>>, vector<16xf32>,
    %get3A_386 = arith.constant 233 : index
    %get3A_387 = tpu.vector_load %arg6[%get3A_386] {strides = array<i32>} : memref<624xf32, #tpu.memory_space<vmem>>, vector<16xf32>,
    %mul3A_388 = arith.constant 2.000000e+00 : f32
    %mul3A_389 = vector.broadcast %mul3A_388 : f32 to vector<16xf32>
    %mul3A_390 = arith.mulf %get3A_383, %mul3A_389 : vector<16xf32>
    %gt3A_391 = arith.constant 0 : i32
    %gt3A_392 = vector.broadcast %gt3A_391 : i32 to vector<16xi32>
    %gt3A_393 = arith.cmpi sgt, %select_n3A_85, %gt3A_392 : vector<16xi32>
    %select_n3A_394 = arith.select %gt3A_393, %get3A_385, %broadcast_in_dim3A_3 : vector<16xi1>, vector<16xf32>
    %add3A_395 = arith.addf %mul3A_390, %select_n3A_394 : vector<16xf32>
    %lt3A_396 = arith.constant 23 : i32
    %lt3A_397 = vector.broadcast %lt3A_396 : i32 to vector<16xi32>
    %lt3A_398 = arith.cmpi slt, %select_n3A_85, %lt3A_397 : vector<16xi32>
    %select_n3A_399 = arith.select %lt3A_398, %get3A_387, %broadcast_in_dim3A_3 : vector<16xi1>, vector<16xf32>
    %add3A_400 = arith.addf %add3A_395, %select_n3A_399 : vector<16xf32>
    %swap3A_401 = arith.constant 232 : index
    %swap3A_402 = tpu.vector_load %arg7[%swap3A_401] {strides = array<i32>} : memref<624xf32, #tpu.memory_space<vmem>>, vector<16xf32>,
    tpu.vector_store %arg7[%swap3A_401], %add3A_400 {strides = array<i32>} : memref<624xf32, #tpu.memory_space<vmem>>, vector<16xf32>,
    %get3A_403 = arith.constant 248 : index
    %get3A_404 = tpu.vector_load %arg6[%get3A_403] {strides = array<i32>} : memref<624xf32, #tpu.memory_space<vmem>>, vector<16xf32>,
    %get3A_405 = arith.constant 247 : index
    %get3A_406 = tpu.vector_load %arg6[%get3A_405] {strides = array<i32>} : memref<624xf32, #tpu.memory_space<vmem>>, vector<16xf32>,
    %get3A_407 = arith.constant 249 : index
    %get3A_408 = tpu.vector_load %arg6[%get3A_407] {strides = array<i32>} : memref<624xf32, #tpu.memory_space<vmem>>, vector<16xf32>,
    %mul3A_409 = arith.constant 2.000000e+00 : f32
    %mul3A_410 = vector.broadcast %mul3A_409 : f32 to vector<16xf32>
    %mul3A_411 = arith.mulf %get3A_404, %mul3A_410 : vector<16xf32>
    %gt3A_412 = arith.constant 0 : i32
    %gt3A_413 = vector.broadcast %gt3A_412 : i32 to vector<16xi32>
    %gt3A_414 = arith.cmpi sgt, %select_n3A_110, %gt3A_413 : vector<16xi32>
    %select_n3A_415 = arith.select %gt3A_414, %get3A_406, %broadcast_in_dim3A_3 : vector<16xi1>, vector<16xf32>
    %add3A_416 = arith.addf %mul3A_411, %select_n3A_415 : vector<16xf32>
    %lt3A_417 = arith.constant 23 : i32
    %lt3A_418 = vector.broadcast %lt3A_417 : i32 to vector<16xi32>
    %lt3A_419 = arith.cmpi slt, %select_n3A_110, %lt3A_418 : vector<16xi32>
    %select_n3A_420 = arith.select %lt3A_419, %get3A_408, %broadcast_in_dim3A_3 : vector<16xi1>, vector<16xf32>
    %add3A_421 = arith.addf %add3A_416, %select_n3A_420 : vector<16xf32>
    %swap3A_422 = arith.constant 248 : index
    %swap3A_423 = tpu.vector_load %arg7[%swap3A_422] {strides = array<i32>} : memref<624xf32, #tpu.memory_space<vmem>>, vector<16xf32>,
    tpu.vector_store %arg7[%swap3A_422], %add3A_421 {strides = array<i32>} : memref<624xf32, #tpu.memory_space<vmem>>, vector<16xf32>,
    %get3A_424 = arith.constant 264 : index
    %get3A_425 = tpu.vector_load %arg6[%get3A_424] {strides = array<i32>} : memref<624xf32, #tpu.memory_space<vmem>>, vector<16xf32>,
    %get3A_426 = arith.constant 263 : index
    %get3A_427 = tpu.vector_load %arg6[%get3A_426] {strides = array<i32>} : memref<624xf32, #tpu.memory_space<vmem>>, vector<16xf32>,
    %get3A_428 = arith.constant 265 : index
    %get3A_429 = tpu.vector_load %arg6[%get3A_428] {strides = array<i32>} : memref<624xf32, #tpu.memory_space<vmem>>, vector<16xf32>,
    %mul3A_430 = arith.constant 2.000000e+00 : f32
    %mul3A_431 = vector.broadcast %mul3A_430 : f32 to vector<16xf32>
    %mul3A_432 = arith.mulf %get3A_425, %mul3A_431 : vector<16xf32>
    %gt3A_433 = arith.constant 0 : i32
    %gt3A_434 = vector.broadcast %gt3A_433 : i32 to vector<16xi32>
    %gt3A_435 = arith.cmpi sgt, %select_n3A_60, %gt3A_434 : vector<16xi32>
    %select_n3A_436 = arith.select %gt3A_435, %get3A_427, %broadcast_in_dim3A_3 : vector<16xi1>, vector<16xf32>
    %add3A_437 = arith.addf %mul3A_432, %select_n3A_436 : vector<16xf32>
    %lt3A_438 = arith.constant 23 : i32
    %lt3A_439 = vector.broadcast %lt3A_438 : i32 to vector<16xi32>
    %lt3A_440 = arith.cmpi slt, %select_n3A_60, %lt3A_439 : vector<16xi32>
    %select_n3A_441 = arith.select %lt3A_440, %get3A_429, %broadcast_in_dim3A_3 : vector<16xi1>, vector<16xf32>
    %add3A_442 = arith.addf %add3A_437, %select_n3A_441 : vector<16xf32>
    %swap3A_443 = arith.constant 264 : index
    %swap3A_444 = tpu.vector_load %arg7[%swap3A_443] {strides = array<i32>} : memref<624xf32, #tpu.memory_space<vmem>>, vector<16xf32>,
    tpu.vector_store %arg7[%swap3A_443], %add3A_442 {strides = array<i32>} : memref<624xf32, #tpu.memory_space<vmem>>, vector<16xf32>,
    %get3A_445 = arith.constant 280 : index
    %get3A_446 = tpu.vector_load %arg6[%get3A_445] {strides = array<i32>} : memref<624xf32, #tpu.memory_space<vmem>>, vector<16xf32>,
    %get3A_447 = arith.constant 279 : index
    %get3A_448 = tpu.vector_load %arg6[%get3A_447] {strides = array<i32>} : memref<624xf32, #tpu.memory_space<vmem>>, vector<16xf32>,
    %get3A_449 = arith.constant 281 : index
    %get3A_450 = tpu.vector_load %arg6[%get3A_449] {strides = array<i32>} : memref<624xf32, #tpu.memory_space<vmem>>, vector<16xf32>,
    %mul3A_451 = arith.constant 2.000000e+00 : f32
    %mul3A_452 = vector.broadcast %mul3A_451 : f32 to vector<16xf32>
    %mul3A_453 = arith.mulf %get3A_446, %mul3A_452 : vector<16xf32>
    %gt3A_454 = arith.constant 0 : i32
    %gt3A_455 = vector.broadcast %gt3A_454 : i32 to vector<16xi32>
    %gt3A_456 = arith.cmpi sgt, %select_n3A_85, %gt3A_455 : vector<16xi32>
    %select_n3A_457 = arith.select %gt3A_456, %get3A_448, %broadcast_in_dim3A_3 : vector<16xi1>, vector<16xf32>
    %add3A_458 = arith.addf %mul3A_453, %select_n3A_457 : vector<16xf32>
    %lt3A_459 = arith.constant 23 : i32
    %lt3A_460 = vector.broadcast %lt3A_459 : i32 to vector<16xi32>
    %lt3A_461 = arith.cmpi slt, %select_n3A_85, %lt3A_460 : vector<16xi32>
    %select_n3A_462 = arith.select %lt3A_461, %get3A_450, %broadcast_in_dim3A_3 : vector<16xi1>, vector<16xf32>
    %add3A_463 = arith.addf %add3A_458, %select_n3A_462 : vector<16xf32>
    %swap3A_464 = arith.constant 280 : index
    %swap3A_465 = tpu.vector_load %arg7[%swap3A_464] {strides = array<i32>} : memref<624xf32, #tpu.memory_space<vmem>>, vector<16xf32>,
    tpu.vector_store %arg7[%swap3A_464], %add3A_463 {strides = array<i32>} : memref<624xf32, #tpu.memory_space<vmem>>, vector<16xf32>,
    %get3A_466 = arith.constant 296 : index
    %get3A_467 = tpu.vector_load %arg6[%get3A_466] {strides = array<i32>} : memref<624xf32, #tpu.memory_space<vmem>>, vector<16xf32>,
    %get3A_468 = arith.constant 295 : index
    %get3A_469 = tpu.vector_load %arg6[%get3A_468] {strides = array<i32>} : memref<624xf32, #tpu.memory_space<vmem>>, vector<16xf32>,
    %get3A_470 = arith.constant 297 : index
    %get3A_471 = tpu.vector_load %arg6[%get3A_470] {strides = array<i32>} : memref<624xf32, #tpu.memory_space<vmem>>, vector<16xf32>,
    %mul3A_472 = arith.constant 2.000000e+00 : f32
    %mul3A_473 = vector.broadcast %mul3A_472 : f32 to vector<16xf32>
    %mul3A_474 = arith.mulf %get3A_467, %mul3A_473 : vector<16xf32>
    %gt3A_475 = arith.constant 0 : i32
    %gt3A_476 = vector.broadcast %gt3A_475 : i32 to vector<16xi32>
    %gt3A_477 = arith.cmpi sgt, %select_n3A_110, %gt3A_476 : vector<16xi32>
    %select_n3A_478 = arith.select %gt3A_477, %get3A_469, %broadcast_in_dim3A_3 : vector<16xi1>, vector<16xf32>
    %add3A_479 = arith.addf %mul3A_474, %select_n3A_478 : vector<16xf32>
    %lt3A_480 = arith.constant 23 : i32
    %lt3A_481 = vector.broadcast %lt3A_480 : i32 to vector<16xi32>
    %lt3A_482 = arith.cmpi slt, %select_n3A_110, %lt3A_481 : vector<16xi32>
    %select_n3A_483 = arith.select %lt3A_482, %get3A_471, %broadcast_in_dim3A_3 : vector<16xi1>, vector<16xf32>
    %add3A_484 = arith.addf %add3A_479, %select_n3A_483 : vector<16xf32>
    %swap3A_485 = arith.constant 296 : index
    %swap3A_486 = tpu.vector_load %arg7[%swap3A_485] {strides = array<i32>} : memref<624xf32, #tpu.memory_space<vmem>>, vector<16xf32>,
    tpu.vector_store %arg7[%swap3A_485], %add3A_484 {strides = array<i32>} : memref<624xf32, #tpu.memory_space<vmem>>, vector<16xf32>,
    %get3A_487 = arith.constant 312 : index
    %get3A_488 = tpu.vector_load %arg6[%get3A_487] {strides = array<i32>} : memref<624xf32, #tpu.memory_space<vmem>>, vector<16xf32>,
    %get3A_489 = arith.constant 311 : index
    %get3A_490 = tpu.vector_load %arg6[%get3A_489] {strides = array<i32>} : memref<624xf32, #tpu.memory_space<vmem>>, vector<16xf32>,
    %get3A_491 = arith.constant 313 : index
    %get3A_492 = tpu.vector_load %arg6[%get3A_491] {strides = array<i32>} : memref<624xf32, #tpu.memory_space<vmem>>, vector<16xf32>,
    %mul3A_493 = arith.constant 2.000000e+00 : f32
    %mul3A_494 = vector.broadcast %mul3A_493 : f32 to vector<16xf32>
    %mul3A_495 = arith.mulf %get3A_488, %mul3A_494 : vector<16xf32>
    %gt3A_496 = arith.constant 0 : i32
    %gt3A_497 = vector.broadcast %gt3A_496 : i32 to vector<16xi32>
    %gt3A_498 = arith.cmpi sgt, %select_n3A_60, %gt3A_497 : vector<16xi32>
    %select_n3A_499 = arith.select %gt3A_498, %get3A_490, %broadcast_in_dim3A_3 : vector<16xi1>, vector<16xf32>
    %add3A_500 = arith.addf %mul3A_495, %select_n3A_499 : vector<16xf32>
    %lt3A_501 = arith.constant 23 : i32
    %lt3A_502 = vector.broadcast %lt3A_501 : i32 to vector<16xi32>
    %lt3A_503 = arith.cmpi slt, %select_n3A_60, %lt3A_502 : vector<16xi32>
    %select_n3A_504 = arith.select %lt3A_503, %get3A_492, %broadcast_in_dim3A_3 : vector<16xi1>, vector<16xf32>
    %add3A_505 = arith.addf %add3A_500, %select_n3A_504 : vector<16xf32>
    %swap3A_506 = arith.constant 312 : index
    %swap3A_507 = tpu.vector_load %arg7[%swap3A_506] {strides = array<i32>} : memref<624xf32, #tpu.memory_space<vmem>>, vector<16xf32>,
    tpu.vector_store %arg7[%swap3A_506], %add3A_505 {strides = array<i32>} : memref<624xf32, #tpu.memory_space<vmem>>, vector<16xf32>,
    %get3A_508 = arith.constant 328 : index
    %get3A_509 = tpu.vector_load %arg6[%get3A_508] {strides = array<i32>} : memref<624xf32, #tpu.memory_space<vmem>>, vector<16xf32>,
    %get3A_510 = arith.constant 327 : index
    %get3A_511 = tpu.vector_load %arg6[%get3A_510] {strides = array<i32>} : memref<624xf32, #tpu.memory_space<vmem>>, vector<16xf32>,
    %get3A_512 = arith.constant 329 : index
    %get3A_513 = tpu.vector_load %arg6[%get3A_512] {strides = array<i32>} : memref<624xf32, #tpu.memory_space<vmem>>, vector<16xf32>,
    %mul3A_514 = arith.constant 2.000000e+00 : f32
    %mul3A_515 = vector.broadcast %mul3A_514 : f32 to vector<16xf32>
    %mul3A_516 = arith.mulf %get3A_509, %mul3A_515 : vector<16xf32>
    %gt3A_517 = arith.constant 0 : i32
    %gt3A_518 = vector.broadcast %gt3A_517 : i32 to vector<16xi32>
    %gt3A_519 = arith.cmpi sgt, %select_n3A_85, %gt3A_518 : vector<16xi32>
    %select_n3A_520 = arith.select %gt3A_519, %get3A_511, %broadcast_in_dim3A_3 : vector<16xi1>, vector<16xf32>
    %add3A_521 = arith.addf %mul3A_516, %select_n3A_520 : vector<16xf32>
    %lt3A_522 = arith.constant 23 : i32
    %lt3A_523 = vector.broadcast %lt3A_522 : i32 to vector<16xi32>
    %lt3A_524 = arith.cmpi slt, %select_n3A_85, %lt3A_523 : vector<16xi32>
    %select_n3A_525 = arith.select %lt3A_524, %get3A_513, %broadcast_in_dim3A_3 : vector<16xi1>, vector<16xf32>
    %add3A_526 = arith.addf %add3A_521, %select_n3A_525 : vector<16xf32>
    %swap3A_527 = arith.constant 328 : index
    %swap3A_528 = tpu.vector_load %arg7[%swap3A_527] {strides = array<i32>} : memref<624xf32, #tpu.memory_space<vmem>>, vector<16xf32>,
    tpu.vector_store %arg7[%swap3A_527], %add3A_526 {strides = array<i32>} : memref<624xf32, #tpu.memory_space<vmem>>, vector<16xf32>,
    %get3A_529 = arith.constant 344 : index
    %get3A_530 = tpu.vector_load %arg6[%get3A_529] {strides = array<i32>} : memref<624xf32, #tpu.memory_space<vmem>>, vector<16xf32>,
    %get3A_531 = arith.constant 343 : index
    %get3A_532 = tpu.vector_load %arg6[%get3A_531] {strides = array<i32>} : memref<624xf32, #tpu.memory_space<vmem>>, vector<16xf32>,
    %get3A_533 = arith.constant 345 : index
    %get3A_534 = tpu.vector_load %arg6[%get3A_533] {strides = array<i32>} : memref<624xf32, #tpu.memory_space<vmem>>, vector<16xf32>,
    %mul3A_535 = arith.constant 2.000000e+00 : f32
    %mul3A_536 = vector.broadcast %mul3A_535 : f32 to vector<16xf32>
    %mul3A_537 = arith.mulf %get3A_530, %mul3A_536 : vector<16xf32>
    %gt3A_538 = arith.constant 0 : i32
    %gt3A_539 = vector.broadcast %gt3A_538 : i32 to vector<16xi32>
    %gt3A_540 = arith.cmpi sgt, %select_n3A_110, %gt3A_539 : vector<16xi32>
    %select_n3A_541 = arith.select %gt3A_540, %get3A_532, %broadcast_in_dim3A_3 : vector<16xi1>, vector<16xf32>
    %add3A_542 = arith.addf %mul3A_537, %select_n3A_541 : vector<16xf32>
    %lt3A_543 = arith.constant 23 : i32
    %lt3A_544 = vector.broadcast %lt3A_543 : i32 to vector<16xi32>
    %lt3A_545 = arith.cmpi slt, %select_n3A_110, %lt3A_544 : vector<16xi32>
    %select_n3A_546 = arith.select %lt3A_545, %get3A_534, %broadcast_in_dim3A_3 : vector<16xi1>, vector<16xf32>
    %add3A_547 = arith.addf %add3A_542, %select_n3A_546 : vector<16xf32>
    %swap3A_548 = arith.constant 344 : index
    %swap3A_549 = tpu.vector_load %arg7[%swap3A_548] {strides = array<i32>} : memref<624xf32, #tpu.memory_space<vmem>>, vector<16xf32>,
    tpu.vector_store %arg7[%swap3A_548], %add3A_547 {strides = array<i32>} : memref<624xf32, #tpu.memory_space<vmem>>, vector<16xf32>,
    %get3A_550 = arith.constant 360 : index
    %get3A_551 = tpu.vector_load %arg6[%get3A_550] {strides = array<i32>} : memref<624xf32, #tpu.memory_space<vmem>>, vector<16xf32>,
    %get3A_552 = arith.constant 359 : index
    %get3A_553 = tpu.vector_load %arg6[%get3A_552] {strides = array<i32>} : memref<624xf32, #tpu.memory_space<vmem>>, vector<16xf32>,
    %get3A_554 = arith.constant 361 : index
    %get3A_555 = tpu.vector_load %arg6[%get3A_554] {strides = array<i32>} : memref<624xf32, #tpu.memory_space<vmem>>, vector<16xf32>,
    %mul3A_556 = arith.constant 2.000000e+00 : f32
    %mul3A_557 = vector.broadcast %mul3A_556 : f32 to vector<16xf32>
    %mul3A_558 = arith.mulf %get3A_551, %mul3A_557 : vector<16xf32>
    %gt3A_559 = arith.constant 0 : i32
    %gt3A_560 = vector.broadcast %gt3A_559 : i32 to vector<16xi32>
    %gt3A_561 = arith.cmpi sgt, %select_n3A_60, %gt3A_560 : vector<16xi32>
    %select_n3A_562 = arith.select %gt3A_561, %get3A_553, %broadcast_in_dim3A_3 : vector<16xi1>, vector<16xf32>
    %add3A_563 = arith.addf %mul3A_558, %select_n3A_562 : vector<16xf32>
    %lt3A_564 = arith.constant 23 : i32
    %lt3A_565 = vector.broadcast %lt3A_564 : i32 to vector<16xi32>
    %lt3A_566 = arith.cmpi slt, %select_n3A_60, %lt3A_565 : vector<16xi32>
    %select_n3A_567 = arith.select %lt3A_566, %get3A_555, %broadcast_in_dim3A_3 : vector<16xi1>, vector<16xf32>
    %add3A_568 = arith.addf %add3A_563, %select_n3A_567 : vector<16xf32>
    %swap3A_569 = arith.constant 360 : index
    %swap3A_570 = tpu.vector_load %arg7[%swap3A_569] {strides = array<i32>} : memref<624xf32, #tpu.memory_space<vmem>>, vector<16xf32>,
    tpu.vector_store %arg7[%swap3A_569], %add3A_568 {strides = array<i32>} : memref<624xf32, #tpu.memory_space<vmem>>, vector<16xf32>,
    %get3A_571 = arith.constant 376 : index
    %get3A_572 = tpu.vector_load %arg6[%get3A_571] {strides = array<i32>} : memref<624xf32, #tpu.memory_space<vmem>>, vector<16xf32>,
    %get3A_573 = arith.constant 375 : index
    %get3A_574 = tpu.vector_load %arg6[%get3A_573] {strides = array<i32>} : memref<624xf32, #tpu.memory_space<vmem>>, vector<16xf32>,
    %get3A_575 = arith.constant 377 : index
    %get3A_576 = tpu.vector_load %arg6[%get3A_575] {strides = array<i32>} : memref<624xf32, #tpu.memory_space<vmem>>, vector<16xf32>,
    %mul3A_577 = arith.constant 2.000000e+00 : f32
    %mul3A_578 = vector.broadcast %mul3A_577 : f32 to vector<16xf32>
    %mul3A_579 = arith.mulf %get3A_572, %mul3A_578 : vector<16xf32>
    %gt3A_580 = arith.constant 0 : i32
    %gt3A_581 = vector.broadcast %gt3A_580 : i32 to vector<16xi32>
    %gt3A_582 = arith.cmpi sgt, %select_n3A_85, %gt3A_581 : vector<16xi32>
    %select_n3A_583 = arith.select %gt3A_582, %get3A_574, %broadcast_in_dim3A_3 : vector<16xi1>, vector<16xf32>
    %add3A_584 = arith.addf %mul3A_579, %select_n3A_583 : vector<16xf32>
    %lt3A_585 = arith.constant 23 : i32
    %lt3A_586 = vector.broadcast %lt3A_585 : i32 to vector<16xi32>
    %lt3A_587 = arith.cmpi slt, %select_n3A_85, %lt3A_586 : vector<16xi32>
    %select_n3A_588 = arith.select %lt3A_587, %get3A_576, %broadcast_in_dim3A_3 : vector<16xi1>, vector<16xf32>
    %add3A_589 = arith.addf %add3A_584, %select_n3A_588 : vector<16xf32>
    %swap3A_590 = arith.constant 376 : index
    %swap3A_591 = tpu.vector_load %arg7[%swap3A_590] {strides = array<i32>} : memref<624xf32, #tpu.memory_space<vmem>>, vector<16xf32>,
    tpu.vector_store %arg7[%swap3A_590], %add3A_589 {strides = array<i32>} : memref<624xf32, #tpu.memory_space<vmem>>, vector<16xf32>,
    %get3A_592 = arith.constant 392 : index
    %get3A_593 = tpu.vector_load %arg6[%get3A_592] {strides = array<i32>} : memref<624xf32, #tpu.memory_space<vmem>>, vector<16xf32>,
    %get3A_594 = arith.constant 391 : index
    %get3A_595 = tpu.vector_load %arg6[%get3A_594] {strides = array<i32>} : memref<624xf32, #tpu.memory_space<vmem>>, vector<16xf32>,
    %get3A_596 = arith.constant 393 : index
    %get3A_597 = tpu.vector_load %arg6[%get3A_596] {strides = array<i32>} : memref<624xf32, #tpu.memory_space<vmem>>, vector<16xf32>,
    %mul3A_598 = arith.constant 2.000000e+00 : f32
    %mul3A_599 = vector.broadcast %mul3A_598 : f32 to vector<16xf32>
    %mul3A_600 = arith.mulf %get3A_593, %mul3A_599 : vector<16xf32>
    %gt3A_601 = arith.constant 0 : i32
    %gt3A_602 = vector.broadcast %gt3A_601 : i32 to vector<16xi32>
    %gt3A_603 = arith.cmpi sgt, %select_n3A_110, %gt3A_602 : vector<16xi32>
    %select_n3A_604 = arith.select %gt3A_603, %get3A_595, %broadcast_in_dim3A_3 : vector<16xi1>, vector<16xf32>
    %add3A_605 = arith.addf %mul3A_600, %select_n3A_604 : vector<16xf32>
    %lt3A_606 = arith.constant 23 : i32
    %lt3A_607 = vector.broadcast %lt3A_606 : i32 to vector<16xi32>
    %lt3A_608 = arith.cmpi slt, %select_n3A_110, %lt3A_607 : vector<16xi32>
    %select_n3A_609 = arith.select %lt3A_608, %get3A_597, %broadcast_in_dim3A_3 : vector<16xi1>, vector<16xf32>
    %add3A_610 = arith.addf %add3A_605, %select_n3A_609 : vector<16xf32>
    %swap3A_611 = arith.constant 392 : index
    %swap3A_612 = tpu.vector_load %arg7[%swap3A_611] {strides = array<i32>} : memref<624xf32, #tpu.memory_space<vmem>>, vector<16xf32>,
    tpu.vector_store %arg7[%swap3A_611], %add3A_610 {strides = array<i32>} : memref<624xf32, #tpu.memory_space<vmem>>, vector<16xf32>,
    %get3A_613 = arith.constant 408 : index
    %get3A_614 = tpu.vector_load %arg6[%get3A_613] {strides = array<i32>} : memref<624xf32, #tpu.memory_space<vmem>>, vector<16xf32>,
    %get3A_615 = arith.constant 407 : index
    %get3A_616 = tpu.vector_load %arg6[%get3A_615] {strides = array<i32>} : memref<624xf32, #tpu.memory_space<vmem>>, vector<16xf32>,
    %get3A_617 = arith.constant 409 : index
    %get3A_618 = tpu.vector_load %arg6[%get3A_617] {strides = array<i32>} : memref<624xf32, #tpu.memory_space<vmem>>, vector<16xf32>,
    %mul3A_619 = arith.constant 2.000000e+00 : f32
    %mul3A_620 = vector.broadcast %mul3A_619 : f32 to vector<16xf32>
    %mul3A_621 = arith.mulf %get3A_614, %mul3A_620 : vector<16xf32>
    %gt3A_622 = arith.constant 0 : i32
    %gt3A_623 = vector.broadcast %gt3A_622 : i32 to vector<16xi32>
    %gt3A_624 = arith.cmpi sgt, %select_n3A_60, %gt3A_623 : vector<16xi32>
    %select_n3A_625 = arith.select %gt3A_624, %get3A_616, %broadcast_in_dim3A_3 : vector<16xi1>, vector<16xf32>
    %add3A_626 = arith.addf %mul3A_621, %select_n3A_625 : vector<16xf32>
    %lt3A_627 = arith.constant 23 : i32
    %lt3A_628 = vector.broadcast %lt3A_627 : i32 to vector<16xi32>
    %lt3A_629 = arith.cmpi slt, %select_n3A_60, %lt3A_628 : vector<16xi32>
    %select_n3A_630 = arith.select %lt3A_629, %get3A_618, %broadcast_in_dim3A_3 : vector<16xi1>, vector<16xf32>
    %add3A_631 = arith.addf %add3A_626, %select_n3A_630 : vector<16xf32>
    %swap3A_632 = arith.constant 408 : index
    %swap3A_633 = tpu.vector_load %arg7[%swap3A_632] {strides = array<i32>} : memref<624xf32, #tpu.memory_space<vmem>>, vector<16xf32>,
    tpu.vector_store %arg7[%swap3A_632], %add3A_631 {strides = array<i32>} : memref<624xf32, #tpu.memory_space<vmem>>, vector<16xf32>,
    %get3A_634 = arith.constant 424 : index
    %get3A_635 = tpu.vector_load %arg6[%get3A_634] {strides = array<i32>} : memref<624xf32, #tpu.memory_space<vmem>>, vector<16xf32>,
    %get3A_636 = arith.constant 423 : index
    %get3A_637 = tpu.vector_load %arg6[%get3A_636] {strides = array<i32>} : memref<624xf32, #tpu.memory_space<vmem>>, vector<16xf32>,
    %get3A_638 = arith.constant 425 : index
    %get3A_639 = tpu.vector_load %arg6[%get3A_638] {strides = array<i32>} : memref<624xf32, #tpu.memory_space<vmem>>, vector<16xf32>,
    %mul3A_640 = arith.constant 2.000000e+00 : f32
    %mul3A_641 = vector.broadcast %mul3A_640 : f32 to vector<16xf32>
    %mul3A_642 = arith.mulf %get3A_635, %mul3A_641 : vector<16xf32>
    %gt3A_643 = arith.constant 0 : i32
    %gt3A_644 = vector.broadcast %gt3A_643 : i32 to vector<16xi32>
    %gt3A_645 = arith.cmpi sgt, %select_n3A_85, %gt3A_644 : vector<16xi32>
    %select_n3A_646 = arith.select %gt3A_645, %get3A_637, %broadcast_in_dim3A_3 : vector<16xi1>, vector<16xf32>
    %add3A_647 = arith.addf %mul3A_642, %select_n3A_646 : vector<16xf32>
    %lt3A_648 = arith.constant 23 : i32
    %lt3A_649 = vector.broadcast %lt3A_648 : i32 to vector<16xi32>
    %lt3A_650 = arith.cmpi slt, %select_n3A_85, %lt3A_649 : vector<16xi32>
    %select_n3A_651 = arith.select %lt3A_650, %get3A_639, %broadcast_in_dim3A_3 : vector<16xi1>, vector<16xf32>
    %add3A_652 = arith.addf %add3A_647, %select_n3A_651 : vector<16xf32>
    %swap3A_653 = arith.constant 424 : index
    %swap3A_654 = tpu.vector_load %arg7[%swap3A_653] {strides = array<i32>} : memref<624xf32, #tpu.memory_space<vmem>>, vector<16xf32>,
    tpu.vector_store %arg7[%swap3A_653], %add3A_652 {strides = array<i32>} : memref<624xf32, #tpu.memory_space<vmem>>, vector<16xf32>,
    %get3A_655 = arith.constant 440 : index
    %get3A_656 = tpu.vector_load %arg6[%get3A_655] {strides = array<i32>} : memref<624xf32, #tpu.memory_space<vmem>>, vector<16xf32>,
    %get3A_657 = arith.constant 439 : index
    %get3A_658 = tpu.vector_load %arg6[%get3A_657] {strides = array<i32>} : memref<624xf32, #tpu.memory_space<vmem>>, vector<16xf32>,
    %get3A_659 = arith.constant 441 : index
    %get3A_660 = tpu.vector_load %arg6[%get3A_659] {strides = array<i32>} : memref<624xf32, #tpu.memory_space<vmem>>, vector<16xf32>,
    %mul3A_661 = arith.constant 2.000000e+00 : f32
    %mul3A_662 = vector.broadcast %mul3A_661 : f32 to vector<16xf32>
    %mul3A_663 = arith.mulf %get3A_656, %mul3A_662 : vector<16xf32>
    %gt3A_664 = arith.constant 0 : i32
    %gt3A_665 = vector.broadcast %gt3A_664 : i32 to vector<16xi32>
    %gt3A_666 = arith.cmpi sgt, %select_n3A_110, %gt3A_665 : vector<16xi32>
    %select_n3A_667 = arith.select %gt3A_666, %get3A_658, %broadcast_in_dim3A_3 : vector<16xi1>, vector<16xf32>
    %add3A_668 = arith.addf %mul3A_663, %select_n3A_667 : vector<16xf32>
    %lt3A_669 = arith.constant 23 : i32
    %lt3A_670 = vector.broadcast %lt3A_669 : i32 to vector<16xi32>
    %lt3A_671 = arith.cmpi slt, %select_n3A_110, %lt3A_670 : vector<16xi32>
    %select_n3A_672 = arith.select %lt3A_671, %get3A_660, %broadcast_in_dim3A_3 : vector<16xi1>, vector<16xf32>
    %add3A_673 = arith.addf %add3A_668, %select_n3A_672 : vector<16xf32>
    %swap3A_674 = arith.constant 440 : index
    %swap3A_675 = tpu.vector_load %arg7[%swap3A_674] {strides = array<i32>} : memref<624xf32, #tpu.memory_space<vmem>>, vector<16xf32>,
    tpu.vector_store %arg7[%swap3A_674], %add3A_673 {strides = array<i32>} : memref<624xf32, #tpu.memory_space<vmem>>, vector<16xf32>,
    %get3A_676 = arith.constant 456 : index
    %get3A_677 = tpu.vector_load %arg6[%get3A_676] {strides = array<i32>} : memref<624xf32, #tpu.memory_space<vmem>>, vector<16xf32>,
    %get3A_678 = arith.constant 455 : index
    %get3A_679 = tpu.vector_load %arg6[%get3A_678] {strides = array<i32>} : memref<624xf32, #tpu.memory_space<vmem>>, vector<16xf32>,
    %get3A_680 = arith.constant 457 : index
    %get3A_681 = tpu.vector_load %arg6[%get3A_680] {strides = array<i32>} : memref<624xf32, #tpu.memory_space<vmem>>, vector<16xf32>,
    %mul3A_682 = arith.constant 2.000000e+00 : f32
    %mul3A_683 = vector.broadcast %mul3A_682 : f32 to vector<16xf32>
    %mul3A_684 = arith.mulf %get3A_677, %mul3A_683 : vector<16xf32>
    %gt3A_685 = arith.constant 0 : i32
    %gt3A_686 = vector.broadcast %gt3A_685 : i32 to vector<16xi32>
    %gt3A_687 = arith.cmpi sgt, %select_n3A_60, %gt3A_686 : vector<16xi32>
    %select_n3A_688 = arith.select %gt3A_687, %get3A_679, %broadcast_in_dim3A_3 : vector<16xi1>, vector<16xf32>
    %add3A_689 = arith.addf %mul3A_684, %select_n3A_688 : vector<16xf32>
    %lt3A_690 = arith.constant 23 : i32
    %lt3A_691 = vector.broadcast %lt3A_690 : i32 to vector<16xi32>
    %lt3A_692 = arith.cmpi slt, %select_n3A_60, %lt3A_691 : vector<16xi32>
    %select_n3A_693 = arith.select %lt3A_692, %get3A_681, %broadcast_in_dim3A_3 : vector<16xi1>, vector<16xf32>
    %add3A_694 = arith.addf %add3A_689, %select_n3A_693 : vector<16xf32>
    %swap3A_695 = arith.constant 456 : index
    %swap3A_696 = tpu.vector_load %arg7[%swap3A_695] {strides = array<i32>} : memref<624xf32, #tpu.memory_space<vmem>>, vector<16xf32>,
    tpu.vector_store %arg7[%swap3A_695], %add3A_694 {strides = array<i32>} : memref<624xf32, #tpu.memory_space<vmem>>, vector<16xf32>,
    %get3A_697 = arith.constant 472 : index
    %get3A_698 = tpu.vector_load %arg6[%get3A_697] {strides = array<i32>} : memref<624xf32, #tpu.memory_space<vmem>>, vector<16xf32>,
    %get3A_699 = arith.constant 471 : index
    %get3A_700 = tpu.vector_load %arg6[%get3A_699] {strides = array<i32>} : memref<624xf32, #tpu.memory_space<vmem>>, vector<16xf32>,
    %get3A_701 = arith.constant 473 : index
    %get3A_702 = tpu.vector_load %arg6[%get3A_701] {strides = array<i32>} : memref<624xf32, #tpu.memory_space<vmem>>, vector<16xf32>,
    %mul3A_703 = arith.constant 2.000000e+00 : f32
    %mul3A_704 = vector.broadcast %mul3A_703 : f32 to vector<16xf32>
    %mul3A_705 = arith.mulf %get3A_698, %mul3A_704 : vector<16xf32>
    %gt3A_706 = arith.constant 0 : i32
    %gt3A_707 = vector.broadcast %gt3A_706 : i32 to vector<16xi32>
    %gt3A_708 = arith.cmpi sgt, %select_n3A_85, %gt3A_707 : vector<16xi32>
    %select_n3A_709 = arith.select %gt3A_708, %get3A_700, %broadcast_in_dim3A_3 : vector<16xi1>, vector<16xf32>
    %add3A_710 = arith.addf %mul3A_705, %select_n3A_709 : vector<16xf32>
    %lt3A_711 = arith.constant 23 : i32
    %lt3A_712 = vector.broadcast %lt3A_711 : i32 to vector<16xi32>
    %lt3A_713 = arith.cmpi slt, %select_n3A_85, %lt3A_712 : vector<16xi32>
    %select_n3A_714 = arith.select %lt3A_713, %get3A_702, %broadcast_in_dim3A_3 : vector<16xi1>, vector<16xf32>
    %add3A_715 = arith.addf %add3A_710, %select_n3A_714 : vector<16xf32>
    %swap3A_716 = arith.constant 472 : index
    %swap3A_717 = tpu.vector_load %arg7[%swap3A_716] {strides = array<i32>} : memref<624xf32, #tpu.memory_space<vmem>>, vector<16xf32>,
    tpu.vector_store %arg7[%swap3A_716], %add3A_715 {strides = array<i32>} : memref<624xf32, #tpu.memory_space<vmem>>, vector<16xf32>,
    %get3A_718 = arith.constant 488 : index
    %get3A_719 = tpu.vector_load %arg6[%get3A_718] {strides = array<i32>} : memref<624xf32, #tpu.memory_space<vmem>>, vector<16xf32>,
    %get3A_720 = arith.constant 487 : index
    %get3A_721 = tpu.vector_load %arg6[%get3A_720] {strides = array<i32>} : memref<624xf32, #tpu.memory_space<vmem>>, vector<16xf32>,
    %get3A_722 = arith.constant 489 : index
    %get3A_723 = tpu.vector_load %arg6[%get3A_722] {strides = array<i32>} : memref<624xf32, #tpu.memory_space<vmem>>, vector<16xf32>,
    %mul3A_724 = arith.constant 2.000000e+00 : f32
    %mul3A_725 = vector.broadcast %mul3A_724 : f32 to vector<16xf32>
    %mul3A_726 = arith.mulf %get3A_719, %mul3A_725 : vector<16xf32>
    %gt3A_727 = arith.constant 0 : i32
    %gt3A_728 = vector.broadcast %gt3A_727 : i32 to vector<16xi32>
    %gt3A_729 = arith.cmpi sgt, %select_n3A_110, %gt3A_728 : vector<16xi32>
    %select_n3A_730 = arith.select %gt3A_729, %get3A_721, %broadcast_in_dim3A_3 : vector<16xi1>, vector<16xf32>
    %add3A_731 = arith.addf %mul3A_726, %select_n3A_730 : vector<16xf32>
    %lt3A_732 = arith.constant 23 : i32
    %lt3A_733 = vector.broadcast %lt3A_732 : i32 to vector<16xi32>
    %lt3A_734 = arith.cmpi slt, %select_n3A_110, %lt3A_733 : vector<16xi32>
    %select_n3A_735 = arith.select %lt3A_734, %get3A_723, %broadcast_in_dim3A_3 : vector<16xi1>, vector<16xf32>
    %add3A_736 = arith.addf %add3A_731, %select_n3A_735 : vector<16xf32>
    %swap3A_737 = arith.constant 488 : index
    %swap3A_738 = tpu.vector_load %arg7[%swap3A_737] {strides = array<i32>} : memref<624xf32, #tpu.memory_space<vmem>>, vector<16xf32>,
    tpu.vector_store %arg7[%swap3A_737], %add3A_736 {strides = array<i32>} : memref<624xf32, #tpu.memory_space<vmem>>, vector<16xf32>,
    %get3A_739 = arith.constant 504 : index
    %get3A_740 = tpu.vector_load %arg6[%get3A_739] {strides = array<i32>} : memref<624xf32, #tpu.memory_space<vmem>>, vector<16xf32>,
    %get3A_741 = arith.constant 503 : index
    %get3A_742 = tpu.vector_load %arg6[%get3A_741] {strides = array<i32>} : memref<624xf32, #tpu.memory_space<vmem>>, vector<16xf32>,
    %get3A_743 = arith.constant 505 : index
    %get3A_744 = tpu.vector_load %arg6[%get3A_743] {strides = array<i32>} : memref<624xf32, #tpu.memory_space<vmem>>, vector<16xf32>,
    %mul3A_745 = arith.constant 2.000000e+00 : f32
    %mul3A_746 = vector.broadcast %mul3A_745 : f32 to vector<16xf32>
    %mul3A_747 = arith.mulf %get3A_740, %mul3A_746 : vector<16xf32>
    %gt3A_748 = arith.constant 0 : i32
    %gt3A_749 = vector.broadcast %gt3A_748 : i32 to vector<16xi32>
    %gt3A_750 = arith.cmpi sgt, %select_n3A_60, %gt3A_749 : vector<16xi32>
    %select_n3A_751 = arith.select %gt3A_750, %get3A_742, %broadcast_in_dim3A_3 : vector<16xi1>, vector<16xf32>
    %add3A_752 = arith.addf %mul3A_747, %select_n3A_751 : vector<16xf32>
    %lt3A_753 = arith.constant 23 : i32
    %lt3A_754 = vector.broadcast %lt3A_753 : i32 to vector<16xi32>
    %lt3A_755 = arith.cmpi slt, %select_n3A_60, %lt3A_754 : vector<16xi32>
    %select_n3A_756 = arith.select %lt3A_755, %get3A_744, %broadcast_in_dim3A_3 : vector<16xi1>, vector<16xf32>
    %add3A_757 = arith.addf %add3A_752, %select_n3A_756 : vector<16xf32>
    %swap3A_758 = arith.constant 504 : index
    %swap3A_759 = tpu.vector_load %arg7[%swap3A_758] {strides = array<i32>} : memref<624xf32, #tpu.memory_space<vmem>>, vector<16xf32>,
    tpu.vector_store %arg7[%swap3A_758], %add3A_757 {strides = array<i32>} : memref<624xf32, #tpu.memory_space<vmem>>, vector<16xf32>,
    %get3A_760 = arith.constant 520 : index
    %get3A_761 = tpu.vector_load %arg6[%get3A_760] {strides = array<i32>} : memref<624xf32, #tpu.memory_space<vmem>>, vector<16xf32>,
    %get3A_762 = arith.constant 519 : index
    %get3A_763 = tpu.vector_load %arg6[%get3A_762] {strides = array<i32>} : memref<624xf32, #tpu.memory_space<vmem>>, vector<16xf32>,
    %get3A_764 = arith.constant 521 : index
    %get3A_765 = tpu.vector_load %arg6[%get3A_764] {strides = array<i32>} : memref<624xf32, #tpu.memory_space<vmem>>, vector<16xf32>,
    %mul3A_766 = arith.constant 2.000000e+00 : f32
    %mul3A_767 = vector.broadcast %mul3A_766 : f32 to vector<16xf32>
    %mul3A_768 = arith.mulf %get3A_761, %mul3A_767 : vector<16xf32>
    %gt3A_769 = arith.constant 0 : i32
    %gt3A_770 = vector.broadcast %gt3A_769 : i32 to vector<16xi32>
    %gt3A_771 = arith.cmpi sgt, %select_n3A_85, %gt3A_770 : vector<16xi32>
    %select_n3A_772 = arith.select %gt3A_771, %get3A_763, %broadcast_in_dim3A_3 : vector<16xi1>, vector<16xf32>
    %add3A_773 = arith.addf %mul3A_768, %select_n3A_772 : vector<16xf32>
    %lt3A_774 = arith.constant 23 : i32
    %lt3A_775 = vector.broadcast %lt3A_774 : i32 to vector<16xi32>
    %lt3A_776 = arith.cmpi slt, %select_n3A_85, %lt3A_775 : vector<16xi32>
    %select_n3A_777 = arith.select %lt3A_776, %get3A_765, %broadcast_in_dim3A_3 : vector<16xi1>, vector<16xf32>
    %add3A_778 = arith.addf %add3A_773, %select_n3A_777 : vector<16xf32>
    %swap3A_779 = arith.constant 520 : index
    %swap3A_780 = tpu.vector_load %arg7[%swap3A_779] {strides = array<i32>} : memref<624xf32, #tpu.memory_space<vmem>>, vector<16xf32>,
    tpu.vector_store %arg7[%swap3A_779], %add3A_778 {strides = array<i32>} : memref<624xf32, #tpu.memory_space<vmem>>, vector<16xf32>,
    %get3A_781 = arith.constant 536 : index
    %get3A_782 = tpu.vector_load %arg6[%get3A_781] {strides = array<i32>} : memref<624xf32, #tpu.memory_space<vmem>>, vector<16xf32>,
    %get3A_783 = arith.constant 535 : index
    %get3A_784 = tpu.vector_load %arg6[%get3A_783] {strides = array<i32>} : memref<624xf32, #tpu.memory_space<vmem>>, vector<16xf32>,
    %get3A_785 = arith.constant 537 : index
    %get3A_786 = tpu.vector_load %arg6[%get3A_785] {strides = array<i32>} : memref<624xf32, #tpu.memory_space<vmem>>, vector<16xf32>,
    %mul3A_787 = arith.constant 2.000000e+00 : f32
    %mul3A_788 = vector.broadcast %mul3A_787 : f32 to vector<16xf32>
    %mul3A_789 = arith.mulf %get3A_782, %mul3A_788 : vector<16xf32>
    %gt3A_790 = arith.constant 0 : i32
    %gt3A_791 = vector.broadcast %gt3A_790 : i32 to vector<16xi32>
    %gt3A_792 = arith.cmpi sgt, %select_n3A_110, %gt3A_791 : vector<16xi32>
    %select_n3A_793 = arith.select %gt3A_792, %get3A_784, %broadcast_in_dim3A_3 : vector<16xi1>, vector<16xf32>
    %add3A_794 = arith.addf %mul3A_789, %select_n3A_793 : vector<16xf32>
    %lt3A_795 = arith.constant 23 : i32
    %lt3A_796 = vector.broadcast %lt3A_795 : i32 to vector<16xi32>
    %lt3A_797 = arith.cmpi slt, %select_n3A_110, %lt3A_796 : vector<16xi32>
    %select_n3A_798 = arith.select %lt3A_797, %get3A_786, %broadcast_in_dim3A_3 : vector<16xi1>, vector<16xf32>
    %add3A_799 = arith.addf %add3A_794, %select_n3A_798 : vector<16xf32>
    %swap3A_800 = arith.constant 536 : index
    %swap3A_801 = tpu.vector_load %arg7[%swap3A_800] {strides = array<i32>} : memref<624xf32, #tpu.memory_space<vmem>>, vector<16xf32>,
    tpu.vector_store %arg7[%swap3A_800], %add3A_799 {strides = array<i32>} : memref<624xf32, #tpu.memory_space<vmem>>, vector<16xf32>,
    %get3A_802 = arith.constant 552 : index
    %get3A_803 = tpu.vector_load %arg6[%get3A_802] {strides = array<i32>} : memref<624xf32, #tpu.memory_space<vmem>>, vector<16xf32>,
    %get3A_804 = arith.constant 551 : index
    %get3A_805 = tpu.vector_load %arg6[%get3A_804] {strides = array<i32>} : memref<624xf32, #tpu.memory_space<vmem>>, vector<16xf32>,
    %get3A_806 = arith.constant 553 : index
    %get3A_807 = tpu.vector_load %arg6[%get3A_806] {strides = array<i32>} : memref<624xf32, #tpu.memory_space<vmem>>, vector<16xf32>,
    %mul3A_808 = arith.constant 2.000000e+00 : f32
    %mul3A_809 = vector.broadcast %mul3A_808 : f32 to vector<16xf32>
    %mul3A_810 = arith.mulf %get3A_803, %mul3A_809 : vector<16xf32>
    %gt3A_811 = arith.constant 0 : i32
    %gt3A_812 = vector.broadcast %gt3A_811 : i32 to vector<16xi32>
    %gt3A_813 = arith.cmpi sgt, %select_n3A_60, %gt3A_812 : vector<16xi32>
    %select_n3A_814 = arith.select %gt3A_813, %get3A_805, %broadcast_in_dim3A_3 : vector<16xi1>, vector<16xf32>
    %add3A_815 = arith.addf %mul3A_810, %select_n3A_814 : vector<16xf32>
    %lt3A_816 = arith.constant 23 : i32
    %lt3A_817 = vector.broadcast %lt3A_816 : i32 to vector<16xi32>
    %lt3A_818 = arith.cmpi slt, %select_n3A_60, %lt3A_817 : vector<16xi32>
    %select_n3A_819 = arith.select %lt3A_818, %get3A_807, %broadcast_in_dim3A_3 : vector<16xi1>, vector<16xf32>
    %add3A_820 = arith.addf %add3A_815, %select_n3A_819 : vector<16xf32>
    %swap3A_821 = arith.constant 552 : index
    %swap3A_822 = tpu.vector_load %arg7[%swap3A_821] {strides = array<i32>} : memref<624xf32, #tpu.memory_space<vmem>>, vector<16xf32>,
    tpu.vector_store %arg7[%swap3A_821], %add3A_820 {strides = array<i32>} : memref<624xf32, #tpu.memory_space<vmem>>, vector<16xf32>,
    %get3A_823 = arith.constant 568 : index
    %get3A_824 = tpu.vector_load %arg6[%get3A_823] {strides = array<i32>} : memref<624xf32, #tpu.memory_space<vmem>>, vector<16xf32>,
    %get3A_825 = arith.constant 567 : index
    %get3A_826 = tpu.vector_load %arg6[%get3A_825] {strides = array<i32>} : memref<624xf32, #tpu.memory_space<vmem>>, vector<16xf32>,
    %get3A_827 = arith.constant 569 : index
    %get3A_828 = tpu.vector_load %arg6[%get3A_827] {strides = array<i32>} : memref<624xf32, #tpu.memory_space<vmem>>, vector<16xf32>,
    %mul3A_829 = arith.constant 2.000000e+00 : f32
    %mul3A_830 = vector.broadcast %mul3A_829 : f32 to vector<16xf32>
    %mul3A_831 = arith.mulf %get3A_824, %mul3A_830 : vector<16xf32>
    %gt3A_832 = arith.constant 0 : i32
    %gt3A_833 = vector.broadcast %gt3A_832 : i32 to vector<16xi32>
    %gt3A_834 = arith.cmpi sgt, %select_n3A_85, %gt3A_833 : vector<16xi32>
    %select_n3A_835 = arith.select %gt3A_834, %get3A_826, %broadcast_in_dim3A_3 : vector<16xi1>, vector<16xf32>
    %add3A_836 = arith.addf %mul3A_831, %select_n3A_835 : vector<16xf32>
    %lt3A_837 = arith.constant 23 : i32
    %lt3A_838 = vector.broadcast %lt3A_837 : i32 to vector<16xi32>
    %lt3A_839 = arith.cmpi slt, %select_n3A_85, %lt3A_838 : vector<16xi32>
    %select_n3A_840 = arith.select %lt3A_839, %get3A_828, %broadcast_in_dim3A_3 : vector<16xi1>, vector<16xf32>
    %add3A_841 = arith.addf %add3A_836, %select_n3A_840 : vector<16xf32>
    %swap3A_842 = arith.constant 568 : index
    %swap3A_843 = tpu.vector_load %arg7[%swap3A_842] {strides = array<i32>} : memref<624xf32, #tpu.memory_space<vmem>>, vector<16xf32>,
    tpu.vector_store %arg7[%swap3A_842], %add3A_841 {strides = array<i32>} : memref<624xf32, #tpu.memory_space<vmem>>, vector<16xf32>,
    %get3A_844 = arith.constant 584 : index
    %get3A_845 = tpu.vector_load %arg6[%get3A_844] {strides = array<i32>} : memref<624xf32, #tpu.memory_space<vmem>>, vector<16xf32>,
    %get3A_846 = arith.constant 583 : index
    %get3A_847 = tpu.vector_load %arg6[%get3A_846] {strides = array<i32>} : memref<624xf32, #tpu.memory_space<vmem>>, vector<16xf32>,
    %get3A_848 = arith.constant 585 : index
    %get3A_849 = tpu.vector_load %arg6[%get3A_848] {strides = array<i32>} : memref<624xf32, #tpu.memory_space<vmem>>, vector<16xf32>,
    %mul3A_850 = arith.constant 2.000000e+00 : f32
    %mul3A_851 = vector.broadcast %mul3A_850 : f32 to vector<16xf32>
    %mul3A_852 = arith.mulf %get3A_845, %mul3A_851 : vector<16xf32>
    %gt3A_853 = arith.constant 0 : i32
    %gt3A_854 = vector.broadcast %gt3A_853 : i32 to vector<16xi32>
    %gt3A_855 = arith.cmpi sgt, %select_n3A_110, %gt3A_854 : vector<16xi32>
    %select_n3A_856 = arith.select %gt3A_855, %get3A_847, %broadcast_in_dim3A_3 : vector<16xi1>, vector<16xf32>
    %add3A_857 = arith.addf %mul3A_852, %select_n3A_856 : vector<16xf32>
    %lt3A_858 = arith.constant 23 : i32
    %lt3A_859 = vector.broadcast %lt3A_858 : i32 to vector<16xi32>
    %lt3A_860 = arith.cmpi slt, %select_n3A_110, %lt3A_859 : vector<16xi32>
    %select_n3A_861 = arith.select %lt3A_860, %get3A_849, %broadcast_in_dim3A_3 : vector<16xi1>, vector<16xf32>
    %add3A_862 = arith.addf %add3A_857, %select_n3A_861 : vector<16xf32>
    %swap3A_863 = arith.constant 584 : index
    %swap3A_864 = tpu.vector_load %arg7[%swap3A_863] {strides = array<i32>} : memref<624xf32, #tpu.memory_space<vmem>>, vector<16xf32>,
    tpu.vector_store %arg7[%swap3A_863], %add3A_862 {strides = array<i32>} : memref<624xf32, #tpu.memory_space<vmem>>, vector<16xf32>,
    %get3A_865 = arith.constant 24 : index
    %get3A_866 = tpu.vector_load %arg7[%get3A_865] {strides = array<i32>} : memref<624xf32, #tpu.memory_space<vmem>>, vector<16xf32>,
    %get3A_867 = arith.constant 0 : index
    %get3A_868 = tpu.vector_load %arg7[%get3A_867] {strides = array<i32>} : memref<624xf32, #tpu.memory_space<vmem>>, vector<16xf32>,
    %get3A_869 = arith.constant 48 : index
    %get3A_870 = tpu.vector_load %arg7[%get3A_869] {strides = array<i32>} : memref<624xf32, #tpu.memory_space<vmem>>, vector<16xf32>,
    %mul3A_871 = arith.constant 2.000000e+00 : f32
    %mul3A_872 = vector.broadcast %mul3A_871 : f32 to vector<16xf32>
    %mul3A_873 = arith.mulf %get3A_866, %mul3A_872 : vector<16xf32>
    %add3A_874 = arith.addf %mul3A_873, %get3A_868 : vector<16xf32>
    %add3A_875 = arith.addf %add3A_874, %get3A_870 : vector<16xf32>
    %convert_element_type3A = arith.fptosi %add3A_875 : vector<16xf32> to vector<16xi32>
    %swap3A_876 = arith.constant 0 : index
    %swap3A_877 = tpu.vector_load %arg8[%swap3A_876] {strides = array<i32>} : memref<576xi32, #tpu.memory_space<vmem>>, vector<16xi32>,
    tpu.vector_store %arg8[%swap3A_876], %convert_element_type3A {strides = array<i32>} : memref<576xi32, #tpu.memory_space<vmem>>, vector<16xi32>,
    %get3A_878 = arith.constant 40 : index
    %get3A_879 = tpu.vector_load %arg7[%get3A_878] {strides = array<i32>} : memref<624xf32, #tpu.memory_space<vmem>>, vector<16xf32>,
    %get3A_880 = arith.constant 16 : index
    %get3A_881 = tpu.vector_load %arg7[%get3A_880] {strides = array<i32>} : memref<624xf32, #tpu.memory_space<vmem>>, vector<16xf32>,
    %get3A_882 = arith.constant 64 : index
    %get3A_883 = tpu.vector_load %arg7[%get3A_882] {strides = array<i32>} : memref<624xf32, #tpu.memory_space<vmem>>, vector<16xf32>,
    %mul3A_884 = arith.constant 2.000000e+00 : f32
    %mul3A_885 = vector.broadcast %mul3A_884 : f32 to vector<16xf32>
    %mul3A_886 = arith.mulf %get3A_879, %mul3A_885 : vector<16xf32>
    %add3A_887 = arith.addf %mul3A_886, %get3A_881 : vector<16xf32>
    %add3A_888 = arith.addf %add3A_887, %get3A_883 : vector<16xf32>
    %convert_element_type3A_889 = arith.fptosi %add3A_888 : vector<16xf32> to vector<16xi32>
    %swap3A_890 = arith.constant 16 : index
    %swap3A_891 = tpu.vector_load %arg8[%swap3A_890] {strides = array<i32>} : memref<576xi32, #tpu.memory_space<vmem>>, vector<16xi32>,
    tpu.vector_store %arg8[%swap3A_890], %convert_element_type3A_889 {strides = array<i32>} : memref<576xi32, #tpu.memory_space<vmem>>, vector<16xi32>,
    %get3A_892 = arith.constant 56 : index
    %get3A_893 = tpu.vector_load %arg7[%get3A_892] {strides = array<i32>} : memref<624xf32, #tpu.memory_space<vmem>>, vector<16xf32>,
    %get3A_894 = arith.constant 32 : index
    %get3A_895 = tpu.vector_load %arg7[%get3A_894] {strides = array<i32>} : memref<624xf32, #tpu.memory_space<vmem>>, vector<16xf32>,
    %get3A_896 = arith.constant 80 : index
    %get3A_897 = tpu.vector_load %arg7[%get3A_896] {strides = array<i32>} : memref<624xf32, #tpu.memory_space<vmem>>, vector<16xf32>,
    %mul3A_898 = arith.constant 2.000000e+00 : f32
    %mul3A_899 = vector.broadcast %mul3A_898 : f32 to vector<16xf32>
    %mul3A_900 = arith.mulf %get3A_893, %mul3A_899 : vector<16xf32>
    %add3A_901 = arith.addf %mul3A_900, %get3A_895 : vector<16xf32>
    %add3A_902 = arith.addf %add3A_901, %get3A_897 : vector<16xf32>
    %convert_element_type3A_903 = arith.fptosi %add3A_902 : vector<16xf32> to vector<16xi32>
    %swap3A_904 = arith.constant 32 : index
    %swap3A_905 = tpu.vector_load %arg8[%swap3A_904] {strides = array<i32>} : memref<576xi32, #tpu.memory_space<vmem>>, vector<16xi32>,
    tpu.vector_store %arg8[%swap3A_904], %convert_element_type3A_903 {strides = array<i32>} : memref<576xi32, #tpu.memory_space<vmem>>, vector<16xi32>,
    %get3A_906 = arith.constant 72 : index
    %get3A_907 = tpu.vector_load %arg7[%get3A_906] {strides = array<i32>} : memref<624xf32, #tpu.memory_space<vmem>>, vector<16xf32>,
    %get3A_908 = arith.constant 48 : index
    %get3A_909 = tpu.vector_load %arg7[%get3A_908] {strides = array<i32>} : memref<624xf32, #tpu.memory_space<vmem>>, vector<16xf32>,
    %get3A_910 = arith.constant 96 : index
    %get3A_911 = tpu.vector_load %arg7[%get3A_910] {strides = array<i32>} : memref<624xf32, #tpu.memory_space<vmem>>, vector<16xf32>,
    %mul3A_912 = arith.constant 2.000000e+00 : f32
    %mul3A_913 = vector.broadcast %mul3A_912 : f32 to vector<16xf32>
    %mul3A_914 = arith.mulf %get3A_907, %mul3A_913 : vector<16xf32>
    %add3A_915 = arith.addf %mul3A_914, %get3A_909 : vector<16xf32>
    %add3A_916 = arith.addf %add3A_915, %get3A_911 : vector<16xf32>
    %convert_element_type3A_917 = arith.fptosi %add3A_916 : vector<16xf32> to vector<16xi32>
    %swap3A_918 = arith.constant 48 : index
    %swap3A_919 = tpu.vector_load %arg8[%swap3A_918] {strides = array<i32>} : memref<576xi32, #tpu.memory_space<vmem>>, vector<16xi32>,
    tpu.vector_store %arg8[%swap3A_918], %convert_element_type3A_917 {strides = array<i32>} : memref<576xi32, #tpu.memory_space<vmem>>, vector<16xi32>,
    %get3A_920 = arith.constant 88 : index
    %get3A_921 = tpu.vector_load %arg7[%get3A_920] {strides = array<i32>} : memref<624xf32, #tpu.memory_space<vmem>>, vector<16xf32>,
    %get3A_922 = arith.constant 64 : index
    %get3A_923 = tpu.vector_load %arg7[%get3A_922] {strides = array<i32>} : memref<624xf32, #tpu.memory_space<vmem>>, vector<16xf32>,
    %get3A_924 = arith.constant 112 : index
    %get3A_925 = tpu.vector_load %arg7[%get3A_924] {strides = array<i32>} : memref<624xf32, #tpu.memory_space<vmem>>, vector<16xf32>,
    %mul3A_926 = arith.constant 2.000000e+00 : f32
    %mul3A_927 = vector.broadcast %mul3A_926 : f32 to vector<16xf32>
    %mul3A_928 = arith.mulf %get3A_921, %mul3A_927 : vector<16xf32>
    %add3A_929 = arith.addf %mul3A_928, %get3A_923 : vector<16xf32>
    %add3A_930 = arith.addf %add3A_929, %get3A_925 : vector<16xf32>
    %convert_element_type3A_931 = arith.fptosi %add3A_930 : vector<16xf32> to vector<16xi32>
    %swap3A_932 = arith.constant 64 : index
    %swap3A_933 = tpu.vector_load %arg8[%swap3A_932] {strides = array<i32>} : memref<576xi32, #tpu.memory_space<vmem>>, vector<16xi32>,
    tpu.vector_store %arg8[%swap3A_932], %convert_element_type3A_931 {strides = array<i32>} : memref<576xi32, #tpu.memory_space<vmem>>, vector<16xi32>,
    %get3A_934 = arith.constant 104 : index
    %get3A_935 = tpu.vector_load %arg7[%get3A_934] {strides = array<i32>} : memref<624xf32, #tpu.memory_space<vmem>>, vector<16xf32>,
    %get3A_936 = arith.constant 80 : index
    %get3A_937 = tpu.vector_load %arg7[%get3A_936] {strides = array<i32>} : memref<624xf32, #tpu.memory_space<vmem>>, vector<16xf32>,
    %get3A_938 = arith.constant 128 : index
    %get3A_939 = tpu.vector_load %arg7[%get3A_938] {strides = array<i32>} : memref<624xf32, #tpu.memory_space<vmem>>, vector<16xf32>,
    %mul3A_940 = arith.constant 2.000000e+00 : f32
    %mul3A_941 = vector.broadcast %mul3A_940 : f32 to vector<16xf32>
    %mul3A_942 = arith.mulf %get3A_935, %mul3A_941 : vector<16xf32>
    %add3A_943 = arith.addf %mul3A_942, %get3A_937 : vector<16xf32>
    %add3A_944 = arith.addf %add3A_943, %get3A_939 : vector<16xf32>
    %convert_element_type3A_945 = arith.fptosi %add3A_944 : vector<16xf32> to vector<16xi32>
    %swap3A_946 = arith.constant 80 : index
    %swap3A_947 = tpu.vector_load %arg8[%swap3A_946] {strides = array<i32>} : memref<576xi32, #tpu.memory_space<vmem>>, vector<16xi32>,
    tpu.vector_store %arg8[%swap3A_946], %convert_element_type3A_945 {strides = array<i32>} : memref<576xi32, #tpu.memory_space<vmem>>, vector<16xi32>,
    %get3A_948 = arith.constant 120 : index
    %get3A_949 = tpu.vector_load %arg7[%get3A_948] {strides = array<i32>} : memref<624xf32, #tpu.memory_space<vmem>>, vector<16xf32>,
    %get3A_950 = arith.constant 96 : index
    %get3A_951 = tpu.vector_load %arg7[%get3A_950] {strides = array<i32>} : memref<624xf32, #tpu.memory_space<vmem>>, vector<16xf32>,
    %get3A_952 = arith.constant 144 : index
    %get3A_953 = tpu.vector_load %arg7[%get3A_952] {strides = array<i32>} : memref<624xf32, #tpu.memory_space<vmem>>, vector<16xf32>,
    %mul3A_954 = arith.constant 2.000000e+00 : f32
    %mul3A_955 = vector.broadcast %mul3A_954 : f32 to vector<16xf32>
    %mul3A_956 = arith.mulf %get3A_949, %mul3A_955 : vector<16xf32>
    %add3A_957 = arith.addf %mul3A_956, %get3A_951 : vector<16xf32>
    %add3A_958 = arith.addf %add3A_957, %get3A_953 : vector<16xf32>
    %convert_element_type3A_959 = arith.fptosi %add3A_958 : vector<16xf32> to vector<16xi32>
    %swap3A_960 = arith.constant 96 : index
    %swap3A_961 = tpu.vector_load %arg8[%swap3A_960] {strides = array<i32>} : memref<576xi32, #tpu.memory_space<vmem>>, vector<16xi32>,
    tpu.vector_store %arg8[%swap3A_960], %convert_element_type3A_959 {strides = array<i32>} : memref<576xi32, #tpu.memory_space<vmem>>, vector<16xi32>,
    %get3A_962 = arith.constant 136 : index
    %get3A_963 = tpu.vector_load %arg7[%get3A_962] {strides = array<i32>} : memref<624xf32, #tpu.memory_space<vmem>>, vector<16xf32>,
    %get3A_964 = arith.constant 112 : index
    %get3A_965 = tpu.vector_load %arg7[%get3A_964] {strides = array<i32>} : memref<624xf32, #tpu.memory_space<vmem>>, vector<16xf32>,
    %get3A_966 = arith.constant 160 : index
    %get3A_967 = tpu.vector_load %arg7[%get3A_966] {strides = array<i32>} : memref<624xf32, #tpu.memory_space<vmem>>, vector<16xf32>,
    %mul3A_968 = arith.constant 2.000000e+00 : f32
    %mul3A_969 = vector.broadcast %mul3A_968 : f32 to vector<16xf32>
    %mul3A_970 = arith.mulf %get3A_963, %mul3A_969 : vector<16xf32>
    %add3A_971 = arith.addf %mul3A_970, %get3A_965 : vector<16xf32>
    %add3A_972 = arith.addf %add3A_971, %get3A_967 : vector<16xf32>
    %convert_element_type3A_973 = arith.fptosi %add3A_972 : vector<16xf32> to vector<16xi32>
    %swap3A_974 = arith.constant 112 : index
    %swap3A_975 = tpu.vector_load %arg8[%swap3A_974] {strides = array<i32>} : memref<576xi32, #tpu.memory_space<vmem>>, vector<16xi32>,
    tpu.vector_store %arg8[%swap3A_974], %convert_element_type3A_973 {strides = array<i32>} : memref<576xi32, #tpu.memory_space<vmem>>, vector<16xi32>,
    %get3A_976 = arith.constant 152 : index
    %get3A_977 = tpu.vector_load %arg7[%get3A_976] {strides = array<i32>} : memref<624xf32, #tpu.memory_space<vmem>>, vector<16xf32>,
    %get3A_978 = arith.constant 128 : index
    %get3A_979 = tpu.vector_load %arg7[%get3A_978] {strides = array<i32>} : memref<624xf32, #tpu.memory_space<vmem>>, vector<16xf32>,
    %get3A_980 = arith.constant 176 : index
    %get3A_981 = tpu.vector_load %arg7[%get3A_980] {strides = array<i32>} : memref<624xf32, #tpu.memory_space<vmem>>, vector<16xf32>,
    %mul3A_982 = arith.constant 2.000000e+00 : f32
    %mul3A_983 = vector.broadcast %mul3A_982 : f32 to vector<16xf32>
    %mul3A_984 = arith.mulf %get3A_977, %mul3A_983 : vector<16xf32>
    %add3A_985 = arith.addf %mul3A_984, %get3A_979 : vector<16xf32>
    %add3A_986 = arith.addf %add3A_985, %get3A_981 : vector<16xf32>
    %convert_element_type3A_987 = arith.fptosi %add3A_986 : vector<16xf32> to vector<16xi32>
    %swap3A_988 = arith.constant 128 : index
    %swap3A_989 = tpu.vector_load %arg8[%swap3A_988] {strides = array<i32>} : memref<576xi32, #tpu.memory_space<vmem>>, vector<16xi32>,
    tpu.vector_store %arg8[%swap3A_988], %convert_element_type3A_987 {strides = array<i32>} : memref<576xi32, #tpu.memory_space<vmem>>, vector<16xi32>,
    %get3A_990 = arith.constant 168 : index
    %get3A_991 = tpu.vector_load %arg7[%get3A_990] {strides = array<i32>} : memref<624xf32, #tpu.memory_space<vmem>>, vector<16xf32>,
    %get3A_992 = arith.constant 144 : index
    %get3A_993 = tpu.vector_load %arg7[%get3A_992] {strides = array<i32>} : memref<624xf32, #tpu.memory_space<vmem>>, vector<16xf32>,
    %get3A_994 = arith.constant 192 : index
    %get3A_995 = tpu.vector_load %arg7[%get3A_994] {strides = array<i32>} : memref<624xf32, #tpu.memory_space<vmem>>, vector<16xf32>,
    %mul3A_996 = arith.constant 2.000000e+00 : f32
    %mul3A_997 = vector.broadcast %mul3A_996 : f32 to vector<16xf32>
    %mul3A_998 = arith.mulf %get3A_991, %mul3A_997 : vector<16xf32>
    %add3A_999 = arith.addf %mul3A_998, %get3A_993 : vector<16xf32>
    %add3A_1000 = arith.addf %add3A_999, %get3A_995 : vector<16xf32>
    %convert_element_type3A_1001 = arith.fptosi %add3A_1000 : vector<16xf32> to vector<16xi32>
    %swap3A_1002 = arith.constant 144 : index
    %swap3A_1003 = tpu.vector_load %arg8[%swap3A_1002] {strides = array<i32>} : memref<576xi32, #tpu.memory_space<vmem>>, vector<16xi32>,
    tpu.vector_store %arg8[%swap3A_1002], %convert_element_type3A_1001 {strides = array<i32>} : memref<576xi32, #tpu.memory_space<vmem>>, vector<16xi32>,
    %get3A_1004 = arith.constant 184 : index
    %get3A_1005 = tpu.vector_load %arg7[%get3A_1004] {strides = array<i32>} : memref<624xf32, #tpu.memory_space<vmem>>, vector<16xf32>,
    %get3A_1006 = arith.constant 160 : index
    %get3A_1007 = tpu.vector_load %arg7[%get3A_1006] {strides = array<i32>} : memref<624xf32, #tpu.memory_space<vmem>>, vector<16xf32>,
    %get3A_1008 = arith.constant 208 : index
    %get3A_1009 = tpu.vector_load %arg7[%get3A_1008] {strides = array<i32>} : memref<624xf32, #tpu.memory_space<vmem>>, vector<16xf32>,
    %mul3A_1010 = arith.constant 2.000000e+00 : f32
    %mul3A_1011 = vector.broadcast %mul3A_1010 : f32 to vector<16xf32>
    %mul3A_1012 = arith.mulf %get3A_1005, %mul3A_1011 : vector<16xf32>
    %add3A_1013 = arith.addf %mul3A_1012, %get3A_1007 : vector<16xf32>
    %add3A_1014 = arith.addf %add3A_1013, %get3A_1009 : vector<16xf32>
    %convert_element_type3A_1015 = arith.fptosi %add3A_1014 : vector<16xf32> to vector<16xi32>
    %swap3A_1016 = arith.constant 160 : index
    %swap3A_1017 = tpu.vector_load %arg8[%swap3A_1016] {strides = array<i32>} : memref<576xi32, #tpu.memory_space<vmem>>, vector<16xi32>,
    tpu.vector_store %arg8[%swap3A_1016], %convert_element_type3A_1015 {strides = array<i32>} : memref<576xi32, #tpu.memory_space<vmem>>, vector<16xi32>,
    %get3A_1018 = arith.constant 200 : index
    %get3A_1019 = tpu.vector_load %arg7[%get3A_1018] {strides = array<i32>} : memref<624xf32, #tpu.memory_space<vmem>>, vector<16xf32>,
    %get3A_1020 = arith.constant 176 : index
    %get3A_1021 = tpu.vector_load %arg7[%get3A_1020] {strides = array<i32>} : memref<624xf32, #tpu.memory_space<vmem>>, vector<16xf32>,
    %get3A_1022 = arith.constant 224 : index
    %get3A_1023 = tpu.vector_load %arg7[%get3A_1022] {strides = array<i32>} : memref<624xf32, #tpu.memory_space<vmem>>, vector<16xf32>,
    %mul3A_1024 = arith.constant 2.000000e+00 : f32
    %mul3A_1025 = vector.broadcast %mul3A_1024 : f32 to vector<16xf32>
    %mul3A_1026 = arith.mulf %get3A_1019, %mul3A_1025 : vector<16xf32>
    %add3A_1027 = arith.addf %mul3A_1026, %get3A_1021 : vector<16xf32>
    %add3A_1028 = arith.addf %add3A_1027, %get3A_1023 : vector<16xf32>
    %convert_element_type3A_1029 = arith.fptosi %add3A_1028 : vector<16xf32> to vector<16xi32>
    %swap3A_1030 = arith.constant 176 : index
    %swap3A_1031 = tpu.vector_load %arg8[%swap3A_1030] {strides = array<i32>} : memref<576xi32, #tpu.memory_space<vmem>>, vector<16xi32>,
    tpu.vector_store %arg8[%swap3A_1030], %convert_element_type3A_1029 {strides = array<i32>} : memref<576xi32, #tpu.memory_space<vmem>>, vector<16xi32>,
    %get3A_1032 = arith.constant 216 : index
    %get3A_1033 = tpu.vector_load %arg7[%get3A_1032] {strides = array<i32>} : memref<624xf32, #tpu.memory_space<vmem>>, vector<16xf32>,
    %get3A_1034 = arith.constant 192 : index
    %get3A_1035 = tpu.vector_load %arg7[%get3A_1034] {strides = array<i32>} : memref<624xf32, #tpu.memory_space<vmem>>, vector<16xf32>,
    %get3A_1036 = arith.constant 240 : index
    %get3A_1037 = tpu.vector_load %arg7[%get3A_1036] {strides = array<i32>} : memref<624xf32, #tpu.memory_space<vmem>>, vector<16xf32>,
    %mul3A_1038 = arith.constant 2.000000e+00 : f32
    %mul3A_1039 = vector.broadcast %mul3A_1038 : f32 to vector<16xf32>
    %mul3A_1040 = arith.mulf %get3A_1033, %mul3A_1039 : vector<16xf32>
    %add3A_1041 = arith.addf %mul3A_1040, %get3A_1035 : vector<16xf32>
    %add3A_1042 = arith.addf %add3A_1041, %get3A_1037 : vector<16xf32>
    %convert_element_type3A_1043 = arith.fptosi %add3A_1042 : vector<16xf32> to vector<16xi32>
    %swap3A_1044 = arith.constant 192 : index
    %swap3A_1045 = tpu.vector_load %arg8[%swap3A_1044] {strides = array<i32>} : memref<576xi32, #tpu.memory_space<vmem>>, vector<16xi32>,
    tpu.vector_store %arg8[%swap3A_1044], %convert_element_type3A_1043 {strides = array<i32>} : memref<576xi32, #tpu.memory_space<vmem>>, vector<16xi32>,
    %get3A_1046 = arith.constant 232 : index
    %get3A_1047 = tpu.vector_load %arg7[%get3A_1046] {strides = array<i32>} : memref<624xf32, #tpu.memory_space<vmem>>, vector<16xf32>,
    %get3A_1048 = arith.constant 208 : index
    %get3A_1049 = tpu.vector_load %arg7[%get3A_1048] {strides = array<i32>} : memref<624xf32, #tpu.memory_space<vmem>>, vector<16xf32>,
    %get3A_1050 = arith.constant 256 : index
    %get3A_1051 = tpu.vector_load %arg7[%get3A_1050] {strides = array<i32>} : memref<624xf32, #tpu.memory_space<vmem>>, vector<16xf32>,
    %mul3A_1052 = arith.constant 2.000000e+00 : f32
    %mul3A_1053 = vector.broadcast %mul3A_1052 : f32 to vector<16xf32>
    %mul3A_1054 = arith.mulf %get3A_1047, %mul3A_1053 : vector<16xf32>
    %add3A_1055 = arith.addf %mul3A_1054, %get3A_1049 : vector<16xf32>
    %add3A_1056 = arith.addf %add3A_1055, %get3A_1051 : vector<16xf32>
    %convert_element_type3A_1057 = arith.fptosi %add3A_1056 : vector<16xf32> to vector<16xi32>
    %swap3A_1058 = arith.constant 208 : index
    %swap3A_1059 = tpu.vector_load %arg8[%swap3A_1058] {strides = array<i32>} : memref<576xi32, #tpu.memory_space<vmem>>, vector<16xi32>,
    tpu.vector_store %arg8[%swap3A_1058], %convert_element_type3A_1057 {strides = array<i32>} : memref<576xi32, #tpu.memory_space<vmem>>, vector<16xi32>,
    %get3A_1060 = arith.constant 248 : index
    %get3A_1061 = tpu.vector_load %arg7[%get3A_1060] {strides = array<i32>} : memref<624xf32, #tpu.memory_space<vmem>>, vector<16xf32>,
    %get3A_1062 = arith.constant 224 : index
    %get3A_1063 = tpu.vector_load %arg7[%get3A_1062] {strides = array<i32>} : memref<624xf32, #tpu.memory_space<vmem>>, vector<16xf32>,
    %get3A_1064 = arith.constant 272 : index
    %get3A_1065 = tpu.vector_load %arg7[%get3A_1064] {strides = array<i32>} : memref<624xf32, #tpu.memory_space<vmem>>, vector<16xf32>,
    %mul3A_1066 = arith.constant 2.000000e+00 : f32
    %mul3A_1067 = vector.broadcast %mul3A_1066 : f32 to vector<16xf32>
    %mul3A_1068 = arith.mulf %get3A_1061, %mul3A_1067 : vector<16xf32>
    %add3A_1069 = arith.addf %mul3A_1068, %get3A_1063 : vector<16xf32>
    %add3A_1070 = arith.addf %add3A_1069, %get3A_1065 : vector<16xf32>
    %convert_element_type3A_1071 = arith.fptosi %add3A_1070 : vector<16xf32> to vector<16xi32>
    %swap3A_1072 = arith.constant 224 : index
    %swap3A_1073 = tpu.vector_load %arg8[%swap3A_1072] {strides = array<i32>} : memref<576xi32, #tpu.memory_space<vmem>>, vector<16xi32>,
    tpu.vector_store %arg8[%swap3A_1072], %convert_element_type3A_1071 {strides = array<i32>} : memref<576xi32, #tpu.memory_space<vmem>>, vector<16xi32>,
    %get3A_1074 = arith.constant 264 : index
    %get3A_1075 = tpu.vector_load %arg7[%get3A_1074] {strides = array<i32>} : memref<624xf32, #tpu.memory_space<vmem>>, vector<16xf32>,
    %get3A_1076 = arith.constant 240 : index
    %get3A_1077 = tpu.vector_load %arg7[%get3A_1076] {strides = array<i32>} : memref<624xf32, #tpu.memory_space<vmem>>, vector<16xf32>,
    %get3A_1078 = arith.constant 288 : index
    %get3A_1079 = tpu.vector_load %arg7[%get3A_1078] {strides = array<i32>} : memref<624xf32, #tpu.memory_space<vmem>>, vector<16xf32>,
    %mul3A_1080 = arith.constant 2.000000e+00 : f32
    %mul3A_1081 = vector.broadcast %mul3A_1080 : f32 to vector<16xf32>
    %mul3A_1082 = arith.mulf %get3A_1075, %mul3A_1081 : vector<16xf32>
    %add3A_1083 = arith.addf %mul3A_1082, %get3A_1077 : vector<16xf32>
    %add3A_1084 = arith.addf %add3A_1083, %get3A_1079 : vector<16xf32>
    %convert_element_type3A_1085 = arith.fptosi %add3A_1084 : vector<16xf32> to vector<16xi32>
    %swap3A_1086 = arith.constant 240 : index
    %swap3A_1087 = tpu.vector_load %arg8[%swap3A_1086] {strides = array<i32>} : memref<576xi32, #tpu.memory_space<vmem>>, vector<16xi32>,
    tpu.vector_store %arg8[%swap3A_1086], %convert_element_type3A_1085 {strides = array<i32>} : memref<576xi32, #tpu.memory_space<vmem>>, vector<16xi32>,
    %get3A_1088 = arith.constant 280 : index
    %get3A_1089 = tpu.vector_load %arg7[%get3A_1088] {strides = array<i32>} : memref<624xf32, #tpu.memory_space<vmem>>, vector<16xf32>,
    %get3A_1090 = arith.constant 256 : index
    %get3A_1091 = tpu.vector_load %arg7[%get3A_1090] {strides = array<i32>} : memref<624xf32, #tpu.memory_space<vmem>>, vector<16xf32>,
    %get3A_1092 = arith.constant 304 : index
    %get3A_1093 = tpu.vector_load %arg7[%get3A_1092] {strides = array<i32>} : memref<624xf32, #tpu.memory_space<vmem>>, vector<16xf32>,
    %mul3A_1094 = arith.constant 2.000000e+00 : f32
    %mul3A_1095 = vector.broadcast %mul3A_1094 : f32 to vector<16xf32>
    %mul3A_1096 = arith.mulf %get3A_1089, %mul3A_1095 : vector<16xf32>
    %add3A_1097 = arith.addf %mul3A_1096, %get3A_1091 : vector<16xf32>
    %add3A_1098 = arith.addf %add3A_1097, %get3A_1093 : vector<16xf32>
    %convert_element_type3A_1099 = arith.fptosi %add3A_1098 : vector<16xf32> to vector<16xi32>
    %swap3A_1100 = arith.constant 256 : index
    %swap3A_1101 = tpu.vector_load %arg8[%swap3A_1100] {strides = array<i32>} : memref<576xi32, #tpu.memory_space<vmem>>, vector<16xi32>,
    tpu.vector_store %arg8[%swap3A_1100], %convert_element_type3A_1099 {strides = array<i32>} : memref<576xi32, #tpu.memory_space<vmem>>, vector<16xi32>,
    %get3A_1102 = arith.constant 296 : index
    %get3A_1103 = tpu.vector_load %arg7[%get3A_1102] {strides = array<i32>} : memref<624xf32, #tpu.memory_space<vmem>>, vector<16xf32>,
    %get3A_1104 = arith.constant 272 : index
    %get3A_1105 = tpu.vector_load %arg7[%get3A_1104] {strides = array<i32>} : memref<624xf32, #tpu.memory_space<vmem>>, vector<16xf32>,
    %get3A_1106 = arith.constant 320 : index
    %get3A_1107 = tpu.vector_load %arg7[%get3A_1106] {strides = array<i32>} : memref<624xf32, #tpu.memory_space<vmem>>, vector<16xf32>,
    %mul3A_1108 = arith.constant 2.000000e+00 : f32
    %mul3A_1109 = vector.broadcast %mul3A_1108 : f32 to vector<16xf32>
    %mul3A_1110 = arith.mulf %get3A_1103, %mul3A_1109 : vector<16xf32>
    %add3A_1111 = arith.addf %mul3A_1110, %get3A_1105 : vector<16xf32>
    %add3A_1112 = arith.addf %add3A_1111, %get3A_1107 : vector<16xf32>
    %convert_element_type3A_1113 = arith.fptosi %add3A_1112 : vector<16xf32> to vector<16xi32>
    %swap3A_1114 = arith.constant 272 : index
    %swap3A_1115 = tpu.vector_load %arg8[%swap3A_1114] {strides = array<i32>} : memref<576xi32, #tpu.memory_space<vmem>>, vector<16xi32>,
    tpu.vector_store %arg8[%swap3A_1114], %convert_element_type3A_1113 {strides = array<i32>} : memref<576xi32, #tpu.memory_space<vmem>>, vector<16xi32>,
    %get3A_1116 = arith.constant 312 : index
    %get3A_1117 = tpu.vector_load %arg7[%get3A_1116] {strides = array<i32>} : memref<624xf32, #tpu.memory_space<vmem>>, vector<16xf32>,
    %get3A_1118 = arith.constant 288 : index
    %get3A_1119 = tpu.vector_load %arg7[%get3A_1118] {strides = array<i32>} : memref<624xf32, #tpu.memory_space<vmem>>, vector<16xf32>,
    %get3A_1120 = arith.constant 336 : index
    %get3A_1121 = tpu.vector_load %arg7[%get3A_1120] {strides = array<i32>} : memref<624xf32, #tpu.memory_space<vmem>>, vector<16xf32>,
    %mul3A_1122 = arith.constant 2.000000e+00 : f32
    %mul3A_1123 = vector.broadcast %mul3A_1122 : f32 to vector<16xf32>
    %mul3A_1124 = arith.mulf %get3A_1117, %mul3A_1123 : vector<16xf32>
    %add3A_1125 = arith.addf %mul3A_1124, %get3A_1119 : vector<16xf32>
    %add3A_1126 = arith.addf %add3A_1125, %get3A_1121 : vector<16xf32>
    %convert_element_type3A_1127 = arith.fptosi %add3A_1126 : vector<16xf32> to vector<16xi32>
    %swap3A_1128 = arith.constant 288 : index
    %swap3A_1129 = tpu.vector_load %arg8[%swap3A_1128] {strides = array<i32>} : memref<576xi32, #tpu.memory_space<vmem>>, vector<16xi32>,
    tpu.vector_store %arg8[%swap3A_1128], %convert_element_type3A_1127 {strides = array<i32>} : memref<576xi32, #tpu.memory_space<vmem>>, vector<16xi32>,
    %get3A_1130 = arith.constant 328 : index
    %get3A_1131 = tpu.vector_load %arg7[%get3A_1130] {strides = array<i32>} : memref<624xf32, #tpu.memory_space<vmem>>, vector<16xf32>,
    %get3A_1132 = arith.constant 304 : index
    %get3A_1133 = tpu.vector_load %arg7[%get3A_1132] {strides = array<i32>} : memref<624xf32, #tpu.memory_space<vmem>>, vector<16xf32>,
    %get3A_1134 = arith.constant 352 : index
    %get3A_1135 = tpu.vector_load %arg7[%get3A_1134] {strides = array<i32>} : memref<624xf32, #tpu.memory_space<vmem>>, vector<16xf32>,
    %mul3A_1136 = arith.constant 2.000000e+00 : f32
    %mul3A_1137 = vector.broadcast %mul3A_1136 : f32 to vector<16xf32>
    %mul3A_1138 = arith.mulf %get3A_1131, %mul3A_1137 : vector<16xf32>
    %add3A_1139 = arith.addf %mul3A_1138, %get3A_1133 : vector<16xf32>
    %add3A_1140 = arith.addf %add3A_1139, %get3A_1135 : vector<16xf32>
    %convert_element_type3A_1141 = arith.fptosi %add3A_1140 : vector<16xf32> to vector<16xi32>
    %swap3A_1142 = arith.constant 304 : index
    %swap3A_1143 = tpu.vector_load %arg8[%swap3A_1142] {strides = array<i32>} : memref<576xi32, #tpu.memory_space<vmem>>, vector<16xi32>,
    tpu.vector_store %arg8[%swap3A_1142], %convert_element_type3A_1141 {strides = array<i32>} : memref<576xi32, #tpu.memory_space<vmem>>, vector<16xi32>,
    %get3A_1144 = arith.constant 344 : index
    %get3A_1145 = tpu.vector_load %arg7[%get3A_1144] {strides = array<i32>} : memref<624xf32, #tpu.memory_space<vmem>>, vector<16xf32>,
    %get3A_1146 = arith.constant 320 : index
    %get3A_1147 = tpu.vector_load %arg7[%get3A_1146] {strides = array<i32>} : memref<624xf32, #tpu.memory_space<vmem>>, vector<16xf32>,
    %get3A_1148 = arith.constant 368 : index
    %get3A_1149 = tpu.vector_load %arg7[%get3A_1148] {strides = array<i32>} : memref<624xf32, #tpu.memory_space<vmem>>, vector<16xf32>,
    %mul3A_1150 = arith.constant 2.000000e+00 : f32
    %mul3A_1151 = vector.broadcast %mul3A_1150 : f32 to vector<16xf32>
    %mul3A_1152 = arith.mulf %get3A_1145, %mul3A_1151 : vector<16xf32>
    %add3A_1153 = arith.addf %mul3A_1152, %get3A_1147 : vector<16xf32>
    %add3A_1154 = arith.addf %add3A_1153, %get3A_1149 : vector<16xf32>
    %convert_element_type3A_1155 = arith.fptosi %add3A_1154 : vector<16xf32> to vector<16xi32>
    %swap3A_1156 = arith.constant 320 : index
    %swap3A_1157 = tpu.vector_load %arg8[%swap3A_1156] {strides = array<i32>} : memref<576xi32, #tpu.memory_space<vmem>>, vector<16xi32>,
    tpu.vector_store %arg8[%swap3A_1156], %convert_element_type3A_1155 {strides = array<i32>} : memref<576xi32, #tpu.memory_space<vmem>>, vector<16xi32>,
    %get3A_1158 = arith.constant 360 : index
    %get3A_1159 = tpu.vector_load %arg7[%get3A_1158] {strides = array<i32>} : memref<624xf32, #tpu.memory_space<vmem>>, vector<16xf32>,
    %get3A_1160 = arith.constant 336 : index
    %get3A_1161 = tpu.vector_load %arg7[%get3A_1160] {strides = array<i32>} : memref<624xf32, #tpu.memory_space<vmem>>, vector<16xf32>,
    %get3A_1162 = arith.constant 384 : index
    %get3A_1163 = tpu.vector_load %arg7[%get3A_1162] {strides = array<i32>} : memref<624xf32, #tpu.memory_space<vmem>>, vector<16xf32>,
    %mul3A_1164 = arith.constant 2.000000e+00 : f32
    %mul3A_1165 = vector.broadcast %mul3A_1164 : f32 to vector<16xf32>
    %mul3A_1166 = arith.mulf %get3A_1159, %mul3A_1165 : vector<16xf32>
    %add3A_1167 = arith.addf %mul3A_1166, %get3A_1161 : vector<16xf32>
    %add3A_1168 = arith.addf %add3A_1167, %get3A_1163 : vector<16xf32>
    %convert_element_type3A_1169 = arith.fptosi %add3A_1168 : vector<16xf32> to vector<16xi32>
    %swap3A_1170 = arith.constant 336 : index
    %swap3A_1171 = tpu.vector_load %arg8[%swap3A_1170] {strides = array<i32>} : memref<576xi32, #tpu.memory_space<vmem>>, vector<16xi32>,
    tpu.vector_store %arg8[%swap3A_1170], %convert_element_type3A_1169 {strides = array<i32>} : memref<576xi32, #tpu.memory_space<vmem>>, vector<16xi32>,
    %get3A_1172 = arith.constant 376 : index
    %get3A_1173 = tpu.vector_load %arg7[%get3A_1172] {strides = array<i32>} : memref<624xf32, #tpu.memory_space<vmem>>, vector<16xf32>,
    %get3A_1174 = arith.constant 352 : index
    %get3A_1175 = tpu.vector_load %arg7[%get3A_1174] {strides = array<i32>} : memref<624xf32, #tpu.memory_space<vmem>>, vector<16xf32>,
    %get3A_1176 = arith.constant 400 : index
    %get3A_1177 = tpu.vector_load %arg7[%get3A_1176] {strides = array<i32>} : memref<624xf32, #tpu.memory_space<vmem>>, vector<16xf32>,
    %mul3A_1178 = arith.constant 2.000000e+00 : f32
    %mul3A_1179 = vector.broadcast %mul3A_1178 : f32 to vector<16xf32>
    %mul3A_1180 = arith.mulf %get3A_1173, %mul3A_1179 : vector<16xf32>
    %add3A_1181 = arith.addf %mul3A_1180, %get3A_1175 : vector<16xf32>
    %add3A_1182 = arith.addf %add3A_1181, %get3A_1177 : vector<16xf32>
    %convert_element_type3A_1183 = arith.fptosi %add3A_1182 : vector<16xf32> to vector<16xi32>
    %swap3A_1184 = arith.constant 352 : index
    %swap3A_1185 = tpu.vector_load %arg8[%swap3A_1184] {strides = array<i32>} : memref<576xi32, #tpu.memory_space<vmem>>, vector<16xi32>,
    tpu.vector_store %arg8[%swap3A_1184], %convert_element_type3A_1183 {strides = array<i32>} : memref<576xi32, #tpu.memory_space<vmem>>, vector<16xi32>,
    %get3A_1186 = arith.constant 392 : index
    %get3A_1187 = tpu.vector_load %arg7[%get3A_1186] {strides = array<i32>} : memref<624xf32, #tpu.memory_space<vmem>>, vector<16xf32>,
    %get3A_1188 = arith.constant 368 : index
    %get3A_1189 = tpu.vector_load %arg7[%get3A_1188] {strides = array<i32>} : memref<624xf32, #tpu.memory_space<vmem>>, vector<16xf32>,
    %get3A_1190 = arith.constant 416 : index
    %get3A_1191 = tpu.vector_load %arg7[%get3A_1190] {strides = array<i32>} : memref<624xf32, #tpu.memory_space<vmem>>, vector<16xf32>,
    %mul3A_1192 = arith.constant 2.000000e+00 : f32
    %mul3A_1193 = vector.broadcast %mul3A_1192 : f32 to vector<16xf32>
    %mul3A_1194 = arith.mulf %get3A_1187, %mul3A_1193 : vector<16xf32>
    %add3A_1195 = arith.addf %mul3A_1194, %get3A_1189 : vector<16xf32>
    %add3A_1196 = arith.addf %add3A_1195, %get3A_1191 : vector<16xf32>
    %convert_element_type3A_1197 = arith.fptosi %add3A_1196 : vector<16xf32> to vector<16xi32>
    %swap3A_1198 = arith.constant 368 : index
    %swap3A_1199 = tpu.vector_load %arg8[%swap3A_1198] {strides = array<i32>} : memref<576xi32, #tpu.memory_space<vmem>>, vector<16xi32>,
    tpu.vector_store %arg8[%swap3A_1198], %convert_element_type3A_1197 {strides = array<i32>} : memref<576xi32, #tpu.memory_space<vmem>>, vector<16xi32>,
    %get3A_1200 = arith.constant 408 : index
    %get3A_1201 = tpu.vector_load %arg7[%get3A_1200] {strides = array<i32>} : memref<624xf32, #tpu.memory_space<vmem>>, vector<16xf32>,
    %get3A_1202 = arith.constant 384 : index
    %get3A_1203 = tpu.vector_load %arg7[%get3A_1202] {strides = array<i32>} : memref<624xf32, #tpu.memory_space<vmem>>, vector<16xf32>,
    %get3A_1204 = arith.constant 432 : index
    %get3A_1205 = tpu.vector_load %arg7[%get3A_1204] {strides = array<i32>} : memref<624xf32, #tpu.memory_space<vmem>>, vector<16xf32>,
    %mul3A_1206 = arith.constant 2.000000e+00 : f32
    %mul3A_1207 = vector.broadcast %mul3A_1206 : f32 to vector<16xf32>
    %mul3A_1208 = arith.mulf %get3A_1201, %mul3A_1207 : vector<16xf32>
    %add3A_1209 = arith.addf %mul3A_1208, %get3A_1203 : vector<16xf32>
    %add3A_1210 = arith.addf %add3A_1209, %get3A_1205 : vector<16xf32>
    %convert_element_type3A_1211 = arith.fptosi %add3A_1210 : vector<16xf32> to vector<16xi32>
    %swap3A_1212 = arith.constant 384 : index
    %swap3A_1213 = tpu.vector_load %arg8[%swap3A_1212] {strides = array<i32>} : memref<576xi32, #tpu.memory_space<vmem>>, vector<16xi32>,
    tpu.vector_store %arg8[%swap3A_1212], %convert_element_type3A_1211 {strides = array<i32>} : memref<576xi32, #tpu.memory_space<vmem>>, vector<16xi32>,
    %get3A_1214 = arith.constant 424 : index
    %get3A_1215 = tpu.vector_load %arg7[%get3A_1214] {strides = array<i32>} : memref<624xf32, #tpu.memory_space<vmem>>, vector<16xf32>,
    %get3A_1216 = arith.constant 400 : index
    %get3A_1217 = tpu.vector_load %arg7[%get3A_1216] {strides = array<i32>} : memref<624xf32, #tpu.memory_space<vmem>>, vector<16xf32>,
    %get3A_1218 = arith.constant 448 : index
    %get3A_1219 = tpu.vector_load %arg7[%get3A_1218] {strides = array<i32>} : memref<624xf32, #tpu.memory_space<vmem>>, vector<16xf32>,
    %mul3A_1220 = arith.constant 2.000000e+00 : f32
    %mul3A_1221 = vector.broadcast %mul3A_1220 : f32 to vector<16xf32>
    %mul3A_1222 = arith.mulf %get3A_1215, %mul3A_1221 : vector<16xf32>
    %add3A_1223 = arith.addf %mul3A_1222, %get3A_1217 : vector<16xf32>
    %add3A_1224 = arith.addf %add3A_1223, %get3A_1219 : vector<16xf32>
    %convert_element_type3A_1225 = arith.fptosi %add3A_1224 : vector<16xf32> to vector<16xi32>
    %swap3A_1226 = arith.constant 400 : index
    %swap3A_1227 = tpu.vector_load %arg8[%swap3A_1226] {strides = array<i32>} : memref<576xi32, #tpu.memory_space<vmem>>, vector<16xi32>,
    tpu.vector_store %arg8[%swap3A_1226], %convert_element_type3A_1225 {strides = array<i32>} : memref<576xi32, #tpu.memory_space<vmem>>, vector<16xi32>,
    %get3A_1228 = arith.constant 440 : index
    %get3A_1229 = tpu.vector_load %arg7[%get3A_1228] {strides = array<i32>} : memref<624xf32, #tpu.memory_space<vmem>>, vector<16xf32>,
    %get3A_1230 = arith.constant 416 : index
    %get3A_1231 = tpu.vector_load %arg7[%get3A_1230] {strides = array<i32>} : memref<624xf32, #tpu.memory_space<vmem>>, vector<16xf32>,
    %get3A_1232 = arith.constant 464 : index
    %get3A_1233 = tpu.vector_load %arg7[%get3A_1232] {strides = array<i32>} : memref<624xf32, #tpu.memory_space<vmem>>, vector<16xf32>,
    %mul3A_1234 = arith.constant 2.000000e+00 : f32
    %mul3A_1235 = vector.broadcast %mul3A_1234 : f32 to vector<16xf32>
    %mul3A_1236 = arith.mulf %get3A_1229, %mul3A_1235 : vector<16xf32>
    %add3A_1237 = arith.addf %mul3A_1236, %get3A_1231 : vector<16xf32>
    %add3A_1238 = arith.addf %add3A_1237, %get3A_1233 : vector<16xf32>
    %convert_element_type3A_1239 = arith.fptosi %add3A_1238 : vector<16xf32> to vector<16xi32>
    %swap3A_1240 = arith.constant 416 : index
    %swap3A_1241 = tpu.vector_load %arg8[%swap3A_1240] {strides = array<i32>} : memref<576xi32, #tpu.memory_space<vmem>>, vector<16xi32>,
    tpu.vector_store %arg8[%swap3A_1240], %convert_element_type3A_1239 {strides = array<i32>} : memref<576xi32, #tpu.memory_space<vmem>>, vector<16xi32>,
    %get3A_1242 = arith.constant 456 : index
    %get3A_1243 = tpu.vector_load %arg7[%get3A_1242] {strides = array<i32>} : memref<624xf32, #tpu.memory_space<vmem>>, vector<16xf32>,
    %get3A_1244 = arith.constant 432 : index
    %get3A_1245 = tpu.vector_load %arg7[%get3A_1244] {strides = array<i32>} : memref<624xf32, #tpu.memory_space<vmem>>, vector<16xf32>,
    %get3A_1246 = arith.constant 480 : index
    %get3A_1247 = tpu.vector_load %arg7[%get3A_1246] {strides = array<i32>} : memref<624xf32, #tpu.memory_space<vmem>>, vector<16xf32>,
    %mul3A_1248 = arith.constant 2.000000e+00 : f32
    %mul3A_1249 = vector.broadcast %mul3A_1248 : f32 to vector<16xf32>
    %mul3A_1250 = arith.mulf %get3A_1243, %mul3A_1249 : vector<16xf32>
    %add3A_1251 = arith.addf %mul3A_1250, %get3A_1245 : vector<16xf32>
    %add3A_1252 = arith.addf %add3A_1251, %get3A_1247 : vector<16xf32>
    %convert_element_type3A_1253 = arith.fptosi %add3A_1252 : vector<16xf32> to vector<16xi32>
    %swap3A_1254 = arith.constant 432 : index
    %swap3A_1255 = tpu.vector_load %arg8[%swap3A_1254] {strides = array<i32>} : memref<576xi32, #tpu.memory_space<vmem>>, vector<16xi32>,
    tpu.vector_store %arg8[%swap3A_1254], %convert_element_type3A_1253 {strides = array<i32>} : memref<576xi32, #tpu.memory_space<vmem>>, vector<16xi32>,
    %get3A_1256 = arith.constant 472 : index
    %get3A_1257 = tpu.vector_load %arg7[%get3A_1256] {strides = array<i32>} : memref<624xf32, #tpu.memory_space<vmem>>, vector<16xf32>,
    %get3A_1258 = arith.constant 448 : index
    %get3A_1259 = tpu.vector_load %arg7[%get3A_1258] {strides = array<i32>} : memref<624xf32, #tpu.memory_space<vmem>>, vector<16xf32>,
    %get3A_1260 = arith.constant 496 : index
    %get3A_1261 = tpu.vector_load %arg7[%get3A_1260] {strides = array<i32>} : memref<624xf32, #tpu.memory_space<vmem>>, vector<16xf32>,
    %mul3A_1262 = arith.constant 2.000000e+00 : f32
    %mul3A_1263 = vector.broadcast %mul3A_1262 : f32 to vector<16xf32>
    %mul3A_1264 = arith.mulf %get3A_1257, %mul3A_1263 : vector<16xf32>
    %add3A_1265 = arith.addf %mul3A_1264, %get3A_1259 : vector<16xf32>
    %add3A_1266 = arith.addf %add3A_1265, %get3A_1261 : vector<16xf32>
    %convert_element_type3A_1267 = arith.fptosi %add3A_1266 : vector<16xf32> to vector<16xi32>
    %swap3A_1268 = arith.constant 448 : index
    %swap3A_1269 = tpu.vector_load %arg8[%swap3A_1268] {strides = array<i32>} : memref<576xi32, #tpu.memory_space<vmem>>, vector<16xi32>,
    tpu.vector_store %arg8[%swap3A_1268], %convert_element_type3A_1267 {strides = array<i32>} : memref<576xi32, #tpu.memory_space<vmem>>, vector<16xi32>,
    %get3A_1270 = arith.constant 488 : index
    %get3A_1271 = tpu.vector_load %arg7[%get3A_1270] {strides = array<i32>} : memref<624xf32, #tpu.memory_space<vmem>>, vector<16xf32>,
    %get3A_1272 = arith.constant 464 : index
    %get3A_1273 = tpu.vector_load %arg7[%get3A_1272] {strides = array<i32>} : memref<624xf32, #tpu.memory_space<vmem>>, vector<16xf32>,
    %get3A_1274 = arith.constant 512 : index
    %get3A_1275 = tpu.vector_load %arg7[%get3A_1274] {strides = array<i32>} : memref<624xf32, #tpu.memory_space<vmem>>, vector<16xf32>,
    %mul3A_1276 = arith.constant 2.000000e+00 : f32
    %mul3A_1277 = vector.broadcast %mul3A_1276 : f32 to vector<16xf32>
    %mul3A_1278 = arith.mulf %get3A_1271, %mul3A_1277 : vector<16xf32>
    %add3A_1279 = arith.addf %mul3A_1278, %get3A_1273 : vector<16xf32>
    %add3A_1280 = arith.addf %add3A_1279, %get3A_1275 : vector<16xf32>
    %convert_element_type3A_1281 = arith.fptosi %add3A_1280 : vector<16xf32> to vector<16xi32>
    %swap3A_1282 = arith.constant 464 : index
    %swap3A_1283 = tpu.vector_load %arg8[%swap3A_1282] {strides = array<i32>} : memref<576xi32, #tpu.memory_space<vmem>>, vector<16xi32>,
    tpu.vector_store %arg8[%swap3A_1282], %convert_element_type3A_1281 {strides = array<i32>} : memref<576xi32, #tpu.memory_space<vmem>>, vector<16xi32>,
    %get3A_1284 = arith.constant 504 : index
    %get3A_1285 = tpu.vector_load %arg7[%get3A_1284] {strides = array<i32>} : memref<624xf32, #tpu.memory_space<vmem>>, vector<16xf32>,
    %get3A_1286 = arith.constant 480 : index
    %get3A_1287 = tpu.vector_load %arg7[%get3A_1286] {strides = array<i32>} : memref<624xf32, #tpu.memory_space<vmem>>, vector<16xf32>,
    %get3A_1288 = arith.constant 528 : index
    %get3A_1289 = tpu.vector_load %arg7[%get3A_1288] {strides = array<i32>} : memref<624xf32, #tpu.memory_space<vmem>>, vector<16xf32>,
    %mul3A_1290 = arith.constant 2.000000e+00 : f32
    %mul3A_1291 = vector.broadcast %mul3A_1290 : f32 to vector<16xf32>
    %mul3A_1292 = arith.mulf %get3A_1285, %mul3A_1291 : vector<16xf32>
    %add3A_1293 = arith.addf %mul3A_1292, %get3A_1287 : vector<16xf32>
    %add3A_1294 = arith.addf %add3A_1293, %get3A_1289 : vector<16xf32>
    %convert_element_type3A_1295 = arith.fptosi %add3A_1294 : vector<16xf32> to vector<16xi32>
    %swap3A_1296 = arith.constant 480 : index
    %swap3A_1297 = tpu.vector_load %arg8[%swap3A_1296] {strides = array<i32>} : memref<576xi32, #tpu.memory_space<vmem>>, vector<16xi32>,
    tpu.vector_store %arg8[%swap3A_1296], %convert_element_type3A_1295 {strides = array<i32>} : memref<576xi32, #tpu.memory_space<vmem>>, vector<16xi32>,
    %get3A_1298 = arith.constant 520 : index
    %get3A_1299 = tpu.vector_load %arg7[%get3A_1298] {strides = array<i32>} : memref<624xf32, #tpu.memory_space<vmem>>, vector<16xf32>,
    %get3A_1300 = arith.constant 496 : index
    %get3A_1301 = tpu.vector_load %arg7[%get3A_1300] {strides = array<i32>} : memref<624xf32, #tpu.memory_space<vmem>>, vector<16xf32>,
    %get3A_1302 = arith.constant 544 : index
    %get3A_1303 = tpu.vector_load %arg7[%get3A_1302] {strides = array<i32>} : memref<624xf32, #tpu.memory_space<vmem>>, vector<16xf32>,
    %mul3A_1304 = arith.constant 2.000000e+00 : f32
    %mul3A_1305 = vector.broadcast %mul3A_1304 : f32 to vector<16xf32>
    %mul3A_1306 = arith.mulf %get3A_1299, %mul3A_1305 : vector<16xf32>
    %add3A_1307 = arith.addf %mul3A_1306, %get3A_1301 : vector<16xf32>
    %add3A_1308 = arith.addf %add3A_1307, %get3A_1303 : vector<16xf32>
    %convert_element_type3A_1309 = arith.fptosi %add3A_1308 : vector<16xf32> to vector<16xi32>
    %swap3A_1310 = arith.constant 496 : index
    %swap3A_1311 = tpu.vector_load %arg8[%swap3A_1310] {strides = array<i32>} : memref<576xi32, #tpu.memory_space<vmem>>, vector<16xi32>,
    tpu.vector_store %arg8[%swap3A_1310], %convert_element_type3A_1309 {strides = array<i32>} : memref<576xi32, #tpu.memory_space<vmem>>, vector<16xi32>,
    %get3A_1312 = arith.constant 536 : index
    %get3A_1313 = tpu.vector_load %arg7[%get3A_1312] {strides = array<i32>} : memref<624xf32, #tpu.memory_space<vmem>>, vector<16xf32>,
    %get3A_1314 = arith.constant 512 : index
    %get3A_1315 = tpu.vector_load %arg7[%get3A_1314] {strides = array<i32>} : memref<624xf32, #tpu.memory_space<vmem>>, vector<16xf32>,
    %get3A_1316 = arith.constant 560 : index
    %get3A_1317 = tpu.vector_load %arg7[%get3A_1316] {strides = array<i32>} : memref<624xf32, #tpu.memory_space<vmem>>, vector<16xf32>,
    %mul3A_1318 = arith.constant 2.000000e+00 : f32
    %mul3A_1319 = vector.broadcast %mul3A_1318 : f32 to vector<16xf32>
    %mul3A_1320 = arith.mulf %get3A_1313, %mul3A_1319 : vector<16xf32>
    %add3A_1321 = arith.addf %mul3A_1320, %get3A_1315 : vector<16xf32>
    %add3A_1322 = arith.addf %add3A_1321, %get3A_1317 : vector<16xf32>
    %convert_element_type3A_1323 = arith.fptosi %add3A_1322 : vector<16xf32> to vector<16xi32>
    %swap3A_1324 = arith.constant 512 : index
    %swap3A_1325 = tpu.vector_load %arg8[%swap3A_1324] {strides = array<i32>} : memref<576xi32, #tpu.memory_space<vmem>>, vector<16xi32>,
    tpu.vector_store %arg8[%swap3A_1324], %convert_element_type3A_1323 {strides = array<i32>} : memref<576xi32, #tpu.memory_space<vmem>>, vector<16xi32>,
    %get3A_1326 = arith.constant 552 : index
    %get3A_1327 = tpu.vector_load %arg7[%get3A_1326] {strides = array<i32>} : memref<624xf32, #tpu.memory_space<vmem>>, vector<16xf32>,
    %get3A_1328 = arith.constant 528 : index
    %get3A_1329 = tpu.vector_load %arg7[%get3A_1328] {strides = array<i32>} : memref<624xf32, #tpu.memory_space<vmem>>, vector<16xf32>,
    %get3A_1330 = arith.constant 576 : index
    %get3A_1331 = tpu.vector_load %arg7[%get3A_1330] {strides = array<i32>} : memref<624xf32, #tpu.memory_space<vmem>>, vector<16xf32>,
    %mul3A_1332 = arith.constant 2.000000e+00 : f32
    %mul3A_1333 = vector.broadcast %mul3A_1332 : f32 to vector<16xf32>
    %mul3A_1334 = arith.mulf %get3A_1327, %mul3A_1333 : vector<16xf32>
    %add3A_1335 = arith.addf %mul3A_1334, %get3A_1329 : vector<16xf32>
    %add3A_1336 = arith.addf %add3A_1335, %get3A_1331 : vector<16xf32>
    %convert_element_type3A_1337 = arith.fptosi %add3A_1336 : vector<16xf32> to vector<16xi32>
    %swap3A_1338 = arith.constant 528 : index
    %swap3A_1339 = tpu.vector_load %arg8[%swap3A_1338] {strides = array<i32>} : memref<576xi32, #tpu.memory_space<vmem>>, vector<16xi32>,
    tpu.vector_store %arg8[%swap3A_1338], %convert_element_type3A_1337 {strides = array<i32>} : memref<576xi32, #tpu.memory_space<vmem>>, vector<16xi32>,
    %get3A_1340 = arith.constant 568 : index
    %get3A_1341 = tpu.vector_load %arg7[%get3A_1340] {strides = array<i32>} : memref<624xf32, #tpu.memory_space<vmem>>, vector<16xf32>,
    %get3A_1342 = arith.constant 544 : index
    %get3A_1343 = tpu.vector_load %arg7[%get3A_1342] {strides = array<i32>} : memref<624xf32, #tpu.memory_space<vmem>>, vector<16xf32>,
    %get3A_1344 = arith.constant 592 : index
    %get3A_1345 = tpu.vector_load %arg7[%get3A_1344] {strides = array<i32>} : memref<624xf32, #tpu.memory_space<vmem>>, vector<16xf32>,
    %mul3A_1346 = arith.constant 2.000000e+00 : f32
    %mul3A_1347 = vector.broadcast %mul3A_1346 : f32 to vector<16xf32>
    %mul3A_1348 = arith.mulf %get3A_1341, %mul3A_1347 : vector<16xf32>
    %add3A_1349 = arith.addf %mul3A_1348, %get3A_1343 : vector<16xf32>
    %add3A_1350 = arith.addf %add3A_1349, %get3A_1345 : vector<16xf32>
    %convert_element_type3A_1351 = arith.fptosi %add3A_1350 : vector<16xf32> to vector<16xi32>
    %swap3A_1352 = arith.constant 544 : index
    %swap3A_1353 = tpu.vector_load %arg8[%swap3A_1352] {strides = array<i32>} : memref<576xi32, #tpu.memory_space<vmem>>, vector<16xi32>,
    tpu.vector_store %arg8[%swap3A_1352], %convert_element_type3A_1351 {strides = array<i32>} : memref<576xi32, #tpu.memory_space<vmem>>, vector<16xi32>,
    %get3A_1354 = arith.constant 584 : index
    %get3A_1355 = tpu.vector_load %arg7[%get3A_1354] {strides = array<i32>} : memref<624xf32, #tpu.memory_space<vmem>>, vector<16xf32>,
    %get3A_1356 = arith.constant 560 : index
    %get3A_1357 = tpu.vector_load %arg7[%get3A_1356] {strides = array<i32>} : memref<624xf32, #tpu.memory_space<vmem>>, vector<16xf32>,
    %get3A_1358 = arith.constant 608 : index
    %get3A_1359 = tpu.vector_load %arg7[%get3A_1358] {strides = array<i32>} : memref<624xf32, #tpu.memory_space<vmem>>, vector<16xf32>,
    %mul3A_1360 = arith.constant 2.000000e+00 : f32
    %mul3A_1361 = vector.broadcast %mul3A_1360 : f32 to vector<16xf32>
    %mul3A_1362 = arith.mulf %get3A_1355, %mul3A_1361 : vector<16xf32>
    %add3A_1363 = arith.addf %mul3A_1362, %get3A_1357 : vector<16xf32>
    %add3A_1364 = arith.addf %add3A_1363, %get3A_1359 : vector<16xf32>
    %convert_element_type3A_1365 = arith.fptosi %add3A_1364 : vector<16xf32> to vector<16xi32>
    %swap3A_1366 = arith.constant 560 : index
    %swap3A_1367 = tpu.vector_load %arg8[%swap3A_1366] {strides = array<i32>} : memref<576xi32, #tpu.memory_space<vmem>>, vector<16xi32>,
    tpu.vector_store %arg8[%swap3A_1366], %convert_element_type3A_1365 {strides = array<i32>} : memref<576xi32, #tpu.memory_space<vmem>>, vector<16xi32>,
    %broadcast_in_dim3A_1368 = arith.constant 0 : i32
    %broadcast_in_dim3A_1369 = vector.broadcast %broadcast_in_dim3A_1368 : i32 to vector<16xi32>
    %broadcast_in_dim3A_1370 = arith.constant true
    %broadcast_in_dim3A_1371 = vector.broadcast %broadcast_in_dim3A_1370 : i1 to vector<16xi1>
    %unique3A, %unique3A_1372 = tpu.scan_count mask(%broadcast_in_dim3A_1371 : vector<16xi1>) value(%broadcast_in_dim3A_1369 : vector<16xi32>) : vector<16xi1>, vector<16xi32>
    %sub3A = arith.subi %unique3A_1372, %iota3A : vector<16xi32>
    %broadcast_in_dim3A_1373 = arith.constant 0 : i32
    %broadcast_in_dim3A_1374 = vector.broadcast %broadcast_in_dim3A_1373 : i32 to vector<16xi32>
    %swap3A_1375 = arith.constant 0 : index
    %swap3A_1376 = tpu.vector_load %arg9[%swap3A_1375] {strides = array<i32>} : memref<208xi32, #tpu.memory_space<vmem>>, vector<16xi32>,
    tpu.vector_store %arg9[%swap3A_1375], %broadcast_in_dim3A_1374 {strides = array<i32>} : memref<208xi32, #tpu.memory_space<vmem>>, vector<16xi32>,
    %swap3A_1377 = arith.constant 16 : index
    %swap3A_1378 = tpu.vector_load %arg9[%swap3A_1377] {strides = array<i32>} : memref<208xi32, #tpu.memory_space<vmem>>, vector<16xi32>,
    tpu.vector_store %arg9[%swap3A_1377], %broadcast_in_dim3A_1374 {strides = array<i32>} : memref<208xi32, #tpu.memory_space<vmem>>, vector<16xi32>,
    %swap3A_1379 = arith.constant 32 : index
    %swap3A_1380 = tpu.vector_load %arg9[%swap3A_1379] {strides = array<i32>} : memref<208xi32, #tpu.memory_space<vmem>>, vector<16xi32>,
    tpu.vector_store %arg9[%swap3A_1379], %broadcast_in_dim3A_1374 {strides = array<i32>} : memref<208xi32, #tpu.memory_space<vmem>>, vector<16xi32>,
    %swap3A_1381 = arith.constant 48 : index
    %swap3A_1382 = tpu.vector_load %arg9[%swap3A_1381] {strides = array<i32>} : memref<208xi32, #tpu.memory_space<vmem>>, vector<16xi32>,
    tpu.vector_store %arg9[%swap3A_1381], %broadcast_in_dim3A_1374 {strides = array<i32>} : memref<208xi32, #tpu.memory_space<vmem>>, vector<16xi32>,
    %swap3A_1383 = arith.constant 64 : index
    %swap3A_1384 = tpu.vector_load %arg9[%swap3A_1383] {strides = array<i32>} : memref<208xi32, #tpu.memory_space<vmem>>, vector<16xi32>,
    tpu.vector_store %arg9[%swap3A_1383], %broadcast_in_dim3A_1374 {strides = array<i32>} : memref<208xi32, #tpu.memory_space<vmem>>, vector<16xi32>,
    %swap3A_1385 = arith.constant 80 : index
    %swap3A_1386 = tpu.vector_load %arg9[%swap3A_1385] {strides = array<i32>} : memref<208xi32, #tpu.memory_space<vmem>>, vector<16xi32>,
    tpu.vector_store %arg9[%swap3A_1385], %broadcast_in_dim3A_1374 {strides = array<i32>} : memref<208xi32, #tpu.memory_space<vmem>>, vector<16xi32>,
    %swap3A_1387 = arith.constant 96 : index
    %swap3A_1388 = tpu.vector_load %arg9[%swap3A_1387] {strides = array<i32>} : memref<208xi32, #tpu.memory_space<vmem>>, vector<16xi32>,
    tpu.vector_store %arg9[%swap3A_1387], %broadcast_in_dim3A_1374 {strides = array<i32>} : memref<208xi32, #tpu.memory_space<vmem>>, vector<16xi32>,
    %swap3A_1389 = arith.constant 112 : index
    %swap3A_1390 = tpu.vector_load %arg9[%swap3A_1389] {strides = array<i32>} : memref<208xi32, #tpu.memory_space<vmem>>, vector<16xi32>,
    tpu.vector_store %arg9[%swap3A_1389], %broadcast_in_dim3A_1374 {strides = array<i32>} : memref<208xi32, #tpu.memory_space<vmem>>, vector<16xi32>,
    %swap3A_1391 = arith.constant 128 : index
    %swap3A_1392 = tpu.vector_load %arg9[%swap3A_1391] {strides = array<i32>} : memref<208xi32, #tpu.memory_space<vmem>>, vector<16xi32>,
    tpu.vector_store %arg9[%swap3A_1391], %broadcast_in_dim3A_1374 {strides = array<i32>} : memref<208xi32, #tpu.memory_space<vmem>>, vector<16xi32>,
    %swap3A_1393 = arith.constant 144 : index
    %swap3A_1394 = tpu.vector_load %arg9[%swap3A_1393] {strides = array<i32>} : memref<208xi32, #tpu.memory_space<vmem>>, vector<16xi32>,
    tpu.vector_store %arg9[%swap3A_1393], %broadcast_in_dim3A_1374 {strides = array<i32>} : memref<208xi32, #tpu.memory_space<vmem>>, vector<16xi32>,
    %swap3A_1395 = arith.constant 160 : index
    %swap3A_1396 = tpu.vector_load %arg9[%swap3A_1395] {strides = array<i32>} : memref<208xi32, #tpu.memory_space<vmem>>, vector<16xi32>,
    tpu.vector_store %arg9[%swap3A_1395], %broadcast_in_dim3A_1374 {strides = array<i32>} : memref<208xi32, #tpu.memory_space<vmem>>, vector<16xi32>,
    %swap3A_1397 = arith.constant 176 : index
    %swap3A_1398 = tpu.vector_load %arg9[%swap3A_1397] {strides = array<i32>} : memref<208xi32, #tpu.memory_space<vmem>>, vector<16xi32>,
    tpu.vector_store %arg9[%swap3A_1397], %broadcast_in_dim3A_1374 {strides = array<i32>} : memref<208xi32, #tpu.memory_space<vmem>>, vector<16xi32>,
    %swap3A_1399 = arith.constant 192 : index
    %swap3A_1400 = tpu.vector_load %arg9[%swap3A_1399] {strides = array<i32>} : memref<208xi32, #tpu.memory_space<vmem>>, vector<16xi32>,
    tpu.vector_store %arg9[%swap3A_1399], %broadcast_in_dim3A_1374 {strides = array<i32>} : memref<208xi32, #tpu.memory_space<vmem>>, vector<16xi32>,
    %get3A_1401 = arith.constant 0 : index
    %get3A_1402 = tpu.vector_load %arg8[%get3A_1401] {strides = array<i32>} : memref<576xi32, #tpu.memory_space<vmem>>, vector<16xi32>,
    %broadcast_in_dim3A_1403 = arith.constant true
    %broadcast_in_dim3A_1404 = vector.broadcast %broadcast_in_dim3A_1403 : i1 to vector<16xi1>
    %unique3A_1405, %unique3A_1406 = tpu.scan_count mask(%broadcast_in_dim3A_1404 : vector<16xi1>) value(%get3A_1402 : vector<16xi32>) : vector<16xi1>, vector<16xi32>
    %sub3A_1407 = arith.subi %unique3A_1406, %sub3A : vector<16xi32>
    %add3A_1408 = arith.constant 1 : i32
    %add3A_1409 = vector.broadcast %add3A_1408 : i32 to vector<16xi32>
    %add3A_1410 = arith.addi %sub3A_1407, %add3A_1409 : vector<16xi32>
    tpu.vector_store_idx %arg9[%get3A_1402], %add3A_1410 masked %unique3A_1405 {add = true} : memref<208xi32, #tpu.memory_space<vmem>>[vector<16xi32>], vector<16xi32>, vector<16xi1>
    %get3A_1411 = arith.constant 16 : index
    %get3A_1412 = tpu.vector_load %arg8[%get3A_1411] {strides = array<i32>} : memref<576xi32, #tpu.memory_space<vmem>>, vector<16xi32>,
    %broadcast_in_dim3A_1413 = arith.constant true
    %broadcast_in_dim3A_1414 = vector.broadcast %broadcast_in_dim3A_1413 : i1 to vector<16xi1>
    %unique3A_1415, %unique3A_1416 = tpu.scan_count mask(%broadcast_in_dim3A_1414 : vector<16xi1>) value(%get3A_1412 : vector<16xi32>) : vector<16xi1>, vector<16xi32>
    %sub3A_1417 = arith.subi %unique3A_1416, %sub3A : vector<16xi32>
    %add3A_1418 = arith.constant 1 : i32
    %add3A_1419 = vector.broadcast %add3A_1418 : i32 to vector<16xi32>
    %add3A_1420 = arith.addi %sub3A_1417, %add3A_1419 : vector<16xi32>
    tpu.vector_store_idx %arg9[%get3A_1412], %add3A_1420 masked %unique3A_1415 {add = true} : memref<208xi32, #tpu.memory_space<vmem>>[vector<16xi32>], vector<16xi32>, vector<16xi1>
    %get3A_1421 = arith.constant 32 : index
    %get3A_1422 = tpu.vector_load %arg8[%get3A_1421] {strides = array<i32>} : memref<576xi32, #tpu.memory_space<vmem>>, vector<16xi32>,
    %broadcast_in_dim3A_1423 = arith.constant true
    %broadcast_in_dim3A_1424 = vector.broadcast %broadcast_in_dim3A_1423 : i1 to vector<16xi1>
    %unique3A_1425, %unique3A_1426 = tpu.scan_count mask(%broadcast_in_dim3A_1424 : vector<16xi1>) value(%get3A_1422 : vector<16xi32>) : vector<16xi1>, vector<16xi32>
    %sub3A_1427 = arith.subi %unique3A_1426, %sub3A : vector<16xi32>
    %add3A_1428 = arith.constant 1 : i32
    %add3A_1429 = vector.broadcast %add3A_1428 : i32 to vector<16xi32>
    %add3A_1430 = arith.addi %sub3A_1427, %add3A_1429 : vector<16xi32>
    tpu.vector_store_idx %arg9[%get3A_1422], %add3A_1430 masked %unique3A_1425 {add = true} : memref<208xi32, #tpu.memory_space<vmem>>[vector<16xi32>], vector<16xi32>, vector<16xi1>
    %get3A_1431 = arith.constant 48 : index
    %get3A_1432 = tpu.vector_load %arg8[%get3A_1431] {strides = array<i32>} : memref<576xi32, #tpu.memory_space<vmem>>, vector<16xi32>,
    %broadcast_in_dim3A_1433 = arith.constant true
    %broadcast_in_dim3A_1434 = vector.broadcast %broadcast_in_dim3A_1433 : i1 to vector<16xi1>
    %unique3A_1435, %unique3A_1436 = tpu.scan_count mask(%broadcast_in_dim3A_1434 : vector<16xi1>) value(%get3A_1432 : vector<16xi32>) : vector<16xi1>, vector<16xi32>
    %sub3A_1437 = arith.subi %unique3A_1436, %sub3A : vector<16xi32>
    %add3A_1438 = arith.constant 1 : i32
    %add3A_1439 = vector.broadcast %add3A_1438 : i32 to vector<16xi32>
    %add3A_1440 = arith.addi %sub3A_1437, %add3A_1439 : vector<16xi32>
    tpu.vector_store_idx %arg9[%get3A_1432], %add3A_1440 masked %unique3A_1435 {add = true} : memref<208xi32, #tpu.memory_space<vmem>>[vector<16xi32>], vector<16xi32>, vector<16xi1>
    %get3A_1441 = arith.constant 64 : index
    %get3A_1442 = tpu.vector_load %arg8[%get3A_1441] {strides = array<i32>} : memref<576xi32, #tpu.memory_space<vmem>>, vector<16xi32>,
    %broadcast_in_dim3A_1443 = arith.constant true
    %broadcast_in_dim3A_1444 = vector.broadcast %broadcast_in_dim3A_1443 : i1 to vector<16xi1>
    %unique3A_1445, %unique3A_1446 = tpu.scan_count mask(%broadcast_in_dim3A_1444 : vector<16xi1>) value(%get3A_1442 : vector<16xi32>) : vector<16xi1>, vector<16xi32>
    %sub3A_1447 = arith.subi %unique3A_1446, %sub3A : vector<16xi32>
    %add3A_1448 = arith.constant 1 : i32
    %add3A_1449 = vector.broadcast %add3A_1448 : i32 to vector<16xi32>
    %add3A_1450 = arith.addi %sub3A_1447, %add3A_1449 : vector<16xi32>
    tpu.vector_store_idx %arg9[%get3A_1442], %add3A_1450 masked %unique3A_1445 {add = true} : memref<208xi32, #tpu.memory_space<vmem>>[vector<16xi32>], vector<16xi32>, vector<16xi1>
    %get3A_1451 = arith.constant 80 : index
    %get3A_1452 = tpu.vector_load %arg8[%get3A_1451] {strides = array<i32>} : memref<576xi32, #tpu.memory_space<vmem>>, vector<16xi32>,
    %broadcast_in_dim3A_1453 = arith.constant true
    %broadcast_in_dim3A_1454 = vector.broadcast %broadcast_in_dim3A_1453 : i1 to vector<16xi1>
    %unique3A_1455, %unique3A_1456 = tpu.scan_count mask(%broadcast_in_dim3A_1454 : vector<16xi1>) value(%get3A_1452 : vector<16xi32>) : vector<16xi1>, vector<16xi32>
    %sub3A_1457 = arith.subi %unique3A_1456, %sub3A : vector<16xi32>
    %add3A_1458 = arith.constant 1 : i32
    %add3A_1459 = vector.broadcast %add3A_1458 : i32 to vector<16xi32>
    %add3A_1460 = arith.addi %sub3A_1457, %add3A_1459 : vector<16xi32>
    tpu.vector_store_idx %arg9[%get3A_1452], %add3A_1460 masked %unique3A_1455 {add = true} : memref<208xi32, #tpu.memory_space<vmem>>[vector<16xi32>], vector<16xi32>, vector<16xi1>
    %get3A_1461 = arith.constant 96 : index
    %get3A_1462 = tpu.vector_load %arg8[%get3A_1461] {strides = array<i32>} : memref<576xi32, #tpu.memory_space<vmem>>, vector<16xi32>,
    %broadcast_in_dim3A_1463 = arith.constant true
    %broadcast_in_dim3A_1464 = vector.broadcast %broadcast_in_dim3A_1463 : i1 to vector<16xi1>
    %unique3A_1465, %unique3A_1466 = tpu.scan_count mask(%broadcast_in_dim3A_1464 : vector<16xi1>) value(%get3A_1462 : vector<16xi32>) : vector<16xi1>, vector<16xi32>
    %sub3A_1467 = arith.subi %unique3A_1466, %sub3A : vector<16xi32>
    %add3A_1468 = arith.constant 1 : i32
    %add3A_1469 = vector.broadcast %add3A_1468 : i32 to vector<16xi32>
    %add3A_1470 = arith.addi %sub3A_1467, %add3A_1469 : vector<16xi32>
    tpu.vector_store_idx %arg9[%get3A_1462], %add3A_1470 masked %unique3A_1465 {add = true} : memref<208xi32, #tpu.memory_space<vmem>>[vector<16xi32>], vector<16xi32>, vector<16xi1>
    %get3A_1471 = arith.constant 112 : index
    %get3A_1472 = tpu.vector_load %arg8[%get3A_1471] {strides = array<i32>} : memref<576xi32, #tpu.memory_space<vmem>>, vector<16xi32>,
    %broadcast_in_dim3A_1473 = arith.constant true
    %broadcast_in_dim3A_1474 = vector.broadcast %broadcast_in_dim3A_1473 : i1 to vector<16xi1>
    %unique3A_1475, %unique3A_1476 = tpu.scan_count mask(%broadcast_in_dim3A_1474 : vector<16xi1>) value(%get3A_1472 : vector<16xi32>) : vector<16xi1>, vector<16xi32>
    %sub3A_1477 = arith.subi %unique3A_1476, %sub3A : vector<16xi32>
    %add3A_1478 = arith.constant 1 : i32
    %add3A_1479 = vector.broadcast %add3A_1478 : i32 to vector<16xi32>
    %add3A_1480 = arith.addi %sub3A_1477, %add3A_1479 : vector<16xi32>
    tpu.vector_store_idx %arg9[%get3A_1472], %add3A_1480 masked %unique3A_1475 {add = true} : memref<208xi32, #tpu.memory_space<vmem>>[vector<16xi32>], vector<16xi32>, vector<16xi1>
    %get3A_1481 = arith.constant 128 : index
    %get3A_1482 = tpu.vector_load %arg8[%get3A_1481] {strides = array<i32>} : memref<576xi32, #tpu.memory_space<vmem>>, vector<16xi32>,
    %broadcast_in_dim3A_1483 = arith.constant true
    %broadcast_in_dim3A_1484 = vector.broadcast %broadcast_in_dim3A_1483 : i1 to vector<16xi1>
    %unique3A_1485, %unique3A_1486 = tpu.scan_count mask(%broadcast_in_dim3A_1484 : vector<16xi1>) value(%get3A_1482 : vector<16xi32>) : vector<16xi1>, vector<16xi32>
    %sub3A_1487 = arith.subi %unique3A_1486, %sub3A : vector<16xi32>
    %add3A_1488 = arith.constant 1 : i32
    %add3A_1489 = vector.broadcast %add3A_1488 : i32 to vector<16xi32>
    %add3A_1490 = arith.addi %sub3A_1487, %add3A_1489 : vector<16xi32>
    tpu.vector_store_idx %arg9[%get3A_1482], %add3A_1490 masked %unique3A_1485 {add = true} : memref<208xi32, #tpu.memory_space<vmem>>[vector<16xi32>], vector<16xi32>, vector<16xi1>
    %get3A_1491 = arith.constant 144 : index
    %get3A_1492 = tpu.vector_load %arg8[%get3A_1491] {strides = array<i32>} : memref<576xi32, #tpu.memory_space<vmem>>, vector<16xi32>,
    %broadcast_in_dim3A_1493 = arith.constant true
    %broadcast_in_dim3A_1494 = vector.broadcast %broadcast_in_dim3A_1493 : i1 to vector<16xi1>
    %unique3A_1495, %unique3A_1496 = tpu.scan_count mask(%broadcast_in_dim3A_1494 : vector<16xi1>) value(%get3A_1492 : vector<16xi32>) : vector<16xi1>, vector<16xi32>
    %sub3A_1497 = arith.subi %unique3A_1496, %sub3A : vector<16xi32>
    %add3A_1498 = arith.constant 1 : i32
    %add3A_1499 = vector.broadcast %add3A_1498 : i32 to vector<16xi32>
    %add3A_1500 = arith.addi %sub3A_1497, %add3A_1499 : vector<16xi32>
    tpu.vector_store_idx %arg9[%get3A_1492], %add3A_1500 masked %unique3A_1495 {add = true} : memref<208xi32, #tpu.memory_space<vmem>>[vector<16xi32>], vector<16xi32>, vector<16xi1>
    %get3A_1501 = arith.constant 160 : index
    %get3A_1502 = tpu.vector_load %arg8[%get3A_1501] {strides = array<i32>} : memref<576xi32, #tpu.memory_space<vmem>>, vector<16xi32>,
    %broadcast_in_dim3A_1503 = arith.constant true
    %broadcast_in_dim3A_1504 = vector.broadcast %broadcast_in_dim3A_1503 : i1 to vector<16xi1>
    %unique3A_1505, %unique3A_1506 = tpu.scan_count mask(%broadcast_in_dim3A_1504 : vector<16xi1>) value(%get3A_1502 : vector<16xi32>) : vector<16xi1>, vector<16xi32>
    %sub3A_1507 = arith.subi %unique3A_1506, %sub3A : vector<16xi32>
    %add3A_1508 = arith.constant 1 : i32
    %add3A_1509 = vector.broadcast %add3A_1508 : i32 to vector<16xi32>
    %add3A_1510 = arith.addi %sub3A_1507, %add3A_1509 : vector<16xi32>
    tpu.vector_store_idx %arg9[%get3A_1502], %add3A_1510 masked %unique3A_1505 {add = true} : memref<208xi32, #tpu.memory_space<vmem>>[vector<16xi32>], vector<16xi32>, vector<16xi1>
    %get3A_1511 = arith.constant 176 : index
    %get3A_1512 = tpu.vector_load %arg8[%get3A_1511] {strides = array<i32>} : memref<576xi32, #tpu.memory_space<vmem>>, vector<16xi32>,
    %broadcast_in_dim3A_1513 = arith.constant true
    %broadcast_in_dim3A_1514 = vector.broadcast %broadcast_in_dim3A_1513 : i1 to vector<16xi1>
    %unique3A_1515, %unique3A_1516 = tpu.scan_count mask(%broadcast_in_dim3A_1514 : vector<16xi1>) value(%get3A_1512 : vector<16xi32>) : vector<16xi1>, vector<16xi32>
    %sub3A_1517 = arith.subi %unique3A_1516, %sub3A : vector<16xi32>
    %add3A_1518 = arith.constant 1 : i32
    %add3A_1519 = vector.broadcast %add3A_1518 : i32 to vector<16xi32>
    %add3A_1520 = arith.addi %sub3A_1517, %add3A_1519 : vector<16xi32>
    tpu.vector_store_idx %arg9[%get3A_1512], %add3A_1520 masked %unique3A_1515 {add = true} : memref<208xi32, #tpu.memory_space<vmem>>[vector<16xi32>], vector<16xi32>, vector<16xi1>
    %get3A_1521 = arith.constant 192 : index
    %get3A_1522 = tpu.vector_load %arg8[%get3A_1521] {strides = array<i32>} : memref<576xi32, #tpu.memory_space<vmem>>, vector<16xi32>,
    %broadcast_in_dim3A_1523 = arith.constant true
    %broadcast_in_dim3A_1524 = vector.broadcast %broadcast_in_dim3A_1523 : i1 to vector<16xi1>
    %unique3A_1525, %unique3A_1526 = tpu.scan_count mask(%broadcast_in_dim3A_1524 : vector<16xi1>) value(%get3A_1522 : vector<16xi32>) : vector<16xi1>, vector<16xi32>
    %sub3A_1527 = arith.subi %unique3A_1526, %sub3A : vector<16xi32>
    %add3A_1528 = arith.constant 1 : i32
    %add3A_1529 = vector.broadcast %add3A_1528 : i32 to vector<16xi32>
    %add3A_1530 = arith.addi %sub3A_1527, %add3A_1529 : vector<16xi32>
    tpu.vector_store_idx %arg9[%get3A_1522], %add3A_1530 masked %unique3A_1525 {add = true} : memref<208xi32, #tpu.memory_space<vmem>>[vector<16xi32>], vector<16xi32>, vector<16xi1>
    %get3A_1531 = arith.constant 208 : index
    %get3A_1532 = tpu.vector_load %arg8[%get3A_1531] {strides = array<i32>} : memref<576xi32, #tpu.memory_space<vmem>>, vector<16xi32>,
    %broadcast_in_dim3A_1533 = arith.constant true
    %broadcast_in_dim3A_1534 = vector.broadcast %broadcast_in_dim3A_1533 : i1 to vector<16xi1>
    %unique3A_1535, %unique3A_1536 = tpu.scan_count mask(%broadcast_in_dim3A_1534 : vector<16xi1>) value(%get3A_1532 : vector<16xi32>) : vector<16xi1>, vector<16xi32>
    %sub3A_1537 = arith.subi %unique3A_1536, %sub3A : vector<16xi32>
    %add3A_1538 = arith.constant 1 : i32
    %add3A_1539 = vector.broadcast %add3A_1538 : i32 to vector<16xi32>
    %add3A_1540 = arith.addi %sub3A_1537, %add3A_1539 : vector<16xi32>
    tpu.vector_store_idx %arg9[%get3A_1532], %add3A_1540 masked %unique3A_1535 {add = true} : memref<208xi32, #tpu.memory_space<vmem>>[vector<16xi32>], vector<16xi32>, vector<16xi1>
    %get3A_1541 = arith.constant 224 : index
    %get3A_1542 = tpu.vector_load %arg8[%get3A_1541] {strides = array<i32>} : memref<576xi32, #tpu.memory_space<vmem>>, vector<16xi32>,
    %broadcast_in_dim3A_1543 = arith.constant true
    %broadcast_in_dim3A_1544 = vector.broadcast %broadcast_in_dim3A_1543 : i1 to vector<16xi1>
    %unique3A_1545, %unique3A_1546 = tpu.scan_count mask(%broadcast_in_dim3A_1544 : vector<16xi1>) value(%get3A_1542 : vector<16xi32>) : vector<16xi1>, vector<16xi32>
    %sub3A_1547 = arith.subi %unique3A_1546, %sub3A : vector<16xi32>
    %add3A_1548 = arith.constant 1 : i32
    %add3A_1549 = vector.broadcast %add3A_1548 : i32 to vector<16xi32>
    %add3A_1550 = arith.addi %sub3A_1547, %add3A_1549 : vector<16xi32>
    tpu.vector_store_idx %arg9[%get3A_1542], %add3A_1550 masked %unique3A_1545 {add = true} : memref<208xi32, #tpu.memory_space<vmem>>[vector<16xi32>], vector<16xi32>, vector<16xi1>
    %get3A_1551 = arith.constant 240 : index
    %get3A_1552 = tpu.vector_load %arg8[%get3A_1551] {strides = array<i32>} : memref<576xi32, #tpu.memory_space<vmem>>, vector<16xi32>,
    %broadcast_in_dim3A_1553 = arith.constant true
    %broadcast_in_dim3A_1554 = vector.broadcast %broadcast_in_dim3A_1553 : i1 to vector<16xi1>
    %unique3A_1555, %unique3A_1556 = tpu.scan_count mask(%broadcast_in_dim3A_1554 : vector<16xi1>) value(%get3A_1552 : vector<16xi32>) : vector<16xi1>, vector<16xi32>
    %sub3A_1557 = arith.subi %unique3A_1556, %sub3A : vector<16xi32>
    %add3A_1558 = arith.constant 1 : i32
    %add3A_1559 = vector.broadcast %add3A_1558 : i32 to vector<16xi32>
    %add3A_1560 = arith.addi %sub3A_1557, %add3A_1559 : vector<16xi32>
    tpu.vector_store_idx %arg9[%get3A_1552], %add3A_1560 masked %unique3A_1555 {add = true} : memref<208xi32, #tpu.memory_space<vmem>>[vector<16xi32>], vector<16xi32>, vector<16xi1>
    %get3A_1561 = arith.constant 256 : index
    %get3A_1562 = tpu.vector_load %arg8[%get3A_1561] {strides = array<i32>} : memref<576xi32, #tpu.memory_space<vmem>>, vector<16xi32>,
    %broadcast_in_dim3A_1563 = arith.constant true
    %broadcast_in_dim3A_1564 = vector.broadcast %broadcast_in_dim3A_1563 : i1 to vector<16xi1>
    %unique3A_1565, %unique3A_1566 = tpu.scan_count mask(%broadcast_in_dim3A_1564 : vector<16xi1>) value(%get3A_1562 : vector<16xi32>) : vector<16xi1>, vector<16xi32>
    %sub3A_1567 = arith.subi %unique3A_1566, %sub3A : vector<16xi32>
    %add3A_1568 = arith.constant 1 : i32
    %add3A_1569 = vector.broadcast %add3A_1568 : i32 to vector<16xi32>
    %add3A_1570 = arith.addi %sub3A_1567, %add3A_1569 : vector<16xi32>
    tpu.vector_store_idx %arg9[%get3A_1562], %add3A_1570 masked %unique3A_1565 {add = true} : memref<208xi32, #tpu.memory_space<vmem>>[vector<16xi32>], vector<16xi32>, vector<16xi1>
    %get3A_1571 = arith.constant 272 : index
    %get3A_1572 = tpu.vector_load %arg8[%get3A_1571] {strides = array<i32>} : memref<576xi32, #tpu.memory_space<vmem>>, vector<16xi32>,
    %broadcast_in_dim3A_1573 = arith.constant true
    %broadcast_in_dim3A_1574 = vector.broadcast %broadcast_in_dim3A_1573 : i1 to vector<16xi1>
    %unique3A_1575, %unique3A_1576 = tpu.scan_count mask(%broadcast_in_dim3A_1574 : vector<16xi1>) value(%get3A_1572 : vector<16xi32>) : vector<16xi1>, vector<16xi32>
    %sub3A_1577 = arith.subi %unique3A_1576, %sub3A : vector<16xi32>
    %add3A_1578 = arith.constant 1 : i32
    %add3A_1579 = vector.broadcast %add3A_1578 : i32 to vector<16xi32>
    %add3A_1580 = arith.addi %sub3A_1577, %add3A_1579 : vector<16xi32>
    tpu.vector_store_idx %arg9[%get3A_1572], %add3A_1580 masked %unique3A_1575 {add = true} : memref<208xi32, #tpu.memory_space<vmem>>[vector<16xi32>], vector<16xi32>, vector<16xi1>
    %get3A_1581 = arith.constant 288 : index
    %get3A_1582 = tpu.vector_load %arg8[%get3A_1581] {strides = array<i32>} : memref<576xi32, #tpu.memory_space<vmem>>, vector<16xi32>,
    %broadcast_in_dim3A_1583 = arith.constant true
    %broadcast_in_dim3A_1584 = vector.broadcast %broadcast_in_dim3A_1583 : i1 to vector<16xi1>
    %unique3A_1585, %unique3A_1586 = tpu.scan_count mask(%broadcast_in_dim3A_1584 : vector<16xi1>) value(%get3A_1582 : vector<16xi32>) : vector<16xi1>, vector<16xi32>
    %sub3A_1587 = arith.subi %unique3A_1586, %sub3A : vector<16xi32>
    %add3A_1588 = arith.constant 1 : i32
    %add3A_1589 = vector.broadcast %add3A_1588 : i32 to vector<16xi32>
    %add3A_1590 = arith.addi %sub3A_1587, %add3A_1589 : vector<16xi32>
    tpu.vector_store_idx %arg9[%get3A_1582], %add3A_1590 masked %unique3A_1585 {add = true} : memref<208xi32, #tpu.memory_space<vmem>>[vector<16xi32>], vector<16xi32>, vector<16xi1>
    %get3A_1591 = arith.constant 304 : index
    %get3A_1592 = tpu.vector_load %arg8[%get3A_1591] {strides = array<i32>} : memref<576xi32, #tpu.memory_space<vmem>>, vector<16xi32>,
    %broadcast_in_dim3A_1593 = arith.constant true
    %broadcast_in_dim3A_1594 = vector.broadcast %broadcast_in_dim3A_1593 : i1 to vector<16xi1>
    %unique3A_1595, %unique3A_1596 = tpu.scan_count mask(%broadcast_in_dim3A_1594 : vector<16xi1>) value(%get3A_1592 : vector<16xi32>) : vector<16xi1>, vector<16xi32>
    %sub3A_1597 = arith.subi %unique3A_1596, %sub3A : vector<16xi32>
    %add3A_1598 = arith.constant 1 : i32
    %add3A_1599 = vector.broadcast %add3A_1598 : i32 to vector<16xi32>
    %add3A_1600 = arith.addi %sub3A_1597, %add3A_1599 : vector<16xi32>
    tpu.vector_store_idx %arg9[%get3A_1592], %add3A_1600 masked %unique3A_1595 {add = true} : memref<208xi32, #tpu.memory_space<vmem>>[vector<16xi32>], vector<16xi32>, vector<16xi1>
    %get3A_1601 = arith.constant 320 : index
    %get3A_1602 = tpu.vector_load %arg8[%get3A_1601] {strides = array<i32>} : memref<576xi32, #tpu.memory_space<vmem>>, vector<16xi32>,
    %broadcast_in_dim3A_1603 = arith.constant true
    %broadcast_in_dim3A_1604 = vector.broadcast %broadcast_in_dim3A_1603 : i1 to vector<16xi1>
    %unique3A_1605, %unique3A_1606 = tpu.scan_count mask(%broadcast_in_dim3A_1604 : vector<16xi1>) value(%get3A_1602 : vector<16xi32>) : vector<16xi1>, vector<16xi32>
    %sub3A_1607 = arith.subi %unique3A_1606, %sub3A : vector<16xi32>
    %add3A_1608 = arith.constant 1 : i32
    %add3A_1609 = vector.broadcast %add3A_1608 : i32 to vector<16xi32>
    %add3A_1610 = arith.addi %sub3A_1607, %add3A_1609 : vector<16xi32>
    tpu.vector_store_idx %arg9[%get3A_1602], %add3A_1610 masked %unique3A_1605 {add = true} : memref<208xi32, #tpu.memory_space<vmem>>[vector<16xi32>], vector<16xi32>, vector<16xi1>
    %get3A_1611 = arith.constant 336 : index
    %get3A_1612 = tpu.vector_load %arg8[%get3A_1611] {strides = array<i32>} : memref<576xi32, #tpu.memory_space<vmem>>, vector<16xi32>,
    %broadcast_in_dim3A_1613 = arith.constant true
    %broadcast_in_dim3A_1614 = vector.broadcast %broadcast_in_dim3A_1613 : i1 to vector<16xi1>
    %unique3A_1615, %unique3A_1616 = tpu.scan_count mask(%broadcast_in_dim3A_1614 : vector<16xi1>) value(%get3A_1612 : vector<16xi32>) : vector<16xi1>, vector<16xi32>
    %sub3A_1617 = arith.subi %unique3A_1616, %sub3A : vector<16xi32>
    %add3A_1618 = arith.constant 1 : i32
    %add3A_1619 = vector.broadcast %add3A_1618 : i32 to vector<16xi32>
    %add3A_1620 = arith.addi %sub3A_1617, %add3A_1619 : vector<16xi32>
    tpu.vector_store_idx %arg9[%get3A_1612], %add3A_1620 masked %unique3A_1615 {add = true} : memref<208xi32, #tpu.memory_space<vmem>>[vector<16xi32>], vector<16xi32>, vector<16xi1>
    %get3A_1621 = arith.constant 352 : index
    %get3A_1622 = tpu.vector_load %arg8[%get3A_1621] {strides = array<i32>} : memref<576xi32, #tpu.memory_space<vmem>>, vector<16xi32>,
    %broadcast_in_dim3A_1623 = arith.constant true
    %broadcast_in_dim3A_1624 = vector.broadcast %broadcast_in_dim3A_1623 : i1 to vector<16xi1>
    %unique3A_1625, %unique3A_1626 = tpu.scan_count mask(%broadcast_in_dim3A_1624 : vector<16xi1>) value(%get3A_1622 : vector<16xi32>) : vector<16xi1>, vector<16xi32>
    %sub3A_1627 = arith.subi %unique3A_1626, %sub3A : vector<16xi32>
    %add3A_1628 = arith.constant 1 : i32
    %add3A_1629 = vector.broadcast %add3A_1628 : i32 to vector<16xi32>
    %add3A_1630 = arith.addi %sub3A_1627, %add3A_1629 : vector<16xi32>
    tpu.vector_store_idx %arg9[%get3A_1622], %add3A_1630 masked %unique3A_1625 {add = true} : memref<208xi32, #tpu.memory_space<vmem>>[vector<16xi32>], vector<16xi32>, vector<16xi1>
    %get3A_1631 = arith.constant 368 : index
    %get3A_1632 = tpu.vector_load %arg8[%get3A_1631] {strides = array<i32>} : memref<576xi32, #tpu.memory_space<vmem>>, vector<16xi32>,
    %broadcast_in_dim3A_1633 = arith.constant true
    %broadcast_in_dim3A_1634 = vector.broadcast %broadcast_in_dim3A_1633 : i1 to vector<16xi1>
    %unique3A_1635, %unique3A_1636 = tpu.scan_count mask(%broadcast_in_dim3A_1634 : vector<16xi1>) value(%get3A_1632 : vector<16xi32>) : vector<16xi1>, vector<16xi32>
    %sub3A_1637 = arith.subi %unique3A_1636, %sub3A : vector<16xi32>
    %add3A_1638 = arith.constant 1 : i32
    %add3A_1639 = vector.broadcast %add3A_1638 : i32 to vector<16xi32>
    %add3A_1640 = arith.addi %sub3A_1637, %add3A_1639 : vector<16xi32>
    tpu.vector_store_idx %arg9[%get3A_1632], %add3A_1640 masked %unique3A_1635 {add = true} : memref<208xi32, #tpu.memory_space<vmem>>[vector<16xi32>], vector<16xi32>, vector<16xi1>
    %get3A_1641 = arith.constant 384 : index
    %get3A_1642 = tpu.vector_load %arg8[%get3A_1641] {strides = array<i32>} : memref<576xi32, #tpu.memory_space<vmem>>, vector<16xi32>,
    %broadcast_in_dim3A_1643 = arith.constant true
    %broadcast_in_dim3A_1644 = vector.broadcast %broadcast_in_dim3A_1643 : i1 to vector<16xi1>
    %unique3A_1645, %unique3A_1646 = tpu.scan_count mask(%broadcast_in_dim3A_1644 : vector<16xi1>) value(%get3A_1642 : vector<16xi32>) : vector<16xi1>, vector<16xi32>
    %sub3A_1647 = arith.subi %unique3A_1646, %sub3A : vector<16xi32>
    %add3A_1648 = arith.constant 1 : i32
    %add3A_1649 = vector.broadcast %add3A_1648 : i32 to vector<16xi32>
    %add3A_1650 = arith.addi %sub3A_1647, %add3A_1649 : vector<16xi32>
    tpu.vector_store_idx %arg9[%get3A_1642], %add3A_1650 masked %unique3A_1645 {add = true} : memref<208xi32, #tpu.memory_space<vmem>>[vector<16xi32>], vector<16xi32>, vector<16xi1>
    %get3A_1651 = arith.constant 400 : index
    %get3A_1652 = tpu.vector_load %arg8[%get3A_1651] {strides = array<i32>} : memref<576xi32, #tpu.memory_space<vmem>>, vector<16xi32>,
    %broadcast_in_dim3A_1653 = arith.constant true
    %broadcast_in_dim3A_1654 = vector.broadcast %broadcast_in_dim3A_1653 : i1 to vector<16xi1>
    %unique3A_1655, %unique3A_1656 = tpu.scan_count mask(%broadcast_in_dim3A_1654 : vector<16xi1>) value(%get3A_1652 : vector<16xi32>) : vector<16xi1>, vector<16xi32>
    %sub3A_1657 = arith.subi %unique3A_1656, %sub3A : vector<16xi32>
    %add3A_1658 = arith.constant 1 : i32
    %add3A_1659 = vector.broadcast %add3A_1658 : i32 to vector<16xi32>
    %add3A_1660 = arith.addi %sub3A_1657, %add3A_1659 : vector<16xi32>
    tpu.vector_store_idx %arg9[%get3A_1652], %add3A_1660 masked %unique3A_1655 {add = true} : memref<208xi32, #tpu.memory_space<vmem>>[vector<16xi32>], vector<16xi32>, vector<16xi1>
    %get3A_1661 = arith.constant 416 : index
    %get3A_1662 = tpu.vector_load %arg8[%get3A_1661] {strides = array<i32>} : memref<576xi32, #tpu.memory_space<vmem>>, vector<16xi32>,
    %broadcast_in_dim3A_1663 = arith.constant true
    %broadcast_in_dim3A_1664 = vector.broadcast %broadcast_in_dim3A_1663 : i1 to vector<16xi1>
    %unique3A_1665, %unique3A_1666 = tpu.scan_count mask(%broadcast_in_dim3A_1664 : vector<16xi1>) value(%get3A_1662 : vector<16xi32>) : vector<16xi1>, vector<16xi32>
    %sub3A_1667 = arith.subi %unique3A_1666, %sub3A : vector<16xi32>
    %add3A_1668 = arith.constant 1 : i32
    %add3A_1669 = vector.broadcast %add3A_1668 : i32 to vector<16xi32>
    %add3A_1670 = arith.addi %sub3A_1667, %add3A_1669 : vector<16xi32>
    tpu.vector_store_idx %arg9[%get3A_1662], %add3A_1670 masked %unique3A_1665 {add = true} : memref<208xi32, #tpu.memory_space<vmem>>[vector<16xi32>], vector<16xi32>, vector<16xi1>
    %get3A_1671 = arith.constant 432 : index
    %get3A_1672 = tpu.vector_load %arg8[%get3A_1671] {strides = array<i32>} : memref<576xi32, #tpu.memory_space<vmem>>, vector<16xi32>,
    %broadcast_in_dim3A_1673 = arith.constant true
    %broadcast_in_dim3A_1674 = vector.broadcast %broadcast_in_dim3A_1673 : i1 to vector<16xi1>
    %unique3A_1675, %unique3A_1676 = tpu.scan_count mask(%broadcast_in_dim3A_1674 : vector<16xi1>) value(%get3A_1672 : vector<16xi32>) : vector<16xi1>, vector<16xi32>
    %sub3A_1677 = arith.subi %unique3A_1676, %sub3A : vector<16xi32>
    %add3A_1678 = arith.constant 1 : i32
    %add3A_1679 = vector.broadcast %add3A_1678 : i32 to vector<16xi32>
    %add3A_1680 = arith.addi %sub3A_1677, %add3A_1679 : vector<16xi32>
    tpu.vector_store_idx %arg9[%get3A_1672], %add3A_1680 masked %unique3A_1675 {add = true} : memref<208xi32, #tpu.memory_space<vmem>>[vector<16xi32>], vector<16xi32>, vector<16xi1>
    %get3A_1681 = arith.constant 448 : index
    %get3A_1682 = tpu.vector_load %arg8[%get3A_1681] {strides = array<i32>} : memref<576xi32, #tpu.memory_space<vmem>>, vector<16xi32>,
    %broadcast_in_dim3A_1683 = arith.constant true
    %broadcast_in_dim3A_1684 = vector.broadcast %broadcast_in_dim3A_1683 : i1 to vector<16xi1>
    %unique3A_1685, %unique3A_1686 = tpu.scan_count mask(%broadcast_in_dim3A_1684 : vector<16xi1>) value(%get3A_1682 : vector<16xi32>) : vector<16xi1>, vector<16xi32>
    %sub3A_1687 = arith.subi %unique3A_1686, %sub3A : vector<16xi32>
    %add3A_1688 = arith.constant 1 : i32
    %add3A_1689 = vector.broadcast %add3A_1688 : i32 to vector<16xi32>
    %add3A_1690 = arith.addi %sub3A_1687, %add3A_1689 : vector<16xi32>
    tpu.vector_store_idx %arg9[%get3A_1682], %add3A_1690 masked %unique3A_1685 {add = true} : memref<208xi32, #tpu.memory_space<vmem>>[vector<16xi32>], vector<16xi32>, vector<16xi1>
    %get3A_1691 = arith.constant 464 : index
    %get3A_1692 = tpu.vector_load %arg8[%get3A_1691] {strides = array<i32>} : memref<576xi32, #tpu.memory_space<vmem>>, vector<16xi32>,
    %broadcast_in_dim3A_1693 = arith.constant true
    %broadcast_in_dim3A_1694 = vector.broadcast %broadcast_in_dim3A_1693 : i1 to vector<16xi1>
    %unique3A_1695, %unique3A_1696 = tpu.scan_count mask(%broadcast_in_dim3A_1694 : vector<16xi1>) value(%get3A_1692 : vector<16xi32>) : vector<16xi1>, vector<16xi32>
    %sub3A_1697 = arith.subi %unique3A_1696, %sub3A : vector<16xi32>
    %add3A_1698 = arith.constant 1 : i32
    %add3A_1699 = vector.broadcast %add3A_1698 : i32 to vector<16xi32>
    %add3A_1700 = arith.addi %sub3A_1697, %add3A_1699 : vector<16xi32>
    tpu.vector_store_idx %arg9[%get3A_1692], %add3A_1700 masked %unique3A_1695 {add = true} : memref<208xi32, #tpu.memory_space<vmem>>[vector<16xi32>], vector<16xi32>, vector<16xi1>
    %get3A_1701 = arith.constant 480 : index
    %get3A_1702 = tpu.vector_load %arg8[%get3A_1701] {strides = array<i32>} : memref<576xi32, #tpu.memory_space<vmem>>, vector<16xi32>,
    %broadcast_in_dim3A_1703 = arith.constant true
    %broadcast_in_dim3A_1704 = vector.broadcast %broadcast_in_dim3A_1703 : i1 to vector<16xi1>
    %unique3A_1705, %unique3A_1706 = tpu.scan_count mask(%broadcast_in_dim3A_1704 : vector<16xi1>) value(%get3A_1702 : vector<16xi32>) : vector<16xi1>, vector<16xi32>
    %sub3A_1707 = arith.subi %unique3A_1706, %sub3A : vector<16xi32>
    %add3A_1708 = arith.constant 1 : i32
    %add3A_1709 = vector.broadcast %add3A_1708 : i32 to vector<16xi32>
    %add3A_1710 = arith.addi %sub3A_1707, %add3A_1709 : vector<16xi32>
    tpu.vector_store_idx %arg9[%get3A_1702], %add3A_1710 masked %unique3A_1705 {add = true} : memref<208xi32, #tpu.memory_space<vmem>>[vector<16xi32>], vector<16xi32>, vector<16xi1>
    %get3A_1711 = arith.constant 496 : index
    %get3A_1712 = tpu.vector_load %arg8[%get3A_1711] {strides = array<i32>} : memref<576xi32, #tpu.memory_space<vmem>>, vector<16xi32>,
    %broadcast_in_dim3A_1713 = arith.constant true
    %broadcast_in_dim3A_1714 = vector.broadcast %broadcast_in_dim3A_1713 : i1 to vector<16xi1>
    %unique3A_1715, %unique3A_1716 = tpu.scan_count mask(%broadcast_in_dim3A_1714 : vector<16xi1>) value(%get3A_1712 : vector<16xi32>) : vector<16xi1>, vector<16xi32>
    %sub3A_1717 = arith.subi %unique3A_1716, %sub3A : vector<16xi32>
    %add3A_1718 = arith.constant 1 : i32
    %add3A_1719 = vector.broadcast %add3A_1718 : i32 to vector<16xi32>
    %add3A_1720 = arith.addi %sub3A_1717, %add3A_1719 : vector<16xi32>
    tpu.vector_store_idx %arg9[%get3A_1712], %add3A_1720 masked %unique3A_1715 {add = true} : memref<208xi32, #tpu.memory_space<vmem>>[vector<16xi32>], vector<16xi32>, vector<16xi1>
    %get3A_1721 = arith.constant 512 : index
    %get3A_1722 = tpu.vector_load %arg8[%get3A_1721] {strides = array<i32>} : memref<576xi32, #tpu.memory_space<vmem>>, vector<16xi32>,
    %broadcast_in_dim3A_1723 = arith.constant true
    %broadcast_in_dim3A_1724 = vector.broadcast %broadcast_in_dim3A_1723 : i1 to vector<16xi1>
    %unique3A_1725, %unique3A_1726 = tpu.scan_count mask(%broadcast_in_dim3A_1724 : vector<16xi1>) value(%get3A_1722 : vector<16xi32>) : vector<16xi1>, vector<16xi32>
    %sub3A_1727 = arith.subi %unique3A_1726, %sub3A : vector<16xi32>
    %add3A_1728 = arith.constant 1 : i32
    %add3A_1729 = vector.broadcast %add3A_1728 : i32 to vector<16xi32>
    %add3A_1730 = arith.addi %sub3A_1727, %add3A_1729 : vector<16xi32>
    tpu.vector_store_idx %arg9[%get3A_1722], %add3A_1730 masked %unique3A_1725 {add = true} : memref<208xi32, #tpu.memory_space<vmem>>[vector<16xi32>], vector<16xi32>, vector<16xi1>
    %get3A_1731 = arith.constant 528 : index
    %get3A_1732 = tpu.vector_load %arg8[%get3A_1731] {strides = array<i32>} : memref<576xi32, #tpu.memory_space<vmem>>, vector<16xi32>,
    %broadcast_in_dim3A_1733 = arith.constant true
    %broadcast_in_dim3A_1734 = vector.broadcast %broadcast_in_dim3A_1733 : i1 to vector<16xi1>
    %unique3A_1735, %unique3A_1736 = tpu.scan_count mask(%broadcast_in_dim3A_1734 : vector<16xi1>) value(%get3A_1732 : vector<16xi32>) : vector<16xi1>, vector<16xi32>
    %sub3A_1737 = arith.subi %unique3A_1736, %sub3A : vector<16xi32>
    %add3A_1738 = arith.constant 1 : i32
    %add3A_1739 = vector.broadcast %add3A_1738 : i32 to vector<16xi32>
    %add3A_1740 = arith.addi %sub3A_1737, %add3A_1739 : vector<16xi32>
    tpu.vector_store_idx %arg9[%get3A_1732], %add3A_1740 masked %unique3A_1735 {add = true} : memref<208xi32, #tpu.memory_space<vmem>>[vector<16xi32>], vector<16xi32>, vector<16xi1>
    %get3A_1741 = arith.constant 544 : index
    %get3A_1742 = tpu.vector_load %arg8[%get3A_1741] {strides = array<i32>} : memref<576xi32, #tpu.memory_space<vmem>>, vector<16xi32>,
    %broadcast_in_dim3A_1743 = arith.constant true
    %broadcast_in_dim3A_1744 = vector.broadcast %broadcast_in_dim3A_1743 : i1 to vector<16xi1>
    %unique3A_1745, %unique3A_1746 = tpu.scan_count mask(%broadcast_in_dim3A_1744 : vector<16xi1>) value(%get3A_1742 : vector<16xi32>) : vector<16xi1>, vector<16xi32>
    %sub3A_1747 = arith.subi %unique3A_1746, %sub3A : vector<16xi32>
    %add3A_1748 = arith.constant 1 : i32
    %add3A_1749 = vector.broadcast %add3A_1748 : i32 to vector<16xi32>
    %add3A_1750 = arith.addi %sub3A_1747, %add3A_1749 : vector<16xi32>
    tpu.vector_store_idx %arg9[%get3A_1742], %add3A_1750 masked %unique3A_1745 {add = true} : memref<208xi32, #tpu.memory_space<vmem>>[vector<16xi32>], vector<16xi32>, vector<16xi1>
    %get3A_1751 = arith.constant 560 : index
    %get3A_1752 = tpu.vector_load %arg8[%get3A_1751] {strides = array<i32>} : memref<576xi32, #tpu.memory_space<vmem>>, vector<16xi32>,
    %broadcast_in_dim3A_1753 = arith.constant true
    %broadcast_in_dim3A_1754 = vector.broadcast %broadcast_in_dim3A_1753 : i1 to vector<16xi1>
    %unique3A_1755, %unique3A_1756 = tpu.scan_count mask(%broadcast_in_dim3A_1754 : vector<16xi1>) value(%get3A_1752 : vector<16xi32>) : vector<16xi1>, vector<16xi32>
    %sub3A_1757 = arith.subi %unique3A_1756, %sub3A : vector<16xi32>
    %add3A_1758 = arith.constant 1 : i32
    %add3A_1759 = vector.broadcast %add3A_1758 : i32 to vector<16xi32>
    %add3A_1760 = arith.addi %sub3A_1757, %add3A_1759 : vector<16xi32>
    tpu.vector_store_idx %arg9[%get3A_1752], %add3A_1760 masked %unique3A_1755 {add = true} : memref<208xi32, #tpu.memory_space<vmem>>[vector<16xi32>], vector<16xi32>, vector<16xi1>
    %get3A_1761 = arith.constant 192 : index
    %get3A_1762 = tpu.vector_load %arg9[%get3A_1761] {strides = array<i32>} : memref<208xi32, #tpu.memory_space<vmem>>, vector<16xi32>,
    %rev3A = arith.constant 15 : i32
    %rev3A_1763 = vector.broadcast %rev3A : i32 to vector<16xi32>
    %rev3A_1764 = tpu.iota {dimensions = array<i32: 0>} : vector<16xi32>
    %rev3A_1765 = arith.subi %rev3A_1763, %rev3A_1764 : vector<16xi32>
    %rev3A_1766 = tpu.dynamic_gather %get3A_1762[%rev3A_1765] in [0] : vector<16xi32>, vector<16xi32> -> vector<16xi32>
    %broadcast_in_dim3A_1767 = arith.constant true
    %broadcast_in_dim3A_1768 = vector.broadcast %broadcast_in_dim3A_1767 : i1 to vector<16xi1>
    %masked_cumsum3A = tpu.scan <sum>, %rev3A_1766 masked %broadcast_in_dim3A_1768 : vector<16xi32>, vector<16xi1> -> vector<16xi32>
    %rev3A_1769 = arith.constant 15 : i32
    %rev3A_1770 = vector.broadcast %rev3A_1769 : i32 to vector<16xi32>
    %rev3A_1771 = tpu.iota {dimensions = array<i32: 0>} : vector<16xi32>
    %rev3A_1772 = arith.subi %rev3A_1770, %rev3A_1771 : vector<16xi32>
    %rev3A_1773 = tpu.dynamic_gather %masked_cumsum3A[%rev3A_1772] in [0] : vector<16xi32>, vector<16xi32> -> vector<16xi32>
    %add3A_1774 = arith.constant 0 : i32
    %add3A_1775 = vector.broadcast %add3A_1774 : i32 to vector<16xi32>
    %add3A_1776 = arith.addi %rev3A_1773, %add3A_1775 : vector<16xi32>
    %sub3A_1777 = arith.subi %add3A_1776, %get3A_1762 : vector<16xi32>
    %swap3A_1778 = arith.constant 192 : index
    %swap3A_1779 = tpu.vector_load %arg10[%swap3A_1778] {strides = array<i32>} : memref<208xi32, #tpu.memory_space<vmem>>, vector<16xi32>,
    tpu.vector_store %arg10[%swap3A_1778], %sub3A_1777 {strides = array<i32>} : memref<208xi32, #tpu.memory_space<vmem>>, vector<16xi32>,
    %slice3A = vector.extract_strided_slice %add3A_1776 {offsets = [0], sizes = [1], strides = [1]} : vector<16xi32> to vector<1xi32>
    %squeeze3A = vector.extract %slice3A[0] : i32 from vector<1xi32>
    %get3A_1780 = arith.constant 176 : index
    %get3A_1781 = tpu.vector_load %arg9[%get3A_1780] {strides = array<i32>} : memref<208xi32, #tpu.memory_space<vmem>>, vector<16xi32>,
    %rev3A_1782 = arith.constant 15 : i32
    %rev3A_1783 = vector.broadcast %rev3A_1782 : i32 to vector<16xi32>
    %rev3A_1784 = tpu.iota {dimensions = array<i32: 0>} : vector<16xi32>
    %rev3A_1785 = arith.subi %rev3A_1783, %rev3A_1784 : vector<16xi32>
    %rev3A_1786 = tpu.dynamic_gather %get3A_1781[%rev3A_1785] in [0] : vector<16xi32>, vector<16xi32> -> vector<16xi32>
    %broadcast_in_dim3A_1787 = arith.constant true
    %broadcast_in_dim3A_1788 = vector.broadcast %broadcast_in_dim3A_1787 : i1 to vector<16xi1>
    %masked_cumsum3A_1789 = tpu.scan <sum>, %rev3A_1786 masked %broadcast_in_dim3A_1788 : vector<16xi32>, vector<16xi1> -> vector<16xi32>
    %rev3A_1790 = arith.constant 15 : i32
    %rev3A_1791 = vector.broadcast %rev3A_1790 : i32 to vector<16xi32>
    %rev3A_1792 = tpu.iota {dimensions = array<i32: 0>} : vector<16xi32>
    %rev3A_1793 = arith.subi %rev3A_1791, %rev3A_1792 : vector<16xi32>
    %rev3A_1794 = tpu.dynamic_gather %masked_cumsum3A_1789[%rev3A_1793] in [0] : vector<16xi32>, vector<16xi32> -> vector<16xi32>
    %add3A_1795 = vector.broadcast %squeeze3A : i32 to vector<16xi32>
    %add3A_1796 = arith.addi %rev3A_1794, %add3A_1795 : vector<16xi32>
    %sub3A_1797 = arith.subi %add3A_1796, %get3A_1781 : vector<16xi32>
    %swap3A_1798 = arith.constant 176 : index
    %swap3A_1799 = tpu.vector_load %arg10[%swap3A_1798] {strides = array<i32>} : memref<208xi32, #tpu.memory_space<vmem>>, vector<16xi32>,
    tpu.vector_store %arg10[%swap3A_1798], %sub3A_1797 {strides = array<i32>} : memref<208xi32, #tpu.memory_space<vmem>>, vector<16xi32>,
    %slice3A_1800 = vector.extract_strided_slice %add3A_1796 {offsets = [0], sizes = [1], strides = [1]} : vector<16xi32> to vector<1xi32>
    %squeeze3A_1801 = vector.extract %slice3A_1800[0] : i32 from vector<1xi32>
    %get3A_1802 = arith.constant 160 : index
    %get3A_1803 = tpu.vector_load %arg9[%get3A_1802] {strides = array<i32>} : memref<208xi32, #tpu.memory_space<vmem>>, vector<16xi32>,
    %rev3A_1804 = arith.constant 15 : i32
    %rev3A_1805 = vector.broadcast %rev3A_1804 : i32 to vector<16xi32>
    %rev3A_1806 = tpu.iota {dimensions = array<i32: 0>} : vector<16xi32>
    %rev3A_1807 = arith.subi %rev3A_1805, %rev3A_1806 : vector<16xi32>
    %rev3A_1808 = tpu.dynamic_gather %get3A_1803[%rev3A_1807] in [0] : vector<16xi32>, vector<16xi32> -> vector<16xi32>
    %broadcast_in_dim3A_1809 = arith.constant true
    %broadcast_in_dim3A_1810 = vector.broadcast %broadcast_in_dim3A_1809 : i1 to vector<16xi1>
    %masked_cumsum3A_1811 = tpu.scan <sum>, %rev3A_1808 masked %broadcast_in_dim3A_1810 : vector<16xi32>, vector<16xi1> -> vector<16xi32>
    %rev3A_1812 = arith.constant 15 : i32
    %rev3A_1813 = vector.broadcast %rev3A_1812 : i32 to vector<16xi32>
    %rev3A_1814 = tpu.iota {dimensions = array<i32: 0>} : vector<16xi32>
    %rev3A_1815 = arith.subi %rev3A_1813, %rev3A_1814 : vector<16xi32>
    %rev3A_1816 = tpu.dynamic_gather %masked_cumsum3A_1811[%rev3A_1815] in [0] : vector<16xi32>, vector<16xi32> -> vector<16xi32>
    %add3A_1817 = vector.broadcast %squeeze3A_1801 : i32 to vector<16xi32>
    %add3A_1818 = arith.addi %rev3A_1816, %add3A_1817 : vector<16xi32>
    %sub3A_1819 = arith.subi %add3A_1818, %get3A_1803 : vector<16xi32>
    %swap3A_1820 = arith.constant 160 : index
    %swap3A_1821 = tpu.vector_load %arg10[%swap3A_1820] {strides = array<i32>} : memref<208xi32, #tpu.memory_space<vmem>>, vector<16xi32>,
    tpu.vector_store %arg10[%swap3A_1820], %sub3A_1819 {strides = array<i32>} : memref<208xi32, #tpu.memory_space<vmem>>, vector<16xi32>,
    %slice3A_1822 = vector.extract_strided_slice %add3A_1818 {offsets = [0], sizes = [1], strides = [1]} : vector<16xi32> to vector<1xi32>
    %squeeze3A_1823 = vector.extract %slice3A_1822[0] : i32 from vector<1xi32>
    %get3A_1824 = arith.constant 144 : index
    %get3A_1825 = tpu.vector_load %arg9[%get3A_1824] {strides = array<i32>} : memref<208xi32, #tpu.memory_space<vmem>>, vector<16xi32>,
    %rev3A_1826 = arith.constant 15 : i32
    %rev3A_1827 = vector.broadcast %rev3A_1826 : i32 to vector<16xi32>
    %rev3A_1828 = tpu.iota {dimensions = array<i32: 0>} : vector<16xi32>
    %rev3A_1829 = arith.subi %rev3A_1827, %rev3A_1828 : vector<16xi32>
    %rev3A_1830 = tpu.dynamic_gather %get3A_1825[%rev3A_1829] in [0] : vector<16xi32>, vector<16xi32> -> vector<16xi32>
    %broadcast_in_dim3A_1831 = arith.constant true
    %broadcast_in_dim3A_1832 = vector.broadcast %broadcast_in_dim3A_1831 : i1 to vector<16xi1>
    %masked_cumsum3A_1833 = tpu.scan <sum>, %rev3A_1830 masked %broadcast_in_dim3A_1832 : vector<16xi32>, vector<16xi1> -> vector<16xi32>
    %rev3A_1834 = arith.constant 15 : i32
    %rev3A_1835 = vector.broadcast %rev3A_1834 : i32 to vector<16xi32>
    %rev3A_1836 = tpu.iota {dimensions = array<i32: 0>} : vector<16xi32>
    %rev3A_1837 = arith.subi %rev3A_1835, %rev3A_1836 : vector<16xi32>
    %rev3A_1838 = tpu.dynamic_gather %masked_cumsum3A_1833[%rev3A_1837] in [0] : vector<16xi32>, vector<16xi32> -> vector<16xi32>
    %add3A_1839 = vector.broadcast %squeeze3A_1823 : i32 to vector<16xi32>
    %add3A_1840 = arith.addi %rev3A_1838, %add3A_1839 : vector<16xi32>
    %sub3A_1841 = arith.subi %add3A_1840, %get3A_1825 : vector<16xi32>
    %swap3A_1842 = arith.constant 144 : index
    %swap3A_1843 = tpu.vector_load %arg10[%swap3A_1842] {strides = array<i32>} : memref<208xi32, #tpu.memory_space<vmem>>, vector<16xi32>,
    tpu.vector_store %arg10[%swap3A_1842], %sub3A_1841 {strides = array<i32>} : memref<208xi32, #tpu.memory_space<vmem>>, vector<16xi32>,
    %slice3A_1844 = vector.extract_strided_slice %add3A_1840 {offsets = [0], sizes = [1], strides = [1]} : vector<16xi32> to vector<1xi32>
    %squeeze3A_1845 = vector.extract %slice3A_1844[0] : i32 from vector<1xi32>
    %get3A_1846 = arith.constant 128 : index
    %get3A_1847 = tpu.vector_load %arg9[%get3A_1846] {strides = array<i32>} : memref<208xi32, #tpu.memory_space<vmem>>, vector<16xi32>,
    %rev3A_1848 = arith.constant 15 : i32
    %rev3A_1849 = vector.broadcast %rev3A_1848 : i32 to vector<16xi32>
    %rev3A_1850 = tpu.iota {dimensions = array<i32: 0>} : vector<16xi32>
    %rev3A_1851 = arith.subi %rev3A_1849, %rev3A_1850 : vector<16xi32>
    %rev3A_1852 = tpu.dynamic_gather %get3A_1847[%rev3A_1851] in [0] : vector<16xi32>, vector<16xi32> -> vector<16xi32>
    %broadcast_in_dim3A_1853 = arith.constant true
    %broadcast_in_dim3A_1854 = vector.broadcast %broadcast_in_dim3A_1853 : i1 to vector<16xi1>
    %masked_cumsum3A_1855 = tpu.scan <sum>, %rev3A_1852 masked %broadcast_in_dim3A_1854 : vector<16xi32>, vector<16xi1> -> vector<16xi32>
    %rev3A_1856 = arith.constant 15 : i32
    %rev3A_1857 = vector.broadcast %rev3A_1856 : i32 to vector<16xi32>
    %rev3A_1858 = tpu.iota {dimensions = array<i32: 0>} : vector<16xi32>
    %rev3A_1859 = arith.subi %rev3A_1857, %rev3A_1858 : vector<16xi32>
    %rev3A_1860 = tpu.dynamic_gather %masked_cumsum3A_1855[%rev3A_1859] in [0] : vector<16xi32>, vector<16xi32> -> vector<16xi32>
    %add3A_1861 = vector.broadcast %squeeze3A_1845 : i32 to vector<16xi32>
    %add3A_1862 = arith.addi %rev3A_1860, %add3A_1861 : vector<16xi32>
    %sub3A_1863 = arith.subi %add3A_1862, %get3A_1847 : vector<16xi32>
    %swap3A_1864 = arith.constant 128 : index
    %swap3A_1865 = tpu.vector_load %arg10[%swap3A_1864] {strides = array<i32>} : memref<208xi32, #tpu.memory_space<vmem>>, vector<16xi32>,
    tpu.vector_store %arg10[%swap3A_1864], %sub3A_1863 {strides = array<i32>} : memref<208xi32, #tpu.memory_space<vmem>>, vector<16xi32>,
    %slice3A_1866 = vector.extract_strided_slice %add3A_1862 {offsets = [0], sizes = [1], strides = [1]} : vector<16xi32> to vector<1xi32>
    %squeeze3A_1867 = vector.extract %slice3A_1866[0] : i32 from vector<1xi32>
    %get3A_1868 = arith.constant 112 : index
    %get3A_1869 = tpu.vector_load %arg9[%get3A_1868] {strides = array<i32>} : memref<208xi32, #tpu.memory_space<vmem>>, vector<16xi32>,
    %rev3A_1870 = arith.constant 15 : i32
    %rev3A_1871 = vector.broadcast %rev3A_1870 : i32 to vector<16xi32>
    %rev3A_1872 = tpu.iota {dimensions = array<i32: 0>} : vector<16xi32>
    %rev3A_1873 = arith.subi %rev3A_1871, %rev3A_1872 : vector<16xi32>
    %rev3A_1874 = tpu.dynamic_gather %get3A_1869[%rev3A_1873] in [0] : vector<16xi32>, vector<16xi32> -> vector<16xi32>
    %broadcast_in_dim3A_1875 = arith.constant true
    %broadcast_in_dim3A_1876 = vector.broadcast %broadcast_in_dim3A_1875 : i1 to vector<16xi1>
    %masked_cumsum3A_1877 = tpu.scan <sum>, %rev3A_1874 masked %broadcast_in_dim3A_1876 : vector<16xi32>, vector<16xi1> -> vector<16xi32>
    %rev3A_1878 = arith.constant 15 : i32
    %rev3A_1879 = vector.broadcast %rev3A_1878 : i32 to vector<16xi32>
    %rev3A_1880 = tpu.iota {dimensions = array<i32: 0>} : vector<16xi32>
    %rev3A_1881 = arith.subi %rev3A_1879, %rev3A_1880 : vector<16xi32>
    %rev3A_1882 = tpu.dynamic_gather %masked_cumsum3A_1877[%rev3A_1881] in [0] : vector<16xi32>, vector<16xi32> -> vector<16xi32>
    %add3A_1883 = vector.broadcast %squeeze3A_1867 : i32 to vector<16xi32>
    %add3A_1884 = arith.addi %rev3A_1882, %add3A_1883 : vector<16xi32>
    %sub3A_1885 = arith.subi %add3A_1884, %get3A_1869 : vector<16xi32>
    %swap3A_1886 = arith.constant 112 : index
    %swap3A_1887 = tpu.vector_load %arg10[%swap3A_1886] {strides = array<i32>} : memref<208xi32, #tpu.memory_space<vmem>>, vector<16xi32>,
    tpu.vector_store %arg10[%swap3A_1886], %sub3A_1885 {strides = array<i32>} : memref<208xi32, #tpu.memory_space<vmem>>, vector<16xi32>,
    %slice3A_1888 = vector.extract_strided_slice %add3A_1884 {offsets = [0], sizes = [1], strides = [1]} : vector<16xi32> to vector<1xi32>
    %squeeze3A_1889 = vector.extract %slice3A_1888[0] : i32 from vector<1xi32>
    %get3A_1890 = arith.constant 96 : index
    %get3A_1891 = tpu.vector_load %arg9[%get3A_1890] {strides = array<i32>} : memref<208xi32, #tpu.memory_space<vmem>>, vector<16xi32>,
    %rev3A_1892 = arith.constant 15 : i32
    %rev3A_1893 = vector.broadcast %rev3A_1892 : i32 to vector<16xi32>
    %rev3A_1894 = tpu.iota {dimensions = array<i32: 0>} : vector<16xi32>
    %rev3A_1895 = arith.subi %rev3A_1893, %rev3A_1894 : vector<16xi32>
    %rev3A_1896 = tpu.dynamic_gather %get3A_1891[%rev3A_1895] in [0] : vector<16xi32>, vector<16xi32> -> vector<16xi32>
    %broadcast_in_dim3A_1897 = arith.constant true
    %broadcast_in_dim3A_1898 = vector.broadcast %broadcast_in_dim3A_1897 : i1 to vector<16xi1>
    %masked_cumsum3A_1899 = tpu.scan <sum>, %rev3A_1896 masked %broadcast_in_dim3A_1898 : vector<16xi32>, vector<16xi1> -> vector<16xi32>
    %rev3A_1900 = arith.constant 15 : i32
    %rev3A_1901 = vector.broadcast %rev3A_1900 : i32 to vector<16xi32>
    %rev3A_1902 = tpu.iota {dimensions = array<i32: 0>} : vector<16xi32>
    %rev3A_1903 = arith.subi %rev3A_1901, %rev3A_1902 : vector<16xi32>
    %rev3A_1904 = tpu.dynamic_gather %masked_cumsum3A_1899[%rev3A_1903] in [0] : vector<16xi32>, vector<16xi32> -> vector<16xi32>
    %add3A_1905 = vector.broadcast %squeeze3A_1889 : i32 to vector<16xi32>
    %add3A_1906 = arith.addi %rev3A_1904, %add3A_1905 : vector<16xi32>
    %sub3A_1907 = arith.subi %add3A_1906, %get3A_1891 : vector<16xi32>
    %swap3A_1908 = arith.constant 96 : index
    %swap3A_1909 = tpu.vector_load %arg10[%swap3A_1908] {strides = array<i32>} : memref<208xi32, #tpu.memory_space<vmem>>, vector<16xi32>,
    tpu.vector_store %arg10[%swap3A_1908], %sub3A_1907 {strides = array<i32>} : memref<208xi32, #tpu.memory_space<vmem>>, vector<16xi32>,
    %slice3A_1910 = vector.extract_strided_slice %add3A_1906 {offsets = [0], sizes = [1], strides = [1]} : vector<16xi32> to vector<1xi32>
    %squeeze3A_1911 = vector.extract %slice3A_1910[0] : i32 from vector<1xi32>
    %get3A_1912 = arith.constant 80 : index
    %get3A_1913 = tpu.vector_load %arg9[%get3A_1912] {strides = array<i32>} : memref<208xi32, #tpu.memory_space<vmem>>, vector<16xi32>,
    %rev3A_1914 = arith.constant 15 : i32
    %rev3A_1915 = vector.broadcast %rev3A_1914 : i32 to vector<16xi32>
    %rev3A_1916 = tpu.iota {dimensions = array<i32: 0>} : vector<16xi32>
    %rev3A_1917 = arith.subi %rev3A_1915, %rev3A_1916 : vector<16xi32>
    %rev3A_1918 = tpu.dynamic_gather %get3A_1913[%rev3A_1917] in [0] : vector<16xi32>, vector<16xi32> -> vector<16xi32>
    %broadcast_in_dim3A_1919 = arith.constant true
    %broadcast_in_dim3A_1920 = vector.broadcast %broadcast_in_dim3A_1919 : i1 to vector<16xi1>
    %masked_cumsum3A_1921 = tpu.scan <sum>, %rev3A_1918 masked %broadcast_in_dim3A_1920 : vector<16xi32>, vector<16xi1> -> vector<16xi32>
    %rev3A_1922 = arith.constant 15 : i32
    %rev3A_1923 = vector.broadcast %rev3A_1922 : i32 to vector<16xi32>
    %rev3A_1924 = tpu.iota {dimensions = array<i32: 0>} : vector<16xi32>
    %rev3A_1925 = arith.subi %rev3A_1923, %rev3A_1924 : vector<16xi32>
    %rev3A_1926 = tpu.dynamic_gather %masked_cumsum3A_1921[%rev3A_1925] in [0] : vector<16xi32>, vector<16xi32> -> vector<16xi32>
    %add3A_1927 = vector.broadcast %squeeze3A_1911 : i32 to vector<16xi32>
    %add3A_1928 = arith.addi %rev3A_1926, %add3A_1927 : vector<16xi32>
    %sub3A_1929 = arith.subi %add3A_1928, %get3A_1913 : vector<16xi32>
    %swap3A_1930 = arith.constant 80 : index
    %swap3A_1931 = tpu.vector_load %arg10[%swap3A_1930] {strides = array<i32>} : memref<208xi32, #tpu.memory_space<vmem>>, vector<16xi32>,
    tpu.vector_store %arg10[%swap3A_1930], %sub3A_1929 {strides = array<i32>} : memref<208xi32, #tpu.memory_space<vmem>>, vector<16xi32>,
    %slice3A_1932 = vector.extract_strided_slice %add3A_1928 {offsets = [0], sizes = [1], strides = [1]} : vector<16xi32> to vector<1xi32>
    %squeeze3A_1933 = vector.extract %slice3A_1932[0] : i32 from vector<1xi32>
    %get3A_1934 = arith.constant 64 : index
    %get3A_1935 = tpu.vector_load %arg9[%get3A_1934] {strides = array<i32>} : memref<208xi32, #tpu.memory_space<vmem>>, vector<16xi32>,
    %rev3A_1936 = arith.constant 15 : i32
    %rev3A_1937 = vector.broadcast %rev3A_1936 : i32 to vector<16xi32>
    %rev3A_1938 = tpu.iota {dimensions = array<i32: 0>} : vector<16xi32>
    %rev3A_1939 = arith.subi %rev3A_1937, %rev3A_1938 : vector<16xi32>
    %rev3A_1940 = tpu.dynamic_gather %get3A_1935[%rev3A_1939] in [0] : vector<16xi32>, vector<16xi32> -> vector<16xi32>
    %broadcast_in_dim3A_1941 = arith.constant true
    %broadcast_in_dim3A_1942 = vector.broadcast %broadcast_in_dim3A_1941 : i1 to vector<16xi1>
    %masked_cumsum3A_1943 = tpu.scan <sum>, %rev3A_1940 masked %broadcast_in_dim3A_1942 : vector<16xi32>, vector<16xi1> -> vector<16xi32>
    %rev3A_1944 = arith.constant 15 : i32
    %rev3A_1945 = vector.broadcast %rev3A_1944 : i32 to vector<16xi32>
    %rev3A_1946 = tpu.iota {dimensions = array<i32: 0>} : vector<16xi32>
    %rev3A_1947 = arith.subi %rev3A_1945, %rev3A_1946 : vector<16xi32>
    %rev3A_1948 = tpu.dynamic_gather %masked_cumsum3A_1943[%rev3A_1947] in [0] : vector<16xi32>, vector<16xi32> -> vector<16xi32>
    %add3A_1949 = vector.broadcast %squeeze3A_1933 : i32 to vector<16xi32>
    %add3A_1950 = arith.addi %rev3A_1948, %add3A_1949 : vector<16xi32>
    %sub3A_1951 = arith.subi %add3A_1950, %get3A_1935 : vector<16xi32>
    %swap3A_1952 = arith.constant 64 : index
    %swap3A_1953 = tpu.vector_load %arg10[%swap3A_1952] {strides = array<i32>} : memref<208xi32, #tpu.memory_space<vmem>>, vector<16xi32>,
    tpu.vector_store %arg10[%swap3A_1952], %sub3A_1951 {strides = array<i32>} : memref<208xi32, #tpu.memory_space<vmem>>, vector<16xi32>,
    %slice3A_1954 = vector.extract_strided_slice %add3A_1950 {offsets = [0], sizes = [1], strides = [1]} : vector<16xi32> to vector<1xi32>
    %squeeze3A_1955 = vector.extract %slice3A_1954[0] : i32 from vector<1xi32>
    %get3A_1956 = arith.constant 48 : index
    %get3A_1957 = tpu.vector_load %arg9[%get3A_1956] {strides = array<i32>} : memref<208xi32, #tpu.memory_space<vmem>>, vector<16xi32>,
    %rev3A_1958 = arith.constant 15 : i32
    %rev3A_1959 = vector.broadcast %rev3A_1958 : i32 to vector<16xi32>
    %rev3A_1960 = tpu.iota {dimensions = array<i32: 0>} : vector<16xi32>
    %rev3A_1961 = arith.subi %rev3A_1959, %rev3A_1960 : vector<16xi32>
    %rev3A_1962 = tpu.dynamic_gather %get3A_1957[%rev3A_1961] in [0] : vector<16xi32>, vector<16xi32> -> vector<16xi32>
    %broadcast_in_dim3A_1963 = arith.constant true
    %broadcast_in_dim3A_1964 = vector.broadcast %broadcast_in_dim3A_1963 : i1 to vector<16xi1>
    %masked_cumsum3A_1965 = tpu.scan <sum>, %rev3A_1962 masked %broadcast_in_dim3A_1964 : vector<16xi32>, vector<16xi1> -> vector<16xi32>
    %rev3A_1966 = arith.constant 15 : i32
    %rev3A_1967 = vector.broadcast %rev3A_1966 : i32 to vector<16xi32>
    %rev3A_1968 = tpu.iota {dimensions = array<i32: 0>} : vector<16xi32>
    %rev3A_1969 = arith.subi %rev3A_1967, %rev3A_1968 : vector<16xi32>
    %rev3A_1970 = tpu.dynamic_gather %masked_cumsum3A_1965[%rev3A_1969] in [0] : vector<16xi32>, vector<16xi32> -> vector<16xi32>
    %add3A_1971 = vector.broadcast %squeeze3A_1955 : i32 to vector<16xi32>
    %add3A_1972 = arith.addi %rev3A_1970, %add3A_1971 : vector<16xi32>
    %sub3A_1973 = arith.subi %add3A_1972, %get3A_1957 : vector<16xi32>
    %swap3A_1974 = arith.constant 48 : index
    %swap3A_1975 = tpu.vector_load %arg10[%swap3A_1974] {strides = array<i32>} : memref<208xi32, #tpu.memory_space<vmem>>, vector<16xi32>,
    tpu.vector_store %arg10[%swap3A_1974], %sub3A_1973 {strides = array<i32>} : memref<208xi32, #tpu.memory_space<vmem>>, vector<16xi32>,
    %slice3A_1976 = vector.extract_strided_slice %add3A_1972 {offsets = [0], sizes = [1], strides = [1]} : vector<16xi32> to vector<1xi32>
    %squeeze3A_1977 = vector.extract %slice3A_1976[0] : i32 from vector<1xi32>
    %get3A_1978 = arith.constant 32 : index
    %get3A_1979 = tpu.vector_load %arg9[%get3A_1978] {strides = array<i32>} : memref<208xi32, #tpu.memory_space<vmem>>, vector<16xi32>,
    %rev3A_1980 = arith.constant 15 : i32
    %rev3A_1981 = vector.broadcast %rev3A_1980 : i32 to vector<16xi32>
    %rev3A_1982 = tpu.iota {dimensions = array<i32: 0>} : vector<16xi32>
    %rev3A_1983 = arith.subi %rev3A_1981, %rev3A_1982 : vector<16xi32>
    %rev3A_1984 = tpu.dynamic_gather %get3A_1979[%rev3A_1983] in [0] : vector<16xi32>, vector<16xi32> -> vector<16xi32>
    %broadcast_in_dim3A_1985 = arith.constant true
    %broadcast_in_dim3A_1986 = vector.broadcast %broadcast_in_dim3A_1985 : i1 to vector<16xi1>
    %masked_cumsum3A_1987 = tpu.scan <sum>, %rev3A_1984 masked %broadcast_in_dim3A_1986 : vector<16xi32>, vector<16xi1> -> vector<16xi32>
    %rev3A_1988 = arith.constant 15 : i32
    %rev3A_1989 = vector.broadcast %rev3A_1988 : i32 to vector<16xi32>
    %rev3A_1990 = tpu.iota {dimensions = array<i32: 0>} : vector<16xi32>
    %rev3A_1991 = arith.subi %rev3A_1989, %rev3A_1990 : vector<16xi32>
    %rev3A_1992 = tpu.dynamic_gather %masked_cumsum3A_1987[%rev3A_1991] in [0] : vector<16xi32>, vector<16xi32> -> vector<16xi32>
    %add3A_1993 = vector.broadcast %squeeze3A_1977 : i32 to vector<16xi32>
    %add3A_1994 = arith.addi %rev3A_1992, %add3A_1993 : vector<16xi32>
    %sub3A_1995 = arith.subi %add3A_1994, %get3A_1979 : vector<16xi32>
    %swap3A_1996 = arith.constant 32 : index
    %swap3A_1997 = tpu.vector_load %arg10[%swap3A_1996] {strides = array<i32>} : memref<208xi32, #tpu.memory_space<vmem>>, vector<16xi32>,
    tpu.vector_store %arg10[%swap3A_1996], %sub3A_1995 {strides = array<i32>} : memref<208xi32, #tpu.memory_space<vmem>>, vector<16xi32>,
    %slice3A_1998 = vector.extract_strided_slice %add3A_1994 {offsets = [0], sizes = [1], strides = [1]} : vector<16xi32> to vector<1xi32>
    %squeeze3A_1999 = vector.extract %slice3A_1998[0] : i32 from vector<1xi32>
    %get3A_2000 = arith.constant 16 : index
    %get3A_2001 = tpu.vector_load %arg9[%get3A_2000] {strides = array<i32>} : memref<208xi32, #tpu.memory_space<vmem>>, vector<16xi32>,
    %rev3A_2002 = arith.constant 15 : i32
    %rev3A_2003 = vector.broadcast %rev3A_2002 : i32 to vector<16xi32>
    %rev3A_2004 = tpu.iota {dimensions = array<i32: 0>} : vector<16xi32>
    %rev3A_2005 = arith.subi %rev3A_2003, %rev3A_2004 : vector<16xi32>
    %rev3A_2006 = tpu.dynamic_gather %get3A_2001[%rev3A_2005] in [0] : vector<16xi32>, vector<16xi32> -> vector<16xi32>
    %broadcast_in_dim3A_2007 = arith.constant true
    %broadcast_in_dim3A_2008 = vector.broadcast %broadcast_in_dim3A_2007 : i1 to vector<16xi1>
    %masked_cumsum3A_2009 = tpu.scan <sum>, %rev3A_2006 masked %broadcast_in_dim3A_2008 : vector<16xi32>, vector<16xi1> -> vector<16xi32>
    %rev3A_2010 = arith.constant 15 : i32
    %rev3A_2011 = vector.broadcast %rev3A_2010 : i32 to vector<16xi32>
    %rev3A_2012 = tpu.iota {dimensions = array<i32: 0>} : vector<16xi32>
    %rev3A_2013 = arith.subi %rev3A_2011, %rev3A_2012 : vector<16xi32>
    %rev3A_2014 = tpu.dynamic_gather %masked_cumsum3A_2009[%rev3A_2013] in [0] : vector<16xi32>, vector<16xi32> -> vector<16xi32>
    %add3A_2015 = vector.broadcast %squeeze3A_1999 : i32 to vector<16xi32>
    %add3A_2016 = arith.addi %rev3A_2014, %add3A_2015 : vector<16xi32>
    %sub3A_2017 = arith.subi %add3A_2016, %get3A_2001 : vector<16xi32>
    %swap3A_2018 = arith.constant 16 : index
    %swap3A_2019 = tpu.vector_load %arg10[%swap3A_2018] {strides = array<i32>} : memref<208xi32, #tpu.memory_space<vmem>>, vector<16xi32>,
    tpu.vector_store %arg10[%swap3A_2018], %sub3A_2017 {strides = array<i32>} : memref<208xi32, #tpu.memory_space<vmem>>, vector<16xi32>,
    %slice3A_2020 = vector.extract_strided_slice %add3A_2016 {offsets = [0], sizes = [1], strides = [1]} : vector<16xi32> to vector<1xi32>
    %squeeze3A_2021 = vector.extract %slice3A_2020[0] : i32 from vector<1xi32>
    %get3A_2022 = arith.constant 0 : index
    %get3A_2023 = tpu.vector_load %arg9[%get3A_2022] {strides = array<i32>} : memref<208xi32, #tpu.memory_space<vmem>>, vector<16xi32>,
    %rev3A_2024 = arith.constant 15 : i32
    %rev3A_2025 = vector.broadcast %rev3A_2024 : i32 to vector<16xi32>
    %rev3A_2026 = tpu.iota {dimensions = array<i32: 0>} : vector<16xi32>
    %rev3A_2027 = arith.subi %rev3A_2025, %rev3A_2026 : vector<16xi32>
    %rev3A_2028 = tpu.dynamic_gather %get3A_2023[%rev3A_2027] in [0] : vector<16xi32>, vector<16xi32> -> vector<16xi32>
    %broadcast_in_dim3A_2029 = arith.constant true
    %broadcast_in_dim3A_2030 = vector.broadcast %broadcast_in_dim3A_2029 : i1 to vector<16xi1>
    %masked_cumsum3A_2031 = tpu.scan <sum>, %rev3A_2028 masked %broadcast_in_dim3A_2030 : vector<16xi32>, vector<16xi1> -> vector<16xi32>
    %rev3A_2032 = arith.constant 15 : i32
    %rev3A_2033 = vector.broadcast %rev3A_2032 : i32 to vector<16xi32>
    %rev3A_2034 = tpu.iota {dimensions = array<i32: 0>} : vector<16xi32>
    %rev3A_2035 = arith.subi %rev3A_2033, %rev3A_2034 : vector<16xi32>
    %rev3A_2036 = tpu.dynamic_gather %masked_cumsum3A_2031[%rev3A_2035] in [0] : vector<16xi32>, vector<16xi32> -> vector<16xi32>
    %add3A_2037 = vector.broadcast %squeeze3A_2021 : i32 to vector<16xi32>
    %add3A_2038 = arith.addi %rev3A_2036, %add3A_2037 : vector<16xi32>
    %sub3A_2039 = arith.subi %add3A_2038, %get3A_2023 : vector<16xi32>
    %swap3A_2040 = arith.constant 0 : index
    %swap3A_2041 = tpu.vector_load %arg10[%swap3A_2040] {strides = array<i32>} : memref<208xi32, #tpu.memory_space<vmem>>, vector<16xi32>,
    tpu.vector_store %arg10[%swap3A_2040], %sub3A_2039 {strides = array<i32>} : memref<208xi32, #tpu.memory_space<vmem>>, vector<16xi32>,
    %slice3A_2042 = vector.extract_strided_slice %add3A_2038 {offsets = [0], sizes = [1], strides = [1]} : vector<16xi32> to vector<1xi32>
    %squeeze3A_2043 = vector.extract %slice3A_2042[0] : i32 from vector<1xi32>
    %get3A_2044 = arith.constant 0 : index
    %get3A_2045 = tpu.vector_load %arg8[%get3A_2044] {strides = array<i32>} : memref<576xi32, #tpu.memory_space<vmem>>, vector<16xi32>,
    %gather3A = tpu.vector_load_idx %arg10[%get3A_2045] : memref<208xi32, #tpu.memory_space<vmem>>[vector<16xi32>], vector<16xi32>,
    %broadcast_in_dim3A_2046 = arith.constant true
    %broadcast_in_dim3A_2047 = vector.broadcast %broadcast_in_dim3A_2046 : i1 to vector<16xi1>
    %unique3A_2048, %unique3A_2049 = tpu.scan_count mask(%broadcast_in_dim3A_2047 : vector<16xi1>) value(%get3A_2045 : vector<16xi32>) : vector<16xi1>, vector<16xi32>
    %sub3A_2050 = arith.subi %unique3A_2049, %sub3A : vector<16xi32>
    %add3A_2051 = arith.addi %gather3A, %sub3A_2050 : vector<16xi32>
    %add3A_2052 = arith.constant 1 : i32
    %add3A_2053 = vector.broadcast %add3A_2052 : i32 to vector<16xi32>
    %add3A_2054 = arith.addi %iota3A, %add3A_2053 : vector<16xi32>
    tpu.vector_store_idx %arg11[%add3A_2051], %add3A_2054 : memref<576xi32, #tpu.memory_space<vmem>>[vector<16xi32>], vector<16xi32>,
    %add3A_2055 = arith.constant 1 : i32
    %add3A_2056 = vector.broadcast %add3A_2055 : i32 to vector<16xi32>
    %add3A_2057 = arith.addi %sub3A_2050, %add3A_2056 : vector<16xi32>
    tpu.vector_store_idx %arg10[%get3A_2045], %add3A_2057 masked %unique3A_2048 {add = true} : memref<208xi32, #tpu.memory_space<vmem>>[vector<16xi32>], vector<16xi32>, vector<16xi1>
    %get3A_2058 = arith.constant 16 : index
    %get3A_2059 = tpu.vector_load %arg8[%get3A_2058] {strides = array<i32>} : memref<576xi32, #tpu.memory_space<vmem>>, vector<16xi32>,
    %gather3A_2060 = tpu.vector_load_idx %arg10[%get3A_2059] : memref<208xi32, #tpu.memory_space<vmem>>[vector<16xi32>], vector<16xi32>,
    %broadcast_in_dim3A_2061 = arith.constant true
    %broadcast_in_dim3A_2062 = vector.broadcast %broadcast_in_dim3A_2061 : i1 to vector<16xi1>
    %unique3A_2063, %unique3A_2064 = tpu.scan_count mask(%broadcast_in_dim3A_2062 : vector<16xi1>) value(%get3A_2059 : vector<16xi32>) : vector<16xi1>, vector<16xi32>
    %sub3A_2065 = arith.subi %unique3A_2064, %sub3A : vector<16xi32>
    %add3A_2066 = arith.addi %gather3A_2060, %sub3A_2065 : vector<16xi32>
    %add3A_2067 = arith.constant 17 : i32
    %add3A_2068 = vector.broadcast %add3A_2067 : i32 to vector<16xi32>
    %add3A_2069 = arith.addi %iota3A, %add3A_2068 : vector<16xi32>
    tpu.vector_store_idx %arg11[%add3A_2066], %add3A_2069 : memref<576xi32, #tpu.memory_space<vmem>>[vector<16xi32>], vector<16xi32>,
    %add3A_2070 = arith.constant 1 : i32
    %add3A_2071 = vector.broadcast %add3A_2070 : i32 to vector<16xi32>
    %add3A_2072 = arith.addi %sub3A_2065, %add3A_2071 : vector<16xi32>
    tpu.vector_store_idx %arg10[%get3A_2059], %add3A_2072 masked %unique3A_2063 {add = true} : memref<208xi32, #tpu.memory_space<vmem>>[vector<16xi32>], vector<16xi32>, vector<16xi1>
    %get3A_2073 = arith.constant 32 : index
    %get3A_2074 = tpu.vector_load %arg8[%get3A_2073] {strides = array<i32>} : memref<576xi32, #tpu.memory_space<vmem>>, vector<16xi32>,
    %gather3A_2075 = tpu.vector_load_idx %arg10[%get3A_2074] : memref<208xi32, #tpu.memory_space<vmem>>[vector<16xi32>], vector<16xi32>,
    %broadcast_in_dim3A_2076 = arith.constant true
    %broadcast_in_dim3A_2077 = vector.broadcast %broadcast_in_dim3A_2076 : i1 to vector<16xi1>
    %unique3A_2078, %unique3A_2079 = tpu.scan_count mask(%broadcast_in_dim3A_2077 : vector<16xi1>) value(%get3A_2074 : vector<16xi32>) : vector<16xi1>, vector<16xi32>
    %sub3A_2080 = arith.subi %unique3A_2079, %sub3A : vector<16xi32>
    %add3A_2081 = arith.addi %gather3A_2075, %sub3A_2080 : vector<16xi32>
    %add3A_2082 = arith.constant 33 : i32
    %add3A_2083 = vector.broadcast %add3A_2082 : i32 to vector<16xi32>
    %add3A_2084 = arith.addi %iota3A, %add3A_2083 : vector<16xi32>
    tpu.vector_store_idx %arg11[%add3A_2081], %add3A_2084 : memref<576xi32, #tpu.memory_space<vmem>>[vector<16xi32>], vector<16xi32>,
    %add3A_2085 = arith.constant 1 : i32
    %add3A_2086 = vector.broadcast %add3A_2085 : i32 to vector<16xi32>
    %add3A_2087 = arith.addi %sub3A_2080, %add3A_2086 : vector<16xi32>
    tpu.vector_store_idx %arg10[%get3A_2074], %add3A_2087 masked %unique3A_2078 {add = true} : memref<208xi32, #tpu.memory_space<vmem>>[vector<16xi32>], vector<16xi32>, vector<16xi1>
    %get3A_2088 = arith.constant 48 : index
    %get3A_2089 = tpu.vector_load %arg8[%get3A_2088] {strides = array<i32>} : memref<576xi32, #tpu.memory_space<vmem>>, vector<16xi32>,
    %gather3A_2090 = tpu.vector_load_idx %arg10[%get3A_2089] : memref<208xi32, #tpu.memory_space<vmem>>[vector<16xi32>], vector<16xi32>,
    %broadcast_in_dim3A_2091 = arith.constant true
    %broadcast_in_dim3A_2092 = vector.broadcast %broadcast_in_dim3A_2091 : i1 to vector<16xi1>
    %unique3A_2093, %unique3A_2094 = tpu.scan_count mask(%broadcast_in_dim3A_2092 : vector<16xi1>) value(%get3A_2089 : vector<16xi32>) : vector<16xi1>, vector<16xi32>
    %sub3A_2095 = arith.subi %unique3A_2094, %sub3A : vector<16xi32>
    %add3A_2096 = arith.addi %gather3A_2090, %sub3A_2095 : vector<16xi32>
    %add3A_2097 = arith.constant 49 : i32
    %add3A_2098 = vector.broadcast %add3A_2097 : i32 to vector<16xi32>
    %add3A_2099 = arith.addi %iota3A, %add3A_2098 : vector<16xi32>
    tpu.vector_store_idx %arg11[%add3A_2096], %add3A_2099 : memref<576xi32, #tpu.memory_space<vmem>>[vector<16xi32>], vector<16xi32>,
    %add3A_2100 = arith.constant 1 : i32
    %add3A_2101 = vector.broadcast %add3A_2100 : i32 to vector<16xi32>
    %add3A_2102 = arith.addi %sub3A_2095, %add3A_2101 : vector<16xi32>
    tpu.vector_store_idx %arg10[%get3A_2089], %add3A_2102 masked %unique3A_2093 {add = true} : memref<208xi32, #tpu.memory_space<vmem>>[vector<16xi32>], vector<16xi32>, vector<16xi1>
    %get3A_2103 = arith.constant 64 : index
    %get3A_2104 = tpu.vector_load %arg8[%get3A_2103] {strides = array<i32>} : memref<576xi32, #tpu.memory_space<vmem>>, vector<16xi32>,
    %gather3A_2105 = tpu.vector_load_idx %arg10[%get3A_2104] : memref<208xi32, #tpu.memory_space<vmem>>[vector<16xi32>], vector<16xi32>,
    %broadcast_in_dim3A_2106 = arith.constant true
    %broadcast_in_dim3A_2107 = vector.broadcast %broadcast_in_dim3A_2106 : i1 to vector<16xi1>
    %unique3A_2108, %unique3A_2109 = tpu.scan_count mask(%broadcast_in_dim3A_2107 : vector<16xi1>) value(%get3A_2104 : vector<16xi32>) : vector<16xi1>, vector<16xi32>
    %sub3A_2110 = arith.subi %unique3A_2109, %sub3A : vector<16xi32>
    %add3A_2111 = arith.addi %gather3A_2105, %sub3A_2110 : vector<16xi32>
    %add3A_2112 = arith.constant 65 : i32
    %add3A_2113 = vector.broadcast %add3A_2112 : i32 to vector<16xi32>
    %add3A_2114 = arith.addi %iota3A, %add3A_2113 : vector<16xi32>
    tpu.vector_store_idx %arg11[%add3A_2111], %add3A_2114 : memref<576xi32, #tpu.memory_space<vmem>>[vector<16xi32>], vector<16xi32>,
    %add3A_2115 = arith.constant 1 : i32
    %add3A_2116 = vector.broadcast %add3A_2115 : i32 to vector<16xi32>
    %add3A_2117 = arith.addi %sub3A_2110, %add3A_2116 : vector<16xi32>
    tpu.vector_store_idx %arg10[%get3A_2104], %add3A_2117 masked %unique3A_2108 {add = true} : memref<208xi32, #tpu.memory_space<vmem>>[vector<16xi32>], vector<16xi32>, vector<16xi1>
    %get3A_2118 = arith.constant 80 : index
    %get3A_2119 = tpu.vector_load %arg8[%get3A_2118] {strides = array<i32>} : memref<576xi32, #tpu.memory_space<vmem>>, vector<16xi32>,
    %gather3A_2120 = tpu.vector_load_idx %arg10[%get3A_2119] : memref<208xi32, #tpu.memory_space<vmem>>[vector<16xi32>], vector<16xi32>,
    %broadcast_in_dim3A_2121 = arith.constant true
    %broadcast_in_dim3A_2122 = vector.broadcast %broadcast_in_dim3A_2121 : i1 to vector<16xi1>
    %unique3A_2123, %unique3A_2124 = tpu.scan_count mask(%broadcast_in_dim3A_2122 : vector<16xi1>) value(%get3A_2119 : vector<16xi32>) : vector<16xi1>, vector<16xi32>
    %sub3A_2125 = arith.subi %unique3A_2124, %sub3A : vector<16xi32>
    %add3A_2126 = arith.addi %gather3A_2120, %sub3A_2125 : vector<16xi32>
    %add3A_2127 = arith.constant 81 : i32
    %add3A_2128 = vector.broadcast %add3A_2127 : i32 to vector<16xi32>
    %add3A_2129 = arith.addi %iota3A, %add3A_2128 : vector<16xi32>
    tpu.vector_store_idx %arg11[%add3A_2126], %add3A_2129 : memref<576xi32, #tpu.memory_space<vmem>>[vector<16xi32>], vector<16xi32>,
    %add3A_2130 = arith.constant 1 : i32
    %add3A_2131 = vector.broadcast %add3A_2130 : i32 to vector<16xi32>
    %add3A_2132 = arith.addi %sub3A_2125, %add3A_2131 : vector<16xi32>
    tpu.vector_store_idx %arg10[%get3A_2119], %add3A_2132 masked %unique3A_2123 {add = true} : memref<208xi32, #tpu.memory_space<vmem>>[vector<16xi32>], vector<16xi32>, vector<16xi1>
    %get3A_2133 = arith.constant 96 : index
    %get3A_2134 = tpu.vector_load %arg8[%get3A_2133] {strides = array<i32>} : memref<576xi32, #tpu.memory_space<vmem>>, vector<16xi32>,
    %gather3A_2135 = tpu.vector_load_idx %arg10[%get3A_2134] : memref<208xi32, #tpu.memory_space<vmem>>[vector<16xi32>], vector<16xi32>,
    %broadcast_in_dim3A_2136 = arith.constant true
    %broadcast_in_dim3A_2137 = vector.broadcast %broadcast_in_dim3A_2136 : i1 to vector<16xi1>
    %unique3A_2138, %unique3A_2139 = tpu.scan_count mask(%broadcast_in_dim3A_2137 : vector<16xi1>) value(%get3A_2134 : vector<16xi32>) : vector<16xi1>, vector<16xi32>
    %sub3A_2140 = arith.subi %unique3A_2139, %sub3A : vector<16xi32>
    %add3A_2141 = arith.addi %gather3A_2135, %sub3A_2140 : vector<16xi32>
    %add3A_2142 = arith.constant 97 : i32
    %add3A_2143 = vector.broadcast %add3A_2142 : i32 to vector<16xi32>
    %add3A_2144 = arith.addi %iota3A, %add3A_2143 : vector<16xi32>
    tpu.vector_store_idx %arg11[%add3A_2141], %add3A_2144 : memref<576xi32, #tpu.memory_space<vmem>>[vector<16xi32>], vector<16xi32>,
    %add3A_2145 = arith.constant 1 : i32
    %add3A_2146 = vector.broadcast %add3A_2145 : i32 to vector<16xi32>
    %add3A_2147 = arith.addi %sub3A_2140, %add3A_2146 : vector<16xi32>
    tpu.vector_store_idx %arg10[%get3A_2134], %add3A_2147 masked %unique3A_2138 {add = true} : memref<208xi32, #tpu.memory_space<vmem>>[vector<16xi32>], vector<16xi32>, vector<16xi1>
    %get3A_2148 = arith.constant 112 : index
    %get3A_2149 = tpu.vector_load %arg8[%get3A_2148] {strides = array<i32>} : memref<576xi32, #tpu.memory_space<vmem>>, vector<16xi32>,
    %gather3A_2150 = tpu.vector_load_idx %arg10[%get3A_2149] : memref<208xi32, #tpu.memory_space<vmem>>[vector<16xi32>], vector<16xi32>,
    %broadcast_in_dim3A_2151 = arith.constant true
    %broadcast_in_dim3A_2152 = vector.broadcast %broadcast_in_dim3A_2151 : i1 to vector<16xi1>
    %unique3A_2153, %unique3A_2154 = tpu.scan_count mask(%broadcast_in_dim3A_2152 : vector<16xi1>) value(%get3A_2149 : vector<16xi32>) : vector<16xi1>, vector<16xi32>
    %sub3A_2155 = arith.subi %unique3A_2154, %sub3A : vector<16xi32>
    %add3A_2156 = arith.addi %gather3A_2150, %sub3A_2155 : vector<16xi32>
    %add3A_2157 = arith.constant 113 : i32
    %add3A_2158 = vector.broadcast %add3A_2157 : i32 to vector<16xi32>
    %add3A_2159 = arith.addi %iota3A, %add3A_2158 : vector<16xi32>
    tpu.vector_store_idx %arg11[%add3A_2156], %add3A_2159 : memref<576xi32, #tpu.memory_space<vmem>>[vector<16xi32>], vector<16xi32>,
    %add3A_2160 = arith.constant 1 : i32
    %add3A_2161 = vector.broadcast %add3A_2160 : i32 to vector<16xi32>
    %add3A_2162 = arith.addi %sub3A_2155, %add3A_2161 : vector<16xi32>
    tpu.vector_store_idx %arg10[%get3A_2149], %add3A_2162 masked %unique3A_2153 {add = true} : memref<208xi32, #tpu.memory_space<vmem>>[vector<16xi32>], vector<16xi32>, vector<16xi1>
    %get3A_2163 = arith.constant 128 : index
    %get3A_2164 = tpu.vector_load %arg8[%get3A_2163] {strides = array<i32>} : memref<576xi32, #tpu.memory_space<vmem>>, vector<16xi32>,
    %gather3A_2165 = tpu.vector_load_idx %arg10[%get3A_2164] : memref<208xi32, #tpu.memory_space<vmem>>[vector<16xi32>], vector<16xi32>,
    %broadcast_in_dim3A_2166 = arith.constant true
    %broadcast_in_dim3A_2167 = vector.broadcast %broadcast_in_dim3A_2166 : i1 to vector<16xi1>
    %unique3A_2168, %unique3A_2169 = tpu.scan_count mask(%broadcast_in_dim3A_2167 : vector<16xi1>) value(%get3A_2164 : vector<16xi32>) : vector<16xi1>, vector<16xi32>
    %sub3A_2170 = arith.subi %unique3A_2169, %sub3A : vector<16xi32>
    %add3A_2171 = arith.addi %gather3A_2165, %sub3A_2170 : vector<16xi32>
    %add3A_2172 = arith.constant 129 : i32
    %add3A_2173 = vector.broadcast %add3A_2172 : i32 to vector<16xi32>
    %add3A_2174 = arith.addi %iota3A, %add3A_2173 : vector<16xi32>
    tpu.vector_store_idx %arg11[%add3A_2171], %add3A_2174 : memref<576xi32, #tpu.memory_space<vmem>>[vector<16xi32>], vector<16xi32>,
    %add3A_2175 = arith.constant 1 : i32
    %add3A_2176 = vector.broadcast %add3A_2175 : i32 to vector<16xi32>
    %add3A_2177 = arith.addi %sub3A_2170, %add3A_2176 : vector<16xi32>
    tpu.vector_store_idx %arg10[%get3A_2164], %add3A_2177 masked %unique3A_2168 {add = true} : memref<208xi32, #tpu.memory_space<vmem>>[vector<16xi32>], vector<16xi32>, vector<16xi1>
    %get3A_2178 = arith.constant 144 : index
    %get3A_2179 = tpu.vector_load %arg8[%get3A_2178] {strides = array<i32>} : memref<576xi32, #tpu.memory_space<vmem>>, vector<16xi32>,
    %gather3A_2180 = tpu.vector_load_idx %arg10[%get3A_2179] : memref<208xi32, #tpu.memory_space<vmem>>[vector<16xi32>], vector<16xi32>,
    %broadcast_in_dim3A_2181 = arith.constant true
    %broadcast_in_dim3A_2182 = vector.broadcast %broadcast_in_dim3A_2181 : i1 to vector<16xi1>
    %unique3A_2183, %unique3A_2184 = tpu.scan_count mask(%broadcast_in_dim3A_2182 : vector<16xi1>) value(%get3A_2179 : vector<16xi32>) : vector<16xi1>, vector<16xi32>
    %sub3A_2185 = arith.subi %unique3A_2184, %sub3A : vector<16xi32>
    %add3A_2186 = arith.addi %gather3A_2180, %sub3A_2185 : vector<16xi32>
    %add3A_2187 = arith.constant 145 : i32
    %add3A_2188 = vector.broadcast %add3A_2187 : i32 to vector<16xi32>
    %add3A_2189 = arith.addi %iota3A, %add3A_2188 : vector<16xi32>
    tpu.vector_store_idx %arg11[%add3A_2186], %add3A_2189 : memref<576xi32, #tpu.memory_space<vmem>>[vector<16xi32>], vector<16xi32>,
    %add3A_2190 = arith.constant 1 : i32
    %add3A_2191 = vector.broadcast %add3A_2190 : i32 to vector<16xi32>
    %add3A_2192 = arith.addi %sub3A_2185, %add3A_2191 : vector<16xi32>
    tpu.vector_store_idx %arg10[%get3A_2179], %add3A_2192 masked %unique3A_2183 {add = true} : memref<208xi32, #tpu.memory_space<vmem>>[vector<16xi32>], vector<16xi32>, vector<16xi1>
    %get3A_2193 = arith.constant 160 : index
    %get3A_2194 = tpu.vector_load %arg8[%get3A_2193] {strides = array<i32>} : memref<576xi32, #tpu.memory_space<vmem>>, vector<16xi32>,
    %gather3A_2195 = tpu.vector_load_idx %arg10[%get3A_2194] : memref<208xi32, #tpu.memory_space<vmem>>[vector<16xi32>], vector<16xi32>,
    %broadcast_in_dim3A_2196 = arith.constant true
    %broadcast_in_dim3A_2197 = vector.broadcast %broadcast_in_dim3A_2196 : i1 to vector<16xi1>
    %unique3A_2198, %unique3A_2199 = tpu.scan_count mask(%broadcast_in_dim3A_2197 : vector<16xi1>) value(%get3A_2194 : vector<16xi32>) : vector<16xi1>, vector<16xi32>
    %sub3A_2200 = arith.subi %unique3A_2199, %sub3A : vector<16xi32>
    %add3A_2201 = arith.addi %gather3A_2195, %sub3A_2200 : vector<16xi32>
    %add3A_2202 = arith.constant 161 : i32
    %add3A_2203 = vector.broadcast %add3A_2202 : i32 to vector<16xi32>
    %add3A_2204 = arith.addi %iota3A, %add3A_2203 : vector<16xi32>
    tpu.vector_store_idx %arg11[%add3A_2201], %add3A_2204 : memref<576xi32, #tpu.memory_space<vmem>>[vector<16xi32>], vector<16xi32>,
    %add3A_2205 = arith.constant 1 : i32
    %add3A_2206 = vector.broadcast %add3A_2205 : i32 to vector<16xi32>
    %add3A_2207 = arith.addi %sub3A_2200, %add3A_2206 : vector<16xi32>
    tpu.vector_store_idx %arg10[%get3A_2194], %add3A_2207 masked %unique3A_2198 {add = true} : memref<208xi32, #tpu.memory_space<vmem>>[vector<16xi32>], vector<16xi32>, vector<16xi1>
    %get3A_2208 = arith.constant 176 : index
    %get3A_2209 = tpu.vector_load %arg8[%get3A_2208] {strides = array<i32>} : memref<576xi32, #tpu.memory_space<vmem>>, vector<16xi32>,
    %gather3A_2210 = tpu.vector_load_idx %arg10[%get3A_2209] : memref<208xi32, #tpu.memory_space<vmem>>[vector<16xi32>], vector<16xi32>,
    %broadcast_in_dim3A_2211 = arith.constant true
    %broadcast_in_dim3A_2212 = vector.broadcast %broadcast_in_dim3A_2211 : i1 to vector<16xi1>
    %unique3A_2213, %unique3A_2214 = tpu.scan_count mask(%broadcast_in_dim3A_2212 : vector<16xi1>) value(%get3A_2209 : vector<16xi32>) : vector<16xi1>, vector<16xi32>
    %sub3A_2215 = arith.subi %unique3A_2214, %sub3A : vector<16xi32>
    %add3A_2216 = arith.addi %gather3A_2210, %sub3A_2215 : vector<16xi32>
    %add3A_2217 = arith.constant 177 : i32
    %add3A_2218 = vector.broadcast %add3A_2217 : i32 to vector<16xi32>
    %add3A_2219 = arith.addi %iota3A, %add3A_2218 : vector<16xi32>
    tpu.vector_store_idx %arg11[%add3A_2216], %add3A_2219 : memref<576xi32, #tpu.memory_space<vmem>>[vector<16xi32>], vector<16xi32>,
    %add3A_2220 = arith.constant 1 : i32
    %add3A_2221 = vector.broadcast %add3A_2220 : i32 to vector<16xi32>
    %add3A_2222 = arith.addi %sub3A_2215, %add3A_2221 : vector<16xi32>
    tpu.vector_store_idx %arg10[%get3A_2209], %add3A_2222 masked %unique3A_2213 {add = true} : memref<208xi32, #tpu.memory_space<vmem>>[vector<16xi32>], vector<16xi32>, vector<16xi1>
    %get3A_2223 = arith.constant 192 : index
    %get3A_2224 = tpu.vector_load %arg8[%get3A_2223] {strides = array<i32>} : memref<576xi32, #tpu.memory_space<vmem>>, vector<16xi32>,
    %gather3A_2225 = tpu.vector_load_idx %arg10[%get3A_2224] : memref<208xi32, #tpu.memory_space<vmem>>[vector<16xi32>], vector<16xi32>,
    %broadcast_in_dim3A_2226 = arith.constant true
    %broadcast_in_dim3A_2227 = vector.broadcast %broadcast_in_dim3A_2226 : i1 to vector<16xi1>
    %unique3A_2228, %unique3A_2229 = tpu.scan_count mask(%broadcast_in_dim3A_2227 : vector<16xi1>) value(%get3A_2224 : vector<16xi32>) : vector<16xi1>, vector<16xi32>
    %sub3A_2230 = arith.subi %unique3A_2229, %sub3A : vector<16xi32>
    %add3A_2231 = arith.addi %gather3A_2225, %sub3A_2230 : vector<16xi32>
    %add3A_2232 = arith.constant 193 : i32
    %add3A_2233 = vector.broadcast %add3A_2232 : i32 to vector<16xi32>
    %add3A_2234 = arith.addi %iota3A, %add3A_2233 : vector<16xi32>
    tpu.vector_store_idx %arg11[%add3A_2231], %add3A_2234 : memref<576xi32, #tpu.memory_space<vmem>>[vector<16xi32>], vector<16xi32>,
    %add3A_2235 = arith.constant 1 : i32
    %add3A_2236 = vector.broadcast %add3A_2235 : i32 to vector<16xi32>
    %add3A_2237 = arith.addi %sub3A_2230, %add3A_2236 : vector<16xi32>
    tpu.vector_store_idx %arg10[%get3A_2224], %add3A_2237 masked %unique3A_2228 {add = true} : memref<208xi32, #tpu.memory_space<vmem>>[vector<16xi32>], vector<16xi32>, vector<16xi1>
    %get3A_2238 = arith.constant 208 : index
    %get3A_2239 = tpu.vector_load %arg8[%get3A_2238] {strides = array<i32>} : memref<576xi32, #tpu.memory_space<vmem>>, vector<16xi32>,
    %gather3A_2240 = tpu.vector_load_idx %arg10[%get3A_2239] : memref<208xi32, #tpu.memory_space<vmem>>[vector<16xi32>], vector<16xi32>,
    %broadcast_in_dim3A_2241 = arith.constant true
    %broadcast_in_dim3A_2242 = vector.broadcast %broadcast_in_dim3A_2241 : i1 to vector<16xi1>
    %unique3A_2243, %unique3A_2244 = tpu.scan_count mask(%broadcast_in_dim3A_2242 : vector<16xi1>) value(%get3A_2239 : vector<16xi32>) : vector<16xi1>, vector<16xi32>
    %sub3A_2245 = arith.subi %unique3A_2244, %sub3A : vector<16xi32>
    %add3A_2246 = arith.addi %gather3A_2240, %sub3A_2245 : vector<16xi32>
    %add3A_2247 = arith.constant 209 : i32
    %add3A_2248 = vector.broadcast %add3A_2247 : i32 to vector<16xi32>
    %add3A_2249 = arith.addi %iota3A, %add3A_2248 : vector<16xi32>
    tpu.vector_store_idx %arg11[%add3A_2246], %add3A_2249 : memref<576xi32, #tpu.memory_space<vmem>>[vector<16xi32>], vector<16xi32>,
    %add3A_2250 = arith.constant 1 : i32
    %add3A_2251 = vector.broadcast %add3A_2250 : i32 to vector<16xi32>
    %add3A_2252 = arith.addi %sub3A_2245, %add3A_2251 : vector<16xi32>
    tpu.vector_store_idx %arg10[%get3A_2239], %add3A_2252 masked %unique3A_2243 {add = true} : memref<208xi32, #tpu.memory_space<vmem>>[vector<16xi32>], vector<16xi32>, vector<16xi1>
    %get3A_2253 = arith.constant 224 : index
    %get3A_2254 = tpu.vector_load %arg8[%get3A_2253] {strides = array<i32>} : memref<576xi32, #tpu.memory_space<vmem>>, vector<16xi32>,
    %gather3A_2255 = tpu.vector_load_idx %arg10[%get3A_2254] : memref<208xi32, #tpu.memory_space<vmem>>[vector<16xi32>], vector<16xi32>,
    %broadcast_in_dim3A_2256 = arith.constant true
    %broadcast_in_dim3A_2257 = vector.broadcast %broadcast_in_dim3A_2256 : i1 to vector<16xi1>
    %unique3A_2258, %unique3A_2259 = tpu.scan_count mask(%broadcast_in_dim3A_2257 : vector<16xi1>) value(%get3A_2254 : vector<16xi32>) : vector<16xi1>, vector<16xi32>
    %sub3A_2260 = arith.subi %unique3A_2259, %sub3A : vector<16xi32>
    %add3A_2261 = arith.addi %gather3A_2255, %sub3A_2260 : vector<16xi32>
    %add3A_2262 = arith.constant 225 : i32
    %add3A_2263 = vector.broadcast %add3A_2262 : i32 to vector<16xi32>
    %add3A_2264 = arith.addi %iota3A, %add3A_2263 : vector<16xi32>
    tpu.vector_store_idx %arg11[%add3A_2261], %add3A_2264 : memref<576xi32, #tpu.memory_space<vmem>>[vector<16xi32>], vector<16xi32>,
    %add3A_2265 = arith.constant 1 : i32
    %add3A_2266 = vector.broadcast %add3A_2265 : i32 to vector<16xi32>
    %add3A_2267 = arith.addi %sub3A_2260, %add3A_2266 : vector<16xi32>
    tpu.vector_store_idx %arg10[%get3A_2254], %add3A_2267 masked %unique3A_2258 {add = true} : memref<208xi32, #tpu.memory_space<vmem>>[vector<16xi32>], vector<16xi32>, vector<16xi1>
    %get3A_2268 = arith.constant 240 : index
    %get3A_2269 = tpu.vector_load %arg8[%get3A_2268] {strides = array<i32>} : memref<576xi32, #tpu.memory_space<vmem>>, vector<16xi32>,
    %gather3A_2270 = tpu.vector_load_idx %arg10[%get3A_2269] : memref<208xi32, #tpu.memory_space<vmem>>[vector<16xi32>], vector<16xi32>,
    %broadcast_in_dim3A_2271 = arith.constant true
    %broadcast_in_dim3A_2272 = vector.broadcast %broadcast_in_dim3A_2271 : i1 to vector<16xi1>
    %unique3A_2273, %unique3A_2274 = tpu.scan_count mask(%broadcast_in_dim3A_2272 : vector<16xi1>) value(%get3A_2269 : vector<16xi32>) : vector<16xi1>, vector<16xi32>
    %sub3A_2275 = arith.subi %unique3A_2274, %sub3A : vector<16xi32>
    %add3A_2276 = arith.addi %gather3A_2270, %sub3A_2275 : vector<16xi32>
    %add3A_2277 = arith.constant 241 : i32
    %add3A_2278 = vector.broadcast %add3A_2277 : i32 to vector<16xi32>
    %add3A_2279 = arith.addi %iota3A, %add3A_2278 : vector<16xi32>
    tpu.vector_store_idx %arg11[%add3A_2276], %add3A_2279 : memref<576xi32, #tpu.memory_space<vmem>>[vector<16xi32>], vector<16xi32>,
    %add3A_2280 = arith.constant 1 : i32
    %add3A_2281 = vector.broadcast %add3A_2280 : i32 to vector<16xi32>
    %add3A_2282 = arith.addi %sub3A_2275, %add3A_2281 : vector<16xi32>
    tpu.vector_store_idx %arg10[%get3A_2269], %add3A_2282 masked %unique3A_2273 {add = true} : memref<208xi32, #tpu.memory_space<vmem>>[vector<16xi32>], vector<16xi32>, vector<16xi1>
    %get3A_2283 = arith.constant 256 : index
    %get3A_2284 = tpu.vector_load %arg8[%get3A_2283] {strides = array<i32>} : memref<576xi32, #tpu.memory_space<vmem>>, vector<16xi32>,
    %gather3A_2285 = tpu.vector_load_idx %arg10[%get3A_2284] : memref<208xi32, #tpu.memory_space<vmem>>[vector<16xi32>], vector<16xi32>,
    %broadcast_in_dim3A_2286 = arith.constant true
    %broadcast_in_dim3A_2287 = vector.broadcast %broadcast_in_dim3A_2286 : i1 to vector<16xi1>
    %unique3A_2288, %unique3A_2289 = tpu.scan_count mask(%broadcast_in_dim3A_2287 : vector<16xi1>) value(%get3A_2284 : vector<16xi32>) : vector<16xi1>, vector<16xi32>
    %sub3A_2290 = arith.subi %unique3A_2289, %sub3A : vector<16xi32>
    %add3A_2291 = arith.addi %gather3A_2285, %sub3A_2290 : vector<16xi32>
    %add3A_2292 = arith.constant 257 : i32
    %add3A_2293 = vector.broadcast %add3A_2292 : i32 to vector<16xi32>
    %add3A_2294 = arith.addi %iota3A, %add3A_2293 : vector<16xi32>
    tpu.vector_store_idx %arg11[%add3A_2291], %add3A_2294 : memref<576xi32, #tpu.memory_space<vmem>>[vector<16xi32>], vector<16xi32>,
    %add3A_2295 = arith.constant 1 : i32
    %add3A_2296 = vector.broadcast %add3A_2295 : i32 to vector<16xi32>
    %add3A_2297 = arith.addi %sub3A_2290, %add3A_2296 : vector<16xi32>
    tpu.vector_store_idx %arg10[%get3A_2284], %add3A_2297 masked %unique3A_2288 {add = true} : memref<208xi32, #tpu.memory_space<vmem>>[vector<16xi32>], vector<16xi32>, vector<16xi1>
    %get3A_2298 = arith.constant 272 : index
    %get3A_2299 = tpu.vector_load %arg8[%get3A_2298] {strides = array<i32>} : memref<576xi32, #tpu.memory_space<vmem>>, vector<16xi32>,
    %gather3A_2300 = tpu.vector_load_idx %arg10[%get3A_2299] : memref<208xi32, #tpu.memory_space<vmem>>[vector<16xi32>], vector<16xi32>,
    %broadcast_in_dim3A_2301 = arith.constant true
    %broadcast_in_dim3A_2302 = vector.broadcast %broadcast_in_dim3A_2301 : i1 to vector<16xi1>
    %unique3A_2303, %unique3A_2304 = tpu.scan_count mask(%broadcast_in_dim3A_2302 : vector<16xi1>) value(%get3A_2299 : vector<16xi32>) : vector<16xi1>, vector<16xi32>
    %sub3A_2305 = arith.subi %unique3A_2304, %sub3A : vector<16xi32>
    %add3A_2306 = arith.addi %gather3A_2300, %sub3A_2305 : vector<16xi32>
    %add3A_2307 = arith.constant 273 : i32
    %add3A_2308 = vector.broadcast %add3A_2307 : i32 to vector<16xi32>
    %add3A_2309 = arith.addi %iota3A, %add3A_2308 : vector<16xi32>
    tpu.vector_store_idx %arg11[%add3A_2306], %add3A_2309 : memref<576xi32, #tpu.memory_space<vmem>>[vector<16xi32>], vector<16xi32>,
    %add3A_2310 = arith.constant 1 : i32
    %add3A_2311 = vector.broadcast %add3A_2310 : i32 to vector<16xi32>
    %add3A_2312 = arith.addi %sub3A_2305, %add3A_2311 : vector<16xi32>
    tpu.vector_store_idx %arg10[%get3A_2299], %add3A_2312 masked %unique3A_2303 {add = true} : memref<208xi32, #tpu.memory_space<vmem>>[vector<16xi32>], vector<16xi32>, vector<16xi1>
    %get3A_2313 = arith.constant 288 : index
    %get3A_2314 = tpu.vector_load %arg8[%get3A_2313] {strides = array<i32>} : memref<576xi32, #tpu.memory_space<vmem>>, vector<16xi32>,
    %gather3A_2315 = tpu.vector_load_idx %arg10[%get3A_2314] : memref<208xi32, #tpu.memory_space<vmem>>[vector<16xi32>], vector<16xi32>,
    %broadcast_in_dim3A_2316 = arith.constant true
    %broadcast_in_dim3A_2317 = vector.broadcast %broadcast_in_dim3A_2316 : i1 to vector<16xi1>
    %unique3A_2318, %unique3A_2319 = tpu.scan_count mask(%broadcast_in_dim3A_2317 : vector<16xi1>) value(%get3A_2314 : vector<16xi32>) : vector<16xi1>, vector<16xi32>
    %sub3A_2320 = arith.subi %unique3A_2319, %sub3A : vector<16xi32>
    %add3A_2321 = arith.addi %gather3A_2315, %sub3A_2320 : vector<16xi32>
    %add3A_2322 = arith.constant 289 : i32
    %add3A_2323 = vector.broadcast %add3A_2322 : i32 to vector<16xi32>
    %add3A_2324 = arith.addi %iota3A, %add3A_2323 : vector<16xi32>
    tpu.vector_store_idx %arg11[%add3A_2321], %add3A_2324 : memref<576xi32, #tpu.memory_space<vmem>>[vector<16xi32>], vector<16xi32>,
    %add3A_2325 = arith.constant 1 : i32
    %add3A_2326 = vector.broadcast %add3A_2325 : i32 to vector<16xi32>
    %add3A_2327 = arith.addi %sub3A_2320, %add3A_2326 : vector<16xi32>
    tpu.vector_store_idx %arg10[%get3A_2314], %add3A_2327 masked %unique3A_2318 {add = true} : memref<208xi32, #tpu.memory_space<vmem>>[vector<16xi32>], vector<16xi32>, vector<16xi1>
    %get3A_2328 = arith.constant 304 : index
    %get3A_2329 = tpu.vector_load %arg8[%get3A_2328] {strides = array<i32>} : memref<576xi32, #tpu.memory_space<vmem>>, vector<16xi32>,
    %gather3A_2330 = tpu.vector_load_idx %arg10[%get3A_2329] : memref<208xi32, #tpu.memory_space<vmem>>[vector<16xi32>], vector<16xi32>,
    %broadcast_in_dim3A_2331 = arith.constant true
    %broadcast_in_dim3A_2332 = vector.broadcast %broadcast_in_dim3A_2331 : i1 to vector<16xi1>
    %unique3A_2333, %unique3A_2334 = tpu.scan_count mask(%broadcast_in_dim3A_2332 : vector<16xi1>) value(%get3A_2329 : vector<16xi32>) : vector<16xi1>, vector<16xi32>
    %sub3A_2335 = arith.subi %unique3A_2334, %sub3A : vector<16xi32>
    %add3A_2336 = arith.addi %gather3A_2330, %sub3A_2335 : vector<16xi32>
    %add3A_2337 = arith.constant 305 : i32
    %add3A_2338 = vector.broadcast %add3A_2337 : i32 to vector<16xi32>
    %add3A_2339 = arith.addi %iota3A, %add3A_2338 : vector<16xi32>
    tpu.vector_store_idx %arg11[%add3A_2336], %add3A_2339 : memref<576xi32, #tpu.memory_space<vmem>>[vector<16xi32>], vector<16xi32>,
    %add3A_2340 = arith.constant 1 : i32
    %add3A_2341 = vector.broadcast %add3A_2340 : i32 to vector<16xi32>
    %add3A_2342 = arith.addi %sub3A_2335, %add3A_2341 : vector<16xi32>
    tpu.vector_store_idx %arg10[%get3A_2329], %add3A_2342 masked %unique3A_2333 {add = true} : memref<208xi32, #tpu.memory_space<vmem>>[vector<16xi32>], vector<16xi32>, vector<16xi1>
    %get3A_2343 = arith.constant 320 : index
    %get3A_2344 = tpu.vector_load %arg8[%get3A_2343] {strides = array<i32>} : memref<576xi32, #tpu.memory_space<vmem>>, vector<16xi32>,
    %gather3A_2345 = tpu.vector_load_idx %arg10[%get3A_2344] : memref<208xi32, #tpu.memory_space<vmem>>[vector<16xi32>], vector<16xi32>,
    %broadcast_in_dim3A_2346 = arith.constant true
    %broadcast_in_dim3A_2347 = vector.broadcast %broadcast_in_dim3A_2346 : i1 to vector<16xi1>
    %unique3A_2348, %unique3A_2349 = tpu.scan_count mask(%broadcast_in_dim3A_2347 : vector<16xi1>) value(%get3A_2344 : vector<16xi32>) : vector<16xi1>, vector<16xi32>
    %sub3A_2350 = arith.subi %unique3A_2349, %sub3A : vector<16xi32>
    %add3A_2351 = arith.addi %gather3A_2345, %sub3A_2350 : vector<16xi32>
    %add3A_2352 = arith.constant 321 : i32
    %add3A_2353 = vector.broadcast %add3A_2352 : i32 to vector<16xi32>
    %add3A_2354 = arith.addi %iota3A, %add3A_2353 : vector<16xi32>
    tpu.vector_store_idx %arg11[%add3A_2351], %add3A_2354 : memref<576xi32, #tpu.memory_space<vmem>>[vector<16xi32>], vector<16xi32>,
    %add3A_2355 = arith.constant 1 : i32
    %add3A_2356 = vector.broadcast %add3A_2355 : i32 to vector<16xi32>
    %add3A_2357 = arith.addi %sub3A_2350, %add3A_2356 : vector<16xi32>
    tpu.vector_store_idx %arg10[%get3A_2344], %add3A_2357 masked %unique3A_2348 {add = true} : memref<208xi32, #tpu.memory_space<vmem>>[vector<16xi32>], vector<16xi32>, vector<16xi1>
    %get3A_2358 = arith.constant 336 : index
    %get3A_2359 = tpu.vector_load %arg8[%get3A_2358] {strides = array<i32>} : memref<576xi32, #tpu.memory_space<vmem>>, vector<16xi32>,
    %gather3A_2360 = tpu.vector_load_idx %arg10[%get3A_2359] : memref<208xi32, #tpu.memory_space<vmem>>[vector<16xi32>], vector<16xi32>,
    %broadcast_in_dim3A_2361 = arith.constant true
    %broadcast_in_dim3A_2362 = vector.broadcast %broadcast_in_dim3A_2361 : i1 to vector<16xi1>
    %unique3A_2363, %unique3A_2364 = tpu.scan_count mask(%broadcast_in_dim3A_2362 : vector<16xi1>) value(%get3A_2359 : vector<16xi32>) : vector<16xi1>, vector<16xi32>
    %sub3A_2365 = arith.subi %unique3A_2364, %sub3A : vector<16xi32>
    %add3A_2366 = arith.addi %gather3A_2360, %sub3A_2365 : vector<16xi32>
    %add3A_2367 = arith.constant 337 : i32
    %add3A_2368 = vector.broadcast %add3A_2367 : i32 to vector<16xi32>
    %add3A_2369 = arith.addi %iota3A, %add3A_2368 : vector<16xi32>
    tpu.vector_store_idx %arg11[%add3A_2366], %add3A_2369 : memref<576xi32, #tpu.memory_space<vmem>>[vector<16xi32>], vector<16xi32>,
    %add3A_2370 = arith.constant 1 : i32
    %add3A_2371 = vector.broadcast %add3A_2370 : i32 to vector<16xi32>
    %add3A_2372 = arith.addi %sub3A_2365, %add3A_2371 : vector<16xi32>
    tpu.vector_store_idx %arg10[%get3A_2359], %add3A_2372 masked %unique3A_2363 {add = true} : memref<208xi32, #tpu.memory_space<vmem>>[vector<16xi32>], vector<16xi32>, vector<16xi1>
    %get3A_2373 = arith.constant 352 : index
    %get3A_2374 = tpu.vector_load %arg8[%get3A_2373] {strides = array<i32>} : memref<576xi32, #tpu.memory_space<vmem>>, vector<16xi32>,
    %gather3A_2375 = tpu.vector_load_idx %arg10[%get3A_2374] : memref<208xi32, #tpu.memory_space<vmem>>[vector<16xi32>], vector<16xi32>,
    %broadcast_in_dim3A_2376 = arith.constant true
    %broadcast_in_dim3A_2377 = vector.broadcast %broadcast_in_dim3A_2376 : i1 to vector<16xi1>
    %unique3A_2378, %unique3A_2379 = tpu.scan_count mask(%broadcast_in_dim3A_2377 : vector<16xi1>) value(%get3A_2374 : vector<16xi32>) : vector<16xi1>, vector<16xi32>
    %sub3A_2380 = arith.subi %unique3A_2379, %sub3A : vector<16xi32>
    %add3A_2381 = arith.addi %gather3A_2375, %sub3A_2380 : vector<16xi32>
    %add3A_2382 = arith.constant 353 : i32
    %add3A_2383 = vector.broadcast %add3A_2382 : i32 to vector<16xi32>
    %add3A_2384 = arith.addi %iota3A, %add3A_2383 : vector<16xi32>
    tpu.vector_store_idx %arg11[%add3A_2381], %add3A_2384 : memref<576xi32, #tpu.memory_space<vmem>>[vector<16xi32>], vector<16xi32>,
    %add3A_2385 = arith.constant 1 : i32
    %add3A_2386 = vector.broadcast %add3A_2385 : i32 to vector<16xi32>
    %add3A_2387 = arith.addi %sub3A_2380, %add3A_2386 : vector<16xi32>
    tpu.vector_store_idx %arg10[%get3A_2374], %add3A_2387 masked %unique3A_2378 {add = true} : memref<208xi32, #tpu.memory_space<vmem>>[vector<16xi32>], vector<16xi32>, vector<16xi1>
    %get3A_2388 = arith.constant 368 : index
    %get3A_2389 = tpu.vector_load %arg8[%get3A_2388] {strides = array<i32>} : memref<576xi32, #tpu.memory_space<vmem>>, vector<16xi32>,
    %gather3A_2390 = tpu.vector_load_idx %arg10[%get3A_2389] : memref<208xi32, #tpu.memory_space<vmem>>[vector<16xi32>], vector<16xi32>,
    %broadcast_in_dim3A_2391 = arith.constant true
    %broadcast_in_dim3A_2392 = vector.broadcast %broadcast_in_dim3A_2391 : i1 to vector<16xi1>
    %unique3A_2393, %unique3A_2394 = tpu.scan_count mask(%broadcast_in_dim3A_2392 : vector<16xi1>) value(%get3A_2389 : vector<16xi32>) : vector<16xi1>, vector<16xi32>
    %sub3A_2395 = arith.subi %unique3A_2394, %sub3A : vector<16xi32>
    %add3A_2396 = arith.addi %gather3A_2390, %sub3A_2395 : vector<16xi32>
    %add3A_2397 = arith.constant 369 : i32
    %add3A_2398 = vector.broadcast %add3A_2397 : i32 to vector<16xi32>
    %add3A_2399 = arith.addi %iota3A, %add3A_2398 : vector<16xi32>
    tpu.vector_store_idx %arg11[%add3A_2396], %add3A_2399 : memref<576xi32, #tpu.memory_space<vmem>>[vector<16xi32>], vector<16xi32>,
    %add3A_2400 = arith.constant 1 : i32
    %add3A_2401 = vector.broadcast %add3A_2400 : i32 to vector<16xi32>
    %add3A_2402 = arith.addi %sub3A_2395, %add3A_2401 : vector<16xi32>
    tpu.vector_store_idx %arg10[%get3A_2389], %add3A_2402 masked %unique3A_2393 {add = true} : memref<208xi32, #tpu.memory_space<vmem>>[vector<16xi32>], vector<16xi32>, vector<16xi1>
    %get3A_2403 = arith.constant 384 : index
    %get3A_2404 = tpu.vector_load %arg8[%get3A_2403] {strides = array<i32>} : memref<576xi32, #tpu.memory_space<vmem>>, vector<16xi32>,
    %gather3A_2405 = tpu.vector_load_idx %arg10[%get3A_2404] : memref<208xi32, #tpu.memory_space<vmem>>[vector<16xi32>], vector<16xi32>,
    %broadcast_in_dim3A_2406 = arith.constant true
    %broadcast_in_dim3A_2407 = vector.broadcast %broadcast_in_dim3A_2406 : i1 to vector<16xi1>
    %unique3A_2408, %unique3A_2409 = tpu.scan_count mask(%broadcast_in_dim3A_2407 : vector<16xi1>) value(%get3A_2404 : vector<16xi32>) : vector<16xi1>, vector<16xi32>
    %sub3A_2410 = arith.subi %unique3A_2409, %sub3A : vector<16xi32>
    %add3A_2411 = arith.addi %gather3A_2405, %sub3A_2410 : vector<16xi32>
    %add3A_2412 = arith.constant 385 : i32
    %add3A_2413 = vector.broadcast %add3A_2412 : i32 to vector<16xi32>
    %add3A_2414 = arith.addi %iota3A, %add3A_2413 : vector<16xi32>
    tpu.vector_store_idx %arg11[%add3A_2411], %add3A_2414 : memref<576xi32, #tpu.memory_space<vmem>>[vector<16xi32>], vector<16xi32>,
    %add3A_2415 = arith.constant 1 : i32
    %add3A_2416 = vector.broadcast %add3A_2415 : i32 to vector<16xi32>
    %add3A_2417 = arith.addi %sub3A_2410, %add3A_2416 : vector<16xi32>
    tpu.vector_store_idx %arg10[%get3A_2404], %add3A_2417 masked %unique3A_2408 {add = true} : memref<208xi32, #tpu.memory_space<vmem>>[vector<16xi32>], vector<16xi32>, vector<16xi1>
    %get3A_2418 = arith.constant 400 : index
    %get3A_2419 = tpu.vector_load %arg8[%get3A_2418] {strides = array<i32>} : memref<576xi32, #tpu.memory_space<vmem>>, vector<16xi32>,
    %gather3A_2420 = tpu.vector_load_idx %arg10[%get3A_2419] : memref<208xi32, #tpu.memory_space<vmem>>[vector<16xi32>], vector<16xi32>,
    %broadcast_in_dim3A_2421 = arith.constant true
    %broadcast_in_dim3A_2422 = vector.broadcast %broadcast_in_dim3A_2421 : i1 to vector<16xi1>
    %unique3A_2423, %unique3A_2424 = tpu.scan_count mask(%broadcast_in_dim3A_2422 : vector<16xi1>) value(%get3A_2419 : vector<16xi32>) : vector<16xi1>, vector<16xi32>
    %sub3A_2425 = arith.subi %unique3A_2424, %sub3A : vector<16xi32>
    %add3A_2426 = arith.addi %gather3A_2420, %sub3A_2425 : vector<16xi32>
    %add3A_2427 = arith.constant 401 : i32
    %add3A_2428 = vector.broadcast %add3A_2427 : i32 to vector<16xi32>
    %add3A_2429 = arith.addi %iota3A, %add3A_2428 : vector<16xi32>
    tpu.vector_store_idx %arg11[%add3A_2426], %add3A_2429 : memref<576xi32, #tpu.memory_space<vmem>>[vector<16xi32>], vector<16xi32>,
    %add3A_2430 = arith.constant 1 : i32
    %add3A_2431 = vector.broadcast %add3A_2430 : i32 to vector<16xi32>
    %add3A_2432 = arith.addi %sub3A_2425, %add3A_2431 : vector<16xi32>
    tpu.vector_store_idx %arg10[%get3A_2419], %add3A_2432 masked %unique3A_2423 {add = true} : memref<208xi32, #tpu.memory_space<vmem>>[vector<16xi32>], vector<16xi32>, vector<16xi1>
    %get3A_2433 = arith.constant 416 : index
    %get3A_2434 = tpu.vector_load %arg8[%get3A_2433] {strides = array<i32>} : memref<576xi32, #tpu.memory_space<vmem>>, vector<16xi32>,
    %gather3A_2435 = tpu.vector_load_idx %arg10[%get3A_2434] : memref<208xi32, #tpu.memory_space<vmem>>[vector<16xi32>], vector<16xi32>,
    %broadcast_in_dim3A_2436 = arith.constant true
    %broadcast_in_dim3A_2437 = vector.broadcast %broadcast_in_dim3A_2436 : i1 to vector<16xi1>
    %unique3A_2438, %unique3A_2439 = tpu.scan_count mask(%broadcast_in_dim3A_2437 : vector<16xi1>) value(%get3A_2434 : vector<16xi32>) : vector<16xi1>, vector<16xi32>
    %sub3A_2440 = arith.subi %unique3A_2439, %sub3A : vector<16xi32>
    %add3A_2441 = arith.addi %gather3A_2435, %sub3A_2440 : vector<16xi32>
    %add3A_2442 = arith.constant 417 : i32
    %add3A_2443 = vector.broadcast %add3A_2442 : i32 to vector<16xi32>
    %add3A_2444 = arith.addi %iota3A, %add3A_2443 : vector<16xi32>
    tpu.vector_store_idx %arg11[%add3A_2441], %add3A_2444 : memref<576xi32, #tpu.memory_space<vmem>>[vector<16xi32>], vector<16xi32>,
    %add3A_2445 = arith.constant 1 : i32
    %add3A_2446 = vector.broadcast %add3A_2445 : i32 to vector<16xi32>
    %add3A_2447 = arith.addi %sub3A_2440, %add3A_2446 : vector<16xi32>
    tpu.vector_store_idx %arg10[%get3A_2434], %add3A_2447 masked %unique3A_2438 {add = true} : memref<208xi32, #tpu.memory_space<vmem>>[vector<16xi32>], vector<16xi32>, vector<16xi1>
    %get3A_2448 = arith.constant 432 : index
    %get3A_2449 = tpu.vector_load %arg8[%get3A_2448] {strides = array<i32>} : memref<576xi32, #tpu.memory_space<vmem>>, vector<16xi32>,
    %gather3A_2450 = tpu.vector_load_idx %arg10[%get3A_2449] : memref<208xi32, #tpu.memory_space<vmem>>[vector<16xi32>], vector<16xi32>,
    %broadcast_in_dim3A_2451 = arith.constant true
    %broadcast_in_dim3A_2452 = vector.broadcast %broadcast_in_dim3A_2451 : i1 to vector<16xi1>
    %unique3A_2453, %unique3A_2454 = tpu.scan_count mask(%broadcast_in_dim3A_2452 : vector<16xi1>) value(%get3A_2449 : vector<16xi32>) : vector<16xi1>, vector<16xi32>
    %sub3A_2455 = arith.subi %unique3A_2454, %sub3A : vector<16xi32>
    %add3A_2456 = arith.addi %gather3A_2450, %sub3A_2455 : vector<16xi32>
    %add3A_2457 = arith.constant 433 : i32
    %add3A_2458 = vector.broadcast %add3A_2457 : i32 to vector<16xi32>
    %add3A_2459 = arith.addi %iota3A, %add3A_2458 : vector<16xi32>
    tpu.vector_store_idx %arg11[%add3A_2456], %add3A_2459 : memref<576xi32, #tpu.memory_space<vmem>>[vector<16xi32>], vector<16xi32>,
    %add3A_2460 = arith.constant 1 : i32
    %add3A_2461 = vector.broadcast %add3A_2460 : i32 to vector<16xi32>
    %add3A_2462 = arith.addi %sub3A_2455, %add3A_2461 : vector<16xi32>
    tpu.vector_store_idx %arg10[%get3A_2449], %add3A_2462 masked %unique3A_2453 {add = true} : memref<208xi32, #tpu.memory_space<vmem>>[vector<16xi32>], vector<16xi32>, vector<16xi1>
    %get3A_2463 = arith.constant 448 : index
    %get3A_2464 = tpu.vector_load %arg8[%get3A_2463] {strides = array<i32>} : memref<576xi32, #tpu.memory_space<vmem>>, vector<16xi32>,
    %gather3A_2465 = tpu.vector_load_idx %arg10[%get3A_2464] : memref<208xi32, #tpu.memory_space<vmem>>[vector<16xi32>], vector<16xi32>,
    %broadcast_in_dim3A_2466 = arith.constant true
    %broadcast_in_dim3A_2467 = vector.broadcast %broadcast_in_dim3A_2466 : i1 to vector<16xi1>
    %unique3A_2468, %unique3A_2469 = tpu.scan_count mask(%broadcast_in_dim3A_2467 : vector<16xi1>) value(%get3A_2464 : vector<16xi32>) : vector<16xi1>, vector<16xi32>
    %sub3A_2470 = arith.subi %unique3A_2469, %sub3A : vector<16xi32>
    %add3A_2471 = arith.addi %gather3A_2465, %sub3A_2470 : vector<16xi32>
    %add3A_2472 = arith.constant 449 : i32
    %add3A_2473 = vector.broadcast %add3A_2472 : i32 to vector<16xi32>
    %add3A_2474 = arith.addi %iota3A, %add3A_2473 : vector<16xi32>
    tpu.vector_store_idx %arg11[%add3A_2471], %add3A_2474 : memref<576xi32, #tpu.memory_space<vmem>>[vector<16xi32>], vector<16xi32>,
    %add3A_2475 = arith.constant 1 : i32
    %add3A_2476 = vector.broadcast %add3A_2475 : i32 to vector<16xi32>
    %add3A_2477 = arith.addi %sub3A_2470, %add3A_2476 : vector<16xi32>
    tpu.vector_store_idx %arg10[%get3A_2464], %add3A_2477 masked %unique3A_2468 {add = true} : memref<208xi32, #tpu.memory_space<vmem>>[vector<16xi32>], vector<16xi32>, vector<16xi1>
    %get3A_2478 = arith.constant 464 : index
    %get3A_2479 = tpu.vector_load %arg8[%get3A_2478] {strides = array<i32>} : memref<576xi32, #tpu.memory_space<vmem>>, vector<16xi32>,
    %gather3A_2480 = tpu.vector_load_idx %arg10[%get3A_2479] : memref<208xi32, #tpu.memory_space<vmem>>[vector<16xi32>], vector<16xi32>,
    %broadcast_in_dim3A_2481 = arith.constant true
    %broadcast_in_dim3A_2482 = vector.broadcast %broadcast_in_dim3A_2481 : i1 to vector<16xi1>
    %unique3A_2483, %unique3A_2484 = tpu.scan_count mask(%broadcast_in_dim3A_2482 : vector<16xi1>) value(%get3A_2479 : vector<16xi32>) : vector<16xi1>, vector<16xi32>
    %sub3A_2485 = arith.subi %unique3A_2484, %sub3A : vector<16xi32>
    %add3A_2486 = arith.addi %gather3A_2480, %sub3A_2485 : vector<16xi32>
    %add3A_2487 = arith.constant 465 : i32
    %add3A_2488 = vector.broadcast %add3A_2487 : i32 to vector<16xi32>
    %add3A_2489 = arith.addi %iota3A, %add3A_2488 : vector<16xi32>
    tpu.vector_store_idx %arg11[%add3A_2486], %add3A_2489 : memref<576xi32, #tpu.memory_space<vmem>>[vector<16xi32>], vector<16xi32>,
    %add3A_2490 = arith.constant 1 : i32
    %add3A_2491 = vector.broadcast %add3A_2490 : i32 to vector<16xi32>
    %add3A_2492 = arith.addi %sub3A_2485, %add3A_2491 : vector<16xi32>
    tpu.vector_store_idx %arg10[%get3A_2479], %add3A_2492 masked %unique3A_2483 {add = true} : memref<208xi32, #tpu.memory_space<vmem>>[vector<16xi32>], vector<16xi32>, vector<16xi1>
    %get3A_2493 = arith.constant 480 : index
    %get3A_2494 = tpu.vector_load %arg8[%get3A_2493] {strides = array<i32>} : memref<576xi32, #tpu.memory_space<vmem>>, vector<16xi32>,
    %gather3A_2495 = tpu.vector_load_idx %arg10[%get3A_2494] : memref<208xi32, #tpu.memory_space<vmem>>[vector<16xi32>], vector<16xi32>,
    %broadcast_in_dim3A_2496 = arith.constant true
    %broadcast_in_dim3A_2497 = vector.broadcast %broadcast_in_dim3A_2496 : i1 to vector<16xi1>
    %unique3A_2498, %unique3A_2499 = tpu.scan_count mask(%broadcast_in_dim3A_2497 : vector<16xi1>) value(%get3A_2494 : vector<16xi32>) : vector<16xi1>, vector<16xi32>
    %sub3A_2500 = arith.subi %unique3A_2499, %sub3A : vector<16xi32>
    %add3A_2501 = arith.addi %gather3A_2495, %sub3A_2500 : vector<16xi32>
    %add3A_2502 = arith.constant 481 : i32
    %add3A_2503 = vector.broadcast %add3A_2502 : i32 to vector<16xi32>
    %add3A_2504 = arith.addi %iota3A, %add3A_2503 : vector<16xi32>
    tpu.vector_store_idx %arg11[%add3A_2501], %add3A_2504 : memref<576xi32, #tpu.memory_space<vmem>>[vector<16xi32>], vector<16xi32>,
    %add3A_2505 = arith.constant 1 : i32
    %add3A_2506 = vector.broadcast %add3A_2505 : i32 to vector<16xi32>
    %add3A_2507 = arith.addi %sub3A_2500, %add3A_2506 : vector<16xi32>
    tpu.vector_store_idx %arg10[%get3A_2494], %add3A_2507 masked %unique3A_2498 {add = true} : memref<208xi32, #tpu.memory_space<vmem>>[vector<16xi32>], vector<16xi32>, vector<16xi1>
    %get3A_2508 = arith.constant 496 : index
    %get3A_2509 = tpu.vector_load %arg8[%get3A_2508] {strides = array<i32>} : memref<576xi32, #tpu.memory_space<vmem>>, vector<16xi32>,
    %gather3A_2510 = tpu.vector_load_idx %arg10[%get3A_2509] : memref<208xi32, #tpu.memory_space<vmem>>[vector<16xi32>], vector<16xi32>,
    %broadcast_in_dim3A_2511 = arith.constant true
    %broadcast_in_dim3A_2512 = vector.broadcast %broadcast_in_dim3A_2511 : i1 to vector<16xi1>
    %unique3A_2513, %unique3A_2514 = tpu.scan_count mask(%broadcast_in_dim3A_2512 : vector<16xi1>) value(%get3A_2509 : vector<16xi32>) : vector<16xi1>, vector<16xi32>
    %sub3A_2515 = arith.subi %unique3A_2514, %sub3A : vector<16xi32>
    %add3A_2516 = arith.addi %gather3A_2510, %sub3A_2515 : vector<16xi32>
    %add3A_2517 = arith.constant 497 : i32
    %add3A_2518 = vector.broadcast %add3A_2517 : i32 to vector<16xi32>
    %add3A_2519 = arith.addi %iota3A, %add3A_2518 : vector<16xi32>
    tpu.vector_store_idx %arg11[%add3A_2516], %add3A_2519 : memref<576xi32, #tpu.memory_space<vmem>>[vector<16xi32>], vector<16xi32>,
    %add3A_2520 = arith.constant 1 : i32
    %add3A_2521 = vector.broadcast %add3A_2520 : i32 to vector<16xi32>
    %add3A_2522 = arith.addi %sub3A_2515, %add3A_2521 : vector<16xi32>
    tpu.vector_store_idx %arg10[%get3A_2509], %add3A_2522 masked %unique3A_2513 {add = true} : memref<208xi32, #tpu.memory_space<vmem>>[vector<16xi32>], vector<16xi32>, vector<16xi1>
    %get3A_2523 = arith.constant 512 : index
    %get3A_2524 = tpu.vector_load %arg8[%get3A_2523] {strides = array<i32>} : memref<576xi32, #tpu.memory_space<vmem>>, vector<16xi32>,
    %gather3A_2525 = tpu.vector_load_idx %arg10[%get3A_2524] : memref<208xi32, #tpu.memory_space<vmem>>[vector<16xi32>], vector<16xi32>,
    %broadcast_in_dim3A_2526 = arith.constant true
    %broadcast_in_dim3A_2527 = vector.broadcast %broadcast_in_dim3A_2526 : i1 to vector<16xi1>
    %unique3A_2528, %unique3A_2529 = tpu.scan_count mask(%broadcast_in_dim3A_2527 : vector<16xi1>) value(%get3A_2524 : vector<16xi32>) : vector<16xi1>, vector<16xi32>
    %sub3A_2530 = arith.subi %unique3A_2529, %sub3A : vector<16xi32>
    %add3A_2531 = arith.addi %gather3A_2525, %sub3A_2530 : vector<16xi32>
    %add3A_2532 = arith.constant 513 : i32
    %add3A_2533 = vector.broadcast %add3A_2532 : i32 to vector<16xi32>
    %add3A_2534 = arith.addi %iota3A, %add3A_2533 : vector<16xi32>
    tpu.vector_store_idx %arg11[%add3A_2531], %add3A_2534 : memref<576xi32, #tpu.memory_space<vmem>>[vector<16xi32>], vector<16xi32>,
    %add3A_2535 = arith.constant 1 : i32
    %add3A_2536 = vector.broadcast %add3A_2535 : i32 to vector<16xi32>
    %add3A_2537 = arith.addi %sub3A_2530, %add3A_2536 : vector<16xi32>
    tpu.vector_store_idx %arg10[%get3A_2524], %add3A_2537 masked %unique3A_2528 {add = true} : memref<208xi32, #tpu.memory_space<vmem>>[vector<16xi32>], vector<16xi32>, vector<16xi1>
    %get3A_2538 = arith.constant 528 : index
    %get3A_2539 = tpu.vector_load %arg8[%get3A_2538] {strides = array<i32>} : memref<576xi32, #tpu.memory_space<vmem>>, vector<16xi32>,
    %gather3A_2540 = tpu.vector_load_idx %arg10[%get3A_2539] : memref<208xi32, #tpu.memory_space<vmem>>[vector<16xi32>], vector<16xi32>,
    %broadcast_in_dim3A_2541 = arith.constant true
    %broadcast_in_dim3A_2542 = vector.broadcast %broadcast_in_dim3A_2541 : i1 to vector<16xi1>
    %unique3A_2543, %unique3A_2544 = tpu.scan_count mask(%broadcast_in_dim3A_2542 : vector<16xi1>) value(%get3A_2539 : vector<16xi32>) : vector<16xi1>, vector<16xi32>
    %sub3A_2545 = arith.subi %unique3A_2544, %sub3A : vector<16xi32>
    %add3A_2546 = arith.addi %gather3A_2540, %sub3A_2545 : vector<16xi32>
    %add3A_2547 = arith.constant 529 : i32
    %add3A_2548 = vector.broadcast %add3A_2547 : i32 to vector<16xi32>
    %add3A_2549 = arith.addi %iota3A, %add3A_2548 : vector<16xi32>
    tpu.vector_store_idx %arg11[%add3A_2546], %add3A_2549 : memref<576xi32, #tpu.memory_space<vmem>>[vector<16xi32>], vector<16xi32>,
    %add3A_2550 = arith.constant 1 : i32
    %add3A_2551 = vector.broadcast %add3A_2550 : i32 to vector<16xi32>
    %add3A_2552 = arith.addi %sub3A_2545, %add3A_2551 : vector<16xi32>
    tpu.vector_store_idx %arg10[%get3A_2539], %add3A_2552 masked %unique3A_2543 {add = true} : memref<208xi32, #tpu.memory_space<vmem>>[vector<16xi32>], vector<16xi32>, vector<16xi1>
    %get3A_2553 = arith.constant 544 : index
    %get3A_2554 = tpu.vector_load %arg8[%get3A_2553] {strides = array<i32>} : memref<576xi32, #tpu.memory_space<vmem>>, vector<16xi32>,
    %gather3A_2555 = tpu.vector_load_idx %arg10[%get3A_2554] : memref<208xi32, #tpu.memory_space<vmem>>[vector<16xi32>], vector<16xi32>,
    %broadcast_in_dim3A_2556 = arith.constant true
    %broadcast_in_dim3A_2557 = vector.broadcast %broadcast_in_dim3A_2556 : i1 to vector<16xi1>
    %unique3A_2558, %unique3A_2559 = tpu.scan_count mask(%broadcast_in_dim3A_2557 : vector<16xi1>) value(%get3A_2554 : vector<16xi32>) : vector<16xi1>, vector<16xi32>
    %sub3A_2560 = arith.subi %unique3A_2559, %sub3A : vector<16xi32>
    %add3A_2561 = arith.addi %gather3A_2555, %sub3A_2560 : vector<16xi32>
    %add3A_2562 = arith.constant 545 : i32
    %add3A_2563 = vector.broadcast %add3A_2562 : i32 to vector<16xi32>
    %add3A_2564 = arith.addi %iota3A, %add3A_2563 : vector<16xi32>
    tpu.vector_store_idx %arg11[%add3A_2561], %add3A_2564 : memref<576xi32, #tpu.memory_space<vmem>>[vector<16xi32>], vector<16xi32>,
    %add3A_2565 = arith.constant 1 : i32
    %add3A_2566 = vector.broadcast %add3A_2565 : i32 to vector<16xi32>
    %add3A_2567 = arith.addi %sub3A_2560, %add3A_2566 : vector<16xi32>
    tpu.vector_store_idx %arg10[%get3A_2554], %add3A_2567 masked %unique3A_2558 {add = true} : memref<208xi32, #tpu.memory_space<vmem>>[vector<16xi32>], vector<16xi32>, vector<16xi1>
    %get3A_2568 = arith.constant 560 : index
    %get3A_2569 = tpu.vector_load %arg8[%get3A_2568] {strides = array<i32>} : memref<576xi32, #tpu.memory_space<vmem>>, vector<16xi32>,
    %gather3A_2570 = tpu.vector_load_idx %arg10[%get3A_2569] : memref<208xi32, #tpu.memory_space<vmem>>[vector<16xi32>], vector<16xi32>,
    %broadcast_in_dim3A_2571 = arith.constant true
    %broadcast_in_dim3A_2572 = vector.broadcast %broadcast_in_dim3A_2571 : i1 to vector<16xi1>
    %unique3A_2573, %unique3A_2574 = tpu.scan_count mask(%broadcast_in_dim3A_2572 : vector<16xi1>) value(%get3A_2569 : vector<16xi32>) : vector<16xi1>, vector<16xi32>
    %sub3A_2575 = arith.subi %unique3A_2574, %sub3A : vector<16xi32>
    %add3A_2576 = arith.addi %gather3A_2570, %sub3A_2575 : vector<16xi32>
    %add3A_2577 = arith.constant 561 : i32
    %add3A_2578 = vector.broadcast %add3A_2577 : i32 to vector<16xi32>
    %add3A_2579 = arith.addi %iota3A, %add3A_2578 : vector<16xi32>
    tpu.vector_store_idx %arg11[%add3A_2576], %add3A_2579 : memref<576xi32, #tpu.memory_space<vmem>>[vector<16xi32>], vector<16xi32>,
    %add3A_2580 = arith.constant 1 : i32
    %add3A_2581 = vector.broadcast %add3A_2580 : i32 to vector<16xi32>
    %add3A_2582 = arith.addi %sub3A_2575, %add3A_2581 : vector<16xi32>
    tpu.vector_store_idx %arg10[%get3A_2569], %add3A_2582 masked %unique3A_2573 {add = true} : memref<208xi32, #tpu.memory_space<vmem>>[vector<16xi32>], vector<16xi32>, vector<16xi1>
    %mul3A_2583 = arith.constant 128 : i32
    %mul3A_2584 = arith.muli %add3A, %mul3A_2583 : i32
    "tpu.region"() ({
      %run_scoped3A = tpu.sem_alloc : memref<!tpu.dma_semaphore, #tpu.memory_space<semaphore_mem>>
      %dma_start3A = arith.constant 0 : i32
      %dma_start3A_2585 = tpu.memref_slice %arg11[%dma_start3A] : memref<576xi32, #tpu.memory_space<vmem>> -> memref<128xi32, #tpu.memory_space<vmem>>
      %dma_start3A_2586 = tpu.memref_slice %arg3[%mul3A_2584] : memref<4096xi32, #tpu.memory_space<hbm>> -> memref<128xi32, #tpu.memory_space<hbm>>
      %dma_start3A_2587 = tpu.memref_slice %arg3[%mul3A_2584] : memref<4096xi32, #tpu.memory_space<hbm>> -> memref<128xi32, #tpu.memory_space<hbm>>
      %dma_start3A_2588 = arith.constant 0 : i32
      %dma_start3A_2589 = tpu.memref_slice %arg11[%dma_start3A_2588] : memref<576xi32, #tpu.memory_space<vmem>> -> memref<128xi32, #tpu.memory_space<vmem>>
      tpu.enqueue_dma source(%dma_start3A_2589 : memref<128xi32, #tpu.memory_space<vmem>>) target(%dma_start3A_2587 : memref<128xi32, #tpu.memory_space<hbm>>) target_semaphore(%run_scoped3A : memref<!tpu.dma_semaphore, #tpu.memory_space<semaphore_mem>>)
      %dma_wait3A = arith.constant 0 : i32
      %dma_wait3A_2590 = tpu.memref_slice %arg11[%dma_wait3A] : memref<576xi32, #tpu.memory_space<vmem>> -> memref<128xi32, #tpu.memory_space<vmem>>
      %dma_wait3A_2591 = tpu.memref_slice %arg3[%mul3A_2584] : memref<4096xi32, #tpu.memory_space<hbm>> -> memref<128xi32, #tpu.memory_space<hbm>>
      %dma_wait3A_2592 = tpu.memref_slice %arg3[%mul3A_2584] : memref<4096xi32, #tpu.memory_space<hbm>> -> memref<128xi32, #tpu.memory_space<hbm>>
      %dma_wait3A_2593 = arith.constant 0 : i32
      %dma_wait3A_2594 = tpu.memref_slice %arg11[%dma_wait3A_2593] : memref<576xi32, #tpu.memory_space<vmem>> -> memref<128xi32, #tpu.memory_space<vmem>>
      tpu.wait_dma2 semaphore(%run_scoped3A : memref<!tpu.dma_semaphore, #tpu.memory_space<semaphore_mem>>) src(%dma_wait3A_2594 : memref<128xi32, #tpu.memory_space<vmem>>) dst(%dma_wait3A_2592 : memref<128xi32, #tpu.memory_space<hbm>>)
      tpu.yield
    }) : () -> ()
    return
  }
}

</mosaic_0001>

<sc_bundles>
// kernel: kernel.3.cloned.1.call-start
scs
__scs_entry_jumppad:
0x0: {  	(pc) =	sbr.rel $0x88, $3  }
0x1: {  	(tag) =	ssettag $0x0;
	lr =	simm.s32 $0x1  }
0x2: {  	[smem:$0x3F9F] =	sst lr;
	_ =	strace $0xD0000000  }
0x3: {  	_ = 	snop  }
0x4: {  	_ = 	snop  }
0x5: {  	_ = 	snop  }
0x6: {  	_ = 	snop  }
0x7: {  	_ = 	snop  }
__scs_overlays_trampoline_lowered:
0x8: {  	[smem:$0x3FAE] =	sst s0  }
0x9: {  	[smem:$0x3FAF] =	sst s1  }
0xa: {  	[smem:$0x3FB0] =	sst s2  }
0xb: {  	[smem:$0x3FB1] =	sst s3  }
0xc: {  	[smem:$0x3FB2] =	sst s4  }
0xd: {  	[smem:$0x3FB3] =	sst s5  }
0xe: {  	[smem:$0x3FB4] =	sst s6  }
0xf: {  	[smem:$0x3FB5] =	sst s7  }
0x10: {  	[smem:$0x3FB6] =	sst s8  }
0x11: {  	[smem:$0x3FB7] =	sst s9;
	s0 =	simm.s32 @!p0 $0x0  }
0x12: {  	s1 =	sld [smem:$0x3F9D];
	s0 =	simm.s32 @p0 $0x1  }
0x13: {  	[smem:$0x3FB8] =	sst s0;
	s0 =	simm.s32 @!p1 $0x0  }
0x14: {  	s2 =	sld [smem:$0x3F9C];
	s0 =	simm.s32 @p1 $0x1  }
0x15: {  	[smem:$0x3FB9] =	sst s0;
	s0 =	simm.s32 @!p2 $0x0  }
0x16: {  	s3 =	sld [smem:$0x3FDB];
	s0 =	simm.s32 @p2 $0x1  }
0x17: {  	s4 =	simm.s32 $0x1BF5;
	[smem:$0x3FBB] =	sst s0  }
0x18: {  	s0 =	sld [smem:$0x3F9E];
	_ =	swait.ge [sflag:s4], $0x0  }
0x19: {  	s7 =	sld [smem:$0x3F9F]  }
0x1a: {  	s8 =	sadd.s32 $0xFFFFE003, lr  }
0x1b: {  	s9 =	sadd.s32 $0xFFFFFEF7, lr;
	s5 =	simm.s32 $0xFFFFFFFF;
	p2 =	slt.u32 s8, $0xFFFFF086  }
0x1c: {  	p1 =	slt.u32 s9, $0xF7A;
	s5 =	simm.s32 @!p2 $0x0  }
0x1d: {  	s5 =	simm.s32 @p1 $0x1;
	p0 =	seq.s32 s7, s2  }
0x1e: {  	s7 =	smul.u32 @!p0 $0xF7A, s2;
	p2 =	seq.s32 @!p0 s5, $0x0  }
0x1f: {  	s9 =	smul.u32 $0xF7A, s1;
	s8 =	simm.s32 @!p0 $0x1BF5;
	p2 =	por !p2, p0  }
0x20: {  	[sflag:s8] =	ssyncset.s32 @!p0 $0xFFFFF086;
	s6 =	sadd.s32 @!p0 s3, s7;
	s7 =	simm.s32 @!p0 $0x108  }
0x21: {  	s3 =	sadd.s32 s3, s9;
	s6 =	sadd.s32 @!p0 $0x88, s6;
	s7 =	simm.s32 @p2 $0x1082  }
0x22: {  	[simem:s7], [sflag:s8] =	dma.local @!p0 [hbm:s6], $0xF7A  }
0x23: {  	s9 =	sor.u32 $0xD0000000, s2;
	s6 =	simm.s32 $0x108;
	_ =	swait.ge @!p0 [sflag:s8], $0x0  }
0x24: {  	s3 =	sadd.s32 $0x88, s3;
	s6 =	simm.s32 @!p1 $0x1082;
	[sflag:s4] =	ssyncset.s32 $0xFFFFF086  }
0x25: {  	[simem:s6], [sflag:s4] =	dma.local [hbm:s3], $0xF7A  }
0x26: {  	[smem:$0x3F9F] =	sst s1;
	(tag) =	ssettag s2;
	_ =	strace s9  }
0x27: {  	s1 =	sld [smem:$0x3FAF]  }
0x28: {  	s2 =	sld [smem:$0x3FB0]  }
0x29: {  	s4 =	sld [smem:$0x3FB2]  }
0x2a: {  	p0 =	seq.s32 s5, $0x0;
	s5 =	sld [smem:$0x3FB3]  }
0x2b: {  	s6 =	sld [smem:$0x3FB4]  }
0x2c: {  	s7 =	sld [smem:$0x3FB5]  }
0x2d: {  	s3 =	simm.s32 $0x108;
	s8 =	sld [smem:$0x3FB6]  }
0x2e: {  	s3 =	simm.s32 @!p0 $0x1082;
	s9 =	sld [smem:$0x3FB7]  }
0x2f: {  	lr =	sadd.s32 s0, s3;
	s0 =	sld [smem:$0x3FAE]  }
0x30: {  	s3 =	sld [smem:$0x3FB1]  }
0x31: {  	[smem:$0x3FBA] =	sst s10  }
0x32: {  	s10 =	sld [smem:$0x3FB8];
	_ =	sdelay $0x3  }
0x33: {  	p0 =	seq.s32 s10, $0x1;
	s10 =	sld [smem:$0x3FBA];
	_ =	sdelay $0x3  }
0x34: {  	[smem:$0x3FBA] =	sst s10  }
0x35: {  	s10 =	sld [smem:$0x3FB9];
	_ =	sdelay $0x3  }
0x36: {  	p1 =	seq.s32 s10, $0x1;
	s10 =	sld [smem:$0x3FBA];
	_ =	sdelay $0x3  }
0x37: {  	[smem:$0x3FBA] =	sst s10  }
0x38: {  	s10 =	sld [smem:$0x3FBB]  }
0x39: {  	_ = 	snop;
	(pc) =	sbr.ind lr, $3  }
0x3a: {  	_ = 	snop  }
0x3b: {  	_ = 	snop  }
0x3c: {  	p2 =	seq.s32 s10, $0x1;
	s10 =	sld [smem:$0x3FBA]  }
0x3d: {  	_ =	shalt  }
0x3e: {  	_ =	shalt  }
0x3f: {  	_ =	shalt  }
0x40: {  	_ =	shalt  }
0x41: {  	_ =	shalt  }
0x42: {  	_ =	shalt  }
0x43: {  	_ =	shalt  }
0x44: {  	_ =	shalt  }
0x45: {  	_ =	shalt  }
0x46: {  	_ =	shalt  }
0x47: {  	_ =	shalt  }
0x48: {  	_ =	shalt  }
0x49: {  	_ =	shalt  }
0x4a: {  	_ =	shalt  }
0x4b: {  	_ =	shalt  }
0x4c: {  	_ =	shalt  }
0x4d: {  	_ =	shalt  }
0x4e: {  	_ =	shalt  }
0x4f: {  	_ =	shalt  }
0x50: {  	_ =	shalt  }
0x51: {  	_ =	shalt  }
0x52: {  	_ =	shalt  }
0x53: {  	_ =	shalt  }
0x54: {  	_ =	shalt  }
0x55: {  	_ =	shalt  }
0x56: {  	_ =	shalt  }
0x57: {  	_ =	shalt  }
0x58: {  	_ =	shalt  }
0x59: {  	_ =	shalt  }
0x5a: {  	_ =	shalt  }
0x5b: {  	_ =	shalt  }
0x5c: {  	_ =	shalt  }
0x5d: {  	_ =	shalt  }
0x5e: {  	_ =	shalt  }
0x5f: {  	_ =	shalt  }
0x60: {  	_ =	shalt  }
0x61: {  	_ =	shalt  }
0x62: {  	_ =	shalt  }
0x63: {  	_ =	shalt  }
0x64: {  	_ =	shalt  }
0x65: {  	_ =	shalt  }
0x66: {  	_ =	shalt  }
0x67: {  	_ =	shalt  }
0x68: {  	_ =	shalt  }
0x69: {  	_ =	shalt  }
0x6a: {  	_ =	shalt  }
0x6b: {  	_ =	shalt  }
0x6c: {  	_ =	shalt  }
0x6d: {  	_ =	shalt  }
0x6e: {  	_ =	shalt  }
0x6f: {  	_ =	shalt  }
0x70: {  	_ =	shalt  }
0x71: {  	_ =	shalt  }
0x72: {  	_ =	shalt  }
0x73: {  	_ =	shalt  }
0x74: {  	_ =	shalt  }
0x75: {  	_ =	shalt  }
0x76: {  	_ =	shalt  }
0x77: {  	_ =	shalt  }
0x78: {  	_ =	shalt  }
0x79: {  	_ =	shalt  }
0x7a: {  	_ =	shalt  }
0x7b: {  	_ =	shalt  }
0x7c: {  	_ =	shalt  }
0x7d: {  	_ =	shalt  }
0x7e: {  	_ =	shalt  }
0x7f: {  	_ =	shalt  }
0x80: {  	_ =	shalt  }
0x81: {  	_ =	shalt  }
0x82: {  	_ =	shalt  }
0x83: {  	_ =	shalt  }
0x84: {  	_ =	shalt  }
0x85: {  	_ =	shalt  }
0x86: {  	_ =	shalt  }
0x87: {  	_ =	shalt  }
.Lfunc_end0:
.L_simem_size_0:
called_computation_lowered:
.L_overlay_start_0:
0x88: {  	s2 =	sld [smem:$0x3FD9]  }
0x89: {  	s3 =	sld [smem:$0x3FFE];
	_ =	sdelay $0x1  }
0x8a: {  	s1 =	srdreg.scid  }
0x8b: {  	s0 =	sand.u32 $0x1, s1  }
0x8c: {  	s16 =	sshll.u32 s0, $0xA;
	s2 =	sadd.s32 s3, s2  }
0x8d: {  	s2 =	sadd.s32 s2, s16  }
0x8e: {  	[smem:$0x3FC6] =	sst s2  }
0x8f: {  	_ = 	snop  }
0x90: {  	(tm) =	ssettm $0x1  }
0x91: {  	s17 =	sld [smem:$0x3FFB];
	_ =	sdelay $0x3  }
0x92: {  	_ =	strace s17  }
0x93: {  	s2 =	sld [smem:$0x3FFC];
	_ =	sdelay $0x3  }
0x94: {  	_ =	strace s2  }
0x95: {  	s2 =	sld [smem:$0x3FFD];
	_ =	sdelay $0x3  }
0x96: {  	_ =	strace s2  }
0x97: {  	_ =	strace $0x8FFFFFFF  }
0x98: {  	s18 =	sld [smem:$0x3FDB];
	_ =	sdelay $0x1  }
0x99: {  	s19 =	simm.s32 $_scs_section_size  }
0x9a: {  	s4 =	simm.s32 $_size__tile_overlayer_lowered;
	s5 =	simm.s32 $_tile_overlayer_lowered  }
0x9b: {  	s22 =	simm.s32 $0x1BFF;
	s21 =	sshll.u32 s5, $0x1;
	s2 =	sadd.s32 s19, s18  }
0x9c: {  	s6 =	simm.s32 $0x0;
	s20 =	sshll.u32 s4, $0x1;
	s4 =	sadd.s32 s21, s2  }
0x9d: {  	[timem:s6], [sflag:s22] =	dma.local [hbm:s4], s20  }
0x9e: {  	_ =	swait.ge [sflag:s22], s20  }
0x9f: {  	s3 =	ssub.s32 $0x0, s20;
	[sflag:s22] =	ssyncset.done $0x0  }
0xa0: {  	[sflag:s22] =	ssyncadd.s32 s3;
	_ =	sdelay $0x1  }
0xa1: {  	s23 =	simm.s32 $0x1B8B  }
0xa2: {  	_ =	swait.ge [sflag:s23], $0x1  }
0xa3: {  	[sflag:s23] =	ssyncset.done $0x0  }
0xa4: {  	s25 =	simm.s32 $0x1B8E;
	s24 =	sld [smem:$0x3FFE];
	[sflag:s23] =	ssyncadd.s32 $0xFFFFFFFF  }
0xa5: {  	s26 =	simm.s32 $execute0_lowered;
	[smem:$0x3FD2] =	sst s25  }
0xa6: {  	s4 =	sshll.u32 s26, $0x1;
	_ =	strace $0x80000046;
	[dreg:$0x1] =	wrdreg $0xFFFFFFFF  }
0xa7: {  	s28 =	simm.s32 $_size_execute0_lowered;
	s2 =	sadd.s32 s2, s4;
	[dreg:$0x0] =	wrdreg $0x0  }
0xa8: {  	s4 =	sshll.u32 s28, $0x1;
	[dreg:$0x2] =	wrdreg s2  }
0xa9: {  	[dreg:$0x3] =	wrdreg s4  }
0xaa: {  	[dreg:$0x4] =	wrdreg $0xC0  }
0xab: {  	_ =	task [dreg:s6], $0x5FFFF  }
0xac: {  	[dreg:$0x1] =	wrdreg $0xFFFFFFFF  }
0xad: {  	[dreg:$0x0] =	wrdreg $0x60  }
0xae: {  	[dreg:$0x2] =	wrdreg s24  }
0xaf: {  	[dreg:$0x3] =	wrdreg $0x9  }
0xb0: {  	_ =	task.clear_ibuf [dreg:s6], $0x4FFFF;
	_ =	strace $0x90000046  }
0xb1: {  	s29 =	simm.s32 $0x9;
	_ =	strace $0x80000048  }
0xb2: {  	_ =	swait.ge [sflag:s29], $0x1  }
0xb3: {  	[sflag:s29] =	ssyncadd.s32 $0xFFFFFFFF  }
0xb4: {  	_ =	strace $0x90000048  }
0xb5: {  	_ =	sfence  }
0xb6: {  	s30 =	sld [smem:$0x0];
	_ =	sdelay $0x2  }
0xb7: {  	s31 =	sshll.u32 s1, $0xD;
	s1 =	sshrl.u32 s1, $0x2  }
0xb8: {  	s3 =	sand.u32 $0x4000, s31;
	s1 =	sadd.s32 s1, s30  }
0xb9: {  	s0 =	sor.u32 s3, s0;
	s1 =	sshll.u32 s1, $0x11  }
0xba: {  	s0 =	sor.u32 s1, s0  }
0xbb: {  	s0 =	sadd.s32 $0x8F2B, s0  }
0xbc: {  	[sflag:s0] =	ssyncadd.remote.s32 $0x1  }
0xbd: {  	_ =	sfence.sel $0xFFFF  }
0xbe: {  	[dreg:$0x0] =	wrdreg $0xFFFFFFFF;
	(pc) =	sbr.abs _section_cstart, $3  }
0xbf: {  	[dreg:$0x1] =	wrdreg $0xFFFFFFFF  }
0xc0: {  	_ =	task.clear_ibuf [dreg:s6], $0x2FFFF;
	_ =	strace $0x9FFFFFFF  }
0xc1: {  	(tm) =	ssettm $0x7FFFFFFF  }
tec
execute0_lowered:
.L_overlay_start_1:
0x0: {  	(tag) =	ssettag $0x1  }
0x1: {  	s3 =	rddreg [dreg:$0x0];
	s1 =	simm.s32 $0x0  }
0x2: {  	[smem:$0x7FF] =	sst s1  }
0x3: {  	s0 =	rddreg [dreg:$0x1];
	v0 =	vimm.s32 $0x0;
	_ =	strace $0x80000047  }
0x4: {  	(xrf1) =	vunique.msk.u32 $0xffff, v0;
	_ =	sdelay $0x5  }
0x5: {  	vm10 =	vcmask $0x300;
	v0 =	vimm.s32 $0x18C0  }
0x6: {  	vm9 =	vcmask $0x704;
	v0 =	vsel vm10, $0x0, v0  }
0x7: {  	vm8 =	vcmask $0xB08;
	v0 =	vsel vm9, $0x240, v0  }
0x8: {  	vm7 =	vcmask $0xF0C;
	v0 =	vsel vm8, $0x480, v0  }
0x9: {  	vm5 =	vcmask $0x1310;
	v0 =	vsel vm7, $0x6C0, v0  }
0xa: {  	vm6 =	vcmask $0x1714;
	v0 =	vsel vm5, $0x900, v0  }
0xb: {  	v1 =	vlaneseq.u32;
	vm4 =	vcmask $0x1B18;
	v0 =	vsel vm6, $0xB40, v0  }
0xc: {  	vm3 =	vcmask $0x1F1C;
	v3 =	vmul.u32 $0xFFFFFFFF, v1;
	v0 =	vsel vm4, $0xD80, v0  }
0xd: {  	vm2 =	vcmask $0x2320;
	vm1 =	vcmask $0x2724;
	v0 =	vsel vm3, $0xFC0, v0;
	_, v2, _ =	vpop (xrf1)  }
0xe: {  	vm0 =	vcmask $0x2B28;
	[tilespmem:$0x1FFC0] =	vst v3;
	v0 =	vsel vm2, $0x1200, v0;
	v3 =	vadd.s32 v3, v2  }
0xf: {  	v6 =	vimm.f32 $0.0e+00;
	v0 =	vsel vm1, $0x1440, v0;
	[tilespmem:$0x1FFD0] =	vst v3;
	v3 =	vadd.s32 $0x1, v1  }
0x10: {  	v7 =	vsel vm0, $0x1680, v0;
	v0 =	vimm.s32 $0x18C1;
	v2 =	vsub.s32 v3, v2  }
0x11: {  	v4 =	vimm.s32 $0x18C3;
	v0 =	vsel vm10, $0x1, v0;
	[tilespmem:$0x1FFF0] =	vst v2;
	v2 =	vimm.s32 $0x18C2  }
0x12: {  	vm11 =	vcmask $0x2B30;
	v0 =	vsel vm9, $0x241, v0;
	v2 =	vsel vm10, $0x2, v2  }
0x13: {  	v4 =	vsel vm10, $0x3, v4;
	v0 =	vsel vm8, $0x481, v0;
	v2 =	vsel vm9, $0x242, v2  }
0x14: {  	v4 =	vsel vm9, $0x243, v4;
	v0 =	vsel vm7, $0x6C1, v0;
	v2 =	vsel vm8, $0x482, v2  }
0x15: {  	v4 =	vsel vm8, $0x483, v4;
	v0 =	vsel vm5, $0x901, v0;
	v2 =	vsel vm7, $0x6C2, v2  }
0x16: {  	v4 =	vsel vm7, $0x6C3, v4;
	v0 =	vsel vm6, $0xB41, v0;
	v2 =	vsel vm5, $0x902, v2  }
0x17: {  	v4 =	vsel vm5, $0x903, v4;
	v0 =	vsel vm4, $0xD81, v0;
	v2 =	vsel vm6, $0xB42, v2  }
0x18: {  	v4 =	vsel vm6, $0xB43, v4;
	v0 =	vsel vm3, $0xFC1, v0;
	v2 =	vsel vm4, $0xD82, v2  }
0x19: {  	v4 =	vsel vm4, $0xD83, v4;
	v0 =	vsel vm2, $0x1201, v0;
	v2 =	vsel vm3, $0xFC2, v2  }
0x1a: {  	v4 =	vsel vm3, $0xFC3, v4;
	v0 =	vsel vm1, $0x1441, v0;
	v2 =	vsel vm2, $0x1202, v2  }
0x1b: {  	v4 =	vsel vm2, $0x1203, v4;
	v8 =	vsel vm0, $0x1681, v0;
	v0 =	vsel vm1, $0x1442, v2  }
0x1c: {  	v2 =	vsel vm1, $0x1443, v4;
	v9 =	vsel vm0, $0x1682, v0;
	v0 =	vimm.s32 $0x18C4  }
0x1d: {  	v10 =	vsel vm0, $0x1683, v2;
	v2 =	vimm.s32 $0x18C5;
	v0 =	vsel vm10, $0x4, v0  }
0x1e: {  	v4 =	vimm.s32 $0x18C6;
	v2 =	vsel vm10, $0x5, v2;
	v0 =	vsel vm9, $0x244, v0  }
0x1f: {  	v4 =	vsel vm10, $0x6, v4;
	v2 =	vsel vm9, $0x245, v2;
	v0 =	vsel vm8, $0x484, v0  }
0x20: {  	v4 =	vsel vm9, $0x246, v4;
	v2 =	vsel vm8, $0x485, v2;
	v0 =	vsel vm7, $0x6C4, v0  }
0x21: {  	v4 =	vsel vm8, $0x486, v4;
	v2 =	vsel vm7, $0x6C5, v2;
	v0 =	vsel vm5, $0x904, v0  }
0x22: {  	v4 =	vsel vm7, $0x6C6, v4;
	v2 =	vsel vm5, $0x905, v2;
	v0 =	vsel vm6, $0xB44, v0  }
0x23: {  	v4 =	vsel vm5, $0x906, v4;
	v2 =	vsel vm6, $0xB45, v2;
	v0 =	vsel vm4, $0xD84, v0  }
0x24: {  	v4 =	vsel vm6, $0xB46, v4;
	v2 =	vsel vm4, $0xD85, v2;
	v0 =	vsel vm3, $0xFC4, v0  }
0x25: {  	v4 =	vsel vm4, $0xD86, v4;
	v2 =	vsel vm3, $0xFC5, v2;
	v0 =	vsel vm2, $0x1204, v0  }
0x26: {  	v4 =	vsel vm3, $0xFC6, v4;
	v2 =	vsel vm2, $0x1205, v2;
	v0 =	vsel vm1, $0x1444, v0  }
0x27: {  	v4 =	vsel vm2, $0x1206, v4;
	v11 =	vsel vm0, $0x1684, v0;
	v0 =	vsel vm1, $0x1445, v2  }
0x28: {  	v2 =	vsel vm1, $0x1446, v4;
	v12 =	vsel vm0, $0x1685, v0;
	v0 =	vimm.s32 $0x18C7  }
0x29: {  	v13 =	vsel vm0, $0x1686, v2;
	v2 =	vimm.s32 $0x18C8;
	v0 =	vsel vm10, $0x7, v0  }
0x2a: {  	[tilespmem:$0x1FFE0] =	vst v3;
	v3 =	vimm.s32 $0x40;
	v2 =	vsel vm10, $0x8, v2;
	v0 =	vsel vm9, $0x247, v0  }
0x2b: {  	v4 =	vimm.s32 $0x18C9;
	v2 =	vsel vm9, $0x248, v2;
	v0 =	vsel vm8, $0x487, v0  }
0x2c: {  	v4 =	vsel vm10, $0x9, v4;
	v2 =	vsel vm8, $0x488, v2;
	v0 =	vsel vm7, $0x6C7, v0  }
0x2d: {  	v4 =	vsel vm9, $0x249, v4;
	v2 =	vsel vm7, $0x6C8, v2;
	v0 =	vsel vm5, $0x907, v0  }
0x2e: {  	v4 =	vsel vm8, $0x489, v4;
	v2 =	vsel vm5, $0x908, v2;
	v0 =	vsel vm6, $0xB47, v0  }
0x2f: {  	v4 =	vsel vm7, $0x6C9, v4;
	v2 =	vsel vm6, $0xB48, v2;
	v0 =	vsel vm4, $0xD87, v0  }
0x30: {  	v4 =	vsel vm5, $0x909, v4;
	v2 =	vsel vm4, $0xD88, v2;
	v0 =	vsel vm3, $0xFC7, v0  }
0x31: {  	v4 =	vsel vm6, $0xB49, v4;
	v2 =	vsel vm3, $0xFC8, v2;
	v0 =	vsel vm2, $0x1207, v0  }
0x32: {  	v4 =	vsel vm4, $0xD89, v4;
	v2 =	vsel vm2, $0x1208, v2;
	v0 =	vsel vm1, $0x1447, v0  }
0x33: {  	v4 =	vsel vm3, $0xFC9, v4;
	v14 =	vsel vm0, $0x1687, v0;
	v0 =	vsel vm1, $0x1448, v2  }
0x34: {  	v4 =	vsel vm2, $0x1209, v4;
	v15 =	vsel vm0, $0x1688, v0;
	v0 =	vimm.s32 $0x18CA  }
0x35: {  	v2 =	vsel vm1, $0x1449, v4;
	v4 =	vimm.s32 $0x18CC;
	v0 =	vsel vm10, $0xA, v0  }
0x36: {  	v16 =	vsel vm0, $0x1689, v2;
	v2 =	vimm.s32 $0x18CB;
	v0 =	vsel vm9, $0x24A, v0  }
0x37: {  	v4 =	vsel vm10, $0xC, v4;
	v2 =	vsel vm10, $0xB, v2;
	v0 =	vsel vm8, $0x48A, v0  }
0x38: {  	v4 =	vsel vm9, $0x24C, v4;
	v2 =	vsel vm9, $0x24B, v2;
	v0 =	vsel vm7, $0x6CA, v0  }
0x39: {  	v4 =	vsel vm8, $0x48C, v4;
	v2 =	vsel vm8, $0x48B, v2;
	v0 =	vsel vm5, $0x90A, v0  }
0x3a: {  	v4 =	vsel vm7, $0x6CC, v4;
	v2 =	vsel vm7, $0x6CB, v2;
	v0 =	vsel vm6, $0xB4A, v0  }
0x3b: {  	v4 =	vsel vm5, $0x90C, v4;
	v2 =	vsel vm5, $0x90B, v2;
	v0 =	vsel vm4, $0xD8A, v0  }
0x3c: {  	v4 =	vsel vm6, $0xB4C, v4;
	v2 =	vsel vm6, $0xB4B, v2;
	v0 =	vsel vm3, $0xFCA, v0  }
0x3d: {  	v4 =	vsel vm4, $0xD8C, v4;
	v2 =	vsel vm4, $0xD8B, v2;
	v0 =	vsel vm2, $0x120A, v0  }
0x3e: {  	v4 =	vsel vm3, $0xFCC, v4;
	v2 =	vsel vm3, $0xFCB, v2;
	v0 =	vsel vm1, $0x144A, v0  }
0x3f: {  	v4 =	vsel vm2, $0x120C, v4;
	v2 =	vsel vm2, $0x120B, v2;
	v17 =	vsel vm0, $0x168A, v0  }
0x40: {  	v0 =	vsel vm1, $0x144B, v2;
	v2 =	vsel vm1, $0x144C, v4;
	v4 =	vimm.s32 $0x18CF  }
0x41: {  	v18 =	vsel vm0, $0x168B, v0;
	v19 =	vsel vm0, $0x168C, v2;
	v0 =	vimm.s32 $0x18CD  }
0x42: {  	v2 =	vimm.s32 $0x18CE;
	v4 =	vsel vm10, $0xF, v4;
	v0 =	vsel vm10, $0xD, v0  }
0x43: {  	v2 =	vsel vm10, $0xE, v2;
	v4 =	vsel vm9, $0x24F, v4;
	vm10 =	vcmask $0x2730  }
0x44: {  	v0 =	vsel vm9, $0x24D, v0;
	v2 =	vsel vm9, $0x24E, v2;
	v4 =	vsel vm8, $0x48F, v4  }
0x45: {  	vm9 =	vcmask $0x2330;
	v0 =	vsel vm8, $0x48D, v0;
	v2 =	vsel vm8, $0x48E, v2  }
0x46: {  	v4 =	vsel vm7, $0x6CF, v4;
	vm8 =	vcmask $0x1F30;
	v0 =	vsel vm7, $0x6CD, v0  }
0x47: {  	v2 =	vsel vm7, $0x6CE, v2;
	v4 =	vsel vm5, $0x90F, v4;
	vm7 =	vcmask $0x1B30  }
0x48: {  	v0 =	vsel vm5, $0x90D, v0;
	v2 =	vsel vm5, $0x90E, v2;
	v4 =	vsel vm6, $0xB4F, v4  }
0x49: {  	vm5 =	vcmask $0x1330;
	v0 =	vsel vm6, $0xB4D, v0;
	v2 =	vsel vm6, $0xB4E, v2  }
0x4a: {  	s4 =	srdreg.scid;
	s2 =	stileid.u32;
	s8 =	simm.s32 $0x2500;
	v4 =	vsel vm4, $0xD8F, v4;
	vm6 =	vcmask $0x1730;
	v0 =	vsel vm4, $0xD8D, v0  }
0x4b: {  	s9 =	simm.s32 $0x2600;
	s4 =	sand.u32 $0x1, s4;
	s5 =	sshll.u32 s2, $0x1;
	v2 =	vsel vm4, $0xD8E, v2;
	v4 =	vsel vm3, $0xFCF, v4;
	v0 =	vsel vm3, $0xFCD, v0  }
0x4c: {  	s10 =	simm.s32 $0x2700;
	s5 =	sor.u32 s4, s5;
	s4 =	ssub.s32 $0x2, s4;
	vm4 =	vcmask $0xF30;
	v2 =	vsel vm3, $0xFCE, v2;
	v0 =	vsel vm2, $0x120D, v0  }
0x4d: {  	s6 =	smul.u32 $0x360, s5;
	s5 =	sshll.u32 s5, $0x4;
	s7 =	sshrl.u32 s4, $0x1;
	v4 =	vsel vm2, $0x120F, v4;
	vm3 =	vcmask $0xB30;
	v0 =	vsel vm1, $0x144D, v0  }
0x4e: {  	s11 =	simm.s32 $0x0;
	s5 =	sadd.s32 s5, s3;
	s7 =	ssub.s32 s4, s7;
	v2 =	vsel vm2, $0x120E, v2;
	vm2 =	vcmask $0x730;
	v20 =	vsel vm0, $0x168D, v0  }
0x4f: {  	s6 =	sadd.s32 s6, s3;
	s4 =	sadd.s32 $0x7000, s5;
	s5 =	smax.u32 s7, $0x1;
	v0 =	vsel vm1, $0x144E, v2;
	v2 =	vsel vm1, $0x144F, v4;
	vm1 =	vcmask $0x330  }
0x50: {  	s7 =	simm.s32 $0x1B00;
	s3 =	sadd.s32 $0x400, s6;
	s6 =	simm.s32 $0x1;
	v21 =	vsel vm0, $0x168E, v0;
	v22 =	vsel vm0, $0x168F, v2;
	vm0 =	vmmov $0x1  }
.LBB2_1:
0x51: {  	[tilespmem:s1], [sflag:$0x1] =	stream.linear.gather [hbm4b:s3+s1], $0x1B00, $0x38;
	[tilespmem:$0x2980] =	vst v63  }
0x52: {  	_ =	swait.ge [sflag:s6], $0x1B00  }
0x53: {  	[sflag:s6] =	ssyncset.done $0x0  }
0x54: {  	[sflag:s6] =	ssyncadd.s32 $0xFFFFE500  }
0x55: {  	[tilespmem:$0x1D80] =	vst v6  }
0x56: {  	[tilespmem:$0x2000] =	vst v6  }
0x57: {  	[tilespmem:$0x1D90] =	vst v6  }
0x58: {  	v0 =	vadd.s32 s1, v8;
	[tilespmem:$0x2010] =	vst v6  }
0x59: {  	v2 =	vadd.s32 s1, v7;
	[tilespmem:$0x1FD0] =	vst v6  }
0x5a: {  	v4 =	vadd.s32 s1, v9;
	[tilespmem:$0x2250] =	vst v6  }
0x5b: {  	v23 =	vadd.s32 s1, v10;
	[tilespmem:$0x1FE0] =	vst v6  }
0x5c: {  	v24 =	vadd.s32 s1, v11;
	[tilespmem:$0x2260] =	vst v6  }
0x5d: {  	v25 =	vadd.s32 s1, v12;
	v0 =	vld.idx.msk [tilespmem:v0+s1+$0x0], $0xffff  }
0x5e: {  	v26 =	vadd.s32 s1, v13;
	v2 =	vld.idx.msk [tilespmem:v2+s1+$0x0], $0xffff  }
0x5f: {  	v27 =	vadd.s32 s1, v14;
	v4 =	vld.idx.msk [tilespmem:v4+s1+$0x0], $0xffff  }
0x60: {  	v28 =	vadd.s32 s1, v15;
	v23 =	vld.idx.msk [tilespmem:v23+s1+$0x0], $0xffff  }
0x61: {  	v29 =	vadd.s32 s1, v16;
	v24 =	vld.idx.msk [tilespmem:v24+s1+$0x0], $0xffff  }
0x62: {  	v30 =	vadd.s32 s1, v17;
	v25 =	vld.idx.msk [tilespmem:v25+s1+$0x0], $0xffff  }
0x63: {  	v31 =	vadd.s32 s1, v18;
	v26 =	vld.idx.msk [tilespmem:v26+s1+$0x0], $0xffff;
	v0 =	vmax.f32 v2, v0  }
0x64: {  	v2 =	vld.idx.msk [tilespmem:v27+s1+$0x0], $0xffff;
	v27 =	vadd.s32 s1, v19;
	v0 =	vmax.f32 v0, v4  }
0x65: {  	v56 =	vadd.s32 s1, v20;
	v4 =	vld.idx.msk [tilespmem:v28+s1+$0x0], $0xffff;
	v0 =	vmax.f32 v0, v23  }
0x66: {  	v57 =	vadd.s32 s1, v21;
	v23 =	vld.idx.msk [tilespmem:v29+s1+$0x0], $0xffff;
	v0 =	vmax.f32 v0, v24  }
0x67: {  	v58 =	vadd.s32 s1, v22;
	v24 =	vld.idx.msk [tilespmem:v30+s1+$0x0], $0xffff;
	v0 =	vmax.f32 v0, v25  }
0x68: {  	v25 =	vld.idx.msk [tilespmem:v31+s1+$0x0], $0xffff;
	v0 =	vmax.f32 v0, v26  }
0x69: {  	v26 =	vld.idx.msk [tilespmem:v27+s1+$0x0], $0xffff;
	v0 =	vmax.f32 v0, v2  }
0x6a: {  	v2 =	vld.idx.msk [tilespmem:v56+s1+$0x0], $0xffff;
	v0 =	vmax.f32 v0, v4  }
0x6b: {  	v4 =	vld.idx.msk [tilespmem:v57+s1+$0x0], $0xffff;
	v0 =	vmax.f32 v0, v23  }
0x6c: {  	v23 =	vld.idx.msk [tilespmem:v58+s1+$0x0], $0xffff;
	v0 =	vmax.f32 v0, v24  }
0x6d: {  	s12 =	simm.s32 $0x10;
	v0 =	vmax.f32 v0, v25  }
0x6e: {  	v24 =	vadd.s32 s12, v8;
	v0 =	vmax.f32 v0, v26  }
0x6f: {  	v25 =	vadd.s32 s12, v7;
	v0 =	vmax.f32 v0, v2  }
0x70: {  	v2 =	vadd.s32 s12, v9;
	v0 =	vmax.f32 v0, v4  }
0x71: {  	v4 =	vadd.s32 s12, v10;
	v0 =	vmax.f32 v0, v23  }
0x72: {  	v23 =	vadd.s32 s12, v11;
	[tilespmem:s7+$0x0] =	vst v0  }
0x73: {  	v0 =	vld.idx.msk [tilespmem:v24+s1+$0x0], $0xffff;
	v24 =	vadd.s32 s12, v12  }
0x74: {  	v26 =	vadd.s32 s12, v13;
	v25 =	vld.idx.msk [tilespmem:v25+s1+$0x0], $0xffff  }
0x75: {  	v27 =	vadd.s32 s12, v14;
	v2 =	vld.idx.msk [tilespmem:v2+s1+$0x0], $0xffff  }
0x76: {  	v4 =	vld.idx.msk [tilespmem:v4+s1+$0x0], $0xffff  }
0x77: {  	v23 =	vld.idx.msk [tilespmem:v23+s1+$0x0], $0xffff  }
0x78: {  	v59 =	vadd.s32 s12, v15;
	v24 =	vld.idx.msk [tilespmem:v24+s1+$0x0], $0xffff  }
0x79: {  	v60 =	vadd.s32 s12, v16;
	v26 =	vld.idx.msk [tilespmem:v26+s1+$0x0], $0xffff;
	v0 =	vmax.f32 v25, v0  }
0x7a: {  	v61 =	vadd.s32 s12, v17;
	v25 =	vld.idx.msk [tilespmem:v27+s1+$0x0], $0xffff;
	v0 =	vmax.f32 v0, v2  }
0x7b: {  	v62 =	vadd.s32 s12, v18;
	v0 =	vmax.f32 v0, v4  }
0x7c: {  	v27 =	vadd.s32 s12, v19;
	v0 =	vmax.f32 v0, v23  }
0x7d: {  	v63 =	vadd.s32 s12, v20;
	v2 =	vld.idx.msk [tilespmem:v59+s1+$0x0], $0xffff;
	v0 =	vmax.f32 v0, v24  }
0x7e: {  	v4 =	vld.idx.msk [tilespmem:v60+s1+$0x0], $0xffff;
	v0 =	vmax.f32 v0, v26;
	v26 =	vadd.s32 s12, v21  }
0x7f: {  	v23 =	vld.idx.msk [tilespmem:v61+s1+$0x0], $0xffff;
	v0 =	vmax.f32 v0, v25;
	v25 =	vadd.s32 s12, v22  }
0x80: {  	v24 =	vld.idx.msk [tilespmem:v62+s1+$0x0], $0xffff  }
0x81: {  	v27 =	vld.idx.msk [tilespmem:v27+s1+$0x0], $0xffff  }
0x82: {  	v28 =	vld.idx.msk [tilespmem:v63+s1+$0x0], $0xffff;
	v0 =	vmax.f32 v0, v2  }
0x83: {  	v0 =	vmax.f32 v0, v4;
	v4 =	vld.idx.msk [tilespmem:v26+s1+$0x0], $0xffff  }
0x84: {  	v0 =	vmax.f32 v0, v23;
	v23 =	vld.idx.msk [tilespmem:v25+s1+$0x0], $0xffff  }
0x85: {  	s12 =	simm.s32 $0x20;
	v0 =	vmax.f32 v0, v24  }
0x86: {  	v2 =	vadd.s32 s12, v8;
	v24 =	vmax.f32 v0, v27  }
0x87: {  	s14 =	simm.s32 $0x30;
	s13 =	simm.s32 $0x1B00;
	v0 =	vadd.s32 s12, v7;
	v24 =	vmax.f32 v24, v28  }
.LBB2_2:
0x88: {  	p0 =	sne.s32 s14, $0x230;
	v25 =	vadd.s32 s12, v9;
	v4 =	vmax.f32 v24, v4  }
0x89: {  	v24 =	vadd.s32 s12, v10;
	s13 =	sadd.s32 $0x10, s13;
	v4 =	vmax.f32 v4, v23  }
0x8a: {  	v23 =	vadd.s32 s12, v11;
	[tilespmem:s13+$0x0] =	vst v4  }
0x8b: {  	v4 =	vadd.s32 s12, v12;
	v2 =	vld.idx.msk [tilespmem:v2+s1+$0x0], $0xffff  }
0x8c: {  	v26 =	vadd.s32 s12, v13;
	v0 =	vld.idx.msk [tilespmem:v0+s1+$0x0], $0xffff  }
0x8d: {  	v27 =	vadd.s32 s12, v14;
	v25 =	vld.idx.msk [tilespmem:v25+s1+$0x0], $0xffff  }
0x8e: {  	v28 =	vadd.s32 s12, v15;
	v24 =	vld.idx.msk [tilespmem:v24+s1+$0x0], $0xffff  }
0x8f: {  	v29 =	vadd.s32 s12, v16;
	v23 =	vld.idx.msk [tilespmem:v23+s1+$0x0], $0xffff  }
0x90: {  	v30 =	vadd.s32 s12, v17;
	v4 =	vld.idx.msk [tilespmem:v4+s1+$0x0], $0xffff  }
0x91: {  	v31 =	vadd.s32 s12, v18;
	v26 =	vld.idx.msk [tilespmem:v26+s1+$0x0], $0xffff  }
0x92: {  	v0 =	vmax.f32 v0, v2;
	v2 =	vld.idx.msk [tilespmem:v27+s1+$0x0], $0xffff;
	v27 =	vadd.s32 s12, v19  }
0x93: {  	v0 =	vmax.f32 v0, v25;
	v25 =	vld.idx.msk [tilespmem:v28+s1+$0x0], $0xffff;
	v28 =	vadd.s32 s12, v20  }
0x94: {  	v0 =	vmax.f32 v0, v24;
	v24 =	vld.idx.msk [tilespmem:v29+s1+$0x0], $0xffff;
	v29 =	vadd.s32 s12, v21  }
0x95: {  	v0 =	vmax.f32 v0, v23;
	v23 =	vadd.s32 s12, v22;
	s12 =	smov.u32 s14;
	v30 =	vld.idx.msk [tilespmem:v30+s1+$0x0], $0xffff  }
0x96: {  	v0 =	vmax.f32 v0, v4;
	v31 =	vld.idx.msk [tilespmem:v31+s1+$0x0], $0xffff  }
0x97: {  	v0 =	vmax.f32 v0, v26;
	v26 =	vld.idx.msk [tilespmem:v27+s1+$0x0], $0xffff  }
0x98: {  	v0 =	vmax.f32 v0, v2;
	v27 =	vld.idx.msk [tilespmem:v28+s1+$0x0], $0xffff  }
0x99: {  	v0 =	vmax.f32 v0, v25;
	v4 =	vld.idx.msk [tilespmem:v29+s1+$0x0], $0xffff  }
.Ltmp0:
0x9a: {  	v0 =	vmax.f32 v0, v24;
	v23 =	vld.idx.msk [tilespmem:v23+s1+$0x0], $0xffff;
	(pc) =	sbr.rel @p0 .LBB2_2-.Ltmp0, $4  }
0x9b: {  	v0 =	vmax.f32 v0, v30  }
0x9c: {  	v0 =	vmax.f32 v0, v31  }
0x9d: {  	v2 =	vadd.s32 s14, v8;
	v24 =	vmax.f32 v0, v26  }
0x9e: {  	s14 =	sadd.s32 $0x10, s14;
	v0 =	vadd.s32 s12, v7;
	v24 =	vmax.f32 v24, v27  }
0x9f: {  	_ = 	snop  }
0xa0: {  	v25 =	vadd.s32 s12, v9;
	v4 =	vmax.f32 v24, v4  }
0xa1: {  	v54 =	vadd.s32 s12, v10;
	s13 =	sadd.s32 $0x10, s13;
	v4 =	vmax.f32 v4, v23  }
0xa2: {  	v23 =	vadd.s32 s12, v11;
	[tilespmem:s13+$0x0] =	vst v4  }
0xa3: {  	v4 =	vadd.s32 s12, v12;
	v2 =	vld.idx.msk [tilespmem:v2+s1+$0x0], $0xffff  }
0xa4: {  	v26 =	vadd.s32 s12, v13;
	v0 =	vld.idx.msk [tilespmem:v0+s1+$0x0], $0xffff  }
0xa5: {  	v27 =	vadd.s32 s12, v14;
	v25 =	vld.idx.msk [tilespmem:v25+s1+$0x0], $0xffff  }
0xa6: {  	v28 =	vadd.s32 s12, v15;
	v24 =	vld.idx.msk [tilespmem:v54+s1+$0x0], $0xffff  }
0xa7: {  	v29 =	vadd.s32 s12, v16;
	v23 =	vld.idx.msk [tilespmem:v23+s1+$0x0], $0xffff  }
0xa8: {  	v30 =	vadd.s32 s12, v17;
	v4 =	vld.idx.msk [tilespmem:v4+s1+$0x0], $0xffff  }
0xa9: {  	v31 =	vadd.s32 s12, v18;
	v26 =	vld.idx.msk [tilespmem:v26+s1+$0x0], $0xffff;
	v0 =	vmax.f32 v0, v2  }
0xaa: {  	v55 =	vadd.s32 s12, v19;
	v2 =	vld.idx.msk [tilespmem:v27+s1+$0x0], $0xffff;
	v0 =	vmax.f32 v0, v25  }
0xab: {  	v57 =	vadd.s32 s12, v20;
	v56 =	vld.idx.msk [tilespmem:v28+s1+$0x0], $0xffff;
	v0 =	vmax.f32 v0, v24  }
0xac: {  	v59 =	vadd.s32 s12, v21;
	v58 =	vld.idx.msk [tilespmem:v29+s1+$0x0], $0xffff;
	v0 =	vmax.f32 v0, v23  }
0xad: {  	v60 =	vadd.s32 s12, v22;
	v23 =	vld.idx.msk [tilespmem:v30+s1+$0x0], $0xffff;
	v0 =	vmax.f32 v0, v4  }
0xae: {  	v4 =	vld.idx.msk [tilespmem:v31+s1+$0x0], $0xffff;
	v0 =	vmax.f32 v0, v26  }
0xaf: {  	v61 =	vld.idx.msk [tilespmem:v55+s1+$0x0], $0xffff;
	v0 =	vmax.f32 v0, v2  }
0xb0: {  	v2 =	vld.idx.msk [tilespmem:v57+s1+$0x0], $0xffff;
	v0 =	vmax.f32 v0, v56  }
0xb1: {  	v62 =	vld.idx.msk [tilespmem:v59+s1+$0x0], $0xffff;
	v0 =	vmax.f32 v0, v58  }
0xb2: {  	v63 =	vld.idx.msk [tilespmem:v60+s1+$0x0], $0xffff;
	v0 =	vmax.f32 v0, v23  }
0xb3: {  	v0 =	vmax.f32 v0, v4  }
0xb4: {  	v0 =	vmax.f32 v0, v61  }
0xb5: {  	v0 =	vmax.f32 v0, v2  }
0xb6: {  	v0 =	vmax.f32 v0, v62  }
0xb7: {  	s31 =	sadd.s32 $0x10, s13;
	v0 =	vmax.f32 v0, v63  }
0xb8: {  	s12 =	simm.s32 $0x18;
	[tilespmem:s31+$0x0] =	vst v0  }
.LBB2_4:
0xb9: {  	v25 =	vld [tilespmem:$0x1B00]  }
0xba: {  	v26 =	vld [tilespmem:$0x1B10]  }
0xbb: {  	v27 =	vld [tilespmem:$0x1B20]  }
0xbc: {  	v2 =	vld [tilespmem:$0x1B30]  }
0xbd: {  	v0 =	vld [tilespmem:$0x1B40]  }
0xbe: {  	v4 =	vld [tilespmem:$0x1B50]  }
0xbf: {  	v23 =	vld [tilespmem:$0x1B60];
	v24 =	vmax.f32 v25, v26  }
0xc0: {  	v28 =	vld [tilespmem:$0x1B70];
	v24 =	vmax.f32 v24, v27  }
0xc1: {  	v29 =	vld [tilespmem:$0x1B80];
	v24 =	vmax.f32 v24, v2  }
0xc2: {  	v30 =	vld [tilespmem:$0x1B90];
	v24 =	vmax.f32 v24, v0  }
0xc3: {  	v31 =	vld [tilespmem:$0x1BA0];
	v24 =	vmax.f32 v24, v4  }
0xc4: {  	v32 =	vld [tilespmem:$0x1BB0];
	v24 =	vmax.f32 v24, v23  }
0xc5: {  	v33 =	vld [tilespmem:$0x1BC0];
	v24 =	vmax.f32 v24, v28  }
0xc6: {  	v34 =	vld [tilespmem:$0x1BD0];
	v24 =	vmax.f32 v24, v29  }
0xc7: {  	v35 =	vld [tilespmem:$0x1BE0];
	v24 =	vmax.f32 v24, v30  }
0xc8: {  	v36 =	vld [tilespmem:$0x1BF0];
	v24 =	vmax.f32 v24, v31  }
0xc9: {  	v37 =	vld [tilespmem:$0x1C00];
	v24 =	vmax.f32 v24, v32  }
0xca: {  	v38 =	vld [tilespmem:$0x1C10];
	v24 =	vmax.f32 v24, v33  }
0xcb: {  	v39 =	vld [tilespmem:$0x1C20];
	v24 =	vmax.f32 v24, v34  }
0xcc: {  	v40 =	vld [tilespmem:$0x1C30];
	v24 =	vmax.f32 v24, v35  }
0xcd: {  	v41 =	vld [tilespmem:$0x1C40];
	v24 =	vmax.f32 v24, v36  }
0xce: {  	v42 =	vld [tilespmem:$0x1C50];
	v24 =	vmax.f32 v24, v37  }
0xcf: {  	v43 =	vld [tilespmem:$0x1C60];
	v24 =	vmax.f32 v24, v38  }
0xd0: {  	v44 =	vld [tilespmem:$0x1C70];
	v24 =	vmax.f32 v24, v39  }
0xd1: {  	v45 =	vld [tilespmem:$0x1C80];
	v24 =	vmax.f32 v24, v40  }
0xd2: {  	v46 =	vld [tilespmem:$0x1C90];
	v24 =	vmax.f32 v24, v41  }
0xd3: {  	v47 =	vld [tilespmem:$0x1CA0];
	v24 =	vmax.f32 v24, v42  }
0xd4: {  	v48 =	vld [tilespmem:$0x1CB0];
	v24 =	vmax.f32 v24, v43  }
0xd5: {  	v49 =	vld [tilespmem:$0x1CC0];
	v24 =	vmax.f32 v24, v44  }
0xd6: {  	v50 =	vld [tilespmem:$0x1CD0];
	v24 =	vmax.f32 v24, v45  }
0xd7: {  	v51 =	vld [tilespmem:$0x1CE0];
	v24 =	vmax.f32 v24, v46  }
0xd8: {  	v52 =	vld [tilespmem:$0x1CF0];
	v24 =	vmax.f32 v24, v47  }
0xd9: {  	v53 =	vld [tilespmem:$0x1D00];
	v24 =	vmax.f32 v24, v48  }
0xda: {  	v54 =	vld [tilespmem:$0x1D10];
	v24 =	vmax.f32 v24, v49  }
0xdb: {  	v55 =	vld [tilespmem:$0x1D20];
	v24 =	vmax.f32 v24, v50  }
0xdc: {  	v56 =	vld [tilespmem:$0x1D30];
	v24 =	vmax.f32 v24, v51  }
0xdd: {  	v24 =	vmax.f32 v24, v52  }
0xde: {  	v24 =	vmax.f32 v24, v53  }
0xdf: {  	v24 =	vmax.f32 v24, v54  }
0xe0: {  	v24 =	vmax.f32 v24, v55  }
0xe1: {  	v24 =	vmax.f32 v24, v56  }
0xe2: {  	vm12 =	veq.f32 v56, v24  }
0xe3: {  	v56 =	vsel vm12, $0x23, v3;
	vm12 =	veq.f32 v55, v24  }
0xe4: {  	v55 =	vsel vm12, $0x22, v56;
	vm12 =	veq.f32 v54, v24  }
0xe5: {  	v54 =	vsel vm12, $0x21, v55;
	vm12 =	veq.f32 v53, v24  }
0xe6: {  	v53 =	vsel vm12, $0x20, v54;
	vm12 =	veq.f32 v52, v24  }
0xe7: {  	v52 =	vsel vm12, $0x1F, v53;
	vm12 =	veq.f32 v51, v24  }
0xe8: {  	v51 =	vsel vm12, $0x1E, v52;
	vm12 =	veq.f32 v50, v24  }
0xe9: {  	v50 =	vsel vm12, $0x1D, v51;
	vm12 =	veq.f32 v49, v24  }
0xea: {  	v49 =	vsel vm12, $0x1C, v50;
	vm12 =	veq.f32 v48, v24  }
0xeb: {  	v48 =	vsel vm12, $0x1B, v49;
	vm12 =	veq.f32 v47, v24  }
0xec: {  	v47 =	vsel vm12, $0x1A, v48;
	vm12 =	veq.f32 v46, v24  }
0xed: {  	v46 =	vsel vm12, $0x19, v47;
	vm12 =	veq.f32 v45, v24  }
0xee: {  	v45 =	vsel vm12, $0x18, v46;
	vm12 =	veq.f32 v44, v24  }
0xef: {  	v44 =	vsel vm12, $0x17, v45;
	vm12 =	veq.f32 v43, v24  }
0xf0: {  	v43 =	vsel vm12, $0x16, v44;
	vm12 =	veq.f32 v42, v24  }
0xf1: {  	v42 =	vsel vm12, $0x15, v43;
	vm12 =	veq.f32 v41, v24  }
0xf2: {  	v41 =	vsel vm12, $0x14, v42;
	vm12 =	veq.f32 v40, v24  }
0xf3: {  	v40 =	vsel vm12, $0x13, v41;
	vm12 =	veq.f32 v39, v24  }
0xf4: {  	v39 =	vsel vm12, $0x12, v40;
	vm12 =	veq.f32 v38, v24  }
0xf5: {  	v38 =	vsel vm12, $0x11, v39;
	vm12 =	veq.f32 v37, v24  }
0xf6: {  	v37 =	vsel vm12, $0x10, v38;
	vm12 =	veq.f32 v36, v24  }
0xf7: {  	v36 =	vsel vm12, $0xF, v37;
	vm12 =	veq.f32 v35, v24  }
0xf8: {  	v35 =	vsel vm12, $0xE, v36;
	vm12 =	veq.f32 v34, v24  }
0xf9: {  	v34 =	vsel vm12, $0xD, v35;
	vm12 =	veq.f32 v33, v24  }
0xfa: {  	v33 =	vsel vm12, $0xC, v34;
	vm12 =	veq.f32 v32, v24  }
0xfb: {  	v32 =	vsel vm12, $0xB, v33;
	vm12 =	veq.f32 v31, v24  }
0xfc: {  	v31 =	vsel vm12, $0xA, v32;
	vm12 =	veq.f32 v30, v24  }
0xfd: {  	v30 =	vsel vm12, $0x9, v31;
	vm12 =	veq.f32 v29, v24  }
0xfe: {  	v29 =	vsel vm12, $0x8, v30;
	vm12 =	veq.f32 v28, v24  }
0xff: {  	v28 =	vsel vm12, $0x7, v29;
	vm12 =	veq.f32 v23, v24  }
0x100: {  	v23 =	vsel vm12, $0x6, v28;
	vm12 =	veq.f32 v4, v24  }
0x101: {  	v4 =	vsel vm12, $0x5, v23;
	vm12 =	veq.f32 v0, v24  }
0x102: {  	v0 =	vsel vm12, $0x4, v4;
	vm12 =	veq.f32 v2, v24  }
0x103: {  	v0 =	vsel vm12, $0x3, v0;
	vm12 =	veq.f32 v27, v24  }
0x104: {  	v0 =	vsel vm12, $0x2, v0;
	vm12 =	veq.f32 v26, v24  }
0x105: {  	v0 =	vsel vm12, $0x1, v0;
	vm12 =	veq.f32 v25, v24  }
0x106: {  	v25 =	vsel vm12, $0x0, v0  }
0x107: {  	v0 =	vshll.u32 v25, $0x6  }
0x108: {  	v0 =	vshra.s32 v0, $0x2  }
0x109: {  	(v2sf) =	vpush v0, $0x0  }
0x10a: {  	v2 =	vshll.u32 v25, $0x4;
	(v2sf) =	vpush v0, $0x1  }
0x10b: {  	(v2sf) =	vpush v2, $0x2  }
0x10c: {  	(v2sf) =	vpush v0, $0x3;
	_ =	sdelay $0x2  }
0x10d: {  	(v2sf) =	vpush v2, $0x4  }
0x10e: {  	(v2sf) =	vpush v0, $0x5;
	_ =	sdelay $0x1  }
0x10f: {  	(v2sf) =	vpush v2, $0x6  }
0x110: {  	(v2sf) =	vpush v0, $0x7  }
0x111: {  	(v2sf) =	vpush v2, $0x8;
	_ =	sdelay $0x3  }
0x112: {  	s24 =	spop (v2sf);
	(v2sf) =	vpush v0, $0x9  }
0x113: {  	v4 =	vld [tilespmem:s24+$0x0];
	s22 =	spop (v2sf);
	(v2sf) =	vpush v2, $0xA  }
0x114: {  	v23 =	vld [tilespmem:s22+$0x240];
	s15 =	spop (v2sf);
	(v2sf) =	vpush v0, $0xB  }
0x115: {  	s13 =	spop (v2sf);
	v2 =	vld [tilespmem:s15+$0x480]  }
0x116: {  	v0 =	vbroadcast v24, $0x0;
	v55 =	vld [tilespmem:s13+$0x6C0]  }
0x117: {  	v54 =	vbroadcast v24, $0x1  }
0x118: {  	v58 =	vbroadcast v24, $0x2;
	v59 =	vbroadcast v24, $0x3;
	s14 =	spop (v2sf);
	vm12 =	veq.f32 v4, v0  }
0x119: {  	v61 =	vbroadcast v24, $0x4;
	v56 =	vld [tilespmem:s14+$0x900];
	s16 =	spop (v2sf);
	v0 =	vmctz.xlane vm12;
	vm12 =	veq.f32 v23, v54  }
0x11a: {  	v51 =	vbroadcast v24, $0xA;
	v60 =	vld [tilespmem:s16+$0xB40];
	v57 =	vmctz.xlane vm12;
	vm14 =	veq.f32 v2, v58  }
0x11b: {  	s17 =	spop (v2sf);
	vm12 =	veq.s32 v0, v1;
	v0 =	vmctz.xlane vm14;
	vm14 =	veq.f32 v55, v59  }
0x11c: {  	s18 =	spop (v2sf);
	v62 =	vld [tilespmem:s17+$0xD80];
	vm13 =	veq.s32 v57, v1;
	v4 =	vsel vm12, $0xFF800000, v4;
	v30 =	vmctz.xlane vm14  }
0x11d: {  	s19 =	spop (v2sf);
	v63 =	vld [tilespmem:s18+$0xFC0];
	v23 =	vsel vm13, $0xFF800000, v23;
	(xrf0) =	vmax.scan.msk.f32 $0xffff, v4;
	vm12 =	veq.s32 v0, v1;
	v0 =	vbroadcast v24, $0x5  }
0x11e: {  	v40 =	vld [tilespmem:s19+$0x1200];
	vm13 =	veq.f32 v56, v61;
	v2 =	vsel vm12, $0xFF800000, v2;
	vm12 =	veq.s32 v30, v1  }
0x11f: {  	v27 =	vsel vm12, $0xFF800000, v55;
	vm12 =	veq.f32 v60, v0;
	v0 =	vbroadcast v24, $0x6  }
0x120: {  	v43 =	vbroadcast v24, $0x7;
	v41 =	vmctz.xlane vm13  }
0x121: {  	v42 =	vmctz.xlane vm12;
	s20 =	spop (v2sf);
	vm12 =	veq.f32 v62, v0;
	v0 =	vbroadcast v24, $0x8  }
0x122: {  	v50 =	vbroadcast v24, $0x9;
	s21 =	spop (v2sf);
	v44 =	vld [tilespmem:s20+$0x1440];
	v45 =	vmctz.xlane vm12;
	vm12 =	veq.f32 v63, v43  }
0x123: {  	vm13 =	veq.s32 v41, v1;
	v46 =	vld [tilespmem:s21+$0x1680];
	s23 =	spop (v2sf);
	v47, _, _ =	vpop (xrf0);
	v48 =	vmctz.xlane vm12;
	vm12 =	veq.f32 v40, v0;
	(xrf0) =	vmax.scan.msk.f32 $0xffff, v23  }
0x124: {  	v26 =	vsel vm13, $0xFF800000, v56;
	v0 =	vld [tilespmem:s23+$0x18C0];
	v49 =	vmctz.xlane vm12;
	vm12 =	veq.s32 v45, v1;
	(xrf0) =	vmax.scan.msk.f32 $0xffff, v2  }
0x125: {  	v24 =	vbroadcast v24, $0xB;
	v29 =	vsel vm12, $0xFF800000, v62;
	vm12 =	veq.s32 v48, v1  }
0x126: {  	vm13 =	veq.s32 v42, v1;
	v32 =	vsel vm12, $0xFF800000, v63;
	vm12 =	veq.s32 v49, v1  }
0x127: {  	v31 =	vsel vm13, $0xFF800000, v60;
	(xrf0) =	vmax.scan.msk.f32 $0xffff, v27;
	v28 =	vsel vm12, $0xFF800000, v40;
	vm12 =	veq.f32 v44, v50  }
0x128: {  	[tilespmem:s24+$0x0] =	vst v4;
	(xrf0) =	vmax.scan.msk.f32 $0xffff, v26;
	v4 =	vmctz.xlane vm12;
	vm12 =	veq.f32 v46, v51  }
0x129: {  	[tilespmem:s22+$0x240] =	vst v23;
	(xrf0) =	vmax.scan.msk.f32 $0xffff, v31;
	v53 =	vmctz.xlane vm12;
	vm12 =	veq.f32 v0, v24;
	v23, _, _ =	vpop (xrf0)  }
0x12a: {  	(xrf0) =	vmax.scan.msk.f32 $0xffff, v29;
	v24 =	vmctz.xlane vm12;
	vm12 =	veq.s32 v4, v1;
	v4 =	vbroadcast v23, $0xF;
	v23, _, _ =	vpop (xrf0)  }
0x12b: {  	v35 =	vbroadcast v47, $0xF;
	(xrf0) =	vmax.scan.msk.f32 $0xffff, v32;
	v23 =	vbroadcast v23, $0xF  }
0x12c: {  	(xrf0) =	vmax.scan.msk.f32 $0xffff, v28;
	v34 =	vsel vm12, $0xFF800000, v44;
	vm12 =	veq.s32 v53, v1  }
0x12d: {  	v52 =	vnsel vm0, $0x0, v35;
	v54, _, _ =	vpop (xrf0);
	(xrf0) =	vmax.scan.msk.f32 $0xffff, v34;
	v33 =	vsel vm12, $0xFF800000, v46;
	vm12 =	veq.s32 v24, v1  }
0x12e: {  	v4 =	vsel vm1, v52, v4;
	v55 =	vbroadcast v54, $0xF;
	v56, _, _ =	vpop (xrf0);
	(xrf0) =	vmax.scan.msk.f32 $0xffff, v33;
	v0 =	vsel vm12, $0xFF800000, v0  }
0x12f: {  	[tilespmem:s15+$0x480] =	vst v2;
	v2 =	vsel vm2, v4, v23;
	v4 =	vbroadcast v56, $0xF;
	v23, _, _ =	vpop (xrf0);
	(xrf0) =	vmax.scan.msk.f32 $0xffff, v0  }
0x130: {  	[tilespmem:s13+$0x6C0] =	vst v27;
	v2 =	vsel vm3, v2, v55;
	v57, _, _ =	vpop (xrf0);
	v23 =	vbroadcast v23, $0xF  }
0x131: {  	[tilespmem:s14+$0x900] =	vst v26;
	v2 =	vsel vm4, v2, v4;
	v58, _, _ =	vpop (xrf0);
	v4 =	vbroadcast v57, $0xF  }
0x132: {  	v60 =	vmin.u32 v25, $0x23;
	[tilespmem:s16+$0xB40] =	vst v31;
	v59, _, _ =	vpop (xrf0);
	v2 =	vsel vm5, v2, v23;
	v23 =	vbroadcast v58, $0xF  }
0x133: {  	[tilespmem:s17+$0xD80] =	vst v29;
	v24 =	vshll.u32 v60, $0x4;
	v61, _, _ =	vpop (xrf0);
	v2 =	vsel vm6, v2, v4;
	v4 =	vbroadcast v59, $0xF  }
0x134: {  	p0 =	sne.s32 s12, $0x1;
	[tilespmem:s18+$0xFC0] =	vst v32;
	v24 =	vor.u32 v1, v24;
	v62, _, _ =	vpop (xrf0);
	v2 =	vsel vm7, v2, v23;
	v23 =	vbroadcast v61, $0xF  }
.Ltmp1:
0x135: {  	[tilespmem:s19+$0x1200] =	vst v28;
	v2 =	vsel vm8, v2, v4;
	v4 =	vbroadcast v62, $0xF;
	v63, _, _ =	vpop (xrf0);
	(pc) =	sbr.rel @p0 .LBB2_4-.Ltmp1, $4  }
0x136: {  	[tilespmem:s20+$0x1440] =	vst v34;
	v2 =	vsel vm9, v2, v23;
	v23 =	vbroadcast v63, $0xF  }
0x137: {  	[tilespmem:s21+$0x1680] =	vst v33;
	v2 =	vsel vm10, v2, v4  }
0x138: {  	[tilespmem:s23+$0x18C0] =	vst v0;
	v0 =	vsel vm11, v2, v23  }
0x139: {  	s12 =	sadd.s32 $0xFFFFFFFF, s12;
	[tilespmem:v24+s7+$0x0] =	vst.idx.msk $0xfff, v0  }
0x13a: {  	s12 =	simm.s32 $0xFC0  }
0x13b: {  	v0 =	vld [tilespmem:s12+$0xFFFFF040]  }
0x13c: {  	s13 =	simm.s32 $0x0;
	v2 =	vld [tilespmem:s12+$0xFFFFF280]  }
0x13d: {  	s13 =	sand.u32 $0x3F0, s13  }
0x13e: {  	v4 =	vld [tilespmem:s13+$0x480];
	_ =	sdelay $0x1  }
0x13f: {  	v23 =	vld [tilespmem:s12+$0xFFFFF700]  }
0x140: {  	vm12 =	veq.f32 v0, $-Inf;
	vm13 =	veq.f32 v2, $-Inf  }
0x141: {  	v24 =	vld [tilespmem:s13+$0x900];
	v0 =	vsel vm12, $0x3F800000, v6;
	v2 =	vsel vm13, $0x3F800000, v6  }
0x142: {  	vm12 =	veq.f32 v4, $-Inf;
	v0 =	vadd.f32 v2, v0  }
0x143: {  	v4 =	vld [tilespmem:s12+$0xFFFFFB80];
	v2 =	vsel vm12, $0x3F800000, v6  }
0x144: {  	vm12 =	veq.f32 v23, $-Inf;
	v0 =	vadd.f32 v2, v0  }
0x145: {  	v23 =	vld [tilespmem:s13+$0xD80];
	v2 =	vsel vm12, $0x3F800000, v6  }
0x146: {  	vm12 =	veq.f32 v24, $-Inf;
	v0 =	vadd.f32 v2, v0  }
0x147: {  	v62 =	vld [tilespmem:s12+$0x0];
	v2 =	vsel vm12, $0x3F800000, v6  }
0x148: {  	vm12 =	veq.f32 v4, $-Inf;
	v0 =	vadd.f32 v2, v0  }
0x149: {  	v4 =	vld [tilespmem:s13+$0x1200];
	v2 =	vsel vm12, $0x3F800000, v6  }
0x14a: {  	vm12 =	veq.f32 v23, $-Inf;
	v0 =	vadd.f32 v2, v0  }
0x14b: {  	v23 =	vld [tilespmem:s12+$0x480];
	v2 =	vsel vm12, $0x3F800000, v6  }
0x14c: {  	vm12 =	veq.f32 v62, $-Inf;
	v0 =	vadd.f32 v2, v0  }
0x14d: {  	v63 =	vld [tilespmem:s13+$0x1680];
	v2 =	vsel vm12, $0x3F800000, v6  }
0x14e: {  	vm12 =	veq.f32 v4, $-Inf;
	v0 =	vadd.f32 v2, v0  }
0x14f: {  	v4 =	vld [tilespmem:s12+$0x900];
	v2 =	vsel vm12, $0x3F800000, v6  }
0x150: {  	vm12 =	veq.f32 v23, $-Inf;
	v0 =	vadd.f32 v2, v0  }
0x151: {  	v2 =	vsel vm12, $0x3F800000, v6  }
0x152: {  	vm12 =	veq.f32 v63, $-Inf;
	v0 =	vadd.f32 v2, v0  }
0x153: {  	v2 =	vsel vm12, $0x3F800000, v6  }
0x154: {  	vm12 =	veq.f32 v4, $-Inf;
	v0 =	vadd.f32 v2, v0  }
0x155: {  	v2 =	vsel vm12, $0x3F800000, v6  }
0x156: {  	v0 =	vadd.f32 v2, v0  }
0x157: {  	s12 =	simm.s32 $0x1D98  }
0x158: {  	s13 =	simm.s32 $0xFD0;
	[tilespmem:s12+$0x0] =	vst v0  }
0x159: {  	v0 =	vld [tilespmem:s13+$0xFFFFF040]  }
0x15a: {  	s14 =	simm.s32 $0x10;
	s15 =	simm.s32 $0x20;
	v2 =	vld [tilespmem:s13+$0xFFFFF280]  }
.LBB2_6:
0x15b: {  	p0 =	sne.s32 s15, $0x230;
	s16 =	sand.u32 $0x3F0, s14;
	s14 =	smov.u32 s15  }
0x15c: {  	v4 =	vld [tilespmem:s16+$0x480];
	_ =	sdelay $0x1  }
0x15d: {  	v23 =	vld [tilespmem:s13+$0xFFFFF700]  }
0x15e: {  	vm12 =	veq.f32 v0, $-Inf;
	vm13 =	veq.f32 v2, $-Inf  }
0x15f: {  	v0 =	vsel vm12, $0x3F800000, v6;
	v2 =	vsel vm13, $0x3F800000, v6;
	v24 =	vld [tilespmem:s16+$0x900]  }
0x160: {  	v0 =	vadd.f32 v2, v0;
	vm12 =	veq.f32 v4, $-Inf  }
0x161: {  	v2 =	vsel vm12, $0x3F800000, v6;
	v4 =	vld [tilespmem:s13+$0xFFFFFB80]  }
0x162: {  	v0 =	vadd.f32 v2, v0;
	vm12 =	veq.f32 v23, $-Inf  }
0x163: {  	v2 =	vsel vm12, $0x3F800000, v6;
	v23 =	vld [tilespmem:s16+$0xD80]  }
0x164: {  	v0 =	vadd.f32 v2, v0;
	vm12 =	veq.f32 v24, $-Inf  }
0x165: {  	v2 =	vsel vm12, $0x3F800000, v6;
	v24 =	vld [tilespmem:s13+$0x0]  }
0x166: {  	v0 =	vadd.f32 v2, v0;
	vm12 =	veq.f32 v4, $-Inf  }
0x167: {  	v2 =	vsel vm12, $0x3F800000, v6;
	v4 =	vld [tilespmem:s16+$0x1200]  }
0x168: {  	v0 =	vadd.f32 v2, v0;
	vm12 =	veq.f32 v23, $-Inf  }
0x169: {  	v2 =	vsel vm12, $0x3F800000, v6;
	v23 =	vld [tilespmem:s13+$0x480]  }
0x16a: {  	v0 =	vadd.f32 v2, v0;
	vm12 =	veq.f32 v24, $-Inf  }
0x16b: {  	v2 =	vsel vm12, $0x3F800000, v6;
	v24 =	vld [tilespmem:s16+$0x1680]  }
0x16c: {  	v0 =	vadd.f32 v2, v0;
	vm12 =	veq.f32 v4, $-Inf  }
0x16d: {  	v2 =	vsel vm12, $0x3F800000, v6;
	v4 =	vld [tilespmem:s13+$0x900]  }
0x16e: {  	v0 =	vadd.f32 v2, v0;
	vm12 =	veq.f32 v23, $-Inf  }
0x16f: {  	v2 =	vsel vm12, $0x3F800000, v6  }
0x170: {  	v0 =	vadd.f32 v2, v0;
	vm12 =	veq.f32 v24, $-Inf  }
0x171: {  	v2 =	vsel vm12, $0x3F800000, v6  }
0x172: {  	v0 =	vadd.f32 v2, v0;
	vm12 =	veq.f32 v4, $-Inf  }
0x173: {  	v2 =	vsel vm12, $0x3F800000, v6  }
.Ltmp2:
0x174: {  	v0 =	vadd.f32 v2, v0;
	(pc) =	sbr.rel @p0 .LBB2_6-.Ltmp2, $4  }
0x175: {  	s12 =	sadd.s32 $0x10, s12  }
0x176: {  	s13 =	sadd.s32 $0x10, s13;
	[tilespmem:s12+$0x0] =	vst v0  }
0x177: {  	v0 =	vld [tilespmem:s13+$0xFFFFF040]  }
0x178: {  	s15 =	sadd.s32 $0x10, s15;
	v2 =	vld [tilespmem:s13+$0xFFFFF280]  }
0x179: {  	s14 =	sand.u32 $0x3F0, s14  }
0x17a: {  	v4 =	vld [tilespmem:s14+$0x480];
	_ =	sdelay $0x1  }
0x17b: {  	v23 =	vld [tilespmem:s13+$0xFFFFF700]  }
0x17c: {  	vm12 =	veq.f32 v0, $-Inf;
	vm13 =	veq.f32 v2, $-Inf  }
0x17d: {  	v24 =	vld [tilespmem:s14+$0x900];
	v0 =	vsel vm12, $0x3F800000, v6;
	v2 =	vsel vm13, $0x3F800000, v6  }
0x17e: {  	v0 =	vadd.f32 v2, v0;
	vm12 =	veq.f32 v4, $-Inf  }
0x17f: {  	v4 =	vld [tilespmem:s13+$0xFFFFFB80];
	v2 =	vsel vm12, $0x3F800000, v6  }
0x180: {  	vm12 =	veq.f32 v23, $-Inf;
	v0 =	vadd.f32 v2, v0  }
0x181: {  	v23 =	vld [tilespmem:s14+$0xD80];
	v2 =	vsel vm12, $0x3F800000, v6  }
0x182: {  	vm12 =	veq.f32 v24, $-Inf;
	v0 =	vadd.f32 v2, v0  }
0x183: {  	v46 =	vld [tilespmem:s13+$0x0];
	v2 =	vsel vm12, $0x3F800000, v6  }
0x184: {  	vm12 =	veq.f32 v4, $-Inf;
	v0 =	vadd.f32 v2, v0  }
0x185: {  	v4 =	vld [tilespmem:s14+$0x1200];
	v2 =	vsel vm12, $0x3F800000, v6  }
0x186: {  	vm12 =	veq.f32 v23, $-Inf;
	v0 =	vadd.f32 v2, v0  }
0x187: {  	v23 =	vld [tilespmem:s13+$0x480];
	v2 =	vsel vm12, $0x3F800000, v6  }
0x188: {  	vm12 =	veq.f32 v46, $-Inf;
	v0 =	vadd.f32 v2, v0  }
0x189: {  	v47 =	vld [tilespmem:s14+$0x1680];
	v2 =	vsel vm12, $0x3F800000, v6  }
0x18a: {  	vm12 =	veq.f32 v4, $-Inf;
	v0 =	vadd.f32 v2, v0  }
0x18b: {  	v4 =	vld [tilespmem:s13+$0x900];
	v2 =	vsel vm12, $0x3F800000, v6  }
0x18c: {  	vm12 =	veq.f32 v23, $-Inf;
	v0 =	vadd.f32 v2, v0  }
0x18d: {  	v2 =	vsel vm12, $0x3F800000, v6  }
0x18e: {  	vm12 =	veq.f32 v47, $-Inf;
	v0 =	vadd.f32 v2, v0  }
0x18f: {  	v2 =	vsel vm12, $0x3F800000, v6  }
0x190: {  	vm12 =	veq.f32 v4, $-Inf;
	v0 =	vadd.f32 v2, v0  }
0x191: {  	v2 =	vsel vm12, $0x3F800000, v6  }
0x192: {  	v0 =	vadd.f32 v2, v0  }
0x193: {  	s12 =	sadd.s32 $0x10, s12  }
0x194: {  	[tilespmem:s12+$0x0] =	vst v0  }
0x195: {  	v48 =	vld [tilespmem:$0x1E89];
	_ =	sdelay $0x4  }
0x196: {  	[tilespmem:$0x1FC00] =	vst v48;
	v48 =	vld [tilespmem:$0x1E98];
	_ =	sdelay $0x4  }
0x197: {  	[tilespmem:$0x1FBF0] =	vst v48;
	v48 =	vld [tilespmem:$0x1E97];
	_ =	sdelay $0x4  }
0x198: {  	[tilespmem:$0x1FC10] =	vst v48;
	v48 =	vld [tilespmem:$0x1E99];
	_ =	sdelay $0x4  }
0x199: {  	[tilespmem:$0x1FC50] =	vst v48;
	v48 =	vld [tilespmem:$0x1EA8];
	_ =	sdelay $0x4  }
0x19a: {  	[tilespmem:$0x1FC20] =	vst v48;
	v48 =	vld [tilespmem:$0x1EA7];
	_ =	sdelay $0x4  }
0x19b: {  	[tilespmem:$0x1FC40] =	vst v48;
	v48 =	vld [tilespmem:$0x1EA9];
	_ =	sdelay $0x4  }
0x19c: {  	[tilespmem:$0x1FC70] =	vst v48;
	v48 =	vld [tilespmem:$0x1EB8];
	_ =	sdelay $0x4  }
0x19d: {  	[tilespmem:$0x1FC30] =	vst v48;
	v48 =	vld [tilespmem:$0x1EB7];
	_ =	sdelay $0x4  }
0x19e: {  	[tilespmem:$0x1FC60] =	vst v48;
	v48 =	vld [tilespmem:$0x1EB9];
	_ =	sdelay $0x4  }
0x19f: {  	[tilespmem:$0x1FC90] =	vst v48;
	v48 =	vld [tilespmem:$0x1EC8];
	_ =	sdelay $0x4  }
0x1a0: {  	[tilespmem:$0x1FC80] =	vst v48;
	v48 =	vld [tilespmem:$0x1EC7];
	_ =	sdelay $0x4  }
0x1a1: {  	[tilespmem:$0x1FCA0] =	vst v48;
	v48 =	vld [tilespmem:$0x1EC9];
	_ =	sdelay $0x4  }
0x1a2: {  	[tilespmem:$0x1FCE0] =	vst v48;
	v48 =	vld [tilespmem:$0x1ED8];
	_ =	sdelay $0x4  }
0x1a3: {  	[tilespmem:$0x1FCB0] =	vst v48;
	v48 =	vld [tilespmem:$0x1ED7];
	_ =	sdelay $0x4  }
0x1a4: {  	[tilespmem:$0x1FCD0] =	vst v48;
	v48 =	vld [tilespmem:$0x1ED9];
	_ =	sdelay $0x4  }
0x1a5: {  	[tilespmem:$0x1FD00] =	vst v48;
	v48 =	vld [tilespmem:$0x1EE8];
	_ =	sdelay $0x4  }
0x1a6: {  	[tilespmem:$0x1FCC0] =	vst v48;
	v48 =	vld [tilespmem:$0x1EE7];
	_ =	sdelay $0x4  }
0x1a7: {  	[tilespmem:$0x1FCF0] =	vst v48;
	v48 =	vld [tilespmem:$0x1EE9];
	_ =	sdelay $0x4  }
0x1a8: {  	[tilespmem:$0x1FD20] =	vst v48;
	v48 =	vld [tilespmem:$0x1EF8];
	_ =	sdelay $0x4  }
0x1a9: {  	[tilespmem:$0x1FD10] =	vst v48;
	v48 =	vld [tilespmem:$0x1EF7];
	_ =	sdelay $0x4  }
0x1aa: {  	[tilespmem:$0x1FD30] =	vst v48;
	v48 =	vld [tilespmem:$0x1EF9];
	_ =	sdelay $0x4  }
0x1ab: {  	[tilespmem:$0x1FD90] =	vst v48;
	v48 =	vld [tilespmem:$0x1F08];
	_ =	sdelay $0x4  }
0x1ac: {  	[tilespmem:$0x1FD40] =	vst v48;
	v48 =	vld [tilespmem:$0x1F07];
	_ =	sdelay $0x4  }
0x1ad: {  	[tilespmem:$0x1FD60] =	vst v48;
	v48 =	vld [tilespmem:$0x1F09];
	_ =	sdelay $0x4  }
0x1ae: {  	[tilespmem:$0x1FDB0] =	vst v48;
	v48 =	vld [tilespmem:$0x1F18];
	_ =	sdelay $0x4  }
0x1af: {  	[tilespmem:$0x1FD50] =	vst v48;
	v48 =	vld [tilespmem:$0x1F17];
	_ =	sdelay $0x3  }
0x1b0: {  	v2 =	vld [tilespmem:$0x1D98]  }
0x1b1: {  	[tilespmem:$0x1FD70] =	vst v48;
	v48 =	vld [tilespmem:$0x1F19]  }
0x1b2: {  	v24 =	vld [tilespmem:$0x1D97]  }
0x1b3: {  	v25 =	vld [tilespmem:$0x1D99]  }
0x1b4: {  	v26 =	vld [tilespmem:$0x1DA8]  }
0x1b5: {  	v27 =	vld [tilespmem:$0x1DA7]  }
0x1b6: {  	[tilespmem:$0x1FDC0] =	vst v48;
	v48 =	vld [tilespmem:$0x1F28]  }
0x1b7: {  	v29 =	vld [tilespmem:$0x1DA9]  }
0x1b8: {  	v31 =	vld [tilespmem:$0x1DB8]  }
0x1b9: {  	v33 =	vld [tilespmem:$0x1DB7]  }
0x1ba: {  	v44 =	vld [tilespmem:$0x1DB9]  }
0x1bb: {  	[tilespmem:$0x1FD80] =	vst v48;
	v48 =	vld [tilespmem:$0x1F27]  }
0x1bc: {  	v45 =	vld [tilespmem:$0x1DC8]  }
0x1bd: {  	v46 =	vld [tilespmem:$0x1DC7]  }
0x1be: {  	v49 =	vld [tilespmem:$0x1DC9]  }
0x1bf: {  	v51 =	vld [tilespmem:$0x1DD8]  }
0x1c0: {  	[tilespmem:$0x1FDA0] =	vst v48;
	v48 =	vld [tilespmem:$0x1F29]  }
0x1c1: {  	vm15 =	veq.s32 v1, $0x0;
	v52 =	vld [tilespmem:$0x1DD7];
	v2 =	vadd.f32 v2, v2  }
0x1c2: {  	v56 =	vld [tilespmem:$0x1DD9];
	v24 =	vsel vm15, $0x0, v24  }
0x1c3: {  	v59 =	vld [tilespmem:$0x1DE8];
	v2 =	vadd.f32 v24, v2  }
0x1c4: {  	vm14 =	veq.s32 v1, $0x8;
	vm13 =	veq.s32 v1, $0x7;
	v63 =	vld [tilespmem:$0x1DF8];
	v24 =	vadd.f32 v26, v26  }
0x1c5: {  	v0 =	vld [tilespmem:$0x1DF7];
	[tilespmem:$0x1FDD0] =	vst v48;
	v48 =	vadd.f32 v2, v25;
	v2 =	vsel vm14, $0x0, v27;
	v25 =	vadd.f32 v31, v31  }
0x1c6: {  	vm12 =	veq.s32 v1, $0xF;
	v60 =	vld [tilespmem:$0x1DE7];
	v2 =	vadd.f32 v2, v24;
	v24 =	vadd.f32 v45, v45  }
0x1c7: {  	v3 =	vld [tilespmem:$0x1DF9];
	v45 =	vsel vm13, $0x0, v29;
	v25 =	vadd.f32 v33, v25;
	v33 =	vsel vm15, $0x0, v46  }
0x1c8: {  	v46 =	vadd.f32 v45, v2;
	v2 =	vadd.f32 v33, v24;
	v33 =	vsel vm12, $0x0, v44;
	v44 =	vld [tilespmem:$0x1F48]  }
0x1c9: {  	v62 =	vld [tilespmem:$0x1DE9];
	v63 =	vadd.f32 v63, v63  }
0x1ca: {  	v57 =	vld [tilespmem:$0x1E08];
	v0 =	vsel vm15, $0x0, v0  }
0x1cb: {  	v58 =	vld [tilespmem:$0x1E07];
	v0 =	vadd.f32 v0, v63  }
0x1cc: {  	v28 =	vld [tilespmem:$0x1E09]  }
0x1cd: {  	[tilespmem:$0x1FDF0] =	vst v44;
	v44 =	vadd.f32 v0, v3;
	v0 =	vld [tilespmem:$0x1F67]  }
0x1ce: {  	v61 =	vld [tilespmem:$0x1E18]  }
0x1cf: {  	v23 =	vld [tilespmem:$0x1E17]  }
0x1d0: {  	v45 =	vadd.f32 v51, v51;
	v51 =	vld [tilespmem:$0x1F47]  }
0x1d1: {  	v32 =	vld [tilespmem:$0x1E19]  }
0x1d2: {  	[tilespmem:$0x1FE60] =	vst v0;
	v0 =	vld [tilespmem:$0x1F69]  }
0x1d3: {  	v5 =	vld [tilespmem:$0x1E28];
	v59 =	vadd.f32 v59, v59;
	v49 =	vadd.f32 v2, v49;
	v2 =	vsel vm14, $0x0, v52  }
0x1d4: {  	v4 =	vld [tilespmem:$0x1E27];
	v2 =	vadd.f32 v2, v45  }
0x1d5: {  	v27 =	vadd.f32 v33, v25;
	v25 =	vadd.f32 v60, v59;
	v52 =	vsel vm13, $0x0, v56;
	[tilespmem:$0x1FE10] =	vst v51;
	v51 =	vld [tilespmem:$0x1F58]  }
0x1d6: {  	v56 =	vld [tilespmem:$0x1F57];
	v52 =	vadd.f32 v52, v2;
	v2 =	vsel vm12, $0x0, v62  }
0x1d7: {  	v62 =	vadd.f32 v2, v25;
	v2 =	vadd.f32 v57, v57;
	[tilespmem:$0x1FE80] =	vst v0;
	v0 =	vld [tilespmem:$0x1F77]  }
0x1d8: {  	v63 =	vadd.f32 v61, v61;
	v3 =	vsel vm14, $0x0, v58  }
0x1d9: {  	v2 =	vadd.f32 v3, v2;
	v3 =	vadd.f32 v5, v5  }
0x1da: {  	v23 =	vadd.f32 v23, v63;
	v45 =	vsel vm13, $0x0, v28;
	[tilespmem:$0x1FE00] =	vst v51;
	v51 =	vsel vm15, $0x0, v4  }
0x1db: {  	[tilespmem:$0x1FE20] =	vst v56;
	v56 =	vadd.f32 v45, v2;
	v2 =	vadd.f32 v51, v3;
	v3 =	vsel vm12, $0x0, v32  }
0x1dc: {  	[tilespmem:$0x1FE90] =	vst v0;
	v0 =	vadd.f32 v3, v23  }
0x1dd: {  	v37 =	vld [tilespmem:$0x1E29]  }
0x1de: {  	[tilespmem:$0x1FE50] =	vst v0;
	v0 =	vld [tilespmem:$0x1F79];
	_ =	sdelay $0x4  }
0x1df: {  	[tilespmem:$0x1FEF0] =	vst v0;
	v0 =	vadd.f32 v2, v37;
	_ =	sdelay $0x1  }
0x1e0: {  	[tilespmem:$0x1FE70] =	vst v0;
	v0 =	vld [tilespmem:$0x1F88];
	_ =	sdelay $0x4  }
0x1e1: {  	[tilespmem:$0x1FEA0] =	vst v0;
	v0 =	vld [tilespmem:$0x1F87]  }
0x1e2: {  	v30 =	vld [tilespmem:$0x1E38]  }
0x1e3: {  	v36 =	vld [tilespmem:$0x1E37];
	_ =	sdelay $0x1  }
0x1e4: {  	v40 =	vld [tilespmem:$0x1E39]  }
0x1e5: {  	[tilespmem:$0x1FEC0] =	vst v0;
	v0 =	vld [tilespmem:$0x1F89]  }
0x1e6: {  	v3 =	vadd.f32 v30, v30  }
0x1e7: {  	v34 =	vld [tilespmem:$0x1E48];
	v2 =	vsel vm14, $0x0, v36  }
0x1e8: {  	v60 =	vld [tilespmem:$0x1F68];
	v61 =	vadd.f32 v2, v3  }
0x1e9: {  	v30 =	vsel vm13, $0x0, v40  }
0x1ea: {  	v39 =	vld [tilespmem:$0x1E47];
	[tilespmem:$0x1FF00] =	vst v0;
	v0 =	vadd.f32 v30, v61  }
0x1eb: {  	v42 =	vld [tilespmem:$0x1E49]  }
0x1ec: {  	[tilespmem:$0x1FEB0] =	vst v0;
	v0 =	vld [tilespmem:$0x1F98]  }
0x1ed: {  	[tilespmem:$0x1FE40] =	vst v60;
	v60 =	vadd.f32 v34, v34;
	_ =	sdelay $0x1  }
0x1ee: {  	v24 =	vadd.f32 v39, v60  }
0x1ef: {  	v34 =	vsel vm12, $0x0, v42  }
0x1f0: {  	[tilespmem:$0x1FEE0] =	vst v0;
	v0 =	vadd.f32 v34, v24;
	_ =	sdelay $0x1  }
0x1f1: {  	[tilespmem:$0x1FED0] =	vst v0;
	v0 =	vld [tilespmem:$0x1F97];
	_ =	sdelay $0x3  }
0x1f2: {  	v43 =	vld [tilespmem:$0x1E69]  }
0x1f3: {  	[tilespmem:$0x1FF10] =	vst v0;
	v0 =	vld [tilespmem:$0x1F99];
	_ =	sdelay $0x3  }
0x1f4: {  	[tilespmem:$0x1FBD0] =	vst v43  }
0x1f5: {  	[tilespmem:$0x1FF30] =	vst v0;
	v0 =	vld [tilespmem:$0x1FBD0];
	_ =	sdelay $0x3  }
0x1f6: {  	v47 =	vld [tilespmem:$0x1E79]  }
0x1f7: {  	v57 =	vsel vm13, $0x0, v0;
	v0 =	vld [tilespmem:$0x1FA7];
	_ =	sdelay $0x3  }
0x1f8: {  	[tilespmem:$0x1FBE0] =	vst v47;
	v59 =	vld [tilespmem:$0x1F59]  }
0x1f9: {  	[tilespmem:$0x1FF20] =	vst v0;
	v0 =	vld [tilespmem:$0x1FBE0];
	_ =	sdelay $0x4  }
0x1fa: {  	[tilespmem:$0x1FE30] =	vst v59;
	v59 =	vsel vm12, $0x0, v0;
	v0 =	vld [tilespmem:$0x1FA9];
	_ =	sdelay $0x4  }
0x1fb: {  	[tilespmem:$0x1FF70] =	vst v0;
	v0 =	vld [tilespmem:$0x1FBF0];
	_ =	sdelay $0x4  }
0x1fc: {  	v60 =	vadd.f32 v0, v0;
	v0 =	vld [tilespmem:$0x1FB8]  }
0x1fd: {  	v47 =	vld [tilespmem:$0x1E88]  }
0x1fe: {  	v53 =	vld [tilespmem:$0x1E87];
	_ =	sdelay $0x2  }
0x1ff: {  	[tilespmem:$0x1FF40] =	vst v0;
	v0 =	vld [tilespmem:$0x1FC00]  }
0x200: {  	v51 =	vadd.f32 v47, v47  }
0x201: {  	v58 =	vsel vm15, $0x0, v53  }
0x202: {  	v39 =	vadd.f32 v58, v51;
	_ =	sdelay $0x1  }
0x203: {  	v0 =	vadd.f32 v39, v0  }
0x204: {  	v35 =	vld [tilespmem:$0x1E58]  }
0x205: {  	[tilespmem:$0x1FF50] =	vst v0;
	v0 =	vld [tilespmem:$0x1FC10]  }
0x206: {  	v41 =	vld [tilespmem:$0x1E68]  }
0x207: {  	v55 =	vld [tilespmem:$0x1E67];
	_ =	sdelay $0x2  }
0x208: {  	v61 =	vsel vm14, $0x0, v0;
	v0 =	vld [tilespmem:$0x1FC20]  }
0x209: {  	v63 =	vadd.f32 v35, v35;
	v35 =	vadd.f32 v41, v41  }
0x20a: {  	v45 =	vsel vm14, $0x0, v55  }
0x20b: {  	v24 =	vadd.f32 v45, v35;
	_ =	sdelay $0x1  }
0x20c: {  	v55 =	vadd.f32 v57, v24;
	v24 =	vadd.f32 v0, v0;
	v0 =	vld [tilespmem:$0x1FB7];
	_ =	sdelay $0x1  }
0x20d: {  	v38 =	vld [tilespmem:$0x1E57];
	_ =	sdelay $0x1  }
0x20e: {  	v50 =	vld [tilespmem:$0x1E59]  }
0x20f: {  	[tilespmem:$0x1FF60] =	vst v0;
	v0 =	vld [tilespmem:$0x1FC30];
	_ =	sdelay $0x1  }
0x210: {  	v32 =	vsel vm15, $0x0, v38  }
0x211: {  	v26 =	vadd.f32 v32, v63;
	_ =	sdelay $0x1  }
0x212: {  	v25 =	vadd.f32 v26, v50;
	v26 =	vadd.f32 v0, v0;
	v0 =	vld [tilespmem:$0x1FB9];
	_ =	sdelay $0x4  }
0x213: {  	[tilespmem:$0x1FF80] =	vst v0;
	v0 =	vld [tilespmem:$0x1FC40];
	_ =	sdelay $0x4  }
0x214: {  	v53 =	vadd.f32 v0, v24;
	v0 =	vld [tilespmem:$0x1FC50];
	_ =	sdelay $0x4  }
0x215: {  	v30 =	vsel vm13, $0x0, v0;
	v0 =	vld [tilespmem:$0x1FC60];
	_ =	sdelay $0x4  }
0x216: {  	v32 =	vsel vm15, $0x0, v0;
	v0 =	vld [tilespmem:$0x1FC70];
	_ =	sdelay $0x4  }
0x217: {  	v34 =	vsel vm12, $0x0, v0;
	v0 =	vld [tilespmem:$0x1FC80];
	_ =	sdelay $0x4  }
0x218: {  	v35 =	vadd.f32 v0, v0;
	v0 =	vld [tilespmem:$0x1FC9]  }
0x219: {  	v43 =	vld [tilespmem:$0x1E78]  }
0x21a: {  	v2 =	vld [tilespmem:$0x2000]  }
0x21b: {  	v54 =	vld [tilespmem:$0x1E77];
	_ =	sdelay $0x1  }
0x21c: {  	[tilespmem:$0x1FF90] =	vst v0;
	v0 =	vld [tilespmem:$0x1FC90]  }
0x21d: {  	v50 =	vadd.f32 v43, v43  }
0x21e: {  	[tilespmem:$0x1FFA0] =	vst v2;
	v2 =	vld [tilespmem:$0x1FCC0]  }
0x21f: {  	v40 =	vadd.f32 v54, v50;
	v50 =	vadd.f32 v32, v26;
	_ =	sdelay $0x1  }
0x220: {  	[tilespmem:$0x2028] =	vst v46;
	v58 =	vadd.f32 v50, v0;
	v0 =	vld [tilespmem:$0x1FCA0]  }
0x221: {  	[tilespmem:$0x2038] =	vst v27  }
0x222: {  	v37 =	vadd.f32 v2, v2;
	v2 =	vld [tilespmem:$0x2030];
	_ =	sdelay $0x2  }
0x223: {  	v36 =	vsel vm14, $0x0, v0;
	v0 =	vld [tilespmem:$0x1FCB0];
	_ =	sdelay $0x1  }
0x224: {  	[tilespmem:$0x1FFB0] =	vst v2;
	v2 =	vld [tilespmem:$0x1FCD0];
	_ =	sdelay $0x2  }
0x225: {  	v0 =	vadd.f32 v0, v0;
	_ =	sdelay $0x1  }
0x226: {  	v3 =	vadd.f32 v2, v0;
	v0 =	vld [tilespmem:$0x1FCE0];
	_ =	sdelay $0x3  }
0x227: {  	v43 =	vadd.f32 v61, v60;
	v50 =	vadd.f32 v36, v35  }
0x228: {  	v57 =	vadd.f32 v59, v40;
	v0 =	vsel vm13, $0x0, v0  }
0x229: {  	v59 =	vadd.f32 v30, v43;
	v43 =	vadd.f32 v0, v50;
	v0 =	vld [tilespmem:$0x1FD00];
	_ =	sdelay $0x4  }
0x22a: {  	v38 =	vsel vm12, $0x0, v0;
	v0 =	vld [tilespmem:$0x1FD10];
	_ =	sdelay $0x1  }
0x22b: {  	v2 =	vld [tilespmem:$0x1FCF0];
	_ =	sdelay $0x2  }
0x22c: {  	v39 =	vadd.f32 v0, v0;
	v0 =	vld [tilespmem:$0x1FD20];
	_ =	sdelay $0x1  }
0x22d: {  	v2 =	vsel vm15, $0x0, v2  }
0x22e: {  	v2 =	vadd.f32 v2, v37;
	_ =	sdelay $0x1  }
0x22f: {  	v47 =	vadd.f32 v2, v0;
	v0 =	vld [tilespmem:$0x1FD30];
	_ =	sdelay $0x4  }
0x230: {  	v0 =	vsel vm14, $0x0, v0  }
0x231: {  	v4 =	vadd.f32 v0, v39;
	v0 =	vld [tilespmem:$0x1FD50];
	_ =	sdelay $0x2  }
0x232: {  	v2 =	vld [tilespmem:$0x1FD40];
	_ =	sdelay $0x1  }
0x233: {  	v40 =	vadd.f32 v0, v0;
	v0 =	vld [tilespmem:$0x1FD60];
	_ =	sdelay $0x2  }
0x234: {  	v2 =	vadd.f32 v2, v2;
	_ =	sdelay $0x1  }
0x235: {  	v5 =	vadd.f32 v0, v2;
	v0 =	vld [tilespmem:$0x1FD70];
	_ =	sdelay $0x4  }
0x236: {  	v0 =	vsel vm15, $0x0, v0  }
0x237: {  	v45 =	vadd.f32 v38, v3;
	v3 =	vadd.f32 v0, v40;
	v0 =	vld [tilespmem:$0x1FD90];
	_ =	sdelay $0x3  }
0x238: {  	v2 =	vld [tilespmem:$0x1FD80]  }
0x239: {  	v41 =	vsel vm13, $0x0, v0;
	v0 =	vld [tilespmem:$0x1FDA0];
	_ =	sdelay $0x3  }
0x23a: {  	v2 =	vadd.f32 v2, v2  }
0x23b: {  	v0 =	vsel vm14, $0x0, v0  }
0x23c: {  	v0 =	vadd.f32 v0, v2;
	v2 =	vld [tilespmem:$0x1FDC0];
	_ =	sdelay $0x3  }
0x23d: {  	v31 =	vld [tilespmem:$0x1F38]  }
0x23e: {  	v39 =	vadd.f32 v3, v2;
	v2 =	vld [tilespmem:$0x1FDD0];
	_ =	sdelay $0x4  }
0x23f: {  	[tilespmem:$0x1FDE0] =	vst v31;
	v26 =	vsel vm13, $0x0, v2  }
0x240: {  	v40 =	vadd.f32 v26, v0;
	v0 =	vld [tilespmem:$0x1FDE0];
	_ =	sdelay $0x4  }
0x241: {  	v27 =	vadd.f32 v0, v0;
	v0 =	vld [tilespmem:$0x1FDF0];
	_ =	sdelay $0x4  }
0x242: {  	v30 =	vadd.f32 v0, v0;
	v0 =	vld [tilespmem:$0x1FE00];
	_ =	sdelay $0x3  }
0x243: {  	v2 =	vld [tilespmem:$0x1FE20]  }
0x244: {  	v3 =	vadd.f32 v0, v0;
	v0 =	vld [tilespmem:$0x1FE10];
	_ =	sdelay $0x2  }
0x245: {  	v33 =	vld [tilespmem:$0x1F49];
	_ =	sdelay $0x1  }
0x246: {  	v36 =	vadd.f32 v41, v4;
	v4 =	vld [tilespmem:$0x1FDB0];
	v2 =	vsel vm14, $0x0, v2;
	v0 =	vsel vm15, $0x0, v0  }
0x247: {  	v2 =	vadd.f32 v2, v3;
	v3 =	vld [tilespmem:$0x1FE30];
	v0 =	vadd.f32 v0, v30;
	_ =	sdelay $0x1  }
0x248: {  	v30 =	vadd.f32 v0, v33;
	v0 =	vld [tilespmem:$0x1FE50]  }
0x249: {  	v31 =	vld [tilespmem:$0x1F37]  }
0x24a: {  	v29 =	vld [tilespmem:$0x1F39];
	v24 =	vsel vm12, $0x0, v4  }
0x24b: {  	v54 =	vadd.f32 v34, v53;
	v34 =	vadd.f32 v24, v5;
	v24 =	vsel vm13, $0x0, v3;
	v3 =	vld [tilespmem:$0x1FE40];
	_ =	sdelay $0x1  }
0x24c: {  	[tilespmem:$0x2098] =	vst v0;
	v0 =	vld [tilespmem:$0x1FE60]  }
0x24d: {  	[tilespmem:$0x2048] =	vst v49;
	v49 =	vadd.f32 v31, v27  }
0x24e: {  	v41 =	vsel vm12, $0x0, v29  }
0x24f: {  	[tilespmem:$0x2078] =	vst v44;
	v44 =	vadd.f32 v41, v49;
	v41 =	vadd.f32 v3, v3;
	_ =	sdelay $0x1  }
0x250: {  	[tilespmem:$0x2088] =	vst v56;
	v56 =	vadd.f32 v0, v41;
	v0 =	vld [tilespmem:$0x1FE70];
	_ =	sdelay $0x4  }
0x251: {  	[tilespmem:$0x20A8] =	vst v0;
	v0 =	vld [tilespmem:$0x1FE80]  }
0x252: {  	v28 =	vld [tilespmem:$0x1F78];
	_ =	sdelay $0x3  }
0x253: {  	v33 =	vadd.f32 v24, v2;
	v2 =	vld [tilespmem:$0x1FE90];
	v0 =	vsel vm12, $0x0, v0  }
0x254: {  	v4 =	vadd.f32 v28, v28;
	v28 =	vadd.f32 v0, v56;
	v0 =	vld [tilespmem:$0x1FEC0];
	_ =	sdelay $0x3  }
0x255: {  	v2 =	vsel vm15, $0x0, v2  }
0x256: {  	v2 =	vadd.f32 v2, v4;
	v4 =	vsel vm14, $0x0, v0;
	v0 =	vld [tilespmem:$0x1FED0];
	_ =	sdelay $0x2  }
0x257: {  	v3 =	vld [tilespmem:$0x1FEA0];
	_ =	sdelay $0x1  }
0x258: {  	[tilespmem:$0x20C8] =	vst v0;
	v0 =	vld [tilespmem:$0x1FEE0];
	_ =	sdelay $0x2  }
0x259: {  	v46 =	vld [tilespmem:$0x2028];
	v3 =	vadd.f32 v3, v3  }
0x25a: {  	[tilespmem:$0x2018] =	vst v48;
	v42 =	vld [tilespmem:$0x2038]  }
0x25b: {  	[tilespmem:$0x2058] =	vst v52;
	v3 =	vadd.f32 v4, v3;
	v4 =	vadd.f32 v0, v0;
	v0 =	vld [tilespmem:$0x1FEF0]  }
0x25c: {  	v52 =	vld [tilespmem:$0x2020];
	[tilespmem:$0x2068] =	vst v62  }
0x25d: {  	v62 =	vld [tilespmem:$0x2060]  }
0x25e: {  	v63 =	vld [tilespmem:$0x1FA8]  }
0x25f: {  	v51 =	vld [tilespmem:$0x1FC8]  }
0x260: {  	[tilespmem:$0x20D8] =	vst v25;
	v25 =	vadd.f32 v2, v0;
	v0 =	vld [tilespmem:$0x1FF00]  }
0x261: {  	v23 =	vmov v48;
	v48 =	vld [tilespmem:$0x2070]  }
0x262: {  	v61 =	vld [tilespmem:$0x1FC7]  }
0x263: {  	v60 =	vld [tilespmem:$0x2040]  }
0x264: {  	[tilespmem:$0x2118] =	vst v59;
	v59 =	vld [tilespmem:$0x1FF70]  }
0x265: {  	v32 =	vld [tilespmem:$0x2058];
	v0 =	vsel vm13, $0x0, v0  }
0x266: {  	v24 =	vadd.f32 v0, v3;
	v0 =	vld [tilespmem:$0x1FF10]  }
0x267: {  	v51 =	vadd.f32 v51, v51;
	v53 =	vld [tilespmem:$0x2050]  }
0x268: {  	v37 =	vld [tilespmem:$0x2040]  }
0x269: {  	v51 =	vadd.f32 v61, v51;
	v61 =	vadd.f32 v23, v23;
	v23 =	vld [tilespmem:$0x1FF90]  }
0x26a: {  	v35 =	vld [tilespmem:$0x2048]  }
0x26b: {  	v32 =	vadd.f32 v32, v32;
	v3 =	vadd.f32 v0, v4;
	v0 =	vld [tilespmem:$0x1FF20]  }
0x26c: {  	[tilespmem:$0x20E8] =	vst v55;
	v50 =	vld [tilespmem:$0x2010]  }
0x26d: {  	v32 =	vadd.f32 v37, v32;
	v37 =	vld [tilespmem:$0x20E0]  }
0x26e: {  	v38 =	vld [tilespmem:$0x2030]  }
0x26f: {  	v5 =	vld [tilespmem:$0x1FEB0]  }
0x270: {  	v4 =	vsel vm15, $0x0, v0;
	v0 =	vld [tilespmem:$0x1FF30]  }
0x271: {  	v2 =	vld [tilespmem:$0x1FF50]  }
0x272: {  	v26 =	vld [tilespmem:$0x2068]  }
0x273: {  	v29 =	vld [tilespmem:$0x2050]  }
0x274: {  	[tilespmem:$0x20B8] =	vst v5;
	v5 =	vld [tilespmem:$0x2088]  }
0x275: {  	[tilespmem:$0x20F8] =	vst v57;
	v57 =	vsel vm12, $0x0, v0;
	v0 =	vld [tilespmem:$0x1FF40]  }
0x276: {  	[tilespmem:$0x2108] =	vst v2;
	v2 =	vld [tilespmem:$0x1FF60]  }
0x277: {  	v26 =	vadd.f32 v26, v26;
	v27 =	vld [tilespmem:$0x2078]  }
0x278: {  	v63 =	vadd.f32 v63, v63;
	v31 =	vld [tilespmem:$0x2060]  }
0x279: {  	v26 =	vadd.f32 v29, v26;
	v29 =	vld [tilespmem:$0x20D8]  }
0x27a: {  	v49 =	vld [tilespmem:$0x2080];
	v4 =	vadd.f32 v4, v63;
	v63 =	vadd.f32 v0, v0  }
0x27b: {  	[tilespmem:$0x2138] =	vst v58;
	v58 =	vld [tilespmem:$0x2090];
	v3 =	vadd.f32 v57, v3;
	v57 =	vsel vm14, $0x0, v2  }
0x27c: {  	v57 =	vadd.f32 v57, v63;
	v63 =	vld [tilespmem:$0x1FF80]  }
0x27d: {  	v41 =	vld [tilespmem:$0x2070]  }
0x27e: {  	v55 =	vld [tilespmem:$0x20A0]  }
0x27f: {  	[tilespmem:$0x2128] =	vst v54;
	v56 =	vld [tilespmem:$0x2090]  }
0x280: {  	[tilespmem:$0x2198] =	vst v39;
	v27 =	vadd.f32 v27, v27;
	v39 =	vld [tilespmem:$0x20B0]  }
0x281: {  	[tilespmem:$0x2158] =	vst v45;
	v45 =	vld [tilespmem:$0x20D0];
	v54 =	vsel vm13, $0x0, v63  }
0x282: {  	v27 =	vadd.f32 v31, v27;
	v54 =	vadd.f32 v54, v57;
	v57 =	vsel vm12, $0x0, v23;
	v23 =	vld [tilespmem:$0x1FFA0]  }
0x283: {  	[tilespmem:$0x21B8] =	vst v44;
	v44 =	vld [tilespmem:$0x2108]  }
0x284: {  	v42 =	vadd.f32 v42, v42;
	v27 =	vadd.f32 v56, v27;
	v56 =	vld [tilespmem:$0x2110]  }
0x285: {  	v46 =	vadd.f32 v46, v46;
	v0 =	vld [tilespmem:$0x2098]  }
0x286: {  	v42 =	vadd.f32 v52, v42;
	v5 =	vadd.f32 v5, v5;
	v2 =	vld [tilespmem:$0x2080]  }
0x287: {  	[tilespmem:$0x2148] =	vst v43;
	v43 =	vadd.f32 v57, v51;
	v51 =	vadd.f32 v23, v61;
	v23 =	vld [tilespmem:$0x1FFB0]  }
0x288: {  	v35 =	vadd.f32 v35, v35;
	[tilespmem:$0x2168] =	vst v47;
	v4 =	vadd.f32 v4, v59;
	v59 =	vld [tilespmem:$0x20B0]  }
0x289: {  	v32 =	vadd.f32 v48, v32;
	[tilespmem:$0x2178] =	vst v36;
	v5 =	vadd.f32 v41, v5;
	v63 =	vld [tilespmem:$0x20A8]  }
0x28a: {  	[tilespmem:$0x2188] =	vst v34;
	v29 =	vadd.f32 v29, v29;
	v0 =	vadd.f32 v0, v0;
	v57 =	vld [tilespmem:$0x20C0]  }
0x28b: {  	[tilespmem:$0x21A8] =	vst v40;
	v5 =	vadd.f32 v55, v5;
	v61 =	vadd.f32 v50, v46;
	v46 =	vld [tilespmem:$0x20B8]  }
0x28c: {  	[tilespmem:$0x21C8] =	vst v30;
	v0 =	vadd.f32 v2, v0;
	v50 =	vld [tilespmem:$0x20A0];
	v47 =	vadd.f32 v23, v51  }
0x28d: {  	v32 =	vtrunc.f32 v32;
	[tilespmem:$0x21D8] =	vst v33;
	v51 =	vadd.f32 v60, v61;
	v60 =	vadd.f32 v38, v35;
	v35 =	vld [tilespmem:$0x20C8]  }
0x28e: {  	v26 =	vadd.f32 v49, v26;
	v5 =	vtrunc.f32 v5;
	[tilespmem:$0x2228] =	vst v4;
	v4 =	vtrunc.f32 v27;
	v38 =	vld [tilespmem:$0x20F0]  }
0x28f: {  	[tilespmem:$0x21E8] =	vst v28;
	v5 =	vcvt.f32.s32 v5;
	v4 =	vcvt.f32.s32 v4;
	v0 =	vadd.f32 v59, v0;
	v23 =	vld [tilespmem:$0x20D0]  }
0x290: {  	[tilespmem:$0x2218] =	vst v3;
	v3 =	vtrunc.f32 v26;
	v61 =	vadd.f32 v53, v42;
	v53 =	vcvt.f32.s32 v32;
	v32 =	vld [tilespmem:$0x2100]  }
0x291: {  	[tilespmem:$0x22F0] =	vst v5;
	v3 =	vcvt.f32.s32 v3;
	v0 =	vtrunc.f32 v0;
	v2 =	vadd.f32 v46, v46;
	v46 =	vld [tilespmem:$0x20F0]  }
0x292: {  	[tilespmem:$0x21F8] =	vst v25;
	v34 =	vadd.f32 v62, v60;
	v36 =	vtrunc.f32 v51;
	v51 =	vld [tilespmem:$0x20E8];
	v60 =	vadd.f32 v63, v63  }
0x293: {  	[tilespmem:$0x2208] =	vst v24;
	v62 =	vtrunc.f32 v47;
	v47 =	vtrunc.f32 v61;
	v61 =	vld [tilespmem:$0x20F8];
	v2 =	vadd.f32 v50, v2  }
0x294: {  	[tilespmem:$0x22E0] =	vst v4;
	v40 =	vcvt.f32.s32 v62;
	v30 =	vcvt.f32.s32 v36;
	v36 =	vld [tilespmem:$0x20C0];
	v26 =	vadd.f32 v58, v60  }
0x295: {  	[tilespmem:$0x22D0] =	vst v3;
	v48 =	vcvt.f32.s32 v47;
	v62 =	vld [tilespmem:$0x20E0];
	v49 =	vtrunc.f32 v34;
	v35 =	vadd.f32 v35, v35  }
0x296: {  	[tilespmem:$0x2238] =	vst v54;
	v2 =	vadd.f32 v45, v2;
	v52 =	vcvt.f32.s32 v49;
	v49 =	vld [tilespmem:$0x2118];
	v26 =	vadd.f32 v57, v26  }
0x297: {  	v0 =	vcvt.f32.s32 v0;
	v63 =	vld [tilespmem:$0x2110];
	[tilespmem:$0x22A0] =	vst v48;
	v57 =	vadd.f32 v44, v44;
	v48 =	vadd.f32 v39, v35  }
0x298: {  	v2 =	vtrunc.f32 v2;
	v31 =	vadd.f32 v51, v51;
	[tilespmem:$0x22B0] =	vst v52;
	v52 =	vld [tilespmem:$0x2128];
	v55 =	vadd.f32 v61, v61  }
0x299: {  	v54 =	vld [tilespmem:$0x2100];
	[tilespmem:$0x22C0] =	vst v53;
	v2 =	vcvt.f32.s32 v2;
	v51 =	vadd.f32 v36, v29;
	v53 =	vadd.f32 v37, v48  }
0x29a: {  	[tilespmem:$0x2248] =	vst v43;
	v47 =	vld [tilespmem:$0x2120];
	v26 =	vtrunc.f32 v26;
	v23 =	vadd.f32 v23, v31;
	v5 =	vadd.f32 v62, v55  }
0x29b: {  	[tilespmem:$0x2300] =	vst v0;
	v58 =	vld [tilespmem:$0x2130];
	v50 =	vcvt.f32.s32 v26;
	v3 =	vadd.f32 v38, v51;
	v59 =	vadd.f32 v49, v49  }
0x29c: {  	v60 =	vld [tilespmem:$0x2140];
	[tilespmem:$0x2280] =	vst v40;
	v4 =	vtrunc.f32 v53;
	v23 =	vadd.f32 v32, v23;
	v5 =	vadd.f32 v63, v5  }
0x29d: {  	[tilespmem:$0x2290] =	vst v30;
	v0 =	vtrunc.f32 v3;
	v3 =	vadd.f32 v46, v57;
	v61 =	vadd.f32 v52, v52  }
0x29e: {  	[tilespmem:$0x2320] =	vst v2;
	v4 =	vcvt.f32.s32 v4;
	v62 =	vadd.f32 v54, v59;
	v0 =	vcvt.f32.s32 v0  }
0x29f: {  	[tilespmem:$0x2310] =	vst v50;
	v2 =	vtrunc.f32 v23;
	v3 =	vadd.f32 v47, v3;
	v23 =	vadd.f32 v56, v61  }
0x2a0: {  	[tilespmem:$0x2330] =	vst v4;
	v2 =	vcvt.f32.s32 v2;
	v4 =	vtrunc.f32 v5;
	v5 =	vadd.f32 v58, v62  }
0x2a1: {  	[tilespmem:$0x2340] =	vst v0;
	v0 =	vcvt.f32.s32 v4;
	v3 =	vtrunc.f32 v3;
	v4 =	vadd.f32 v60, v23  }
0x2a2: {  	[tilespmem:$0x2350] =	vst v2;
	v2 =	vcvt.f32.s32 v3;
	v3 =	vtrunc.f32 v5  }
0x2a3: {  	[tilespmem:$0x2360] =	vst v0;
	v0 =	vcvt.f32.s32 v3;
	v3 =	vtrunc.f32 v4;
	v4 =	vld [tilespmem:$0x2148]  }
0x2a4: {  	[tilespmem:$0x2370] =	vst v2;
	v2 =	vcvt.f32.s32 v3;
	v3 =	vld [tilespmem:$0x2150]  }
0x2a5: {  	[tilespmem:$0x2380] =	vst v0;
	v0 =	vld [tilespmem:$0x2138]  }
0x2a6: {  	[tilespmem:$0x2390] =	vst v2;
	v2 =	vld [tilespmem:$0x2120]  }
0x2a7: {  	v5 =	vld [tilespmem:$0x2130]  }
0x2a8: {  	v23 =	vld [tilespmem:$0x2160]  }
0x2a9: {  	v24 =	vld [tilespmem:$0x2158]  }
0x2aa: {  	v25 =	vld [tilespmem:$0x2140]  }
0x2ab: {  	v26 =	vld [tilespmem:$0x2170]  }
0x2ac: {  	v27 =	vld [tilespmem:$0x2168]  }
0x2ad: {  	v63 =	vld [tilespmem:$0x2150]  }
0x2ae: {  	v29 =	vld [tilespmem:$0x2180]  }
0x2af: {  	v48 =	vld [tilespmem:$0x2178]  }
0x2b0: {  	v49 =	vld [tilespmem:$0x2160]  }
0x2b1: {  	v50 =	vld [tilespmem:$0x2190]  }
0x2b2: {  	v51 =	vld [tilespmem:$0x2188]  }
0x2b3: {  	v52 =	vld [tilespmem:$0x2170]  }
0x2b4: {  	v53 =	vld [tilespmem:$0x21A0]  }
0x2b5: {  	v54 =	vld [tilespmem:$0x2198]  }
0x2b6: {  	v55 =	vld [tilespmem:$0x2180]  }
0x2b7: {  	v38 =	vld [tilespmem:$0x21B0]  }
0x2b8: {  	v56 =	vld [tilespmem:$0x21A8]  }
0x2b9: {  	v57 =	vld [tilespmem:$0x2190]  }
0x2ba: {  	v58 =	vld [tilespmem:$0x21C0]  }
0x2bb: {  	v59 =	vld [tilespmem:$0x21B8]  }
0x2bc: {  	v60 =	vld [tilespmem:$0x21A0]  }
0x2bd: {  	v44 =	vld [tilespmem:$0x21D0]  }
0x2be: {  	v61 =	vld [tilespmem:$0x21C8];
	v4 =	vadd.f32 v4, v4;
	v0 =	vadd.f32 v0, v0  }
0x2bf: {  	v62 =	vld [tilespmem:$0x21B0]  }
0x2c0: {  	v47 =	vld [tilespmem:$0x21E0];
	v0 =	vadd.f32 v2, v0;
	v4 =	vadd.f32 v5, v4  }
0x2c1: {  	v28 =	vld [tilespmem:$0x21D0];
	v5 =	vadd.f32 v24, v24;
	v33 =	vadd.f32 v51, v51  }
0x2c2: {  	v2 =	vld [tilespmem:$0x21D8];
	v0 =	vadd.f32 v3, v0;
	v3 =	vadd.f32 v27, v27  }
0x2c3: {  	v45 =	vld [tilespmem:$0x2238];
	v4 =	vadd.f32 v23, v4;
	v5 =	vadd.f32 v25, v5  }
0x2c4: {  	v24 =	vld [tilespmem:$0x21C0];
	v3 =	vadd.f32 v63, v3;
	v63 =	vadd.f32 v48, v48  }
0x2c5: {  	v23 =	vld [tilespmem:$0x21E8];
	v5 =	vadd.f32 v26, v5;
	v0 =	vtrunc.f32 v0;
	v26 =	vadd.f32 v52, v33  }
0x2c6: {  	v30 =	vld [tilespmem:$0x2200];
	v4 =	vtrunc.f32 v4;
	v52 =	vadd.f32 v56, v56;
	v56 =	vadd.f32 v59, v59  }
0x2c7: {  	v46 =	vld [tilespmem:$0x2220];
	v0 =	vcvt.f32.s32 v0;
	v2 =	vadd.f32 v2, v2;
	v3 =	vadd.f32 v29, v3  }
0x2c8: {  	v51 =	vld [tilespmem:$0x2210];
	v4 =	vcvt.f32.s32 v4;
	v25 =	vadd.f32 v49, v63;
	v26 =	vadd.f32 v53, v26  }
0x2c9: {  	v27 =	vld [tilespmem:$0x21F0];
	v5 =	vtrunc.f32 v5;
	v34 =	vadd.f32 v57, v52;
	v29 =	vadd.f32 v45, v45  }
0x2ca: {  	v48 =	vld [tilespmem:$0x21F8];
	v5 =	vcvt.f32.s32 v5;
	v2 =	vadd.f32 v24, v2;
	v23 =	vadd.f32 v23, v23  }
0x2cb: {  	v59 =	vld [tilespmem:$0x2200];
	v25 =	vadd.f32 v50, v25;
	v50 =	vadd.f32 v54, v54;
	v3 =	vtrunc.f32 v3  }
0x2cc: {  	v49 =	vld [tilespmem:$0x21E0];
	v26 =	vtrunc.f32 v26;
	v34 =	vadd.f32 v58, v34;
	v58 =	vadd.f32 v61, v61  }
0x2cd: {  	v53 =	vld [tilespmem:$0x2208];
	v3 =	vcvt.f32.s32 v3;
	v26 =	vcvt.f32.s32 v26;
	v32 =	vadd.f32 v55, v50  }
0x2ce: {  	v57 =	vld [tilespmem:$0x2218];
	v2 =	vadd.f32 v27, v2;
	v25 =	vtrunc.f32 v25;
	v40 =	vadd.f32 v62, v58  }
0x2cf: {  	[tilespmem:$0x23A0] =	vst v0;
	v54 =	vld [tilespmem:$0x21F0];
	v0 =	vtrunc.f32 v34;
	v32 =	vadd.f32 v38, v32;
	v38 =	vadd.f32 v60, v56  }
0x2d0: {  	[tilespmem:$0x23B0] =	vst v4;
	v61 =	vld [tilespmem:$0x2228];
	v25 =	vcvt.f32.s32 v25;
	v0 =	vcvt.f32.s32 v0;
	v4 =	vadd.f32 v47, v40  }
0x2d1: {  	v55 =	vld [tilespmem:$0x2220];
	v2 =	vtrunc.f32 v2;
	v62 =	vadd.f32 v44, v38;
	v44 =	vadd.f32 v48, v48  }
0x2d2: {  	v63 =	vld [tilespmem:$0x2210];
	[tilespmem:$0x23D0] =	vst v3;
	v3 =	vtrunc.f32 v4;
	v4 =	vadd.f32 v28, v23;
	v23 =	vadd.f32 v53, v53  }
0x2d3: {  	v52 =	vld [tilespmem:$0x2280];
	[tilespmem:$0x23C0] =	vst v5;
	v50 =	vadd.f32 v57, v57;
	v32 =	vtrunc.f32 v32;
	v47 =	vadd.f32 v49, v44  }
0x2d4: {  	[tilespmem:$0x23F0] =	vst v26;
	v60 =	vld [tilespmem:$0x2230];
	v5 =	vtrunc.f32 v62;
	v4 =	vadd.f32 v30, v4;
	v23 =	vadd.f32 v54, v23  }
0x2d5: {  	v40 =	vld [tilespmem:$0x2240];
	[tilespmem:$0x23E0] =	vst v25;
	v3 =	vcvt.f32.s32 v3;
	v5 =	vcvt.f32.s32 v5;
	v25 =	vadd.f32 v51, v47  }
0x2d6: {  	[tilespmem:$0x2410] =	vst v0;
	v49 =	vld [tilespmem:$0x2250];
	v0 =	vtrunc.f32 v4;
	v4 =	vadd.f32 v55, v23;
	v23 =	vadd.f32 v61, v61  }
0x2d7: {  	v2 =	vcvt.f32.s32 v2;
	v32 =	vcvt.f32.s32 v32;
	[tilespmem:$0x2420] =	vst v5;
	v5 =	vadd.f32 v59, v50  }
0x2d8: {  	v48 =	vld [tilespmem:$0x2248];
	[tilespmem:$0x2430] =	vst v3;
	v0 =	vcvt.f32.s32 v0;
	v3 =	vtrunc.f32 v25;
	v23 =	vadd.f32 v63, v23  }
0x2d9: {  	[tilespmem:$0x2440] =	vst v2;
	v2 =	vcvt.f32.s32 v3;
	v3 =	vadd.f32 v60, v5;
	v5 =	vadd.f32 v46, v29  }
0x2da: {  	(xrf1) =	vunique.msk.u32 $0xffff, v52;
	v51 =	vld [tilespmem:$0x2230];
	[tilespmem:$0x2450] =	vst v0;
	v0 =	vtrunc.f32 v4;
	v4 =	vadd.f32 v40, v23  }
0x2db: {  	[tilespmem:$0x2400] =	vst v32;
	v0 =	vcvt.f32.s32 v0;
	v3 =	vtrunc.f32 v3;
	v5 =	vadd.f32 v49, v5  }
0x2dc: {  	v53 =	vld [tilespmem:$0x2260];
	[tilespmem:$0x2460] =	vst v2;
	v2 =	vcvt.f32.s32 v3;
	v3 =	vtrunc.f32 v4  }
0x2dd: {  	v54 =	vadd.f32 v48, v48;
	[tilespmem:$0x2470] =	vst v0;
	v0 =	vcvt.f32.s32 v3;
	v3 =	vtrunc.f32 v5  }
0x2de: {  	[tilespmem:$0x2480] =	vst v2;
	v2 =	vcvt.f32.s32 v3  }
0x2df: {  	v23 =	vadd.f32 v51, v54;
	[tilespmem:$0x2490] =	vst v0  }
0x2e0: {  	[tilespmem:$0x24A0] =	vst v2;
	v2 =	vimm.s32 $0x0  }
0x2e1: {  	v4 =	vadd.f32 v53, v23;
	[tilespmem:$0x2500] =	vst v2  }
0x2e2: {  	[tilespmem:$0x2510] =	vst v2  }
0x2e3: {  	v3 =	vtrunc.f32 v4;
	[tilespmem:$0x2520] =	vst v2  }
0x2e4: {  	v0 =	vcvt.f32.s32 v3;
	[tilespmem:$0x2530] =	vst v2  }
0x2e5: {  	[tilespmem:$0x2540] =	vst v2  }
0x2e6: {  	[tilespmem:$0x2550] =	vst v2  }
0x2e7: {  	[tilespmem:$0x2560] =	vst v2  }
0x2e8: {  	[tilespmem:$0x2570] =	vst v2  }
0x2e9: {  	v3 =	vld [tilespmem:$0x1FFF0];
	[tilespmem:$0x24B0] =	vst v0;
	_, v0, vm12 =	vpop (xrf1)  }
0x2ea: {  	[tilespmem:$0x2580] =	vst v2  }
0x2eb: {  	[tilespmem:$0x2590] =	vst v2  }
0x2ec: {  	[tilespmem:$0x25A0] =	vst v2  }
0x2ed: {  	[tilespmem:$0x25B0] =	vst v2  }
0x2ee: {  	[tilespmem:$0x25C0] =	vst v2;
	v0 =	vadd.s32 v3, v0  }
0x2ef: {  	[tilespmem:v52+s8+$0x0] =	vst.idx.add.s32.msk vm12, v0  }
0x2f0: {  	v0 =	vld [tilespmem:$0x2290];
	_ =	sdelay $0x4  }
0x2f1: {  	(xrf1) =	vunique.msk.u32 $0xffff, v0;
	_ =	sdelay $0xd  }
0x2f2: {  	_, v2, vm12 =	vpop (xrf1);
	_ =	sdelay $0x4  }
0x2f3: {  	v2 =	vadd.s32 v3, v2  }
0x2f4: {  	[tilespmem:v0+s8+$0x0] =	vst.idx.add.s32.msk vm12, v2  }
0x2f5: {  	v0 =	vld [tilespmem:$0x22A0];
	_ =	sdelay $0x4  }
0x2f6: {  	(xrf1) =	vunique.msk.u32 $0xffff, v0;
	_ =	sdelay $0xd  }
0x2f7: {  	_, v2, vm12 =	vpop (xrf1);
	_ =	sdelay $0x4  }
0x2f8: {  	v2 =	vadd.s32 v3, v2  }
0x2f9: {  	[tilespmem:v0+s8+$0x0] =	vst.idx.add.s32.msk vm12, v2  }
0x2fa: {  	v0 =	vld [tilespmem:$0x22B0];
	_ =	sdelay $0x4  }
0x2fb: {  	(xrf1) =	vunique.msk.u32 $0xffff, v0;
	_ =	sdelay $0xd  }
0x2fc: {  	_, v2, vm12 =	vpop (xrf1);
	_ =	sdelay $0x4  }
0x2fd: {  	v2 =	vadd.s32 v3, v2  }
0x2fe: {  	[tilespmem:v0+s8+$0x0] =	vst.idx.add.s32.msk vm12, v2  }
0x2ff: {  	v0 =	vld [tilespmem:$0x22C0];
	_ =	sdelay $0x4  }
0x300: {  	(xrf1) =	vunique.msk.u32 $0xffff, v0;
	_ =	sdelay $0xd  }
0x301: {  	_, v2, vm12 =	vpop (xrf1);
	_ =	sdelay $0x4  }
0x302: {  	v2 =	vadd.s32 v3, v2  }
0x303: {  	[tilespmem:v0+s8+$0x0] =	vst.idx.add.s32.msk vm12, v2  }
0x304: {  	v0 =	vld [tilespmem:$0x22D0];
	_ =	sdelay $0x4  }
0x305: {  	(xrf1) =	vunique.msk.u32 $0xffff, v0;
	_ =	sdelay $0xd  }
0x306: {  	_, v2, vm12 =	vpop (xrf1);
	_ =	sdelay $0x4  }
0x307: {  	v2 =	vadd.s32 v3, v2  }
0x308: {  	[tilespmem:v0+s8+$0x0] =	vst.idx.add.s32.msk vm12, v2  }
0x309: {  	v0 =	vld [tilespmem:$0x22E0];
	_ =	sdelay $0x4  }
0x30a: {  	(xrf1) =	vunique.msk.u32 $0xffff, v0;
	_ =	sdelay $0xd  }
0x30b: {  	_, v2, vm12 =	vpop (xrf1);
	_ =	sdelay $0x4  }
0x30c: {  	v2 =	vadd.s32 v3, v2  }
0x30d: {  	[tilespmem:v0+s8+$0x0] =	vst.idx.add.s32.msk vm12, v2  }
0x30e: {  	v0 =	vld [tilespmem:$0x22F0];
	_ =	sdelay $0x4  }
0x30f: {  	(xrf1) =	vunique.msk.u32 $0xffff, v0;
	_ =	sdelay $0xd  }
0x310: {  	_, v2, vm12 =	vpop (xrf1);
	_ =	sdelay $0x4  }
0x311: {  	v2 =	vadd.s32 v3, v2  }
0x312: {  	[tilespmem:v0+s8+$0x0] =	vst.idx.add.s32.msk vm12, v2  }
0x313: {  	v0 =	vld [tilespmem:$0x2300];
	_ =	sdelay $0x4  }
0x314: {  	(xrf1) =	vunique.msk.u32 $0xffff, v0;
	_ =	sdelay $0xd  }
0x315: {  	_, v2, vm12 =	vpop (xrf1);
	_ =	sdelay $0x4  }
0x316: {  	v2 =	vadd.s32 v3, v2  }
0x317: {  	[tilespmem:v0+s8+$0x0] =	vst.idx.add.s32.msk vm12, v2  }
0x318: {  	v0 =	vld [tilespmem:$0x2310];
	_ =	sdelay $0x4  }
0x319: {  	(xrf1) =	vunique.msk.u32 $0xffff, v0;
	_ =	sdelay $0xd  }
0x31a: {  	_, v2, vm12 =	vpop (xrf1);
	_ =	sdelay $0x4  }
0x31b: {  	v2 =	vadd.s32 v3, v2  }
0x31c: {  	[tilespmem:v0+s8+$0x0] =	vst.idx.add.s32.msk vm12, v2  }
0x31d: {  	v0 =	vld [tilespmem:$0x2320];
	_ =	sdelay $0x4  }
0x31e: {  	(xrf1) =	vunique.msk.u32 $0xffff, v0;
	_ =	sdelay $0xd  }
0x31f: {  	_, v2, vm12 =	vpop (xrf1);
	_ =	sdelay $0x4  }
0x320: {  	v2 =	vadd.s32 v3, v2  }
0x321: {  	[tilespmem:v0+s8+$0x0] =	vst.idx.add.s32.msk vm12, v2  }
0x322: {  	v0 =	vld [tilespmem:$0x2330];
	_ =	sdelay $0x4  }
0x323: {  	(xrf1) =	vunique.msk.u32 $0xffff, v0;
	_ =	sdelay $0xd  }
0x324: {  	_, v2, vm12 =	vpop (xrf1);
	_ =	sdelay $0x4  }
0x325: {  	v2 =	vadd.s32 v3, v2  }
0x326: {  	[tilespmem:v0+s8+$0x0] =	vst.idx.add.s32.msk vm12, v2  }
0x327: {  	v0 =	vld [tilespmem:$0x2340];
	_ =	sdelay $0x4  }
0x328: {  	(xrf1) =	vunique.msk.u32 $0xffff, v0;
	_ =	sdelay $0xd  }
0x329: {  	_, v2, vm12 =	vpop (xrf1);
	_ =	sdelay $0x4  }
0x32a: {  	v2 =	vadd.s32 v3, v2  }
0x32b: {  	[tilespmem:v0+s8+$0x0] =	vst.idx.add.s32.msk vm12, v2  }
0x32c: {  	v0 =	vld [tilespmem:$0x2350];
	_ =	sdelay $0x4  }
0x32d: {  	(xrf1) =	vunique.msk.u32 $0xffff, v0;
	_ =	sdelay $0xd  }
0x32e: {  	_, v2, vm12 =	vpop (xrf1);
	_ =	sdelay $0x4  }
0x32f: {  	v2 =	vadd.s32 v3, v2  }
0x330: {  	[tilespmem:v0+s8+$0x0] =	vst.idx.add.s32.msk vm12, v2  }
0x331: {  	v0 =	vld [tilespmem:$0x2360];
	_ =	sdelay $0x4  }
0x332: {  	(xrf1) =	vunique.msk.u32 $0xffff, v0;
	_ =	sdelay $0xd  }
0x333: {  	_, v2, vm12 =	vpop (xrf1);
	_ =	sdelay $0x4  }
0x334: {  	v2 =	vadd.s32 v3, v2  }
0x335: {  	[tilespmem:v0+s8+$0x0] =	vst.idx.add.s32.msk vm12, v2  }
0x336: {  	v0 =	vld [tilespmem:$0x2370];
	_ =	sdelay $0x4  }
0x337: {  	(xrf1) =	vunique.msk.u32 $0xffff, v0;
	_ =	sdelay $0xd  }
0x338: {  	_, v2, vm12 =	vpop (xrf1);
	_ =	sdelay $0x4  }
0x339: {  	v2 =	vadd.s32 v3, v2  }
0x33a: {  	[tilespmem:v0+s8+$0x0] =	vst.idx.add.s32.msk vm12, v2  }
0x33b: {  	v0 =	vld [tilespmem:$0x2380];
	_ =	sdelay $0x4  }
0x33c: {  	(xrf1) =	vunique.msk.u32 $0xffff, v0;
	_ =	sdelay $0xd  }
0x33d: {  	_, v2, vm12 =	vpop (xrf1);
	_ =	sdelay $0x4  }
0x33e: {  	v2 =	vadd.s32 v3, v2  }
0x33f: {  	[tilespmem:v0+s8+$0x0] =	vst.idx.add.s32.msk vm12, v2  }
0x340: {  	v0 =	vld [tilespmem:$0x2390];
	_ =	sdelay $0x4  }
0x341: {  	(xrf1) =	vunique.msk.u32 $0xffff, v0;
	_ =	sdelay $0xd  }
0x342: {  	_, v2, vm12 =	vpop (xrf1);
	_ =	sdelay $0x4  }
0x343: {  	v2 =	vadd.s32 v3, v2  }
0x344: {  	[tilespmem:v0+s8+$0x0] =	vst.idx.add.s32.msk vm12, v2  }
0x345: {  	v0 =	vld [tilespmem:$0x23A0];
	_ =	sdelay $0x4  }
0x346: {  	(xrf1) =	vunique.msk.u32 $0xffff, v0;
	_ =	sdelay $0xd  }
0x347: {  	_, v2, vm12 =	vpop (xrf1);
	_ =	sdelay $0x4  }
0x348: {  	v2 =	vadd.s32 v3, v2  }
0x349: {  	[tilespmem:v0+s8+$0x0] =	vst.idx.add.s32.msk vm12, v2  }
0x34a: {  	v0 =	vld [tilespmem:$0x23B0];
	_ =	sdelay $0x4  }
0x34b: {  	(xrf1) =	vunique.msk.u32 $0xffff, v0;
	_ =	sdelay $0xd  }
0x34c: {  	_, v2, vm12 =	vpop (xrf1);
	_ =	sdelay $0x4  }
0x34d: {  	v2 =	vadd.s32 v3, v2  }
0x34e: {  	[tilespmem:v0+s8+$0x0] =	vst.idx.add.s32.msk vm12, v2  }
0x34f: {  	v0 =	vld [tilespmem:$0x23C0];
	_ =	sdelay $0x4  }
0x350: {  	(xrf1) =	vunique.msk.u32 $0xffff, v0;
	_ =	sdelay $0xd  }
0x351: {  	_, v2, vm12 =	vpop (xrf1);
	_ =	sdelay $0x4  }
0x352: {  	v2 =	vadd.s32 v3, v2  }
0x353: {  	[tilespmem:v0+s8+$0x0] =	vst.idx.add.s32.msk vm12, v2  }
0x354: {  	v0 =	vld [tilespmem:$0x23D0];
	_ =	sdelay $0x4  }
0x355: {  	(xrf1) =	vunique.msk.u32 $0xffff, v0;
	_ =	sdelay $0xd  }
0x356: {  	_, v2, vm12 =	vpop (xrf1);
	_ =	sdelay $0x4  }
0x357: {  	v2 =	vadd.s32 v3, v2  }
0x358: {  	[tilespmem:v0+s8+$0x0] =	vst.idx.add.s32.msk vm12, v2  }
0x359: {  	v0 =	vld [tilespmem:$0x23E0];
	_ =	sdelay $0x4  }
0x35a: {  	(xrf1) =	vunique.msk.u32 $0xffff, v0;
	_ =	sdelay $0xd  }
0x35b: {  	_, v2, vm12 =	vpop (xrf1);
	_ =	sdelay $0x4  }
0x35c: {  	v2 =	vadd.s32 v3, v2  }
0x35d: {  	[tilespmem:v0+s8+$0x0] =	vst.idx.add.s32.msk vm12, v2  }
0x35e: {  	v0 =	vld [tilespmem:$0x23F0];
	_ =	sdelay $0x4  }
0x35f: {  	(xrf1) =	vunique.msk.u32 $0xffff, v0;
	_ =	sdelay $0xd  }
0x360: {  	_, v2, vm12 =	vpop (xrf1);
	_ =	sdelay $0x4  }
0x361: {  	v2 =	vadd.s32 v3, v2  }
0x362: {  	[tilespmem:v0+s8+$0x0] =	vst.idx.add.s32.msk vm12, v2  }
0x363: {  	v0 =	vld [tilespmem:$0x2400];
	_ =	sdelay $0x4  }
0x364: {  	(xrf1) =	vunique.msk.u32 $0xffff, v0;
	_ =	sdelay $0xd  }
0x365: {  	_, v2, vm12 =	vpop (xrf1);
	_ =	sdelay $0x4  }
0x366: {  	v2 =	vadd.s32 v3, v2  }
0x367: {  	[tilespmem:v0+s8+$0x0] =	vst.idx.add.s32.msk vm12, v2  }
0x368: {  	v0 =	vld [tilespmem:$0x2410];
	_ =	sdelay $0x4  }
0x369: {  	(xrf1) =	vunique.msk.u32 $0xffff, v0;
	_ =	sdelay $0xd  }
0x36a: {  	_, v2, vm12 =	vpop (xrf1);
	_ =	sdelay $0x4  }
0x36b: {  	v2 =	vadd.s32 v3, v2  }
0x36c: {  	[tilespmem:v0+s8+$0x0] =	vst.idx.add.s32.msk vm12, v2  }
0x36d: {  	v0 =	vld [tilespmem:$0x2420];
	_ =	sdelay $0x4  }
0x36e: {  	(xrf1) =	vunique.msk.u32 $0xffff, v0;
	_ =	sdelay $0xd  }
0x36f: {  	_, v2, vm12 =	vpop (xrf1);
	_ =	sdelay $0x4  }
0x370: {  	v2 =	vadd.s32 v3, v2  }
0x371: {  	[tilespmem:v0+s8+$0x0] =	vst.idx.add.s32.msk vm12, v2  }
0x372: {  	v0 =	vld [tilespmem:$0x2430];
	_ =	sdelay $0x4  }
0x373: {  	(xrf1) =	vunique.msk.u32 $0xffff, v0;
	_ =	sdelay $0xd  }
0x374: {  	_, v2, vm12 =	vpop (xrf1);
	_ =	sdelay $0x4  }
0x375: {  	v2 =	vadd.s32 v3, v2  }
0x376: {  	[tilespmem:v0+s8+$0x0] =	vst.idx.add.s32.msk vm12, v2  }
0x377: {  	v0 =	vld [tilespmem:$0x2440];
	_ =	sdelay $0x4  }
0x378: {  	(xrf1) =	vunique.msk.u32 $0xffff, v0;
	_ =	sdelay $0xd  }
0x379: {  	_, v2, vm12 =	vpop (xrf1);
	_ =	sdelay $0x4  }
0x37a: {  	v2 =	vadd.s32 v3, v2  }
0x37b: {  	[tilespmem:v0+s8+$0x0] =	vst.idx.add.s32.msk vm12, v2  }
0x37c: {  	v0 =	vld [tilespmem:$0x2450];
	_ =	sdelay $0x4  }
0x37d: {  	(xrf1) =	vunique.msk.u32 $0xffff, v0;
	_ =	sdelay $0xd  }
0x37e: {  	_, v2, vm12 =	vpop (xrf1);
	_ =	sdelay $0x4  }
0x37f: {  	v2 =	vadd.s32 v3, v2  }
0x380: {  	[tilespmem:v0+s8+$0x0] =	vst.idx.add.s32.msk vm12, v2  }
0x381: {  	v0 =	vld [tilespmem:$0x2460];
	_ =	sdelay $0x4  }
0x382: {  	(xrf1) =	vunique.msk.u32 $0xffff, v0;
	_ =	sdelay $0xd  }
0x383: {  	_, v2, vm12 =	vpop (xrf1);
	_ =	sdelay $0x4  }
0x384: {  	v2 =	vadd.s32 v3, v2  }
0x385: {  	[tilespmem:v0+s8+$0x0] =	vst.idx.add.s32.msk vm12, v2  }
0x386: {  	v0 =	vld [tilespmem:$0x2470];
	_ =	sdelay $0x4  }
0x387: {  	(xrf1) =	vunique.msk.u32 $0xffff, v0;
	_ =	sdelay $0xd  }
0x388: {  	_, v2, vm12 =	vpop (xrf1);
	_ =	sdelay $0x4  }
0x389: {  	v2 =	vadd.s32 v3, v2  }
0x38a: {  	[tilespmem:v0+s8+$0x0] =	vst.idx.add.s32.msk vm12, v2  }
0x38b: {  	v0 =	vld [tilespmem:$0x2480];
	_ =	sdelay $0x4  }
0x38c: {  	(xrf1) =	vunique.msk.u32 $0xffff, v0;
	_ =	sdelay $0xd  }
0x38d: {  	_, v2, vm12 =	vpop (xrf1);
	_ =	sdelay $0x4  }
0x38e: {  	v2 =	vadd.s32 v3, v2  }
0x38f: {  	[tilespmem:v0+s8+$0x0] =	vst.idx.add.s32.msk vm12, v2  }
0x390: {  	v0 =	vld [tilespmem:$0x2490];
	_ =	sdelay $0x4  }
0x391: {  	(xrf1) =	vunique.msk.u32 $0xffff, v0;
	_ =	sdelay $0xd  }
0x392: {  	_, v2, vm12 =	vpop (xrf1);
	_ =	sdelay $0x4  }
0x393: {  	v2 =	vadd.s32 v3, v2  }
0x394: {  	[tilespmem:v0+s8+$0x0] =	vst.idx.add.s32.msk vm12, v2  }
0x395: {  	v0 =	vld [tilespmem:$0x24A0];
	_ =	sdelay $0x4  }
0x396: {  	(xrf1) =	vunique.msk.u32 $0xffff, v0;
	_ =	sdelay $0xd  }
0x397: {  	_, v2, vm12 =	vpop (xrf1);
	_ =	sdelay $0x4  }
0x398: {  	v2 =	vadd.s32 v3, v2  }
0x399: {  	[tilespmem:v0+s8+$0x0] =	vst.idx.add.s32.msk vm12, v2  }
0x39a: {  	v0 =	vld [tilespmem:$0x24B0];
	_ =	sdelay $0x4  }
0x39b: {  	(xrf1) =	vunique.msk.u32 $0xffff, v0;
	_ =	sdelay $0xd  }
0x39c: {  	_, v2, vm12 =	vpop (xrf1);
	_ =	sdelay $0x4  }
0x39d: {  	v2 =	vadd.s32 v3, v2;
	v3 =	vld [tilespmem:$0x1FFC0]  }
0x39e: {  	[tilespmem:v0+s8+$0x0] =	vst.idx.add.s32.msk vm12, v2  }
0x39f: {  	v0 =	vld [tilespmem:$0x25C0]  }
0x3a0: {  	v2 =	vld [tilespmem:$0x25B0];
	_ =	sdelay $0x2  }
0x3a1: {  	v3 =	vadd.s32 $0xF, v3;
	v4 =	vld [tilespmem:$0x25A0]  }
0x3a2: {  	v5 =	vperm.xlane v0, v3  }
0x3a3: {  	v23 =	vperm.xlane v2, v3  }
0x3a4: {  	(xrf0) =	vadd.scan.msk.s32 $0xffff, v5  }
0x3a5: {  	v5 =	vld [tilespmem:$0x2590];
	(xrf0) =	vadd.scan.msk.s32 $0xffff, v23  }
0x3a6: {  	v23 =	vperm.xlane v4, v3;
	_ =	sdelay $0x1  }
0x3a7: {  	(xrf0) =	vadd.scan.msk.s32 $0xffff, v23;
	v23 =	vld [tilespmem:$0x2580];
	_ =	sdelay $0x1  }
0x3a8: {  	v24 =	vld [tilespmem:$0x2570];
	v55 =	vperm.xlane v5, v3;
	v56, _, _ =	vpop (xrf0)  }
0x3a9: {  	v25 =	vperm.xlane v56, v3;
	v57, _, _ =	vpop (xrf0)  }
0x3aa: {  	(xrf0) =	vadd.scan.msk.s32 $0xffff, v55;
	v26 =	vperm.xlane v57, v3  }
0x3ab: {  	v30 =	vld [tilespmem:$0x2560];
	v59 =	vperm.xlane v23, v3;
	v58 =	vbroadcast v25, $0x0;
	_ =	sdelay $0x1  }
0x3ac: {  	v63 =	vperm.xlane v24, v3;
	v60, _, _ =	vpop (xrf0);
	(xrf0) =	vadd.scan.msk.s32 $0xffff, v59;
	v26 =	vadd.s32 v58, v26  }
0x3ad: {  	v31 =	vld [tilespmem:$0x2550];
	v61 =	vperm.xlane v60, v3;
	v62 =	vbroadcast v26, $0x0;
	_ =	sdelay $0x1  }
0x3ae: {  	v39 =	vperm.xlane v30, v3;
	(xrf0) =	vadd.scan.msk.s32 $0xffff, v63;
	v36, _, _ =	vpop (xrf0);
	v27 =	vadd.s32 v62, v61  }
0x3af: {  	v33 =	vld [tilespmem:$0x2540];
	v37 =	vperm.xlane v36, v3;
	v38 =	vbroadcast v27, $0x0;
	_ =	sdelay $0x1  }
0x3b0: {  	v41 =	vperm.xlane v31, v3;
	(xrf0) =	vadd.scan.msk.s32 $0xffff, v39;
	v40, _, _ =	vpop (xrf0);
	v28 =	vadd.s32 v38, v37  }
0x3b1: {  	v29 =	vperm.xlane v40, v3;
	v42 =	vbroadcast v28, $0x0;
	_ =	sdelay $0x1  }
0x3b2: {  	v44 =	vperm.xlane v33, v3;
	(xrf0) =	vadd.scan.msk.s32 $0xffff, v41;
	v43, _, _ =	vpop (xrf0);
	v29 =	vadd.s32 v42, v29  }
0x3b3: {  	v35 =	vld [tilespmem:$0x2530];
	v32 =	vperm.xlane v43, v3;
	v45 =	vbroadcast v29, $0x0;
	_ =	sdelay $0x1  }
0x3b4: {  	(xrf0) =	vadd.scan.msk.s32 $0xffff, v44;
	v46, _, _ =	vpop (xrf0);
	v32 =	vadd.s32 v45, v32  }
0x3b5: {  	v34 =	vld [tilespmem:$0x2520];
	v37 =	vperm.xlane v46, v3;
	v48 =	vbroadcast v32, $0x0;
	_ =	sdelay $0x1  }
0x3b6: {  	v47 =	vperm.xlane v35, v3;
	v49, _, _ =	vpop (xrf0);
	v37 =	vadd.s32 v48, v37  }
0x3b7: {  	v50 =	vld [tilespmem:$0x2510];
	v51 =	vperm.xlane v49, v3;
	v52 =	vbroadcast v37, $0x0  }
0x3b8: {  	(xrf0) =	vadd.scan.msk.s32 $0xffff, v47  }
0x3b9: {  	v53 =	vperm.xlane v34, v3;
	v54, _, _ =	vpop (xrf0);
	v38 =	vadd.s32 v52, v51  }
0x3ba: {  	v56 =	vperm.xlane v54, v3;
	v57 =	vbroadcast v38, $0x0  }
0x3bb: {  	v55 =	vld [tilespmem:$0x2500];
	(xrf0) =	vadd.scan.msk.s32 $0xffff, v53  }
0x3bc: {  	v0 =	vsub.s32 v25, v0;
	v60 =	vld [tilespmem:$0x2280];
	v58 =	vperm.xlane v50, v3;
	v61 =	vadd.s32 v57, v56  }
0x3bd: {  	[tilespmem:$0x26C0] =	vst v0;
	v0 =	vsub.s32 v26, v2;
	v2 =	vbroadcast v61, $0x0  }
0x3be: {  	[tilespmem:$0x26B0] =	vst v0;
	v0 =	vsub.s32 v27, v4;
	v59, _, _ =	vpop (xrf0);
	(xrf0) =	vadd.scan.msk.s32 $0xffff, v58  }
0x3bf: {  	[tilespmem:$0x26A0] =	vst v0;
	v4 =	vsub.s32 v28, v5;
	v62 =	vperm.xlane v59, v3  }
0x3c0: {  	v63 =	vperm.xlane v55, v3;
	[tilespmem:$0x2690] =	vst v4;
	v4 =	vsub.s32 v29, v23  }
0x3c1: {  	(xrf1) =	vunique.msk.u32 $0xffff, v60;
	[tilespmem:$0x2680] =	vst v4;
	v0 =	vadd.s32 v2, v62;
	v2, _, _ =	vpop (xrf0)  }
0x3c2: {  	v4 =	vsub.s32 v32, v24;
	v5 =	vbroadcast v0, $0x0;
	(xrf0) =	vadd.scan.msk.s32 $0xffff, v63;
	v2 =	vperm.xlane v2, v3  }
0x3c3: {  	[tilespmem:$0x2670] =	vst v4;
	v4 =	vsub.s32 v37, v30  }
0x3c4: {  	[tilespmem:$0x2660] =	vst v4;
	v4 =	vsub.s32 v38, v31;
	v23, _, _ =	vpop (xrf0);
	v2 =	vadd.s32 v5, v2  }
0x3c5: {  	[tilespmem:$0x2650] =	vst v4;
	v4 =	vsub.s32 v61, v33;
	v5 =	vperm.xlane v23, v3;
	v23 =	vbroadcast v2, $0x0;
	_ =	sdelay $0x1  }
0x3c6: {  	v5 =	vadd.s32 v23, v5  }
0x3c7: {  	[tilespmem:$0x2640] =	vst v4;
	v0 =	vsub.s32 v0, v35;
	v4, _, _ =	vpop (xrf0);
	v23 =	vbroadcast v5, $0x0  }
0x3c8: {  	[tilespmem:$0x2630] =	vst v0;
	v0 =	vsub.s32 v2, v34;
	v2 =	vperm.xlane v4, v3  }
0x3c9: {  	[tilespmem:$0x2620] =	vst v0;
	v0 =	vsub.s32 v5, v50;
	v3 =	vsub.s32 v23, v55  }
0x3ca: {  	[tilespmem:$0x2610] =	vst v0;
	v0 =	vadd.s32 v2, v3  }
0x3cb: {  	v5 =	vld [tilespmem:$0x1FFD0];
	[tilespmem:$0x2600] =	vst v0  }
0x3cc: {  	v0 =	vld.idx.msk [tilespmem:v60+s9+$0x0], $0xffff;
	_ =	sdelay $0x2  }
0x3cd: {  	_, v2, vm12 =	vpop (xrf1)  }
0x3ce: {  	v2 =	vsub.s32 v2, v5  }
0x3cf: {  	v3 =	vld [tilespmem:$0x1FFE0];
	v0 =	vadd.s32 v0, v2;
	_ =	sdelay $0x4  }
0x3d0: {  	[tilespmem:v0+s10+$0x0] =	vst.idx.msk $0xffff, v3;
	v0 =	vadd.s32 $0x1, v2  }
0x3d1: {  	[tilespmem:v60+s9+$0x0] =	vst.idx.add.s32.msk vm12, v0  }
0x3d2: {  	v0 =	vld [tilespmem:$0x2290];
	_ =	sdelay $0x4  }
0x3d3: {  	(xrf1) =	vunique.msk.u32 $0xffff, v0;
	_ =	sdelay $0xa  }
0x3d4: {  	v2 =	vld.idx.msk [tilespmem:v0+s9+$0x0], $0xffff;
	_ =	sdelay $0x2  }
0x3d5: {  	_, v3, vm12 =	vpop (xrf1)  }
0x3d6: {  	v3 =	vsub.s32 v3, v5  }
0x3d7: {  	v2 =	vadd.s32 v2, v3;
	_ =	sdelay $0x3  }
0x3d8: {  	v4 =	vadd.s32 $0x11, v1  }
0x3d9: {  	[tilespmem:v2+s10+$0x0] =	vst.idx.msk $0xffff, v4;
	v2 =	vadd.s32 $0x1, v3  }
0x3da: {  	[tilespmem:v0+s9+$0x0] =	vst.idx.add.s32.msk vm12, v2  }
0x3db: {  	v0 =	vld [tilespmem:$0x22A0];
	_ =	sdelay $0x4  }
0x3dc: {  	(xrf1) =	vunique.msk.u32 $0xffff, v0;
	_ =	sdelay $0xa  }
0x3dd: {  	v2 =	vld.idx.msk [tilespmem:v0+s9+$0x0], $0xffff;
	_ =	sdelay $0x2  }
0x3de: {  	_, v3, vm12 =	vpop (xrf1)  }
0x3df: {  	v3 =	vsub.s32 v3, v5  }
0x3e0: {  	v2 =	vadd.s32 v2, v3;
	_ =	sdelay $0x3  }
0x3e1: {  	v4 =	vadd.s32 $0x21, v1  }
0x3e2: {  	[tilespmem:v2+s10+$0x0] =	vst.idx.msk $0xffff, v4;
	v2 =	vadd.s32 $0x1, v3  }
0x3e3: {  	[tilespmem:v0+s9+$0x0] =	vst.idx.add.s32.msk vm12, v2  }
0x3e4: {  	v0 =	vld [tilespmem:$0x22B0];
	_ =	sdelay $0x4  }
0x3e5: {  	(xrf1) =	vunique.msk.u32 $0xffff, v0;
	_ =	sdelay $0xa  }
0x3e6: {  	v2 =	vld.idx.msk [tilespmem:v0+s9+$0x0], $0xffff;
	_ =	sdelay $0x2  }
0x3e7: {  	_, v3, vm12 =	vpop (xrf1)  }
0x3e8: {  	v3 =	vsub.s32 v3, v5  }
0x3e9: {  	v2 =	vadd.s32 v2, v3;
	_ =	sdelay $0x3  }
0x3ea: {  	v4 =	vadd.s32 $0x31, v1  }
0x3eb: {  	[tilespmem:v2+s10+$0x0] =	vst.idx.msk $0xffff, v4;
	v2 =	vadd.s32 $0x1, v3  }
0x3ec: {  	[tilespmem:v0+s9+$0x0] =	vst.idx.add.s32.msk vm12, v2  }
0x3ed: {  	v0 =	vld [tilespmem:$0x22C0];
	_ =	sdelay $0x4  }
0x3ee: {  	(xrf1) =	vunique.msk.u32 $0xffff, v0;
	_ =	sdelay $0xa  }
0x3ef: {  	v2 =	vld.idx.msk [tilespmem:v0+s9+$0x0], $0xffff;
	_ =	sdelay $0x2  }
0x3f0: {  	_, v3, vm12 =	vpop (xrf1)  }
0x3f1: {  	v3 =	vsub.s32 v3, v5  }
0x3f2: {  	v2 =	vadd.s32 v2, v3;
	_ =	sdelay $0x3  }
0x3f3: {  	v4 =	vadd.s32 $0x41, v1  }
0x3f4: {  	[tilespmem:v2+s10+$0x0] =	vst.idx.msk $0xffff, v4;
	v2 =	vadd.s32 $0x1, v3  }
0x3f5: {  	[tilespmem:v0+s9+$0x0] =	vst.idx.add.s32.msk vm12, v2  }
0x3f6: {  	v0 =	vld [tilespmem:$0x22D0];
	_ =	sdelay $0x4  }
0x3f7: {  	(xrf1) =	vunique.msk.u32 $0xffff, v0;
	_ =	sdelay $0xa  }
0x3f8: {  	v2 =	vld.idx.msk [tilespmem:v0+s9+$0x0], $0xffff;
	_ =	sdelay $0x2  }
0x3f9: {  	_, v3, vm12 =	vpop (xrf1)  }
0x3fa: {  	v3 =	vsub.s32 v3, v5  }
0x3fb: {  	v2 =	vadd.s32 v2, v3;
	_ =	sdelay $0x3  }
0x3fc: {  	v4 =	vadd.s32 $0x51, v1  }
0x3fd: {  	[tilespmem:v2+s10+$0x0] =	vst.idx.msk $0xffff, v4;
	v2 =	vadd.s32 $0x1, v3  }
0x3fe: {  	[tilespmem:v0+s9+$0x0] =	vst.idx.add.s32.msk vm12, v2  }
0x3ff: {  	v0 =	vld [tilespmem:$0x22E0];
	_ =	sdelay $0x4  }
0x400: {  	(xrf1) =	vunique.msk.u32 $0xffff, v0;
	_ =	sdelay $0xa  }
0x401: {  	v2 =	vld.idx.msk [tilespmem:v0+s9+$0x0], $0xffff;
	_ =	sdelay $0x2  }
0x402: {  	_, v3, vm12 =	vpop (xrf1)  }
0x403: {  	v3 =	vsub.s32 v3, v5  }
0x404: {  	v2 =	vadd.s32 v2, v3;
	_ =	sdelay $0x3  }
0x405: {  	v4 =	vadd.s32 $0x61, v1  }
0x406: {  	[tilespmem:v2+s10+$0x0] =	vst.idx.msk $0xffff, v4;
	v2 =	vadd.s32 $0x1, v3  }
0x407: {  	[tilespmem:v0+s9+$0x0] =	vst.idx.add.s32.msk vm12, v2  }
0x408: {  	v0 =	vld [tilespmem:$0x22F0];
	_ =	sdelay $0x4  }
0x409: {  	(xrf1) =	vunique.msk.u32 $0xffff, v0;
	_ =	sdelay $0xa  }
0x40a: {  	v2 =	vld.idx.msk [tilespmem:v0+s9+$0x0], $0xffff;
	_ =	sdelay $0x2  }
0x40b: {  	_, v3, vm12 =	vpop (xrf1)  }
0x40c: {  	v3 =	vsub.s32 v3, v5  }
0x40d: {  	v2 =	vadd.s32 v2, v3;
	_ =	sdelay $0x3  }
0x40e: {  	v4 =	vadd.s32 $0x71, v1  }
0x40f: {  	[tilespmem:v2+s10+$0x0] =	vst.idx.msk $0xffff, v4;
	v2 =	vadd.s32 $0x1, v3  }
0x410: {  	[tilespmem:v0+s9+$0x0] =	vst.idx.add.s32.msk vm12, v2  }
0x411: {  	v0 =	vld [tilespmem:$0x2300];
	_ =	sdelay $0x4  }
0x412: {  	(xrf1) =	vunique.msk.u32 $0xffff, v0;
	_ =	sdelay $0xa  }
0x413: {  	v2 =	vld.idx.msk [tilespmem:v0+s9+$0x0], $0xffff;
	_ =	sdelay $0x2  }
0x414: {  	_, v3, vm12 =	vpop (xrf1)  }
0x415: {  	v3 =	vsub.s32 v3, v5  }
0x416: {  	v2 =	vadd.s32 v2, v3;
	_ =	sdelay $0x3  }
0x417: {  	v4 =	vadd.s32 $0x81, v1  }
0x418: {  	[tilespmem:v2+s10+$0x0] =	vst.idx.msk $0xffff, v4;
	v2 =	vadd.s32 $0x1, v3  }
0x419: {  	[tilespmem:v0+s9+$0x0] =	vst.idx.add.s32.msk vm12, v2  }
0x41a: {  	v0 =	vld [tilespmem:$0x2310];
	_ =	sdelay $0x4  }
0x41b: {  	(xrf1) =	vunique.msk.u32 $0xffff, v0;
	_ =	sdelay $0xa  }
0x41c: {  	v2 =	vld.idx.msk [tilespmem:v0+s9+$0x0], $0xffff;
	_ =	sdelay $0x2  }
0x41d: {  	_, v3, vm12 =	vpop (xrf1)  }
0x41e: {  	v3 =	vsub.s32 v3, v5  }
0x41f: {  	v2 =	vadd.s32 v2, v3;
	_ =	sdelay $0x3  }
0x420: {  	v4 =	vadd.s32 $0x91, v1  }
0x421: {  	[tilespmem:v2+s10+$0x0] =	vst.idx.msk $0xffff, v4;
	v2 =	vadd.s32 $0x1, v3  }
0x422: {  	[tilespmem:v0+s9+$0x0] =	vst.idx.add.s32.msk vm12, v2  }
0x423: {  	v0 =	vld [tilespmem:$0x2320];
	_ =	sdelay $0x4  }
0x424: {  	(xrf1) =	vunique.msk.u32 $0xffff, v0;
	_ =	sdelay $0xa  }
0x425: {  	v2 =	vld.idx.msk [tilespmem:v0+s9+$0x0], $0xffff;
	_ =	sdelay $0x2  }
0x426: {  	_, v3, vm12 =	vpop (xrf1)  }
0x427: {  	v3 =	vsub.s32 v3, v5  }
0x428: {  	v2 =	vadd.s32 v2, v3;
	_ =	sdelay $0x3  }
0x429: {  	v4 =	vadd.s32 $0xA1, v1  }
0x42a: {  	[tilespmem:v2+s10+$0x0] =	vst.idx.msk $0xffff, v4;
	v2 =	vadd.s32 $0x1, v3  }
0x42b: {  	[tilespmem:v0+s9+$0x0] =	vst.idx.add.s32.msk vm12, v2  }
0x42c: {  	v0 =	vld [tilespmem:$0x2330];
	_ =	sdelay $0x4  }
0x42d: {  	(xrf1) =	vunique.msk.u32 $0xffff, v0;
	_ =	sdelay $0xa  }
0x42e: {  	v2 =	vld.idx.msk [tilespmem:v0+s9+$0x0], $0xffff;
	_ =	sdelay $0x2  }
0x42f: {  	_, v3, vm12 =	vpop (xrf1)  }
0x430: {  	v3 =	vsub.s32 v3, v5  }
0x431: {  	v2 =	vadd.s32 v2, v3;
	_ =	sdelay $0x3  }
0x432: {  	v4 =	vadd.s32 $0xB1, v1  }
0x433: {  	[tilespmem:v2+s10+$0x0] =	vst.idx.msk $0xffff, v4;
	v2 =	vadd.s32 $0x1, v3  }
0x434: {  	[tilespmem:v0+s9+$0x0] =	vst.idx.add.s32.msk vm12, v2  }
0x435: {  	v0 =	vld [tilespmem:$0x2340];
	_ =	sdelay $0x4  }
0x436: {  	(xrf1) =	vunique.msk.u32 $0xffff, v0;
	_ =	sdelay $0xa  }
0x437: {  	v2 =	vld.idx.msk [tilespmem:v0+s9+$0x0], $0xffff;
	_ =	sdelay $0x2  }
0x438: {  	_, v3, vm12 =	vpop (xrf1)  }
0x439: {  	v3 =	vsub.s32 v3, v5  }
0x43a: {  	v2 =	vadd.s32 v2, v3;
	_ =	sdelay $0x3  }
0x43b: {  	v4 =	vadd.s32 $0xC1, v1  }
0x43c: {  	[tilespmem:v2+s10+$0x0] =	vst.idx.msk $0xffff, v4;
	v2 =	vadd.s32 $0x1, v3  }
0x43d: {  	[tilespmem:v0+s9+$0x0] =	vst.idx.add.s32.msk vm12, v2  }
0x43e: {  	v0 =	vld [tilespmem:$0x2350];
	_ =	sdelay $0x4  }
0x43f: {  	(xrf1) =	vunique.msk.u32 $0xffff, v0;
	_ =	sdelay $0xa  }
0x440: {  	v2 =	vld.idx.msk [tilespmem:v0+s9+$0x0], $0xffff;
	_ =	sdelay $0x2  }
0x441: {  	_, v3, vm12 =	vpop (xrf1)  }
0x442: {  	v3 =	vsub.s32 v3, v5  }
0x443: {  	v2 =	vadd.s32 v2, v3;
	_ =	sdelay $0x3  }
0x444: {  	v4 =	vadd.s32 $0xD1, v1  }
0x445: {  	[tilespmem:v2+s10+$0x0] =	vst.idx.msk $0xffff, v4;
	v2 =	vadd.s32 $0x1, v3  }
0x446: {  	[tilespmem:v0+s9+$0x0] =	vst.idx.add.s32.msk vm12, v2  }
0x447: {  	v0 =	vld [tilespmem:$0x2360];
	_ =	sdelay $0x4  }
0x448: {  	(xrf1) =	vunique.msk.u32 $0xffff, v0;
	_ =	sdelay $0xa  }
0x449: {  	v2 =	vld.idx.msk [tilespmem:v0+s9+$0x0], $0xffff;
	_ =	sdelay $0x2  }
0x44a: {  	_, v3, vm12 =	vpop (xrf1)  }
0x44b: {  	v3 =	vsub.s32 v3, v5  }
0x44c: {  	v2 =	vadd.s32 v2, v3;
	_ =	sdelay $0x3  }
0x44d: {  	v4 =	vadd.s32 $0xE1, v1  }
0x44e: {  	[tilespmem:v2+s10+$0x0] =	vst.idx.msk $0xffff, v4;
	v2 =	vadd.s32 $0x1, v3  }
0x44f: {  	[tilespmem:v0+s9+$0x0] =	vst.idx.add.s32.msk vm12, v2  }
0x450: {  	v0 =	vld [tilespmem:$0x2370];
	_ =	sdelay $0x4  }
0x451: {  	(xrf1) =	vunique.msk.u32 $0xffff, v0;
	_ =	sdelay $0xa  }
0x452: {  	v2 =	vld.idx.msk [tilespmem:v0+s9+$0x0], $0xffff;
	_ =	sdelay $0x2  }
0x453: {  	_, v3, vm12 =	vpop (xrf1)  }
0x454: {  	v3 =	vsub.s32 v3, v5  }
0x455: {  	v2 =	vadd.s32 v2, v3;
	_ =	sdelay $0x3  }
0x456: {  	v4 =	vadd.s32 $0xF1, v1  }
0x457: {  	[tilespmem:v2+s10+$0x0] =	vst.idx.msk $0xffff, v4;
	v2 =	vadd.s32 $0x1, v3  }
0x458: {  	[tilespmem:v0+s9+$0x0] =	vst.idx.add.s32.msk vm12, v2  }
0x459: {  	v0 =	vld [tilespmem:$0x2380];
	_ =	sdelay $0x4  }
0x45a: {  	(xrf1) =	vunique.msk.u32 $0xffff, v0;
	_ =	sdelay $0xa  }
0x45b: {  	v2 =	vld.idx.msk [tilespmem:v0+s9+$0x0], $0xffff;
	_ =	sdelay $0x2  }
0x45c: {  	_, v3, vm12 =	vpop (xrf1)  }
0x45d: {  	v3 =	vsub.s32 v3, v5  }
0x45e: {  	v2 =	vadd.s32 v2, v3;
	_ =	sdelay $0x3  }
0x45f: {  	v4 =	vadd.s32 $0x101, v1  }
0x460: {  	[tilespmem:v2+s10+$0x0] =	vst.idx.msk $0xffff, v4;
	v2 =	vadd.s32 $0x1, v3  }
0x461: {  	[tilespmem:v0+s9+$0x0] =	vst.idx.add.s32.msk vm12, v2  }
0x462: {  	v0 =	vld [tilespmem:$0x2390];
	_ =	sdelay $0x4  }
0x463: {  	(xrf1) =	vunique.msk.u32 $0xffff, v0;
	_ =	sdelay $0xa  }
0x464: {  	v2 =	vld.idx.msk [tilespmem:v0+s9+$0x0], $0xffff;
	_ =	sdelay $0x2  }
0x465: {  	_, v3, vm12 =	vpop (xrf1)  }
0x466: {  	v3 =	vsub.s32 v3, v5  }
0x467: {  	v2 =	vadd.s32 v2, v3;
	_ =	sdelay $0x3  }
0x468: {  	v4 =	vadd.s32 $0x111, v1  }
0x469: {  	[tilespmem:v2+s10+$0x0] =	vst.idx.msk $0xffff, v4;
	v2 =	vadd.s32 $0x1, v3  }
0x46a: {  	[tilespmem:v0+s9+$0x0] =	vst.idx.add.s32.msk vm12, v2  }
0x46b: {  	v0 =	vld [tilespmem:$0x23A0];
	_ =	sdelay $0x4  }
0x46c: {  	(xrf1) =	vunique.msk.u32 $0xffff, v0;
	_ =	sdelay $0xa  }
0x46d: {  	v2 =	vld.idx.msk [tilespmem:v0+s9+$0x0], $0xffff;
	_ =	sdelay $0x2  }
0x46e: {  	_, v3, vm12 =	vpop (xrf1)  }
0x46f: {  	v3 =	vsub.s32 v3, v5  }
0x470: {  	v2 =	vadd.s32 v2, v3;
	_ =	sdelay $0x3  }
0x471: {  	v4 =	vadd.s32 $0x121, v1  }
0x472: {  	[tilespmem:v2+s10+$0x0] =	vst.idx.msk $0xffff, v4;
	v2 =	vadd.s32 $0x1, v3  }
0x473: {  	[tilespmem:v0+s9+$0x0] =	vst.idx.add.s32.msk vm12, v2  }
0x474: {  	v0 =	vld [tilespmem:$0x23B0];
	_ =	sdelay $0x4  }
0x475: {  	(xrf1) =	vunique.msk.u32 $0xffff, v0;
	_ =	sdelay $0xa  }
0x476: {  	v2 =	vld.idx.msk [tilespmem:v0+s9+$0x0], $0xffff;
	_ =	sdelay $0x2  }
0x477: {  	_, v3, vm12 =	vpop (xrf1)  }
0x478: {  	v3 =	vsub.s32 v3, v5  }
0x479: {  	v2 =	vadd.s32 v2, v3;
	_ =	sdelay $0x3  }
0x47a: {  	v4 =	vadd.s32 $0x131, v1  }
0x47b: {  	[tilespmem:v2+s10+$0x0] =	vst.idx.msk $0xffff, v4;
	v2 =	vadd.s32 $0x1, v3  }
0x47c: {  	[tilespmem:v0+s9+$0x0] =	vst.idx.add.s32.msk vm12, v2  }
0x47d: {  	v0 =	vld [tilespmem:$0x23C0];
	_ =	sdelay $0x4  }
0x47e: {  	(xrf1) =	vunique.msk.u32 $0xffff, v0;
	_ =	sdelay $0xa  }
0x47f: {  	v2 =	vld.idx.msk [tilespmem:v0+s9+$0x0], $0xffff;
	_ =	sdelay $0x2  }
0x480: {  	_, v3, vm12 =	vpop (xrf1)  }
0x481: {  	v3 =	vsub.s32 v3, v5  }
0x482: {  	v2 =	vadd.s32 v2, v3;
	_ =	sdelay $0x3  }
0x483: {  	v4 =	vadd.s32 $0x141, v1  }
0x484: {  	[tilespmem:v2+s10+$0x0] =	vst.idx.msk $0xffff, v4;
	v2 =	vadd.s32 $0x1, v3  }
0x485: {  	[tilespmem:v0+s9+$0x0] =	vst.idx.add.s32.msk vm12, v2  }
0x486: {  	v0 =	vld [tilespmem:$0x23D0];
	_ =	sdelay $0x4  }
0x487: {  	(xrf1) =	vunique.msk.u32 $0xffff, v0;
	_ =	sdelay $0xa  }
0x488: {  	v2 =	vld.idx.msk [tilespmem:v0+s9+$0x0], $0xffff;
	_ =	sdelay $0x2  }
0x489: {  	_, v3, vm12 =	vpop (xrf1)  }
0x48a: {  	v3 =	vsub.s32 v3, v5  }
0x48b: {  	v2 =	vadd.s32 v2, v3;
	_ =	sdelay $0x3  }
0x48c: {  	v4 =	vadd.s32 $0x151, v1  }
0x48d: {  	[tilespmem:v2+s10+$0x0] =	vst.idx.msk $0xffff, v4;
	v2 =	vadd.s32 $0x1, v3  }
0x48e: {  	[tilespmem:v0+s9+$0x0] =	vst.idx.add.s32.msk vm12, v2  }
0x48f: {  	v0 =	vld [tilespmem:$0x23E0];
	_ =	sdelay $0x4  }
0x490: {  	(xrf1) =	vunique.msk.u32 $0xffff, v0;
	_ =	sdelay $0xa  }
0x491: {  	v2 =	vld.idx.msk [tilespmem:v0+s9+$0x0], $0xffff;
	_ =	sdelay $0x2  }
0x492: {  	_, v3, vm12 =	vpop (xrf1)  }
0x493: {  	v3 =	vsub.s32 v3, v5  }
0x494: {  	v2 =	vadd.s32 v2, v3;
	_ =	sdelay $0x3  }
0x495: {  	v4 =	vadd.s32 $0x161, v1  }
0x496: {  	[tilespmem:v2+s10+$0x0] =	vst.idx.msk $0xffff, v4;
	v2 =	vadd.s32 $0x1, v3  }
0x497: {  	[tilespmem:v0+s9+$0x0] =	vst.idx.add.s32.msk vm12, v2  }
0x498: {  	v0 =	vld [tilespmem:$0x23F0];
	_ =	sdelay $0x4  }
0x499: {  	(xrf1) =	vunique.msk.u32 $0xffff, v0;
	_ =	sdelay $0xa  }
0x49a: {  	v2 =	vld.idx.msk [tilespmem:v0+s9+$0x0], $0xffff;
	_ =	sdelay $0x2  }
0x49b: {  	_, v3, vm12 =	vpop (xrf1)  }
0x49c: {  	v3 =	vsub.s32 v3, v5  }
0x49d: {  	v2 =	vadd.s32 v2, v3;
	_ =	sdelay $0x3  }
0x49e: {  	v4 =	vadd.s32 $0x171, v1  }
0x49f: {  	[tilespmem:v2+s10+$0x0] =	vst.idx.msk $0xffff, v4;
	v2 =	vadd.s32 $0x1, v3  }
0x4a0: {  	[tilespmem:v0+s9+$0x0] =	vst.idx.add.s32.msk vm12, v2  }
0x4a1: {  	v0 =	vld [tilespmem:$0x2400];
	_ =	sdelay $0x4  }
0x4a2: {  	(xrf1) =	vunique.msk.u32 $0xffff, v0;
	_ =	sdelay $0xa  }
0x4a3: {  	v2 =	vld.idx.msk [tilespmem:v0+s9+$0x0], $0xffff;
	_ =	sdelay $0x2  }
0x4a4: {  	_, v3, vm12 =	vpop (xrf1)  }
0x4a5: {  	v3 =	vsub.s32 v3, v5  }
0x4a6: {  	v2 =	vadd.s32 v2, v3;
	_ =	sdelay $0x3  }
0x4a7: {  	v4 =	vadd.s32 $0x181, v1  }
0x4a8: {  	[tilespmem:v2+s10+$0x0] =	vst.idx.msk $0xffff, v4;
	v2 =	vadd.s32 $0x1, v3  }
0x4a9: {  	[tilespmem:v0+s9+$0x0] =	vst.idx.add.s32.msk vm12, v2  }
0x4aa: {  	v0 =	vld [tilespmem:$0x2410];
	_ =	sdelay $0x4  }
0x4ab: {  	(xrf1) =	vunique.msk.u32 $0xffff, v0;
	_ =	sdelay $0xa  }
0x4ac: {  	v2 =	vld.idx.msk [tilespmem:v0+s9+$0x0], $0xffff;
	_ =	sdelay $0x2  }
0x4ad: {  	_, v3, vm12 =	vpop (xrf1)  }
0x4ae: {  	v3 =	vsub.s32 v3, v5  }
0x4af: {  	v2 =	vadd.s32 v2, v3;
	_ =	sdelay $0x3  }
0x4b0: {  	v4 =	vadd.s32 $0x191, v1  }
0x4b1: {  	[tilespmem:v2+s10+$0x0] =	vst.idx.msk $0xffff, v4;
	v2 =	vadd.s32 $0x1, v3  }
0x4b2: {  	[tilespmem:v0+s9+$0x0] =	vst.idx.add.s32.msk vm12, v2  }
0x4b3: {  	v0 =	vld [tilespmem:$0x2420];
	_ =	sdelay $0x4  }
0x4b4: {  	(xrf1) =	vunique.msk.u32 $0xffff, v0;
	_ =	sdelay $0xa  }
0x4b5: {  	v2 =	vld.idx.msk [tilespmem:v0+s9+$0x0], $0xffff;
	_ =	sdelay $0x2  }
0x4b6: {  	_, v3, vm12 =	vpop (xrf1)  }
0x4b7: {  	v3 =	vsub.s32 v3, v5  }
0x4b8: {  	v2 =	vadd.s32 v2, v3;
	_ =	sdelay $0x3  }
0x4b9: {  	v4 =	vadd.s32 $0x1A1, v1  }
0x4ba: {  	[tilespmem:v2+s10+$0x0] =	vst.idx.msk $0xffff, v4;
	v2 =	vadd.s32 $0x1, v3  }
0x4bb: {  	[tilespmem:v0+s9+$0x0] =	vst.idx.add.s32.msk vm12, v2  }
0x4bc: {  	v0 =	vld [tilespmem:$0x2430];
	_ =	sdelay $0x4  }
0x4bd: {  	(xrf1) =	vunique.msk.u32 $0xffff, v0;
	_ =	sdelay $0xa  }
0x4be: {  	v2 =	vld.idx.msk [tilespmem:v0+s9+$0x0], $0xffff;
	_ =	sdelay $0x2  }
0x4bf: {  	_, v3, vm12 =	vpop (xrf1)  }
0x4c0: {  	v3 =	vsub.s32 v3, v5  }
0x4c1: {  	v2 =	vadd.s32 v2, v3;
	_ =	sdelay $0x3  }
0x4c2: {  	v4 =	vadd.s32 $0x1B1, v1  }
0x4c3: {  	[tilespmem:v2+s10+$0x0] =	vst.idx.msk $0xffff, v4;
	v2 =	vadd.s32 $0x1, v3  }
0x4c4: {  	[tilespmem:v0+s9+$0x0] =	vst.idx.add.s32.msk vm12, v2  }
0x4c5: {  	v0 =	vld [tilespmem:$0x2440];
	_ =	sdelay $0x4  }
0x4c6: {  	(xrf1) =	vunique.msk.u32 $0xffff, v0;
	_ =	sdelay $0xa  }
0x4c7: {  	v2 =	vld.idx.msk [tilespmem:v0+s9+$0x0], $0xffff;
	_ =	sdelay $0x2  }
0x4c8: {  	_, v3, vm12 =	vpop (xrf1)  }
0x4c9: {  	v3 =	vsub.s32 v3, v5  }
0x4ca: {  	v2 =	vadd.s32 v2, v3;
	_ =	sdelay $0x3  }
0x4cb: {  	v4 =	vadd.s32 $0x1C1, v1  }
0x4cc: {  	[tilespmem:v2+s10+$0x0] =	vst.idx.msk $0xffff, v4;
	v2 =	vadd.s32 $0x1, v3  }
0x4cd: {  	[tilespmem:v0+s9+$0x0] =	vst.idx.add.s32.msk vm12, v2  }
0x4ce: {  	v0 =	vld [tilespmem:$0x2450];
	_ =	sdelay $0x4  }
0x4cf: {  	(xrf1) =	vunique.msk.u32 $0xffff, v0;
	_ =	sdelay $0xa  }
0x4d0: {  	v2 =	vld.idx.msk [tilespmem:v0+s9+$0x0], $0xffff;
	_ =	sdelay $0x2  }
0x4d1: {  	_, v3, vm12 =	vpop (xrf1)  }
0x4d2: {  	v3 =	vsub.s32 v3, v5  }
0x4d3: {  	v2 =	vadd.s32 v2, v3;
	_ =	sdelay $0x3  }
0x4d4: {  	v4 =	vadd.s32 $0x1D1, v1  }
0x4d5: {  	[tilespmem:v2+s10+$0x0] =	vst.idx.msk $0xffff, v4;
	v2 =	vadd.s32 $0x1, v3  }
0x4d6: {  	[tilespmem:v0+s9+$0x0] =	vst.idx.add.s32.msk vm12, v2  }
0x4d7: {  	v0 =	vld [tilespmem:$0x2460];
	_ =	sdelay $0x4  }
0x4d8: {  	(xrf1) =	vunique.msk.u32 $0xffff, v0;
	_ =	sdelay $0xa  }
0x4d9: {  	v2 =	vld.idx.msk [tilespmem:v0+s9+$0x0], $0xffff;
	_ =	sdelay $0x2  }
0x4da: {  	_, v3, vm12 =	vpop (xrf1)  }
0x4db: {  	v3 =	vsub.s32 v3, v5  }
0x4dc: {  	v2 =	vadd.s32 v2, v3;
	_ =	sdelay $0x3  }
0x4dd: {  	v4 =	vadd.s32 $0x1E1, v1  }
0x4de: {  	[tilespmem:v2+s10+$0x0] =	vst.idx.msk $0xffff, v4;
	v2 =	vadd.s32 $0x1, v3  }
0x4df: {  	[tilespmem:v0+s9+$0x0] =	vst.idx.add.s32.msk vm12, v2  }
0x4e0: {  	v0 =	vld [tilespmem:$0x2470];
	_ =	sdelay $0x4  }
0x4e1: {  	(xrf1) =	vunique.msk.u32 $0xffff, v0;
	_ =	sdelay $0xa  }
0x4e2: {  	v2 =	vld.idx.msk [tilespmem:v0+s9+$0x0], $0xffff;
	_ =	sdelay $0x2  }
0x4e3: {  	_, v3, vm12 =	vpop (xrf1)  }
0x4e4: {  	v3 =	vsub.s32 v3, v5  }
0x4e5: {  	v2 =	vadd.s32 v2, v3;
	_ =	sdelay $0x3  }
0x4e6: {  	v4 =	vadd.s32 $0x1F1, v1  }
0x4e7: {  	[tilespmem:v2+s10+$0x0] =	vst.idx.msk $0xffff, v4;
	v2 =	vadd.s32 $0x1, v3  }
0x4e8: {  	[tilespmem:v0+s9+$0x0] =	vst.idx.add.s32.msk vm12, v2  }
0x4e9: {  	v0 =	vld [tilespmem:$0x2480];
	_ =	sdelay $0x4  }
0x4ea: {  	(xrf1) =	vunique.msk.u32 $0xffff, v0;
	_ =	sdelay $0xa  }
0x4eb: {  	v2 =	vld.idx.msk [tilespmem:v0+s9+$0x0], $0xffff;
	_ =	sdelay $0x2  }
0x4ec: {  	_, v3, vm12 =	vpop (xrf1)  }
0x4ed: {  	v3 =	vsub.s32 v3, v5  }
0x4ee: {  	v2 =	vadd.s32 v2, v3;
	_ =	sdelay $0x3  }
0x4ef: {  	v4 =	vadd.s32 $0x201, v1  }
0x4f0: {  	[tilespmem:v2+s10+$0x0] =	vst.idx.msk $0xffff, v4;
	v2 =	vadd.s32 $0x1, v3  }
0x4f1: {  	[tilespmem:v0+s9+$0x0] =	vst.idx.add.s32.msk vm12, v2  }
0x4f2: {  	v0 =	vld [tilespmem:$0x2490];
	_ =	sdelay $0x4  }
0x4f3: {  	(xrf1) =	vunique.msk.u32 $0xffff, v0;
	_ =	sdelay $0xa  }
0x4f4: {  	v2 =	vld.idx.msk [tilespmem:v0+s9+$0x0], $0xffff;
	_ =	sdelay $0x2  }
0x4f5: {  	_, v3, vm12 =	vpop (xrf1)  }
0x4f6: {  	v3 =	vsub.s32 v3, v5  }
0x4f7: {  	v2 =	vadd.s32 v2, v3;
	_ =	sdelay $0x3  }
0x4f8: {  	v4 =	vadd.s32 $0x211, v1  }
0x4f9: {  	[tilespmem:v2+s10+$0x0] =	vst.idx.msk $0xffff, v4;
	v2 =	vadd.s32 $0x1, v3  }
0x4fa: {  	[tilespmem:v0+s9+$0x0] =	vst.idx.add.s32.msk vm12, v2  }
0x4fb: {  	v0 =	vld [tilespmem:$0x24A0];
	_ =	sdelay $0x4  }
0x4fc: {  	(xrf1) =	vunique.msk.u32 $0xffff, v0;
	_ =	sdelay $0xa  }
0x4fd: {  	v2 =	vld.idx.msk [tilespmem:v0+s9+$0x0], $0xffff;
	_ =	sdelay $0x2  }
0x4fe: {  	_, v3, vm12 =	vpop (xrf1)  }
0x4ff: {  	v3 =	vsub.s32 v3, v5  }
0x500: {  	v2 =	vadd.s32 v2, v3;
	_ =	sdelay $0x3  }
0x501: {  	v4 =	vadd.s32 $0x221, v1  }
0x502: {  	[tilespmem:v2+s10+$0x0] =	vst.idx.msk $0xffff, v4;
	v2 =	vadd.s32 $0x1, v3  }
0x503: {  	[tilespmem:v0+s9+$0x0] =	vst.idx.add.s32.msk vm12, v2  }
0x504: {  	v0 =	vld [tilespmem:$0x24B0];
	_ =	sdelay $0x4  }
0x505: {  	(xrf1) =	vunique.msk.u32 $0xffff, v0;
	_ =	sdelay $0xa  }
0x506: {  	v2 =	vld.idx.msk [tilespmem:v0+s9+$0x0], $0xffff;
	_ =	sdelay $0x2  }
0x507: {  	_, v3, vm12 =	vpop (xrf1)  }
0x508: {  	v3 =	vsub.s32 v3, v5  }
0x509: {  	v2 =	vadd.s32 v2, v3;
	_ =	sdelay $0x3  }
0x50a: {  	s11 =	sadd.s32 $0x1, s11;
	v4 =	vadd.s32 $0x231, v1  }
0x50b: {  	p0 =	sne.s32 s11, s5;
	[tilespmem:v2+s10+$0x0] =	vst.idx.msk $0xffff, v4;
	v2 =	vadd.s32 $0x1, v3  }
.Ltmp3:
0x50c: {  	[tilespmem:v0+s9+$0x0] =	vst.idx.add.s32.msk vm12, v2;
	(pc) =	sbr.rel @p0 .LBB2_1-.Ltmp3, $4  }
0x50d: {  	[hbm4b:s4+s1] =	stream.linear.scatter [tilespmem:s10], [sflag:$0x1], $0x80, $0x38;
	[tilespmem:$0x2980] =	vst v63  }
0x50e: {  	_ =	swait.ge [sflag:s6], $0x80  }
0x50f: {  	[sflag:s6] =	ssyncset.done $0x0  }
0x510: {  	v3 =	vimm.s32 $0x40;
	[sflag:s6] =	ssyncadd.s32 $0xFFFFFF80  }
0x511: {  	_ =	sfence.sel $0x180000  }
0x512: {  	[bflag:$0x0] =	sbarrier.arrive $0xFFFF  }
0x513: {  	p0 =	sne.s32 s2, $0x0;
	_ =	strace $0x90000047  }
0x514: {  	s0 =	sadd.s32 @!p0 $0x100000, s0;
	[bflag:$0x2] =	sbarrier.arrive $0xFFFF  }
0x515: {  	[sflag:s0] =	ssyncadd.tile.s32 @!p0 $0x1;
	_ =	shalt  }
.Lfunc_end2:
_tile_overlayer_lowered:
.L_overlay_start_2:
0x516: {  	(tag) =	ssettag $0x2  }
0x517: {  	s0 =	rddreg [dreg:$0x0];
	s2 =	stileid.u32  }
0x518: {  	s1 =	rddreg [dreg:$0x1];
	p0 =	sne.s32 s2, $0x0  }
0x519: {  	s3 =	rddreg [dreg:$0x2];
	[bflag:$0x3] =	sbarrier.arrive $0xFFFF;
	s2 =	simm.s32 @!p0 $0x1C01  }
0x51a: {  	[timem:s3], [sflag:s2] =	dma.local @!p0 [hbm:s0], s1  }
0x51b: {  	s0 =	simm.s32 @!p0 $0x1  }
0x51c: {  	_ =	swait.ge @!p0 [sflag:s0], s1  }
0x51d: {  	s1 =	ssub.s32 @!p0 $0x0, s1;
	[sflag:s0] =	ssyncset.done @!p0 $0x0  }
0x51e: {  	[sflag:s0] =	ssyncadd.s32 @!p0 s1  }
0x51f: {  	[bflag:$0x3] =	sbarrier.arrive $0xFFFF  }
0x520: {  	_ =	shalt  }

</sc_bundles>
